<compile_context>
chip_gen: v7x
topology: tpu7x:2x2x1
jax: 0.10.2.dev20260603
libtpu: 0.0.44.dev20260713+nightly
codegen_flags: <defaults>
</compile_context>

<pallas_src>
import functools

import jax
import jax.numpy as jnp
from jax import lax
from jax.experimental import pallas as pl
from jax.experimental.pallas import tpu as pltpu
from jax.experimental.pallas import tpu_sc as plsc

_C4 = 4096
_SH = _C4.bit_length() - 1
_BR = 16


def _table_transform(table_t, W, b):
    E, V = table_t.shape
    F = W.shape[1]

    def body(t0, t1, t2, t3_, w_ref, b_ref, o_ref):
        stack = jnp.concatenate(
            [t0[...], t1[...], t2[...], t3_[...]], axis=0)
        acc = lax.dot_general(
            stack, w_ref[...],
            dimension_numbers=(((0,), (0,)), ((), ())),
            preferred_element_type=jnp.float32)
        o_ref[...] = jnp.maximum(acc + b_ref[...], 0.0)

    last_blk = (V - 1) // _C4
    t_spec = [
        pl.BlockSpec((E, _C4),
                     lambda i, a=a: (0, jnp.minimum(4 * i + a, last_blk)))
        for a in range(4)
    ]
    grid = pl.cdiv(V, 4 * _C4)
    return pl.pallas_call(
        body,
        grid=(grid,),
        in_specs=t_spec + [
            pl.BlockSpec((4 * E, 4 * F), lambda i: (0, 0)),
            pl.BlockSpec((1, 4 * F), lambda i: (0, 0)),
        ],
        out_specs=pl.BlockSpec((_C4, 4 * F), lambda i: (i, 0)),
        out_shape=jax.ShapeDtypeStruct((grid * _C4, 4 * F), jnp.float32),
    )(table_t, table_t, table_t, table_t,
      jax.scipy.linalg.block_diag(W, W, W, W),
      jnp.tile(b, 4).reshape(1, 4 * F))


@functools.lru_cache(maxsize=None)
def _make_gather(F, B, L):
    info = plsc.get_sparse_core_info()
    NC, NS = info.num_cores, info.num_subcores
    NW = NC * NS
    rows_per_w = B // NW
    steps = rows_per_w // _BR
    assert steps * _BR == rows_per_w
    mesh = plsc.VectorSubcoreMesh(core_axis_name="c", subcore_axis_name="s")

    assert steps % 2 == 0 and steps >= 4

    @functools.partial(
        pl.kernel, mesh=mesh,
        compiler_params=pltpu.CompilerParams(use_tc_tiling_on_sc=False),
        out_type=jax.ShapeDtypeStruct((B, L, F), jnp.float32),
        scratch_types=[
            pltpu.VMEM((2, _BR, L), jnp.int32),
            pltpu.VMEM((2, _BR, L, F), jnp.float32),
            pltpu.SemaphoreType.DMA,
            pltpu.SemaphoreType.DMA,
        ],
    )
    def k(t3_hbm, x_hbm, out_hbm, idx_v, rows_v, sem0, sem1):
        wid = lax.axis_index("s") * NC + lax.axis_index("c")
        base = wid * rows_per_w
        sems = (sem0, sem1)

        def fire(s, slot):
            pltpu.sync_copy(x_hbm.at[pl.ds(base + s * _BR, _BR)],
                            idx_v.at[slot])
            return [pltpu.async_copy(t3_hbm.at[idx_v.at[slot].at[j]],
                                     rows_v.at[slot].at[j], sems[slot])
                    for j in range(_BR)]

        def drain_write(s, slot, cps):
            for cp in cps:
                cp.wait()
            pltpu.sync_copy(rows_v.at[slot],
                            out_hbm.at[pl.ds(base + s * _BR, _BR)])

        cps0 = fire(0, 0)

        def body(g, carry):
            s0 = 2 * g
            cps1 = fire(s0 + 1, 1)
            drain_write(s0, 0, cps0)
            cps0b = fire(s0 + 2, 0)
            drain_write(s0 + 1, 1, cps1)
            del cps0b
            return carry

        lax.fori_loop(0, steps // 2 - 1, body, 0)
        cps1 = fire(steps - 1, 1)
        drain_write(steps - 2, 0, cps0)
        drain_write(steps - 1, 1, cps1)

    return k


def kernel(x, table, W, b):
    V, E = table.shape
    F = W.shape[1]
    B, L = x.shape
    t3p = _table_transform(table.T, W, b)
    t3 = t3p.reshape(t3p.shape[0] * 4, F)
    x2 = (((x >> (_SH + 2)) << (_SH + 2))
          | ((x & (_C4 - 1)) << 2) | ((x >> _SH) & 3))
    return _make_gather(F, B, L)(t3, x2)

# --- scband reference (transcript-rebuilt; emitter-appended) ---
"""Pipeline reference for scband-categorical-encoding-2671469658651 (READ-ONLY COPY).

The authoritative reference and input builder live on the scoring server;
editing this copy changes nothing except your own understanding.
"""

import jax, jax.numpy as jnp
import numpy as np

VOCAB = 1000000
EMBED_DIM = 64
B = 16384
L = 50

def setup_inputs(seed: int = 0) -> dict:
    key = jax.random.key(seed)
    k1, k2, k3 = jax.random.split(key, 3)
    x = jax.random.randint(k1, (B, L), 0, VOCAB, dtype=jnp.int32)
    # learned params: embedding table + one Linear(64 -> 32) layer (depth=1)
    table = jax.random.normal(k2, (VOCAB, EMBED_DIM), dtype=jnp.float32)
    W = jax.random.normal(k3, (EMBED_DIM, EMBED_DIM // 2), dtype=jnp.float32) * (1.0 / np.sqrt(EMBED_DIM))
    b = jnp.zeros((EMBED_DIM // 2,), dtype=jnp.float32)
    return {"x": x, "table": table, "W": W, "b": b}

def reference(x, table, W, b):
    # embedding lookup (gather)
    e = jnp.take(table, x, axis=0)  # [B, L, EMBED_DIM]
    # fc layer: Linear -> Dropout(eval: identity) -> ReLU
    h = jnp.einsum('bld,df->blf', e, W) + b
    return jax.nn.relu(h)

if __name__ == "__main__":
    import jax
    _d = setup_inputs()
    print(jax.jit(kernel)(*tuple(_d.values())))

</pallas_src>

<mosaic_0001>
#map = affine_map<(d0, d1) -> (0, 0)>
#map1 = affine_map<(d0, d1) -> (0, 0, 0)>
module attributes {stable_mosaic.version = 14 : i64} {
  func.func @k(%arg0: i32, %arg1: i32, %arg2: memref<1015808x32xf32, #tpu.memory_space<hbm>>, %arg3: memref<16384x50xi32, #tpu.memory_space<hbm>>, %arg4: memref<16384x50x32xf32, #tpu.memory_space<hbm>>, %arg5: memref<2x16x50xi32, #tpu.memory_space<vmem>>, %arg6: memref<2x16x50x32xf32, #tpu.memory_space<vmem>>, %arg7: memref<!tpu.dma_semaphore, #tpu.memory_space<semaphore_mem>>, %arg8: memref<!tpu.dma_semaphore, #tpu.memory_space<semaphore_mem>>) attributes {dimension_semantics = [#tpu.dimension_semantics<core_parallel>, #tpu.dimension_semantics<subcore_parallel>], iteration_bounds = array<i64: 2, 16>, scalar_prefetch = 0 : i64, scratch_operands = 4 : i64, tpu.core_type = #tpu.core_type<sc_vector_subcore>, window_params = [{transform_indices = #map}, {transform_indices = #map}, {transform_indices = #map1}]} {
    %mul3A = arith.constant 2 : i32
    %mul3A_0 = arith.muli %arg1, %mul3A : i32
    %add3A = arith.addi %mul3A_0, %arg0 : i32
    %mul3A_1 = arith.constant 512 : i32
    %mul3A_2 = arith.muli %add3A, %mul3A_1 : i32
    %add3A_3 = arith.constant 0 : i32
    %add3A_4 = arith.addi %mul3A_2, %add3A_3 : i32
    %run_scoped3A = arith.constant 0 : i32
    "tpu.region"() ({
      %run_scoped3A_1553 = tpu.sem_alloc : memref<!tpu.dma_semaphore, #tpu.memory_space<semaphore_mem>>
      %dma_start3A_1554 = arith.constant 0 : i32
      %dma_start3A_1555 = arith.constant 0 : i32
      %dma_start3A_1556 = tpu.memref_slice %arg5[%run_scoped3A, %dma_start3A_1554, %dma_start3A_1555] : memref<2x16x50xi32, #tpu.memory_space<vmem>> -> memref<1x16x50xi32, #tpu.memory_space<vmem>>
      %dma_start3A_1557 = tpu.memref_squeeze %dma_start3A_1556 : memref<1x16x50xi32, #tpu.memory_space<vmem>> -> memref<16x50xi32, #tpu.memory_space<vmem>>
      %dma_start3A_1558 = arith.constant 0 : i32
      %dma_start3A_1559 = tpu.memref_slice %arg3[%add3A_4, %dma_start3A_1558] : memref<16384x50xi32, #tpu.memory_space<hbm>> -> memref<16x50xi32, #tpu.memory_space<hbm>>
      %dma_start3A_1560 = arith.constant 0 : i32
      %dma_start3A_1561 = arith.constant 0 : i32
      %dma_start3A_1562 = tpu.memref_slice %arg5[%run_scoped3A, %dma_start3A_1560, %dma_start3A_1561] : memref<2x16x50xi32, #tpu.memory_space<vmem>> -> memref<1x16x50xi32, #tpu.memory_space<vmem>>
      %dma_start3A_1563 = tpu.memref_squeeze %dma_start3A_1562 : memref<1x16x50xi32, #tpu.memory_space<vmem>> -> memref<16x50xi32, #tpu.memory_space<vmem>>
      %dma_start3A_1564 = arith.constant 0 : i32
      %dma_start3A_1565 = tpu.memref_slice %arg3[%add3A_4, %dma_start3A_1564] : memref<16384x50xi32, #tpu.memory_space<hbm>> -> memref<16x50xi32, #tpu.memory_space<hbm>>
      tpu.enqueue_dma source(%dma_start3A_1565 : memref<16x50xi32, #tpu.memory_space<hbm>>) target(%dma_start3A_1563 : memref<16x50xi32, #tpu.memory_space<vmem>>) target_semaphore(%run_scoped3A_1553 : memref<!tpu.dma_semaphore, #tpu.memory_space<semaphore_mem>>)
      %dma_wait3A_1566 = arith.constant 0 : i32
      %dma_wait3A_1567 = arith.constant 0 : i32
      %dma_wait3A_1568 = tpu.memref_slice %arg5[%run_scoped3A, %dma_wait3A_1566, %dma_wait3A_1567] : memref<2x16x50xi32, #tpu.memory_space<vmem>> -> memref<1x16x50xi32, #tpu.memory_space<vmem>>
      %dma_wait3A_1569 = tpu.memref_squeeze %dma_wait3A_1568 : memref<1x16x50xi32, #tpu.memory_space<vmem>> -> memref<16x50xi32, #tpu.memory_space<vmem>>
      %dma_wait3A_1570 = arith.constant 0 : i32
      %dma_wait3A_1571 = tpu.memref_slice %arg3[%add3A_4, %dma_wait3A_1570] : memref<16384x50xi32, #tpu.memory_space<hbm>> -> memref<16x50xi32, #tpu.memory_space<hbm>>
      %dma_wait3A_1572 = arith.constant 0 : i32
      %dma_wait3A_1573 = arith.constant 0 : i32
      %dma_wait3A_1574 = tpu.memref_slice %arg5[%run_scoped3A, %dma_wait3A_1572, %dma_wait3A_1573] : memref<2x16x50xi32, #tpu.memory_space<vmem>> -> memref<1x16x50xi32, #tpu.memory_space<vmem>>
      %dma_wait3A_1575 = tpu.memref_squeeze %dma_wait3A_1574 : memref<1x16x50xi32, #tpu.memory_space<vmem>> -> memref<16x50xi32, #tpu.memory_space<vmem>>
      %dma_wait3A_1576 = arith.constant 0 : i32
      %dma_wait3A_1577 = tpu.memref_slice %arg3[%add3A_4, %dma_wait3A_1576] : memref<16384x50xi32, #tpu.memory_space<hbm>> -> memref<16x50xi32, #tpu.memory_space<hbm>>
      tpu.wait_dma2 semaphore(%run_scoped3A_1553 : memref<!tpu.dma_semaphore, #tpu.memory_space<semaphore_mem>>) src(%dma_wait3A_1577 : memref<16x50xi32, #tpu.memory_space<hbm>>) dst(%dma_wait3A_1575 : memref<16x50xi32, #tpu.memory_space<vmem>>)
      tpu.yield
    }) : () -> ()
    %dma_start3A = arith.constant 0 : i32
    %dma_start3A_5 = arith.constant 0 : i32
    %dma_start3A_6 = arith.constant 0 : i32
    %dma_start3A_7 = arith.constant 0 : i32
    %dma_start3A_8 = arith.constant 0 : i32
    %dma_start3A_9 = arith.constant 0 : i32
    %dma_start3A_10 = arith.constant 0 : i32
    %dma_start3A_11 = tpu.memref_slice %arg6[%dma_start3A_6, %dma_start3A_8, %dma_start3A_9, %dma_start3A_10] : memref<2x16x50x32xf32, #tpu.memory_space<vmem>> -> memref<1x16x50x32xf32, #tpu.memory_space<vmem>>
    %dma_start3A_12 = tpu.memref_squeeze %dma_start3A_11 : memref<1x16x50x32xf32, #tpu.memory_space<vmem>> -> memref<16x50x32xf32, #tpu.memory_space<vmem>>
    %dma_start3A_13 = arith.constant 0 : i32
    %dma_start3A_14 = arith.constant 0 : i32
    %dma_start3A_15 = tpu.memref_slice %dma_start3A_12[%dma_start3A_7, %dma_start3A_13, %dma_start3A_14] : memref<16x50x32xf32, #tpu.memory_space<vmem>> -> memref<1x50x32xf32, #tpu.memory_space<vmem>>
    %dma_start3A_16 = tpu.memref_squeeze %dma_start3A_15 : memref<1x50x32xf32, #tpu.memory_space<vmem>> -> memref<50x32xf32, #tpu.memory_space<vmem>>
    %dma_start3A_17 = arith.constant 0 : i32
    %dma_start3A_18 = arith.constant 0 : i32
    %dma_start3A_19 = tpu.memref_slice %arg5[%dma_start3A, %dma_start3A_17, %dma_start3A_18] : memref<2x16x50xi32, #tpu.memory_space<vmem>> -> memref<1x16x50xi32, #tpu.memory_space<vmem>>
    %dma_start3A_20 = tpu.memref_squeeze %dma_start3A_19 : memref<1x16x50xi32, #tpu.memory_space<vmem>> -> memref<16x50xi32, #tpu.memory_space<vmem>>
    %dma_start3A_21 = arith.constant 0 : i32
    %dma_start3A_22 = tpu.memref_slice %dma_start3A_20[%dma_start3A_5, %dma_start3A_21] : memref<16x50xi32, #tpu.memory_space<vmem>> -> memref<1x50xi32, #tpu.memory_space<vmem>>
    %dma_start3A_23 = tpu.memref_squeeze %dma_start3A_22 : memref<1x50xi32, #tpu.memory_space<vmem>> -> memref<50xi32, #tpu.memory_space<vmem>>
    %dma_start3A_24 = arith.constant 0 : i32
    %dma_start3A_25 = arith.constant 0 : i32
    %dma_start3A_26 = tpu.memref_slice %arg2[%dma_start3A_24, %dma_start3A_25] : memref<1015808x32xf32, #tpu.memory_space<hbm>> -> memref<1015808x32xf32, #tpu.memory_space<hbm>>
    tpu.enqueue_indirect_dma source(%dma_start3A_26 : memref<1015808x32xf32, #tpu.memory_space<hbm>>) target(%dma_start3A_16 : memref<50x32xf32, #tpu.memory_space<vmem>>) offsets(%dma_start3A_23 : memref<50xi32, #tpu.memory_space<vmem>>) semaphore(%arg7 : memref<!tpu.dma_semaphore, #tpu.memory_space<semaphore_mem>>)
    %dma_start3A_27 = arith.constant 0 : i32
    %dma_start3A_28 = arith.constant 1 : i32
    %dma_start3A_29 = arith.constant 0 : i32
    %dma_start3A_30 = arith.constant 1 : i32
    %dma_start3A_31 = arith.constant 0 : i32
    %dma_start3A_32 = arith.constant 0 : i32
    %dma_start3A_33 = arith.constant 0 : i32
    %dma_start3A_34 = tpu.memref_slice %arg6[%dma_start3A_29, %dma_start3A_31, %dma_start3A_32, %dma_start3A_33] : memref<2x16x50x32xf32, #tpu.memory_space<vmem>> -> memref<1x16x50x32xf32, #tpu.memory_space<vmem>>
    %dma_start3A_35 = tpu.memref_squeeze %dma_start3A_34 : memref<1x16x50x32xf32, #tpu.memory_space<vmem>> -> memref<16x50x32xf32, #tpu.memory_space<vmem>>
    %dma_start3A_36 = arith.constant 0 : i32
    %dma_start3A_37 = arith.constant 0 : i32
    %dma_start3A_38 = tpu.memref_slice %dma_start3A_35[%dma_start3A_30, %dma_start3A_36, %dma_start3A_37] : memref<16x50x32xf32, #tpu.memory_space<vmem>> -> memref<1x50x32xf32, #tpu.memory_space<vmem>>
    %dma_start3A_39 = tpu.memref_squeeze %dma_start3A_38 : memref<1x50x32xf32, #tpu.memory_space<vmem>> -> memref<50x32xf32, #tpu.memory_space<vmem>>
    %dma_start3A_40 = arith.constant 0 : i32
    %dma_start3A_41 = arith.constant 0 : i32
    %dma_start3A_42 = tpu.memref_slice %arg5[%dma_start3A_27, %dma_start3A_40, %dma_start3A_41] : memref<2x16x50xi32, #tpu.memory_space<vmem>> -> memref<1x16x50xi32, #tpu.memory_space<vmem>>
    %dma_start3A_43 = tpu.memref_squeeze %dma_start3A_42 : memref<1x16x50xi32, #tpu.memory_space<vmem>> -> memref<16x50xi32, #tpu.memory_space<vmem>>
    %dma_start3A_44 = arith.constant 0 : i32
    %dma_start3A_45 = tpu.memref_slice %dma_start3A_43[%dma_start3A_28, %dma_start3A_44] : memref<16x50xi32, #tpu.memory_space<vmem>> -> memref<1x50xi32, #tpu.memory_space<vmem>>
    %dma_start3A_46 = tpu.memref_squeeze %dma_start3A_45 : memref<1x50xi32, #tpu.memory_space<vmem>> -> memref<50xi32, #tpu.memory_space<vmem>>
    %dma_start3A_47 = arith.constant 0 : i32
    %dma_start3A_48 = arith.constant 0 : i32
    %dma_start3A_49 = tpu.memref_slice %arg2[%dma_start3A_47, %dma_start3A_48] : memref<1015808x32xf32, #tpu.memory_space<hbm>> -> memref<1015808x32xf32, #tpu.memory_space<hbm>>
    tpu.enqueue_indirect_dma source(%dma_start3A_49 : memref<1015808x32xf32, #tpu.memory_space<hbm>>) target(%dma_start3A_39 : memref<50x32xf32, #tpu.memory_space<vmem>>) offsets(%dma_start3A_46 : memref<50xi32, #tpu.memory_space<vmem>>) semaphore(%arg7 : memref<!tpu.dma_semaphore, #tpu.memory_space<semaphore_mem>>)
    %dma_start3A_50 = arith.constant 0 : i32
    %dma_start3A_51 = arith.constant 2 : i32
    %dma_start3A_52 = arith.constant 0 : i32
    %dma_start3A_53 = arith.constant 2 : i32
    %dma_start3A_54 = arith.constant 0 : i32
    %dma_start3A_55 = arith.constant 0 : i32
    %dma_start3A_56 = arith.constant 0 : i32
    %dma_start3A_57 = tpu.memref_slice %arg6[%dma_start3A_52, %dma_start3A_54, %dma_start3A_55, %dma_start3A_56] : memref<2x16x50x32xf32, #tpu.memory_space<vmem>> -> memref<1x16x50x32xf32, #tpu.memory_space<vmem>>
    %dma_start3A_58 = tpu.memref_squeeze %dma_start3A_57 : memref<1x16x50x32xf32, #tpu.memory_space<vmem>> -> memref<16x50x32xf32, #tpu.memory_space<vmem>>
    %dma_start3A_59 = arith.constant 0 : i32
    %dma_start3A_60 = arith.constant 0 : i32
    %dma_start3A_61 = tpu.memref_slice %dma_start3A_58[%dma_start3A_53, %dma_start3A_59, %dma_start3A_60] : memref<16x50x32xf32, #tpu.memory_space<vmem>> -> memref<1x50x32xf32, #tpu.memory_space<vmem>>
    %dma_start3A_62 = tpu.memref_squeeze %dma_start3A_61 : memref<1x50x32xf32, #tpu.memory_space<vmem>> -> memref<50x32xf32, #tpu.memory_space<vmem>>
    %dma_start3A_63 = arith.constant 0 : i32
    %dma_start3A_64 = arith.constant 0 : i32
    %dma_start3A_65 = tpu.memref_slice %arg5[%dma_start3A_50, %dma_start3A_63, %dma_start3A_64] : memref<2x16x50xi32, #tpu.memory_space<vmem>> -> memref<1x16x50xi32, #tpu.memory_space<vmem>>
    %dma_start3A_66 = tpu.memref_squeeze %dma_start3A_65 : memref<1x16x50xi32, #tpu.memory_space<vmem>> -> memref<16x50xi32, #tpu.memory_space<vmem>>
    %dma_start3A_67 = arith.constant 0 : i32
    %dma_start3A_68 = tpu.memref_slice %dma_start3A_66[%dma_start3A_51, %dma_start3A_67] : memref<16x50xi32, #tpu.memory_space<vmem>> -> memref<1x50xi32, #tpu.memory_space<vmem>>
    %dma_start3A_69 = tpu.memref_squeeze %dma_start3A_68 : memref<1x50xi32, #tpu.memory_space<vmem>> -> memref<50xi32, #tpu.memory_space<vmem>>
    %dma_start3A_70 = arith.constant 0 : i32
    %dma_start3A_71 = arith.constant 0 : i32
    %dma_start3A_72 = tpu.memref_slice %arg2[%dma_start3A_70, %dma_start3A_71] : memref<1015808x32xf32, #tpu.memory_space<hbm>> -> memref<1015808x32xf32, #tpu.memory_space<hbm>>
    tpu.enqueue_indirect_dma source(%dma_start3A_72 : memref<1015808x32xf32, #tpu.memory_space<hbm>>) target(%dma_start3A_62 : memref<50x32xf32, #tpu.memory_space<vmem>>) offsets(%dma_start3A_69 : memref<50xi32, #tpu.memory_space<vmem>>) semaphore(%arg7 : memref<!tpu.dma_semaphore, #tpu.memory_space<semaphore_mem>>)
    %dma_start3A_73 = arith.constant 0 : i32
    %dma_start3A_74 = arith.constant 3 : i32
    %dma_start3A_75 = arith.constant 0 : i32
    %dma_start3A_76 = arith.constant 3 : i32
    %dma_start3A_77 = arith.constant 0 : i32
    %dma_start3A_78 = arith.constant 0 : i32
    %dma_start3A_79 = arith.constant 0 : i32
    %dma_start3A_80 = tpu.memref_slice %arg6[%dma_start3A_75, %dma_start3A_77, %dma_start3A_78, %dma_start3A_79] : memref<2x16x50x32xf32, #tpu.memory_space<vmem>> -> memref<1x16x50x32xf32, #tpu.memory_space<vmem>>
    %dma_start3A_81 = tpu.memref_squeeze %dma_start3A_80 : memref<1x16x50x32xf32, #tpu.memory_space<vmem>> -> memref<16x50x32xf32, #tpu.memory_space<vmem>>
    %dma_start3A_82 = arith.constant 0 : i32
    %dma_start3A_83 = arith.constant 0 : i32
    %dma_start3A_84 = tpu.memref_slice %dma_start3A_81[%dma_start3A_76, %dma_start3A_82, %dma_start3A_83] : memref<16x50x32xf32, #tpu.memory_space<vmem>> -> memref<1x50x32xf32, #tpu.memory_space<vmem>>
    %dma_start3A_85 = tpu.memref_squeeze %dma_start3A_84 : memref<1x50x32xf32, #tpu.memory_space<vmem>> -> memref<50x32xf32, #tpu.memory_space<vmem>>
    %dma_start3A_86 = arith.constant 0 : i32
    %dma_start3A_87 = arith.constant 0 : i32
    %dma_start3A_88 = tpu.memref_slice %arg5[%dma_start3A_73, %dma_start3A_86, %dma_start3A_87] : memref<2x16x50xi32, #tpu.memory_space<vmem>> -> memref<1x16x50xi32, #tpu.memory_space<vmem>>
    %dma_start3A_89 = tpu.memref_squeeze %dma_start3A_88 : memref<1x16x50xi32, #tpu.memory_space<vmem>> -> memref<16x50xi32, #tpu.memory_space<vmem>>
    %dma_start3A_90 = arith.constant 0 : i32
    %dma_start3A_91 = tpu.memref_slice %dma_start3A_89[%dma_start3A_74, %dma_start3A_90] : memref<16x50xi32, #tpu.memory_space<vmem>> -> memref<1x50xi32, #tpu.memory_space<vmem>>
    %dma_start3A_92 = tpu.memref_squeeze %dma_start3A_91 : memref<1x50xi32, #tpu.memory_space<vmem>> -> memref<50xi32, #tpu.memory_space<vmem>>
    %dma_start3A_93 = arith.constant 0 : i32
    %dma_start3A_94 = arith.constant 0 : i32
    %dma_start3A_95 = tpu.memref_slice %arg2[%dma_start3A_93, %dma_start3A_94] : memref<1015808x32xf32, #tpu.memory_space<hbm>> -> memref<1015808x32xf32, #tpu.memory_space<hbm>>
    tpu.enqueue_indirect_dma source(%dma_start3A_95 : memref<1015808x32xf32, #tpu.memory_space<hbm>>) target(%dma_start3A_85 : memref<50x32xf32, #tpu.memory_space<vmem>>) offsets(%dma_start3A_92 : memref<50xi32, #tpu.memory_space<vmem>>) semaphore(%arg7 : memref<!tpu.dma_semaphore, #tpu.memory_space<semaphore_mem>>)
    %dma_start3A_96 = arith.constant 0 : i32
    %dma_start3A_97 = arith.constant 4 : i32
    %dma_start3A_98 = arith.constant 0 : i32
    %dma_start3A_99 = arith.constant 4 : i32
    %dma_start3A_100 = arith.constant 0 : i32
    %dma_start3A_101 = arith.constant 0 : i32
    %dma_start3A_102 = arith.constant 0 : i32
    %dma_start3A_103 = tpu.memref_slice %arg6[%dma_start3A_98, %dma_start3A_100, %dma_start3A_101, %dma_start3A_102] : memref<2x16x50x32xf32, #tpu.memory_space<vmem>> -> memref<1x16x50x32xf32, #tpu.memory_space<vmem>>
    %dma_start3A_104 = tpu.memref_squeeze %dma_start3A_103 : memref<1x16x50x32xf32, #tpu.memory_space<vmem>> -> memref<16x50x32xf32, #tpu.memory_space<vmem>>
    %dma_start3A_105 = arith.constant 0 : i32
    %dma_start3A_106 = arith.constant 0 : i32
    %dma_start3A_107 = tpu.memref_slice %dma_start3A_104[%dma_start3A_99, %dma_start3A_105, %dma_start3A_106] : memref<16x50x32xf32, #tpu.memory_space<vmem>> -> memref<1x50x32xf32, #tpu.memory_space<vmem>>
    %dma_start3A_108 = tpu.memref_squeeze %dma_start3A_107 : memref<1x50x32xf32, #tpu.memory_space<vmem>> -> memref<50x32xf32, #tpu.memory_space<vmem>>
    %dma_start3A_109 = arith.constant 0 : i32
    %dma_start3A_110 = arith.constant 0 : i32
    %dma_start3A_111 = tpu.memref_slice %arg5[%dma_start3A_96, %dma_start3A_109, %dma_start3A_110] : memref<2x16x50xi32, #tpu.memory_space<vmem>> -> memref<1x16x50xi32, #tpu.memory_space<vmem>>
    %dma_start3A_112 = tpu.memref_squeeze %dma_start3A_111 : memref<1x16x50xi32, #tpu.memory_space<vmem>> -> memref<16x50xi32, #tpu.memory_space<vmem>>
    %dma_start3A_113 = arith.constant 0 : i32
    %dma_start3A_114 = tpu.memref_slice %dma_start3A_112[%dma_start3A_97, %dma_start3A_113] : memref<16x50xi32, #tpu.memory_space<vmem>> -> memref<1x50xi32, #tpu.memory_space<vmem>>
    %dma_start3A_115 = tpu.memref_squeeze %dma_start3A_114 : memref<1x50xi32, #tpu.memory_space<vmem>> -> memref<50xi32, #tpu.memory_space<vmem>>
    %dma_start3A_116 = arith.constant 0 : i32
    %dma_start3A_117 = arith.constant 0 : i32
    %dma_start3A_118 = tpu.memref_slice %arg2[%dma_start3A_116, %dma_start3A_117] : memref<1015808x32xf32, #tpu.memory_space<hbm>> -> memref<1015808x32xf32, #tpu.memory_space<hbm>>
    tpu.enqueue_indirect_dma source(%dma_start3A_118 : memref<1015808x32xf32, #tpu.memory_space<hbm>>) target(%dma_start3A_108 : memref<50x32xf32, #tpu.memory_space<vmem>>) offsets(%dma_start3A_115 : memref<50xi32, #tpu.memory_space<vmem>>) semaphore(%arg7 : memref<!tpu.dma_semaphore, #tpu.memory_space<semaphore_mem>>)
    %dma_start3A_119 = arith.constant 0 : i32
    %dma_start3A_120 = arith.constant 5 : i32
    %dma_start3A_121 = arith.constant 0 : i32
    %dma_start3A_122 = arith.constant 5 : i32
    %dma_start3A_123 = arith.constant 0 : i32
    %dma_start3A_124 = arith.constant 0 : i32
    %dma_start3A_125 = arith.constant 0 : i32
    %dma_start3A_126 = tpu.memref_slice %arg6[%dma_start3A_121, %dma_start3A_123, %dma_start3A_124, %dma_start3A_125] : memref<2x16x50x32xf32, #tpu.memory_space<vmem>> -> memref<1x16x50x32xf32, #tpu.memory_space<vmem>>
    %dma_start3A_127 = tpu.memref_squeeze %dma_start3A_126 : memref<1x16x50x32xf32, #tpu.memory_space<vmem>> -> memref<16x50x32xf32, #tpu.memory_space<vmem>>
    %dma_start3A_128 = arith.constant 0 : i32
    %dma_start3A_129 = arith.constant 0 : i32
    %dma_start3A_130 = tpu.memref_slice %dma_start3A_127[%dma_start3A_122, %dma_start3A_128, %dma_start3A_129] : memref<16x50x32xf32, #tpu.memory_space<vmem>> -> memref<1x50x32xf32, #tpu.memory_space<vmem>>
    %dma_start3A_131 = tpu.memref_squeeze %dma_start3A_130 : memref<1x50x32xf32, #tpu.memory_space<vmem>> -> memref<50x32xf32, #tpu.memory_space<vmem>>
    %dma_start3A_132 = arith.constant 0 : i32
    %dma_start3A_133 = arith.constant 0 : i32
    %dma_start3A_134 = tpu.memref_slice %arg5[%dma_start3A_119, %dma_start3A_132, %dma_start3A_133] : memref<2x16x50xi32, #tpu.memory_space<vmem>> -> memref<1x16x50xi32, #tpu.memory_space<vmem>>
    %dma_start3A_135 = tpu.memref_squeeze %dma_start3A_134 : memref<1x16x50xi32, #tpu.memory_space<vmem>> -> memref<16x50xi32, #tpu.memory_space<vmem>>
    %dma_start3A_136 = arith.constant 0 : i32
    %dma_start3A_137 = tpu.memref_slice %dma_start3A_135[%dma_start3A_120, %dma_start3A_136] : memref<16x50xi32, #tpu.memory_space<vmem>> -> memref<1x50xi32, #tpu.memory_space<vmem>>
    %dma_start3A_138 = tpu.memref_squeeze %dma_start3A_137 : memref<1x50xi32, #tpu.memory_space<vmem>> -> memref<50xi32, #tpu.memory_space<vmem>>
    %dma_start3A_139 = arith.constant 0 : i32
    %dma_start3A_140 = arith.constant 0 : i32
    %dma_start3A_141 = tpu.memref_slice %arg2[%dma_start3A_139, %dma_start3A_140] : memref<1015808x32xf32, #tpu.memory_space<hbm>> -> memref<1015808x32xf32, #tpu.memory_space<hbm>>
    tpu.enqueue_indirect_dma source(%dma_start3A_141 : memref<1015808x32xf32, #tpu.memory_space<hbm>>) target(%dma_start3A_131 : memref<50x32xf32, #tpu.memory_space<vmem>>) offsets(%dma_start3A_138 : memref<50xi32, #tpu.memory_space<vmem>>) semaphore(%arg7 : memref<!tpu.dma_semaphore, #tpu.memory_space<semaphore_mem>>)
    %dma_start3A_142 = arith.constant 0 : i32
    %dma_start3A_143 = arith.constant 6 : i32
    %dma_start3A_144 = arith.constant 0 : i32
    %dma_start3A_145 = arith.constant 6 : i32
    %dma_start3A_146 = arith.constant 0 : i32
    %dma_start3A_147 = arith.constant 0 : i32
    %dma_start3A_148 = arith.constant 0 : i32
    %dma_start3A_149 = tpu.memref_slice %arg6[%dma_start3A_144, %dma_start3A_146, %dma_start3A_147, %dma_start3A_148] : memref<2x16x50x32xf32, #tpu.memory_space<vmem>> -> memref<1x16x50x32xf32, #tpu.memory_space<vmem>>
    %dma_start3A_150 = tpu.memref_squeeze %dma_start3A_149 : memref<1x16x50x32xf32, #tpu.memory_space<vmem>> -> memref<16x50x32xf32, #tpu.memory_space<vmem>>
    %dma_start3A_151 = arith.constant 0 : i32
    %dma_start3A_152 = arith.constant 0 : i32
    %dma_start3A_153 = tpu.memref_slice %dma_start3A_150[%dma_start3A_145, %dma_start3A_151, %dma_start3A_152] : memref<16x50x32xf32, #tpu.memory_space<vmem>> -> memref<1x50x32xf32, #tpu.memory_space<vmem>>
    %dma_start3A_154 = tpu.memref_squeeze %dma_start3A_153 : memref<1x50x32xf32, #tpu.memory_space<vmem>> -> memref<50x32xf32, #tpu.memory_space<vmem>>
    %dma_start3A_155 = arith.constant 0 : i32
    %dma_start3A_156 = arith.constant 0 : i32
    %dma_start3A_157 = tpu.memref_slice %arg5[%dma_start3A_142, %dma_start3A_155, %dma_start3A_156] : memref<2x16x50xi32, #tpu.memory_space<vmem>> -> memref<1x16x50xi32, #tpu.memory_space<vmem>>
    %dma_start3A_158 = tpu.memref_squeeze %dma_start3A_157 : memref<1x16x50xi32, #tpu.memory_space<vmem>> -> memref<16x50xi32, #tpu.memory_space<vmem>>
    %dma_start3A_159 = arith.constant 0 : i32
    %dma_start3A_160 = tpu.memref_slice %dma_start3A_158[%dma_start3A_143, %dma_start3A_159] : memref<16x50xi32, #tpu.memory_space<vmem>> -> memref<1x50xi32, #tpu.memory_space<vmem>>
    %dma_start3A_161 = tpu.memref_squeeze %dma_start3A_160 : memref<1x50xi32, #tpu.memory_space<vmem>> -> memref<50xi32, #tpu.memory_space<vmem>>
    %dma_start3A_162 = arith.constant 0 : i32
    %dma_start3A_163 = arith.constant 0 : i32
    %dma_start3A_164 = tpu.memref_slice %arg2[%dma_start3A_162, %dma_start3A_163] : memref<1015808x32xf32, #tpu.memory_space<hbm>> -> memref<1015808x32xf32, #tpu.memory_space<hbm>>
    tpu.enqueue_indirect_dma source(%dma_start3A_164 : memref<1015808x32xf32, #tpu.memory_space<hbm>>) target(%dma_start3A_154 : memref<50x32xf32, #tpu.memory_space<vmem>>) offsets(%dma_start3A_161 : memref<50xi32, #tpu.memory_space<vmem>>) semaphore(%arg7 : memref<!tpu.dma_semaphore, #tpu.memory_space<semaphore_mem>>)
    %dma_start3A_165 = arith.constant 0 : i32
    %dma_start3A_166 = arith.constant 7 : i32
    %dma_start3A_167 = arith.constant 0 : i32
    %dma_start3A_168 = arith.constant 7 : i32
    %dma_start3A_169 = arith.constant 0 : i32
    %dma_start3A_170 = arith.constant 0 : i32
    %dma_start3A_171 = arith.constant 0 : i32
    %dma_start3A_172 = tpu.memref_slice %arg6[%dma_start3A_167, %dma_start3A_169, %dma_start3A_170, %dma_start3A_171] : memref<2x16x50x32xf32, #tpu.memory_space<vmem>> -> memref<1x16x50x32xf32, #tpu.memory_space<vmem>>
    %dma_start3A_173 = tpu.memref_squeeze %dma_start3A_172 : memref<1x16x50x32xf32, #tpu.memory_space<vmem>> -> memref<16x50x32xf32, #tpu.memory_space<vmem>>
    %dma_start3A_174 = arith.constant 0 : i32
    %dma_start3A_175 = arith.constant 0 : i32
    %dma_start3A_176 = tpu.memref_slice %dma_start3A_173[%dma_start3A_168, %dma_start3A_174, %dma_start3A_175] : memref<16x50x32xf32, #tpu.memory_space<vmem>> -> memref<1x50x32xf32, #tpu.memory_space<vmem>>
    %dma_start3A_177 = tpu.memref_squeeze %dma_start3A_176 : memref<1x50x32xf32, #tpu.memory_space<vmem>> -> memref<50x32xf32, #tpu.memory_space<vmem>>
    %dma_start3A_178 = arith.constant 0 : i32
    %dma_start3A_179 = arith.constant 0 : i32
    %dma_start3A_180 = tpu.memref_slice %arg5[%dma_start3A_165, %dma_start3A_178, %dma_start3A_179] : memref<2x16x50xi32, #tpu.memory_space<vmem>> -> memref<1x16x50xi32, #tpu.memory_space<vmem>>
    %dma_start3A_181 = tpu.memref_squeeze %dma_start3A_180 : memref<1x16x50xi32, #tpu.memory_space<vmem>> -> memref<16x50xi32, #tpu.memory_space<vmem>>
    %dma_start3A_182 = arith.constant 0 : i32
    %dma_start3A_183 = tpu.memref_slice %dma_start3A_181[%dma_start3A_166, %dma_start3A_182] : memref<16x50xi32, #tpu.memory_space<vmem>> -> memref<1x50xi32, #tpu.memory_space<vmem>>
    %dma_start3A_184 = tpu.memref_squeeze %dma_start3A_183 : memref<1x50xi32, #tpu.memory_space<vmem>> -> memref<50xi32, #tpu.memory_space<vmem>>
    %dma_start3A_185 = arith.constant 0 : i32
    %dma_start3A_186 = arith.constant 0 : i32
    %dma_start3A_187 = tpu.memref_slice %arg2[%dma_start3A_185, %dma_start3A_186] : memref<1015808x32xf32, #tpu.memory_space<hbm>> -> memref<1015808x32xf32, #tpu.memory_space<hbm>>
    tpu.enqueue_indirect_dma source(%dma_start3A_187 : memref<1015808x32xf32, #tpu.memory_space<hbm>>) target(%dma_start3A_177 : memref<50x32xf32, #tpu.memory_space<vmem>>) offsets(%dma_start3A_184 : memref<50xi32, #tpu.memory_space<vmem>>) semaphore(%arg7 : memref<!tpu.dma_semaphore, #tpu.memory_space<semaphore_mem>>)
    %dma_start3A_188 = arith.constant 0 : i32
    %dma_start3A_189 = arith.constant 8 : i32
    %dma_start3A_190 = arith.constant 0 : i32
    %dma_start3A_191 = arith.constant 8 : i32
    %dma_start3A_192 = arith.constant 0 : i32
    %dma_start3A_193 = arith.constant 0 : i32
    %dma_start3A_194 = arith.constant 0 : i32
    %dma_start3A_195 = tpu.memref_slice %arg6[%dma_start3A_190, %dma_start3A_192, %dma_start3A_193, %dma_start3A_194] : memref<2x16x50x32xf32, #tpu.memory_space<vmem>> -> memref<1x16x50x32xf32, #tpu.memory_space<vmem>>
    %dma_start3A_196 = tpu.memref_squeeze %dma_start3A_195 : memref<1x16x50x32xf32, #tpu.memory_space<vmem>> -> memref<16x50x32xf32, #tpu.memory_space<vmem>>
    %dma_start3A_197 = arith.constant 0 : i32
    %dma_start3A_198 = arith.constant 0 : i32
    %dma_start3A_199 = tpu.memref_slice %dma_start3A_196[%dma_start3A_191, %dma_start3A_197, %dma_start3A_198] : memref<16x50x32xf32, #tpu.memory_space<vmem>> -> memref<1x50x32xf32, #tpu.memory_space<vmem>>
    %dma_start3A_200 = tpu.memref_squeeze %dma_start3A_199 : memref<1x50x32xf32, #tpu.memory_space<vmem>> -> memref<50x32xf32, #tpu.memory_space<vmem>>
    %dma_start3A_201 = arith.constant 0 : i32
    %dma_start3A_202 = arith.constant 0 : i32
    %dma_start3A_203 = tpu.memref_slice %arg5[%dma_start3A_188, %dma_start3A_201, %dma_start3A_202] : memref<2x16x50xi32, #tpu.memory_space<vmem>> -> memref<1x16x50xi32, #tpu.memory_space<vmem>>
    %dma_start3A_204 = tpu.memref_squeeze %dma_start3A_203 : memref<1x16x50xi32, #tpu.memory_space<vmem>> -> memref<16x50xi32, #tpu.memory_space<vmem>>
    %dma_start3A_205 = arith.constant 0 : i32
    %dma_start3A_206 = tpu.memref_slice %dma_start3A_204[%dma_start3A_189, %dma_start3A_205] : memref<16x50xi32, #tpu.memory_space<vmem>> -> memref<1x50xi32, #tpu.memory_space<vmem>>
    %dma_start3A_207 = tpu.memref_squeeze %dma_start3A_206 : memref<1x50xi32, #tpu.memory_space<vmem>> -> memref<50xi32, #tpu.memory_space<vmem>>
    %dma_start3A_208 = arith.constant 0 : i32
    %dma_start3A_209 = arith.constant 0 : i32
    %dma_start3A_210 = tpu.memref_slice %arg2[%dma_start3A_208, %dma_start3A_209] : memref<1015808x32xf32, #tpu.memory_space<hbm>> -> memref<1015808x32xf32, #tpu.memory_space<hbm>>
    tpu.enqueue_indirect_dma source(%dma_start3A_210 : memref<1015808x32xf32, #tpu.memory_space<hbm>>) target(%dma_start3A_200 : memref<50x32xf32, #tpu.memory_space<vmem>>) offsets(%dma_start3A_207 : memref<50xi32, #tpu.memory_space<vmem>>) semaphore(%arg7 : memref<!tpu.dma_semaphore, #tpu.memory_space<semaphore_mem>>)
    %dma_start3A_211 = arith.constant 0 : i32
    %dma_start3A_212 = arith.constant 9 : i32
    %dma_start3A_213 = arith.constant 0 : i32
    %dma_start3A_214 = arith.constant 9 : i32
    %dma_start3A_215 = arith.constant 0 : i32
    %dma_start3A_216 = arith.constant 0 : i32
    %dma_start3A_217 = arith.constant 0 : i32
    %dma_start3A_218 = tpu.memref_slice %arg6[%dma_start3A_213, %dma_start3A_215, %dma_start3A_216, %dma_start3A_217] : memref<2x16x50x32xf32, #tpu.memory_space<vmem>> -> memref<1x16x50x32xf32, #tpu.memory_space<vmem>>
    %dma_start3A_219 = tpu.memref_squeeze %dma_start3A_218 : memref<1x16x50x32xf32, #tpu.memory_space<vmem>> -> memref<16x50x32xf32, #tpu.memory_space<vmem>>
    %dma_start3A_220 = arith.constant 0 : i32
    %dma_start3A_221 = arith.constant 0 : i32
    %dma_start3A_222 = tpu.memref_slice %dma_start3A_219[%dma_start3A_214, %dma_start3A_220, %dma_start3A_221] : memref<16x50x32xf32, #tpu.memory_space<vmem>> -> memref<1x50x32xf32, #tpu.memory_space<vmem>>
    %dma_start3A_223 = tpu.memref_squeeze %dma_start3A_222 : memref<1x50x32xf32, #tpu.memory_space<vmem>> -> memref<50x32xf32, #tpu.memory_space<vmem>>
    %dma_start3A_224 = arith.constant 0 : i32
    %dma_start3A_225 = arith.constant 0 : i32
    %dma_start3A_226 = tpu.memref_slice %arg5[%dma_start3A_211, %dma_start3A_224, %dma_start3A_225] : memref<2x16x50xi32, #tpu.memory_space<vmem>> -> memref<1x16x50xi32, #tpu.memory_space<vmem>>
    %dma_start3A_227 = tpu.memref_squeeze %dma_start3A_226 : memref<1x16x50xi32, #tpu.memory_space<vmem>> -> memref<16x50xi32, #tpu.memory_space<vmem>>
    %dma_start3A_228 = arith.constant 0 : i32
    %dma_start3A_229 = tpu.memref_slice %dma_start3A_227[%dma_start3A_212, %dma_start3A_228] : memref<16x50xi32, #tpu.memory_space<vmem>> -> memref<1x50xi32, #tpu.memory_space<vmem>>
    %dma_start3A_230 = tpu.memref_squeeze %dma_start3A_229 : memref<1x50xi32, #tpu.memory_space<vmem>> -> memref<50xi32, #tpu.memory_space<vmem>>
    %dma_start3A_231 = arith.constant 0 : i32
    %dma_start3A_232 = arith.constant 0 : i32
    %dma_start3A_233 = tpu.memref_slice %arg2[%dma_start3A_231, %dma_start3A_232] : memref<1015808x32xf32, #tpu.memory_space<hbm>> -> memref<1015808x32xf32, #tpu.memory_space<hbm>>
    tpu.enqueue_indirect_dma source(%dma_start3A_233 : memref<1015808x32xf32, #tpu.memory_space<hbm>>) target(%dma_start3A_223 : memref<50x32xf32, #tpu.memory_space<vmem>>) offsets(%dma_start3A_230 : memref<50xi32, #tpu.memory_space<vmem>>) semaphore(%arg7 : memref<!tpu.dma_semaphore, #tpu.memory_space<semaphore_mem>>)
    %dma_start3A_234 = arith.constant 0 : i32
    %dma_start3A_235 = arith.constant 10 : i32
    %dma_start3A_236 = arith.constant 0 : i32
    %dma_start3A_237 = arith.constant 10 : i32
    %dma_start3A_238 = arith.constant 0 : i32
    %dma_start3A_239 = arith.constant 0 : i32
    %dma_start3A_240 = arith.constant 0 : i32
    %dma_start3A_241 = tpu.memref_slice %arg6[%dma_start3A_236, %dma_start3A_238, %dma_start3A_239, %dma_start3A_240] : memref<2x16x50x32xf32, #tpu.memory_space<vmem>> -> memref<1x16x50x32xf32, #tpu.memory_space<vmem>>
    %dma_start3A_242 = tpu.memref_squeeze %dma_start3A_241 : memref<1x16x50x32xf32, #tpu.memory_space<vmem>> -> memref<16x50x32xf32, #tpu.memory_space<vmem>>
    %dma_start3A_243 = arith.constant 0 : i32
    %dma_start3A_244 = arith.constant 0 : i32
    %dma_start3A_245 = tpu.memref_slice %dma_start3A_242[%dma_start3A_237, %dma_start3A_243, %dma_start3A_244] : memref<16x50x32xf32, #tpu.memory_space<vmem>> -> memref<1x50x32xf32, #tpu.memory_space<vmem>>
    %dma_start3A_246 = tpu.memref_squeeze %dma_start3A_245 : memref<1x50x32xf32, #tpu.memory_space<vmem>> -> memref<50x32xf32, #tpu.memory_space<vmem>>
    %dma_start3A_247 = arith.constant 0 : i32
    %dma_start3A_248 = arith.constant 0 : i32
    %dma_start3A_249 = tpu.memref_slice %arg5[%dma_start3A_234, %dma_start3A_247, %dma_start3A_248] : memref<2x16x50xi32, #tpu.memory_space<vmem>> -> memref<1x16x50xi32, #tpu.memory_space<vmem>>
    %dma_start3A_250 = tpu.memref_squeeze %dma_start3A_249 : memref<1x16x50xi32, #tpu.memory_space<vmem>> -> memref<16x50xi32, #tpu.memory_space<vmem>>
    %dma_start3A_251 = arith.constant 0 : i32
    %dma_start3A_252 = tpu.memref_slice %dma_start3A_250[%dma_start3A_235, %dma_start3A_251] : memref<16x50xi32, #tpu.memory_space<vmem>> -> memref<1x50xi32, #tpu.memory_space<vmem>>
    %dma_start3A_253 = tpu.memref_squeeze %dma_start3A_252 : memref<1x50xi32, #tpu.memory_space<vmem>> -> memref<50xi32, #tpu.memory_space<vmem>>
    %dma_start3A_254 = arith.constant 0 : i32
    %dma_start3A_255 = arith.constant 0 : i32
    %dma_start3A_256 = tpu.memref_slice %arg2[%dma_start3A_254, %dma_start3A_255] : memref<1015808x32xf32, #tpu.memory_space<hbm>> -> memref<1015808x32xf32, #tpu.memory_space<hbm>>
    tpu.enqueue_indirect_dma source(%dma_start3A_256 : memref<1015808x32xf32, #tpu.memory_space<hbm>>) target(%dma_start3A_246 : memref<50x32xf32, #tpu.memory_space<vmem>>) offsets(%dma_start3A_253 : memref<50xi32, #tpu.memory_space<vmem>>) semaphore(%arg7 : memref<!tpu.dma_semaphore, #tpu.memory_space<semaphore_mem>>)
    %dma_start3A_257 = arith.constant 0 : i32
    %dma_start3A_258 = arith.constant 11 : i32
    %dma_start3A_259 = arith.constant 0 : i32
    %dma_start3A_260 = arith.constant 11 : i32
    %dma_start3A_261 = arith.constant 0 : i32
    %dma_start3A_262 = arith.constant 0 : i32
    %dma_start3A_263 = arith.constant 0 : i32
    %dma_start3A_264 = tpu.memref_slice %arg6[%dma_start3A_259, %dma_start3A_261, %dma_start3A_262, %dma_start3A_263] : memref<2x16x50x32xf32, #tpu.memory_space<vmem>> -> memref<1x16x50x32xf32, #tpu.memory_space<vmem>>
    %dma_start3A_265 = tpu.memref_squeeze %dma_start3A_264 : memref<1x16x50x32xf32, #tpu.memory_space<vmem>> -> memref<16x50x32xf32, #tpu.memory_space<vmem>>
    %dma_start3A_266 = arith.constant 0 : i32
    %dma_start3A_267 = arith.constant 0 : i32
    %dma_start3A_268 = tpu.memref_slice %dma_start3A_265[%dma_start3A_260, %dma_start3A_266, %dma_start3A_267] : memref<16x50x32xf32, #tpu.memory_space<vmem>> -> memref<1x50x32xf32, #tpu.memory_space<vmem>>
    %dma_start3A_269 = tpu.memref_squeeze %dma_start3A_268 : memref<1x50x32xf32, #tpu.memory_space<vmem>> -> memref<50x32xf32, #tpu.memory_space<vmem>>
    %dma_start3A_270 = arith.constant 0 : i32
    %dma_start3A_271 = arith.constant 0 : i32
    %dma_start3A_272 = tpu.memref_slice %arg5[%dma_start3A_257, %dma_start3A_270, %dma_start3A_271] : memref<2x16x50xi32, #tpu.memory_space<vmem>> -> memref<1x16x50xi32, #tpu.memory_space<vmem>>
    %dma_start3A_273 = tpu.memref_squeeze %dma_start3A_272 : memref<1x16x50xi32, #tpu.memory_space<vmem>> -> memref<16x50xi32, #tpu.memory_space<vmem>>
    %dma_start3A_274 = arith.constant 0 : i32
    %dma_start3A_275 = tpu.memref_slice %dma_start3A_273[%dma_start3A_258, %dma_start3A_274] : memref<16x50xi32, #tpu.memory_space<vmem>> -> memref<1x50xi32, #tpu.memory_space<vmem>>
    %dma_start3A_276 = tpu.memref_squeeze %dma_start3A_275 : memref<1x50xi32, #tpu.memory_space<vmem>> -> memref<50xi32, #tpu.memory_space<vmem>>
    %dma_start3A_277 = arith.constant 0 : i32
    %dma_start3A_278 = arith.constant 0 : i32
    %dma_start3A_279 = tpu.memref_slice %arg2[%dma_start3A_277, %dma_start3A_278] : memref<1015808x32xf32, #tpu.memory_space<hbm>> -> memref<1015808x32xf32, #tpu.memory_space<hbm>>
    tpu.enqueue_indirect_dma source(%dma_start3A_279 : memref<1015808x32xf32, #tpu.memory_space<hbm>>) target(%dma_start3A_269 : memref<50x32xf32, #tpu.memory_space<vmem>>) offsets(%dma_start3A_276 : memref<50xi32, #tpu.memory_space<vmem>>) semaphore(%arg7 : memref<!tpu.dma_semaphore, #tpu.memory_space<semaphore_mem>>)
    %dma_start3A_280 = arith.constant 0 : i32
    %dma_start3A_281 = arith.constant 12 : i32
    %dma_start3A_282 = arith.constant 0 : i32
    %dma_start3A_283 = arith.constant 12 : i32
    %dma_start3A_284 = arith.constant 0 : i32
    %dma_start3A_285 = arith.constant 0 : i32
    %dma_start3A_286 = arith.constant 0 : i32
    %dma_start3A_287 = tpu.memref_slice %arg6[%dma_start3A_282, %dma_start3A_284, %dma_start3A_285, %dma_start3A_286] : memref<2x16x50x32xf32, #tpu.memory_space<vmem>> -> memref<1x16x50x32xf32, #tpu.memory_space<vmem>>
    %dma_start3A_288 = tpu.memref_squeeze %dma_start3A_287 : memref<1x16x50x32xf32, #tpu.memory_space<vmem>> -> memref<16x50x32xf32, #tpu.memory_space<vmem>>
    %dma_start3A_289 = arith.constant 0 : i32
    %dma_start3A_290 = arith.constant 0 : i32
    %dma_start3A_291 = tpu.memref_slice %dma_start3A_288[%dma_start3A_283, %dma_start3A_289, %dma_start3A_290] : memref<16x50x32xf32, #tpu.memory_space<vmem>> -> memref<1x50x32xf32, #tpu.memory_space<vmem>>
    %dma_start3A_292 = tpu.memref_squeeze %dma_start3A_291 : memref<1x50x32xf32, #tpu.memory_space<vmem>> -> memref<50x32xf32, #tpu.memory_space<vmem>>
    %dma_start3A_293 = arith.constant 0 : i32
    %dma_start3A_294 = arith.constant 0 : i32
    %dma_start3A_295 = tpu.memref_slice %arg5[%dma_start3A_280, %dma_start3A_293, %dma_start3A_294] : memref<2x16x50xi32, #tpu.memory_space<vmem>> -> memref<1x16x50xi32, #tpu.memory_space<vmem>>
    %dma_start3A_296 = tpu.memref_squeeze %dma_start3A_295 : memref<1x16x50xi32, #tpu.memory_space<vmem>> -> memref<16x50xi32, #tpu.memory_space<vmem>>
    %dma_start3A_297 = arith.constant 0 : i32
    %dma_start3A_298 = tpu.memref_slice %dma_start3A_296[%dma_start3A_281, %dma_start3A_297] : memref<16x50xi32, #tpu.memory_space<vmem>> -> memref<1x50xi32, #tpu.memory_space<vmem>>
    %dma_start3A_299 = tpu.memref_squeeze %dma_start3A_298 : memref<1x50xi32, #tpu.memory_space<vmem>> -> memref<50xi32, #tpu.memory_space<vmem>>
    %dma_start3A_300 = arith.constant 0 : i32
    %dma_start3A_301 = arith.constant 0 : i32
    %dma_start3A_302 = tpu.memref_slice %arg2[%dma_start3A_300, %dma_start3A_301] : memref<1015808x32xf32, #tpu.memory_space<hbm>> -> memref<1015808x32xf32, #tpu.memory_space<hbm>>
    tpu.enqueue_indirect_dma source(%dma_start3A_302 : memref<1015808x32xf32, #tpu.memory_space<hbm>>) target(%dma_start3A_292 : memref<50x32xf32, #tpu.memory_space<vmem>>) offsets(%dma_start3A_299 : memref<50xi32, #tpu.memory_space<vmem>>) semaphore(%arg7 : memref<!tpu.dma_semaphore, #tpu.memory_space<semaphore_mem>>)
    %dma_start3A_303 = arith.constant 0 : i32
    %dma_start3A_304 = arith.constant 13 : i32
    %dma_start3A_305 = arith.constant 0 : i32
    %dma_start3A_306 = arith.constant 13 : i32
    %dma_start3A_307 = arith.constant 0 : i32
    %dma_start3A_308 = arith.constant 0 : i32
    %dma_start3A_309 = arith.constant 0 : i32
    %dma_start3A_310 = tpu.memref_slice %arg6[%dma_start3A_305, %dma_start3A_307, %dma_start3A_308, %dma_start3A_309] : memref<2x16x50x32xf32, #tpu.memory_space<vmem>> -> memref<1x16x50x32xf32, #tpu.memory_space<vmem>>
    %dma_start3A_311 = tpu.memref_squeeze %dma_start3A_310 : memref<1x16x50x32xf32, #tpu.memory_space<vmem>> -> memref<16x50x32xf32, #tpu.memory_space<vmem>>
    %dma_start3A_312 = arith.constant 0 : i32
    %dma_start3A_313 = arith.constant 0 : i32
    %dma_start3A_314 = tpu.memref_slice %dma_start3A_311[%dma_start3A_306, %dma_start3A_312, %dma_start3A_313] : memref<16x50x32xf32, #tpu.memory_space<vmem>> -> memref<1x50x32xf32, #tpu.memory_space<vmem>>
    %dma_start3A_315 = tpu.memref_squeeze %dma_start3A_314 : memref<1x50x32xf32, #tpu.memory_space<vmem>> -> memref<50x32xf32, #tpu.memory_space<vmem>>
    %dma_start3A_316 = arith.constant 0 : i32
    %dma_start3A_317 = arith.constant 0 : i32
    %dma_start3A_318 = tpu.memref_slice %arg5[%dma_start3A_303, %dma_start3A_316, %dma_start3A_317] : memref<2x16x50xi32, #tpu.memory_space<vmem>> -> memref<1x16x50xi32, #tpu.memory_space<vmem>>
    %dma_start3A_319 = tpu.memref_squeeze %dma_start3A_318 : memref<1x16x50xi32, #tpu.memory_space<vmem>> -> memref<16x50xi32, #tpu.memory_space<vmem>>
    %dma_start3A_320 = arith.constant 0 : i32
    %dma_start3A_321 = tpu.memref_slice %dma_start3A_319[%dma_start3A_304, %dma_start3A_320] : memref<16x50xi32, #tpu.memory_space<vmem>> -> memref<1x50xi32, #tpu.memory_space<vmem>>
    %dma_start3A_322 = tpu.memref_squeeze %dma_start3A_321 : memref<1x50xi32, #tpu.memory_space<vmem>> -> memref<50xi32, #tpu.memory_space<vmem>>
    %dma_start3A_323 = arith.constant 0 : i32
    %dma_start3A_324 = arith.constant 0 : i32
    %dma_start3A_325 = tpu.memref_slice %arg2[%dma_start3A_323, %dma_start3A_324] : memref<1015808x32xf32, #tpu.memory_space<hbm>> -> memref<1015808x32xf32, #tpu.memory_space<hbm>>
    tpu.enqueue_indirect_dma source(%dma_start3A_325 : memref<1015808x32xf32, #tpu.memory_space<hbm>>) target(%dma_start3A_315 : memref<50x32xf32, #tpu.memory_space<vmem>>) offsets(%dma_start3A_322 : memref<50xi32, #tpu.memory_space<vmem>>) semaphore(%arg7 : memref<!tpu.dma_semaphore, #tpu.memory_space<semaphore_mem>>)
    %dma_start3A_326 = arith.constant 0 : i32
    %dma_start3A_327 = arith.constant 14 : i32
    %dma_start3A_328 = arith.constant 0 : i32
    %dma_start3A_329 = arith.constant 14 : i32
    %dma_start3A_330 = arith.constant 0 : i32
    %dma_start3A_331 = arith.constant 0 : i32
    %dma_start3A_332 = arith.constant 0 : i32
    %dma_start3A_333 = tpu.memref_slice %arg6[%dma_start3A_328, %dma_start3A_330, %dma_start3A_331, %dma_start3A_332] : memref<2x16x50x32xf32, #tpu.memory_space<vmem>> -> memref<1x16x50x32xf32, #tpu.memory_space<vmem>>
    %dma_start3A_334 = tpu.memref_squeeze %dma_start3A_333 : memref<1x16x50x32xf32, #tpu.memory_space<vmem>> -> memref<16x50x32xf32, #tpu.memory_space<vmem>>
    %dma_start3A_335 = arith.constant 0 : i32
    %dma_start3A_336 = arith.constant 0 : i32
    %dma_start3A_337 = tpu.memref_slice %dma_start3A_334[%dma_start3A_329, %dma_start3A_335, %dma_start3A_336] : memref<16x50x32xf32, #tpu.memory_space<vmem>> -> memref<1x50x32xf32, #tpu.memory_space<vmem>>
    %dma_start3A_338 = tpu.memref_squeeze %dma_start3A_337 : memref<1x50x32xf32, #tpu.memory_space<vmem>> -> memref<50x32xf32, #tpu.memory_space<vmem>>
    %dma_start3A_339 = arith.constant 0 : i32
    %dma_start3A_340 = arith.constant 0 : i32
    %dma_start3A_341 = tpu.memref_slice %arg5[%dma_start3A_326, %dma_start3A_339, %dma_start3A_340] : memref<2x16x50xi32, #tpu.memory_space<vmem>> -> memref<1x16x50xi32, #tpu.memory_space<vmem>>
    %dma_start3A_342 = tpu.memref_squeeze %dma_start3A_341 : memref<1x16x50xi32, #tpu.memory_space<vmem>> -> memref<16x50xi32, #tpu.memory_space<vmem>>
    %dma_start3A_343 = arith.constant 0 : i32
    %dma_start3A_344 = tpu.memref_slice %dma_start3A_342[%dma_start3A_327, %dma_start3A_343] : memref<16x50xi32, #tpu.memory_space<vmem>> -> memref<1x50xi32, #tpu.memory_space<vmem>>
    %dma_start3A_345 = tpu.memref_squeeze %dma_start3A_344 : memref<1x50xi32, #tpu.memory_space<vmem>> -> memref<50xi32, #tpu.memory_space<vmem>>
    %dma_start3A_346 = arith.constant 0 : i32
    %dma_start3A_347 = arith.constant 0 : i32
    %dma_start3A_348 = tpu.memref_slice %arg2[%dma_start3A_346, %dma_start3A_347] : memref<1015808x32xf32, #tpu.memory_space<hbm>> -> memref<1015808x32xf32, #tpu.memory_space<hbm>>
    tpu.enqueue_indirect_dma source(%dma_start3A_348 : memref<1015808x32xf32, #tpu.memory_space<hbm>>) target(%dma_start3A_338 : memref<50x32xf32, #tpu.memory_space<vmem>>) offsets(%dma_start3A_345 : memref<50xi32, #tpu.memory_space<vmem>>) semaphore(%arg7 : memref<!tpu.dma_semaphore, #tpu.memory_space<semaphore_mem>>)
    %dma_start3A_349 = arith.constant 0 : i32
    %dma_start3A_350 = arith.constant 15 : i32
    %dma_start3A_351 = arith.constant 0 : i32
    %dma_start3A_352 = arith.constant 15 : i32
    %dma_start3A_353 = arith.constant 0 : i32
    %dma_start3A_354 = arith.constant 0 : i32
    %dma_start3A_355 = arith.constant 0 : i32
    %dma_start3A_356 = tpu.memref_slice %arg6[%dma_start3A_351, %dma_start3A_353, %dma_start3A_354, %dma_start3A_355] : memref<2x16x50x32xf32, #tpu.memory_space<vmem>> -> memref<1x16x50x32xf32, #tpu.memory_space<vmem>>
    %dma_start3A_357 = tpu.memref_squeeze %dma_start3A_356 : memref<1x16x50x32xf32, #tpu.memory_space<vmem>> -> memref<16x50x32xf32, #tpu.memory_space<vmem>>
    %dma_start3A_358 = arith.constant 0 : i32
    %dma_start3A_359 = arith.constant 0 : i32
    %dma_start3A_360 = tpu.memref_slice %dma_start3A_357[%dma_start3A_352, %dma_start3A_358, %dma_start3A_359] : memref<16x50x32xf32, #tpu.memory_space<vmem>> -> memref<1x50x32xf32, #tpu.memory_space<vmem>>
    %dma_start3A_361 = tpu.memref_squeeze %dma_start3A_360 : memref<1x50x32xf32, #tpu.memory_space<vmem>> -> memref<50x32xf32, #tpu.memory_space<vmem>>
    %dma_start3A_362 = arith.constant 0 : i32
    %dma_start3A_363 = arith.constant 0 : i32
    %dma_start3A_364 = tpu.memref_slice %arg5[%dma_start3A_349, %dma_start3A_362, %dma_start3A_363] : memref<2x16x50xi32, #tpu.memory_space<vmem>> -> memref<1x16x50xi32, #tpu.memory_space<vmem>>
    %dma_start3A_365 = tpu.memref_squeeze %dma_start3A_364 : memref<1x16x50xi32, #tpu.memory_space<vmem>> -> memref<16x50xi32, #tpu.memory_space<vmem>>
    %dma_start3A_366 = arith.constant 0 : i32
    %dma_start3A_367 = tpu.memref_slice %dma_start3A_365[%dma_start3A_350, %dma_start3A_366] : memref<16x50xi32, #tpu.memory_space<vmem>> -> memref<1x50xi32, #tpu.memory_space<vmem>>
    %dma_start3A_368 = tpu.memref_squeeze %dma_start3A_367 : memref<1x50xi32, #tpu.memory_space<vmem>> -> memref<50xi32, #tpu.memory_space<vmem>>
    %dma_start3A_369 = arith.constant 0 : i32
    %dma_start3A_370 = arith.constant 0 : i32
    %dma_start3A_371 = tpu.memref_slice %arg2[%dma_start3A_369, %dma_start3A_370] : memref<1015808x32xf32, #tpu.memory_space<hbm>> -> memref<1015808x32xf32, #tpu.memory_space<hbm>>
    tpu.enqueue_indirect_dma source(%dma_start3A_371 : memref<1015808x32xf32, #tpu.memory_space<hbm>>) target(%dma_start3A_361 : memref<50x32xf32, #tpu.memory_space<vmem>>) offsets(%dma_start3A_368 : memref<50xi32, #tpu.memory_space<vmem>>) semaphore(%arg7 : memref<!tpu.dma_semaphore, #tpu.memory_space<semaphore_mem>>)
    %scan3A = arith.constant 0 : i32
    %scan3A_372 = arith.constant 0 : i32
    %scan3A_373 = arith.constant 0 : i32
    %scan3A_374 = arith.constant 0 : i32
    %scan3A_375 = arith.constant 0 : i32
    %scan3A_376 = arith.constant 0 : i32
    %scan3A_377 = arith.constant 1 : i32
    %scan3A_378 = arith.constant 0 : i32
    %scan3A_379 = arith.constant 1 : i32
    %scan3A_380 = arith.constant 0 : i32
    %scan3A_381 = arith.constant 2 : i32
    %scan3A_382 = arith.constant 0 : i32
    %scan3A_383 = arith.constant 2 : i32
    %scan3A_384 = arith.constant 0 : i32
    %scan3A_385 = arith.constant 3 : i32
    %scan3A_386 = arith.constant 0 : i32
    %scan3A_387 = arith.constant 3 : i32
    %scan3A_388 = arith.constant 0 : i32
    %scan3A_389 = arith.constant 4 : i32
    %scan3A_390 = arith.constant 0 : i32
    %scan3A_391 = arith.constant 4 : i32
    %scan3A_392 = arith.constant 0 : i32
    %scan3A_393 = arith.constant 5 : i32
    %scan3A_394 = arith.constant 0 : i32
    %scan3A_395 = arith.constant 5 : i32
    %scan3A_396 = arith.constant 0 : i32
    %scan3A_397 = arith.constant 6 : i32
    %scan3A_398 = arith.constant 0 : i32
    %scan3A_399 = arith.constant 6 : i32
    %scan3A_400 = arith.constant 0 : i32
    %scan3A_401 = arith.constant 7 : i32
    %scan3A_402 = arith.constant 0 : i32
    %scan3A_403 = arith.constant 7 : i32
    %scan3A_404 = arith.constant 0 : i32
    %scan3A_405 = arith.constant 8 : i32
    %scan3A_406 = arith.constant 0 : i32
    %scan3A_407 = arith.constant 8 : i32
    %scan3A_408 = arith.constant 0 : i32
    %scan3A_409 = arith.constant 9 : i32
    %scan3A_410 = arith.constant 0 : i32
    %scan3A_411 = arith.constant 9 : i32
    %scan3A_412 = arith.constant 0 : i32
    %scan3A_413 = arith.constant 10 : i32
    %scan3A_414 = arith.constant 0 : i32
    %scan3A_415 = arith.constant 10 : i32
    %scan3A_416 = arith.constant 0 : i32
    %scan3A_417 = arith.constant 11 : i32
    %scan3A_418 = arith.constant 0 : i32
    %scan3A_419 = arith.constant 11 : i32
    %scan3A_420 = arith.constant 0 : i32
    %scan3A_421 = arith.constant 12 : i32
    %scan3A_422 = arith.constant 0 : i32
    %scan3A_423 = arith.constant 12 : i32
    %scan3A_424 = arith.constant 0 : i32
    %scan3A_425 = arith.constant 13 : i32
    %scan3A_426 = arith.constant 0 : i32
    %scan3A_427 = arith.constant 13 : i32
    %scan3A_428 = arith.constant 0 : i32
    %scan3A_429 = arith.constant 14 : i32
    %scan3A_430 = arith.constant 0 : i32
    %scan3A_431 = arith.constant 14 : i32
    %scan3A_432 = arith.constant 0 : i32
    %scan3A_433 = arith.constant 15 : i32
    %scan3A_434 = arith.constant 0 : i32
    %scan3A_435 = arith.constant 15 : i32
    %scan3A_436 = arith.constant 0 : i32
    %scan3A_437 = arith.constant 15 : i32
    %scan3A_438 = arith.addi %scan3A_436, %scan3A_437 : i32
    %scan3A_439 = arith.constant 1 : i32
    scf.for %scan3A_1553 = %scan3A_436 to %scan3A_438 step %scan3A_439  : i32 {
      %mul3A_1554 = arith.constant 2 : i32
      %mul3A_1555 = arith.muli %mul3A_1554, %scan3A_1553 : i32
      %add3A_1556 = arith.constant 1 : i32
      %add3A_1557 = arith.addi %mul3A_1555, %add3A_1556 : i32
      %mul3A_1558 = arith.constant 16 : i32
      %mul3A_1559 = arith.muli %add3A_1557, %mul3A_1558 : i32
      %add3A_1560 = arith.addi %mul3A_2, %mul3A_1559 : i32
      %run_scoped3A_1561 = arith.constant 1 : i32
      "tpu.region"() ({
        %run_scoped3A_2986 = tpu.sem_alloc : memref<!tpu.dma_semaphore, #tpu.memory_space<semaphore_mem>>
        %dma_start3A_2987 = arith.constant 0 : i32
        %dma_start3A_2988 = arith.constant 0 : i32
        %dma_start3A_2989 = tpu.memref_slice %arg5[%run_scoped3A_1561, %dma_start3A_2987, %dma_start3A_2988] : memref<2x16x50xi32, #tpu.memory_space<vmem>> -> memref<1x16x50xi32, #tpu.memory_space<vmem>>
        %dma_start3A_2990 = tpu.memref_squeeze %dma_start3A_2989 : memref<1x16x50xi32, #tpu.memory_space<vmem>> -> memref<16x50xi32, #tpu.memory_space<vmem>>
        %dma_start3A_2991 = arith.constant 0 : i32
        %dma_start3A_2992 = tpu.memref_slice %arg3[%add3A_1560, %dma_start3A_2991] : memref<16384x50xi32, #tpu.memory_space<hbm>> -> memref<16x50xi32, #tpu.memory_space<hbm>>
        %dma_start3A_2993 = arith.constant 0 : i32
        %dma_start3A_2994 = arith.constant 0 : i32
        %dma_start3A_2995 = tpu.memref_slice %arg5[%run_scoped3A_1561, %dma_start3A_2993, %dma_start3A_2994] : memref<2x16x50xi32, #tpu.memory_space<vmem>> -> memref<1x16x50xi32, #tpu.memory_space<vmem>>
        %dma_start3A_2996 = tpu.memref_squeeze %dma_start3A_2995 : memref<1x16x50xi32, #tpu.memory_space<vmem>> -> memref<16x50xi32, #tpu.memory_space<vmem>>
        %dma_start3A_2997 = arith.constant 0 : i32
        %dma_start3A_2998 = tpu.memref_slice %arg3[%add3A_1560, %dma_start3A_2997] : memref<16384x50xi32, #tpu.memory_space<hbm>> -> memref<16x50xi32, #tpu.memory_space<hbm>>
        tpu.enqueue_dma source(%dma_start3A_2998 : memref<16x50xi32, #tpu.memory_space<hbm>>) target(%dma_start3A_2996 : memref<16x50xi32, #tpu.memory_space<vmem>>) target_semaphore(%run_scoped3A_2986 : memref<!tpu.dma_semaphore, #tpu.memory_space<semaphore_mem>>)
        %dma_wait3A_2999 = arith.constant 0 : i32
        %dma_wait3A_3000 = arith.constant 0 : i32
        %dma_wait3A_3001 = tpu.memref_slice %arg5[%run_scoped3A_1561, %dma_wait3A_2999, %dma_wait3A_3000] : memref<2x16x50xi32, #tpu.memory_space<vmem>> -> memref<1x16x50xi32, #tpu.memory_space<vmem>>
        %dma_wait3A_3002 = tpu.memref_squeeze %dma_wait3A_3001 : memref<1x16x50xi32, #tpu.memory_space<vmem>> -> memref<16x50xi32, #tpu.memory_space<vmem>>
        %dma_wait3A_3003 = arith.constant 0 : i32
        %dma_wait3A_3004 = tpu.memref_slice %arg3[%add3A_1560, %dma_wait3A_3003] : memref<16384x50xi32, #tpu.memory_space<hbm>> -> memref<16x50xi32, #tpu.memory_space<hbm>>
        %dma_wait3A_3005 = arith.constant 0 : i32
        %dma_wait3A_3006 = arith.constant 0 : i32
        %dma_wait3A_3007 = tpu.memref_slice %arg5[%run_scoped3A_1561, %dma_wait3A_3005, %dma_wait3A_3006] : memref<2x16x50xi32, #tpu.memory_space<vmem>> -> memref<1x16x50xi32, #tpu.memory_space<vmem>>
        %dma_wait3A_3008 = tpu.memref_squeeze %dma_wait3A_3007 : memref<1x16x50xi32, #tpu.memory_space<vmem>> -> memref<16x50xi32, #tpu.memory_space<vmem>>
        %dma_wait3A_3009 = arith.constant 0 : i32
        %dma_wait3A_3010 = tpu.memref_slice %arg3[%add3A_1560, %dma_wait3A_3009] : memref<16384x50xi32, #tpu.memory_space<hbm>> -> memref<16x50xi32, #tpu.memory_space<hbm>>
        tpu.wait_dma2 semaphore(%run_scoped3A_2986 : memref<!tpu.dma_semaphore, #tpu.memory_space<semaphore_mem>>) src(%dma_wait3A_3010 : memref<16x50xi32, #tpu.memory_space<hbm>>) dst(%dma_wait3A_3008 : memref<16x50xi32, #tpu.memory_space<vmem>>)
        tpu.yield
      }) : () -> ()
      %dma_start3A_1562 = arith.constant 1 : i32
      %dma_start3A_1563 = arith.constant 0 : i32
      %dma_start3A_1564 = arith.constant 1 : i32
      %dma_start3A_1565 = arith.constant 0 : i32
      %dma_start3A_1566 = arith.constant 0 : i32
      %dma_start3A_1567 = arith.constant 0 : i32
      %dma_start3A_1568 = arith.constant 0 : i32
      %dma_start3A_1569 = tpu.memref_slice %arg6[%dma_start3A_1564, %dma_start3A_1566, %dma_start3A_1567, %dma_start3A_1568] : memref<2x16x50x32xf32, #tpu.memory_space<vmem>> -> memref<1x16x50x32xf32, #tpu.memory_space<vmem>>
      %dma_start3A_1570 = tpu.memref_squeeze %dma_start3A_1569 : memref<1x16x50x32xf32, #tpu.memory_space<vmem>> -> memref<16x50x32xf32, #tpu.memory_space<vmem>>
      %dma_start3A_1571 = arith.constant 0 : i32
      %dma_start3A_1572 = arith.constant 0 : i32
      %dma_start3A_1573 = tpu.memref_slice %dma_start3A_1570[%dma_start3A_1565, %dma_start3A_1571, %dma_start3A_1572] : memref<16x50x32xf32, #tpu.memory_space<vmem>> -> memref<1x50x32xf32, #tpu.memory_space<vmem>>
      %dma_start3A_1574 = tpu.memref_squeeze %dma_start3A_1573 : memref<1x50x32xf32, #tpu.memory_space<vmem>> -> memref<50x32xf32, #tpu.memory_space<vmem>>
      %dma_start3A_1575 = arith.constant 0 : i32
      %dma_start3A_1576 = arith.constant 0 : i32
      %dma_start3A_1577 = tpu.memref_slice %arg5[%dma_start3A_1562, %dma_start3A_1575, %dma_start3A_1576] : memref<2x16x50xi32, #tpu.memory_space<vmem>> -> memref<1x16x50xi32, #tpu.memory_space<vmem>>
      %dma_start3A_1578 = tpu.memref_squeeze %dma_start3A_1577 : memref<1x16x50xi32, #tpu.memory_space<vmem>> -> memref<16x50xi32, #tpu.memory_space<vmem>>
      %dma_start3A_1579 = arith.constant 0 : i32
      %dma_start3A_1580 = tpu.memref_slice %dma_start3A_1578[%dma_start3A_1563, %dma_start3A_1579] : memref<16x50xi32, #tpu.memory_space<vmem>> -> memref<1x50xi32, #tpu.memory_space<vmem>>
      %dma_start3A_1581 = tpu.memref_squeeze %dma_start3A_1580 : memref<1x50xi32, #tpu.memory_space<vmem>> -> memref<50xi32, #tpu.memory_space<vmem>>
      %dma_start3A_1582 = arith.constant 0 : i32
      %dma_start3A_1583 = arith.constant 0 : i32
      %dma_start3A_1584 = tpu.memref_slice %arg2[%dma_start3A_1582, %dma_start3A_1583] : memref<1015808x32xf32, #tpu.memory_space<hbm>> -> memref<1015808x32xf32, #tpu.memory_space<hbm>>
      tpu.enqueue_indirect_dma source(%dma_start3A_1584 : memref<1015808x32xf32, #tpu.memory_space<hbm>>) target(%dma_start3A_1574 : memref<50x32xf32, #tpu.memory_space<vmem>>) offsets(%dma_start3A_1581 : memref<50xi32, #tpu.memory_space<vmem>>) semaphore(%arg8 : memref<!tpu.dma_semaphore, #tpu.memory_space<semaphore_mem>>)
      %dma_start3A_1585 = arith.constant 1 : i32
      %dma_start3A_1586 = arith.constant 1 : i32
      %dma_start3A_1587 = arith.constant 1 : i32
      %dma_start3A_1588 = arith.constant 1 : i32
      %dma_start3A_1589 = arith.constant 0 : i32
      %dma_start3A_1590 = arith.constant 0 : i32
      %dma_start3A_1591 = arith.constant 0 : i32
      %dma_start3A_1592 = tpu.memref_slice %arg6[%dma_start3A_1587, %dma_start3A_1589, %dma_start3A_1590, %dma_start3A_1591] : memref<2x16x50x32xf32, #tpu.memory_space<vmem>> -> memref<1x16x50x32xf32, #tpu.memory_space<vmem>>
      %dma_start3A_1593 = tpu.memref_squeeze %dma_start3A_1592 : memref<1x16x50x32xf32, #tpu.memory_space<vmem>> -> memref<16x50x32xf32, #tpu.memory_space<vmem>>
      %dma_start3A_1594 = arith.constant 0 : i32
      %dma_start3A_1595 = arith.constant 0 : i32
      %dma_start3A_1596 = tpu.memref_slice %dma_start3A_1593[%dma_start3A_1588, %dma_start3A_1594, %dma_start3A_1595] : memref<16x50x32xf32, #tpu.memory_space<vmem>> -> memref<1x50x32xf32, #tpu.memory_space<vmem>>
      %dma_start3A_1597 = tpu.memref_squeeze %dma_start3A_1596 : memref<1x50x32xf32, #tpu.memory_space<vmem>> -> memref<50x32xf32, #tpu.memory_space<vmem>>
      %dma_start3A_1598 = arith.constant 0 : i32
      %dma_start3A_1599 = arith.constant 0 : i32
      %dma_start3A_1600 = tpu.memref_slice %arg5[%dma_start3A_1585, %dma_start3A_1598, %dma_start3A_1599] : memref<2x16x50xi32, #tpu.memory_space<vmem>> -> memref<1x16x50xi32, #tpu.memory_space<vmem>>
      %dma_start3A_1601 = tpu.memref_squeeze %dma_start3A_1600 : memref<1x16x50xi32, #tpu.memory_space<vmem>> -> memref<16x50xi32, #tpu.memory_space<vmem>>
      %dma_start3A_1602 = arith.constant 0 : i32
      %dma_start3A_1603 = tpu.memref_slice %dma_start3A_1601[%dma_start3A_1586, %dma_start3A_1602] : memref<16x50xi32, #tpu.memory_space<vmem>> -> memref<1x50xi32, #tpu.memory_space<vmem>>
      %dma_start3A_1604 = tpu.memref_squeeze %dma_start3A_1603 : memref<1x50xi32, #tpu.memory_space<vmem>> -> memref<50xi32, #tpu.memory_space<vmem>>
      %dma_start3A_1605 = arith.constant 0 : i32
      %dma_start3A_1606 = arith.constant 0 : i32
      %dma_start3A_1607 = tpu.memref_slice %arg2[%dma_start3A_1605, %dma_start3A_1606] : memref<1015808x32xf32, #tpu.memory_space<hbm>> -> memref<1015808x32xf32, #tpu.memory_space<hbm>>
      tpu.enqueue_indirect_dma source(%dma_start3A_1607 : memref<1015808x32xf32, #tpu.memory_space<hbm>>) target(%dma_start3A_1597 : memref<50x32xf32, #tpu.memory_space<vmem>>) offsets(%dma_start3A_1604 : memref<50xi32, #tpu.memory_space<vmem>>) semaphore(%arg8 : memref<!tpu.dma_semaphore, #tpu.memory_space<semaphore_mem>>)
      %dma_start3A_1608 = arith.constant 1 : i32
      %dma_start3A_1609 = arith.constant 2 : i32
      %dma_start3A_1610 = arith.constant 1 : i32
      %dma_start3A_1611 = arith.constant 2 : i32
      %dma_start3A_1612 = arith.constant 0 : i32
      %dma_start3A_1613 = arith.constant 0 : i32
      %dma_start3A_1614 = arith.constant 0 : i32
      %dma_start3A_1615 = tpu.memref_slice %arg6[%dma_start3A_1610, %dma_start3A_1612, %dma_start3A_1613, %dma_start3A_1614] : memref<2x16x50x32xf32, #tpu.memory_space<vmem>> -> memref<1x16x50x32xf32, #tpu.memory_space<vmem>>
      %dma_start3A_1616 = tpu.memref_squeeze %dma_start3A_1615 : memref<1x16x50x32xf32, #tpu.memory_space<vmem>> -> memref<16x50x32xf32, #tpu.memory_space<vmem>>
      %dma_start3A_1617 = arith.constant 0 : i32
      %dma_start3A_1618 = arith.constant 0 : i32
      %dma_start3A_1619 = tpu.memref_slice %dma_start3A_1616[%dma_start3A_1611, %dma_start3A_1617, %dma_start3A_1618] : memref<16x50x32xf32, #tpu.memory_space<vmem>> -> memref<1x50x32xf32, #tpu.memory_space<vmem>>
      %dma_start3A_1620 = tpu.memref_squeeze %dma_start3A_1619 : memref<1x50x32xf32, #tpu.memory_space<vmem>> -> memref<50x32xf32, #tpu.memory_space<vmem>>
      %dma_start3A_1621 = arith.constant 0 : i32
      %dma_start3A_1622 = arith.constant 0 : i32
      %dma_start3A_1623 = tpu.memref_slice %arg5[%dma_start3A_1608, %dma_start3A_1621, %dma_start3A_1622] : memref<2x16x50xi32, #tpu.memory_space<vmem>> -> memref<1x16x50xi32, #tpu.memory_space<vmem>>
      %dma_start3A_1624 = tpu.memref_squeeze %dma_start3A_1623 : memref<1x16x50xi32, #tpu.memory_space<vmem>> -> memref<16x50xi32, #tpu.memory_space<vmem>>
      %dma_start3A_1625 = arith.constant 0 : i32
      %dma_start3A_1626 = tpu.memref_slice %dma_start3A_1624[%dma_start3A_1609, %dma_start3A_1625] : memref<16x50xi32, #tpu.memory_space<vmem>> -> memref<1x50xi32, #tpu.memory_space<vmem>>
      %dma_start3A_1627 = tpu.memref_squeeze %dma_start3A_1626 : memref<1x50xi32, #tpu.memory_space<vmem>> -> memref<50xi32, #tpu.memory_space<vmem>>
      %dma_start3A_1628 = arith.constant 0 : i32
      %dma_start3A_1629 = arith.constant 0 : i32
      %dma_start3A_1630 = tpu.memref_slice %arg2[%dma_start3A_1628, %dma_start3A_1629] : memref<1015808x32xf32, #tpu.memory_space<hbm>> -> memref<1015808x32xf32, #tpu.memory_space<hbm>>
      tpu.enqueue_indirect_dma source(%dma_start3A_1630 : memref<1015808x32xf32, #tpu.memory_space<hbm>>) target(%dma_start3A_1620 : memref<50x32xf32, #tpu.memory_space<vmem>>) offsets(%dma_start3A_1627 : memref<50xi32, #tpu.memory_space<vmem>>) semaphore(%arg8 : memref<!tpu.dma_semaphore, #tpu.memory_space<semaphore_mem>>)
      %dma_start3A_1631 = arith.constant 1 : i32
      %dma_start3A_1632 = arith.constant 3 : i32
      %dma_start3A_1633 = arith.constant 1 : i32
      %dma_start3A_1634 = arith.constant 3 : i32
      %dma_start3A_1635 = arith.constant 0 : i32
      %dma_start3A_1636 = arith.constant 0 : i32
      %dma_start3A_1637 = arith.constant 0 : i32
      %dma_start3A_1638 = tpu.memref_slice %arg6[%dma_start3A_1633, %dma_start3A_1635, %dma_start3A_1636, %dma_start3A_1637] : memref<2x16x50x32xf32, #tpu.memory_space<vmem>> -> memref<1x16x50x32xf32, #tpu.memory_space<vmem>>
      %dma_start3A_1639 = tpu.memref_squeeze %dma_start3A_1638 : memref<1x16x50x32xf32, #tpu.memory_space<vmem>> -> memref<16x50x32xf32, #tpu.memory_space<vmem>>
      %dma_start3A_1640 = arith.constant 0 : i32
      %dma_start3A_1641 = arith.constant 0 : i32
      %dma_start3A_1642 = tpu.memref_slice %dma_start3A_1639[%dma_start3A_1634, %dma_start3A_1640, %dma_start3A_1641] : memref<16x50x32xf32, #tpu.memory_space<vmem>> -> memref<1x50x32xf32, #tpu.memory_space<vmem>>
      %dma_start3A_1643 = tpu.memref_squeeze %dma_start3A_1642 : memref<1x50x32xf32, #tpu.memory_space<vmem>> -> memref<50x32xf32, #tpu.memory_space<vmem>>
      %dma_start3A_1644 = arith.constant 0 : i32
      %dma_start3A_1645 = arith.constant 0 : i32
      %dma_start3A_1646 = tpu.memref_slice %arg5[%dma_start3A_1631, %dma_start3A_1644, %dma_start3A_1645] : memref<2x16x50xi32, #tpu.memory_space<vmem>> -> memref<1x16x50xi32, #tpu.memory_space<vmem>>
      %dma_start3A_1647 = tpu.memref_squeeze %dma_start3A_1646 : memref<1x16x50xi32, #tpu.memory_space<vmem>> -> memref<16x50xi32, #tpu.memory_space<vmem>>
      %dma_start3A_1648 = arith.constant 0 : i32
      %dma_start3A_1649 = tpu.memref_slice %dma_start3A_1647[%dma_start3A_1632, %dma_start3A_1648] : memref<16x50xi32, #tpu.memory_space<vmem>> -> memref<1x50xi32, #tpu.memory_space<vmem>>
      %dma_start3A_1650 = tpu.memref_squeeze %dma_start3A_1649 : memref<1x50xi32, #tpu.memory_space<vmem>> -> memref<50xi32, #tpu.memory_space<vmem>>
      %dma_start3A_1651 = arith.constant 0 : i32
      %dma_start3A_1652 = arith.constant 0 : i32
      %dma_start3A_1653 = tpu.memref_slice %arg2[%dma_start3A_1651, %dma_start3A_1652] : memref<1015808x32xf32, #tpu.memory_space<hbm>> -> memref<1015808x32xf32, #tpu.memory_space<hbm>>
      tpu.enqueue_indirect_dma source(%dma_start3A_1653 : memref<1015808x32xf32, #tpu.memory_space<hbm>>) target(%dma_start3A_1643 : memref<50x32xf32, #tpu.memory_space<vmem>>) offsets(%dma_start3A_1650 : memref<50xi32, #tpu.memory_space<vmem>>) semaphore(%arg8 : memref<!tpu.dma_semaphore, #tpu.memory_space<semaphore_mem>>)
      %dma_start3A_1654 = arith.constant 1 : i32
      %dma_start3A_1655 = arith.constant 4 : i32
      %dma_start3A_1656 = arith.constant 1 : i32
      %dma_start3A_1657 = arith.constant 4 : i32
      %dma_start3A_1658 = arith.constant 0 : i32
      %dma_start3A_1659 = arith.constant 0 : i32
      %dma_start3A_1660 = arith.constant 0 : i32
      %dma_start3A_1661 = tpu.memref_slice %arg6[%dma_start3A_1656, %dma_start3A_1658, %dma_start3A_1659, %dma_start3A_1660] : memref<2x16x50x32xf32, #tpu.memory_space<vmem>> -> memref<1x16x50x32xf32, #tpu.memory_space<vmem>>
      %dma_start3A_1662 = tpu.memref_squeeze %dma_start3A_1661 : memref<1x16x50x32xf32, #tpu.memory_space<vmem>> -> memref<16x50x32xf32, #tpu.memory_space<vmem>>
      %dma_start3A_1663 = arith.constant 0 : i32
      %dma_start3A_1664 = arith.constant 0 : i32
      %dma_start3A_1665 = tpu.memref_slice %dma_start3A_1662[%dma_start3A_1657, %dma_start3A_1663, %dma_start3A_1664] : memref<16x50x32xf32, #tpu.memory_space<vmem>> -> memref<1x50x32xf32, #tpu.memory_space<vmem>>
      %dma_start3A_1666 = tpu.memref_squeeze %dma_start3A_1665 : memref<1x50x32xf32, #tpu.memory_space<vmem>> -> memref<50x32xf32, #tpu.memory_space<vmem>>
      %dma_start3A_1667 = arith.constant 0 : i32
      %dma_start3A_1668 = arith.constant 0 : i32
      %dma_start3A_1669 = tpu.memref_slice %arg5[%dma_start3A_1654, %dma_start3A_1667, %dma_start3A_1668] : memref<2x16x50xi32, #tpu.memory_space<vmem>> -> memref<1x16x50xi32, #tpu.memory_space<vmem>>
      %dma_start3A_1670 = tpu.memref_squeeze %dma_start3A_1669 : memref<1x16x50xi32, #tpu.memory_space<vmem>> -> memref<16x50xi32, #tpu.memory_space<vmem>>
      %dma_start3A_1671 = arith.constant 0 : i32
      %dma_start3A_1672 = tpu.memref_slice %dma_start3A_1670[%dma_start3A_1655, %dma_start3A_1671] : memref<16x50xi32, #tpu.memory_space<vmem>> -> memref<1x50xi32, #tpu.memory_space<vmem>>
      %dma_start3A_1673 = tpu.memref_squeeze %dma_start3A_1672 : memref<1x50xi32, #tpu.memory_space<vmem>> -> memref<50xi32, #tpu.memory_space<vmem>>
      %dma_start3A_1674 = arith.constant 0 : i32
      %dma_start3A_1675 = arith.constant 0 : i32
      %dma_start3A_1676 = tpu.memref_slice %arg2[%dma_start3A_1674, %dma_start3A_1675] : memref<1015808x32xf32, #tpu.memory_space<hbm>> -> memref<1015808x32xf32, #tpu.memory_space<hbm>>
      tpu.enqueue_indirect_dma source(%dma_start3A_1676 : memref<1015808x32xf32, #tpu.memory_space<hbm>>) target(%dma_start3A_1666 : memref<50x32xf32, #tpu.memory_space<vmem>>) offsets(%dma_start3A_1673 : memref<50xi32, #tpu.memory_space<vmem>>) semaphore(%arg8 : memref<!tpu.dma_semaphore, #tpu.memory_space<semaphore_mem>>)
      %dma_start3A_1677 = arith.constant 1 : i32
      %dma_start3A_1678 = arith.constant 5 : i32
      %dma_start3A_1679 = arith.constant 1 : i32
      %dma_start3A_1680 = arith.constant 5 : i32
      %dma_start3A_1681 = arith.constant 0 : i32
      %dma_start3A_1682 = arith.constant 0 : i32
      %dma_start3A_1683 = arith.constant 0 : i32
      %dma_start3A_1684 = tpu.memref_slice %arg6[%dma_start3A_1679, %dma_start3A_1681, %dma_start3A_1682, %dma_start3A_1683] : memref<2x16x50x32xf32, #tpu.memory_space<vmem>> -> memref<1x16x50x32xf32, #tpu.memory_space<vmem>>
      %dma_start3A_1685 = tpu.memref_squeeze %dma_start3A_1684 : memref<1x16x50x32xf32, #tpu.memory_space<vmem>> -> memref<16x50x32xf32, #tpu.memory_space<vmem>>
      %dma_start3A_1686 = arith.constant 0 : i32
      %dma_start3A_1687 = arith.constant 0 : i32
      %dma_start3A_1688 = tpu.memref_slice %dma_start3A_1685[%dma_start3A_1680, %dma_start3A_1686, %dma_start3A_1687] : memref<16x50x32xf32, #tpu.memory_space<vmem>> -> memref<1x50x32xf32, #tpu.memory_space<vmem>>
      %dma_start3A_1689 = tpu.memref_squeeze %dma_start3A_1688 : memref<1x50x32xf32, #tpu.memory_space<vmem>> -> memref<50x32xf32, #tpu.memory_space<vmem>>
      %dma_start3A_1690 = arith.constant 0 : i32
      %dma_start3A_1691 = arith.constant 0 : i32
      %dma_start3A_1692 = tpu.memref_slice %arg5[%dma_start3A_1677, %dma_start3A_1690, %dma_start3A_1691] : memref<2x16x50xi32, #tpu.memory_space<vmem>> -> memref<1x16x50xi32, #tpu.memory_space<vmem>>
      %dma_start3A_1693 = tpu.memref_squeeze %dma_start3A_1692 : memref<1x16x50xi32, #tpu.memory_space<vmem>> -> memref<16x50xi32, #tpu.memory_space<vmem>>
      %dma_start3A_1694 = arith.constant 0 : i32
      %dma_start3A_1695 = tpu.memref_slice %dma_start3A_1693[%dma_start3A_1678, %dma_start3A_1694] : memref<16x50xi32, #tpu.memory_space<vmem>> -> memref<1x50xi32, #tpu.memory_space<vmem>>
      %dma_start3A_1696 = tpu.memref_squeeze %dma_start3A_1695 : memref<1x50xi32, #tpu.memory_space<vmem>> -> memref<50xi32, #tpu.memory_space<vmem>>
      %dma_start3A_1697 = arith.constant 0 : i32
      %dma_start3A_1698 = arith.constant 0 : i32
      %dma_start3A_1699 = tpu.memref_slice %arg2[%dma_start3A_1697, %dma_start3A_1698] : memref<1015808x32xf32, #tpu.memory_space<hbm>> -> memref<1015808x32xf32, #tpu.memory_space<hbm>>
      tpu.enqueue_indirect_dma source(%dma_start3A_1699 : memref<1015808x32xf32, #tpu.memory_space<hbm>>) target(%dma_start3A_1689 : memref<50x32xf32, #tpu.memory_space<vmem>>) offsets(%dma_start3A_1696 : memref<50xi32, #tpu.memory_space<vmem>>) semaphore(%arg8 : memref<!tpu.dma_semaphore, #tpu.memory_space<semaphore_mem>>)
      %dma_start3A_1700 = arith.constant 1 : i32
      %dma_start3A_1701 = arith.constant 6 : i32
      %dma_start3A_1702 = arith.constant 1 : i32
      %dma_start3A_1703 = arith.constant 6 : i32
      %dma_start3A_1704 = arith.constant 0 : i32
      %dma_start3A_1705 = arith.constant 0 : i32
      %dma_start3A_1706 = arith.constant 0 : i32
      %dma_start3A_1707 = tpu.memref_slice %arg6[%dma_start3A_1702, %dma_start3A_1704, %dma_start3A_1705, %dma_start3A_1706] : memref<2x16x50x32xf32, #tpu.memory_space<vmem>> -> memref<1x16x50x32xf32, #tpu.memory_space<vmem>>
      %dma_start3A_1708 = tpu.memref_squeeze %dma_start3A_1707 : memref<1x16x50x32xf32, #tpu.memory_space<vmem>> -> memref<16x50x32xf32, #tpu.memory_space<vmem>>
      %dma_start3A_1709 = arith.constant 0 : i32
      %dma_start3A_1710 = arith.constant 0 : i32
      %dma_start3A_1711 = tpu.memref_slice %dma_start3A_1708[%dma_start3A_1703, %dma_start3A_1709, %dma_start3A_1710] : memref<16x50x32xf32, #tpu.memory_space<vmem>> -> memref<1x50x32xf32, #tpu.memory_space<vmem>>
      %dma_start3A_1712 = tpu.memref_squeeze %dma_start3A_1711 : memref<1x50x32xf32, #tpu.memory_space<vmem>> -> memref<50x32xf32, #tpu.memory_space<vmem>>
      %dma_start3A_1713 = arith.constant 0 : i32
      %dma_start3A_1714 = arith.constant 0 : i32
      %dma_start3A_1715 = tpu.memref_slice %arg5[%dma_start3A_1700, %dma_start3A_1713, %dma_start3A_1714] : memref<2x16x50xi32, #tpu.memory_space<vmem>> -> memref<1x16x50xi32, #tpu.memory_space<vmem>>
      %dma_start3A_1716 = tpu.memref_squeeze %dma_start3A_1715 : memref<1x16x50xi32, #tpu.memory_space<vmem>> -> memref<16x50xi32, #tpu.memory_space<vmem>>
      %dma_start3A_1717 = arith.constant 0 : i32
      %dma_start3A_1718 = tpu.memref_slice %dma_start3A_1716[%dma_start3A_1701, %dma_start3A_1717] : memref<16x50xi32, #tpu.memory_space<vmem>> -> memref<1x50xi32, #tpu.memory_space<vmem>>
      %dma_start3A_1719 = tpu.memref_squeeze %dma_start3A_1718 : memref<1x50xi32, #tpu.memory_space<vmem>> -> memref<50xi32, #tpu.memory_space<vmem>>
      %dma_start3A_1720 = arith.constant 0 : i32
      %dma_start3A_1721 = arith.constant 0 : i32
      %dma_start3A_1722 = tpu.memref_slice %arg2[%dma_start3A_1720, %dma_start3A_1721] : memref<1015808x32xf32, #tpu.memory_space<hbm>> -> memref<1015808x32xf32, #tpu.memory_space<hbm>>
      tpu.enqueue_indirect_dma source(%dma_start3A_1722 : memref<1015808x32xf32, #tpu.memory_space<hbm>>) target(%dma_start3A_1712 : memref<50x32xf32, #tpu.memory_space<vmem>>) offsets(%dma_start3A_1719 : memref<50xi32, #tpu.memory_space<vmem>>) semaphore(%arg8 : memref<!tpu.dma_semaphore, #tpu.memory_space<semaphore_mem>>)
      %dma_start3A_1723 = arith.constant 1 : i32
      %dma_start3A_1724 = arith.constant 7 : i32
      %dma_start3A_1725 = arith.constant 1 : i32
      %dma_start3A_1726 = arith.constant 7 : i32
      %dma_start3A_1727 = arith.constant 0 : i32
      %dma_start3A_1728 = arith.constant 0 : i32
      %dma_start3A_1729 = arith.constant 0 : i32
      %dma_start3A_1730 = tpu.memref_slice %arg6[%dma_start3A_1725, %dma_start3A_1727, %dma_start3A_1728, %dma_start3A_1729] : memref<2x16x50x32xf32, #tpu.memory_space<vmem>> -> memref<1x16x50x32xf32, #tpu.memory_space<vmem>>
      %dma_start3A_1731 = tpu.memref_squeeze %dma_start3A_1730 : memref<1x16x50x32xf32, #tpu.memory_space<vmem>> -> memref<16x50x32xf32, #tpu.memory_space<vmem>>
      %dma_start3A_1732 = arith.constant 0 : i32
      %dma_start3A_1733 = arith.constant 0 : i32
      %dma_start3A_1734 = tpu.memref_slice %dma_start3A_1731[%dma_start3A_1726, %dma_start3A_1732, %dma_start3A_1733] : memref<16x50x32xf32, #tpu.memory_space<vmem>> -> memref<1x50x32xf32, #tpu.memory_space<vmem>>
      %dma_start3A_1735 = tpu.memref_squeeze %dma_start3A_1734 : memref<1x50x32xf32, #tpu.memory_space<vmem>> -> memref<50x32xf32, #tpu.memory_space<vmem>>
      %dma_start3A_1736 = arith.constant 0 : i32
      %dma_start3A_1737 = arith.constant 0 : i32
      %dma_start3A_1738 = tpu.memref_slice %arg5[%dma_start3A_1723, %dma_start3A_1736, %dma_start3A_1737] : memref<2x16x50xi32, #tpu.memory_space<vmem>> -> memref<1x16x50xi32, #tpu.memory_space<vmem>>
      %dma_start3A_1739 = tpu.memref_squeeze %dma_start3A_1738 : memref<1x16x50xi32, #tpu.memory_space<vmem>> -> memref<16x50xi32, #tpu.memory_space<vmem>>
      %dma_start3A_1740 = arith.constant 0 : i32
      %dma_start3A_1741 = tpu.memref_slice %dma_start3A_1739[%dma_start3A_1724, %dma_start3A_1740] : memref<16x50xi32, #tpu.memory_space<vmem>> -> memref<1x50xi32, #tpu.memory_space<vmem>>
      %dma_start3A_1742 = tpu.memref_squeeze %dma_start3A_1741 : memref<1x50xi32, #tpu.memory_space<vmem>> -> memref<50xi32, #tpu.memory_space<vmem>>
      %dma_start3A_1743 = arith.constant 0 : i32
      %dma_start3A_1744 = arith.constant 0 : i32
      %dma_start3A_1745 = tpu.memref_slice %arg2[%dma_start3A_1743, %dma_start3A_1744] : memref<1015808x32xf32, #tpu.memory_space<hbm>> -> memref<1015808x32xf32, #tpu.memory_space<hbm>>
      tpu.enqueue_indirect_dma source(%dma_start3A_1745 : memref<1015808x32xf32, #tpu.memory_space<hbm>>) target(%dma_start3A_1735 : memref<50x32xf32, #tpu.memory_space<vmem>>) offsets(%dma_start3A_1742 : memref<50xi32, #tpu.memory_space<vmem>>) semaphore(%arg8 : memref<!tpu.dma_semaphore, #tpu.memory_space<semaphore_mem>>)
      %dma_start3A_1746 = arith.constant 1 : i32
      %dma_start3A_1747 = arith.constant 8 : i32
      %dma_start3A_1748 = arith.constant 1 : i32
      %dma_start3A_1749 = arith.constant 8 : i32
      %dma_start3A_1750 = arith.constant 0 : i32
      %dma_start3A_1751 = arith.constant 0 : i32
      %dma_start3A_1752 = arith.constant 0 : i32
      %dma_start3A_1753 = tpu.memref_slice %arg6[%dma_start3A_1748, %dma_start3A_1750, %dma_start3A_1751, %dma_start3A_1752] : memref<2x16x50x32xf32, #tpu.memory_space<vmem>> -> memref<1x16x50x32xf32, #tpu.memory_space<vmem>>
      %dma_start3A_1754 = tpu.memref_squeeze %dma_start3A_1753 : memref<1x16x50x32xf32, #tpu.memory_space<vmem>> -> memref<16x50x32xf32, #tpu.memory_space<vmem>>
      %dma_start3A_1755 = arith.constant 0 : i32
      %dma_start3A_1756 = arith.constant 0 : i32
      %dma_start3A_1757 = tpu.memref_slice %dma_start3A_1754[%dma_start3A_1749, %dma_start3A_1755, %dma_start3A_1756] : memref<16x50x32xf32, #tpu.memory_space<vmem>> -> memref<1x50x32xf32, #tpu.memory_space<vmem>>
      %dma_start3A_1758 = tpu.memref_squeeze %dma_start3A_1757 : memref<1x50x32xf32, #tpu.memory_space<vmem>> -> memref<50x32xf32, #tpu.memory_space<vmem>>
      %dma_start3A_1759 = arith.constant 0 : i32
      %dma_start3A_1760 = arith.constant 0 : i32
      %dma_start3A_1761 = tpu.memref_slice %arg5[%dma_start3A_1746, %dma_start3A_1759, %dma_start3A_1760] : memref<2x16x50xi32, #tpu.memory_space<vmem>> -> memref<1x16x50xi32, #tpu.memory_space<vmem>>
      %dma_start3A_1762 = tpu.memref_squeeze %dma_start3A_1761 : memref<1x16x50xi32, #tpu.memory_space<vmem>> -> memref<16x50xi32, #tpu.memory_space<vmem>>
      %dma_start3A_1763 = arith.constant 0 : i32
      %dma_start3A_1764 = tpu.memref_slice %dma_start3A_1762[%dma_start3A_1747, %dma_start3A_1763] : memref<16x50xi32, #tpu.memory_space<vmem>> -> memref<1x50xi32, #tpu.memory_space<vmem>>
      %dma_start3A_1765 = tpu.memref_squeeze %dma_start3A_1764 : memref<1x50xi32, #tpu.memory_space<vmem>> -> memref<50xi32, #tpu.memory_space<vmem>>
      %dma_start3A_1766 = arith.constant 0 : i32
      %dma_start3A_1767 = arith.constant 0 : i32
      %dma_start3A_1768 = tpu.memref_slice %arg2[%dma_start3A_1766, %dma_start3A_1767] : memref<1015808x32xf32, #tpu.memory_space<hbm>> -> memref<1015808x32xf32, #tpu.memory_space<hbm>>
      tpu.enqueue_indirect_dma source(%dma_start3A_1768 : memref<1015808x32xf32, #tpu.memory_space<hbm>>) target(%dma_start3A_1758 : memref<50x32xf32, #tpu.memory_space<vmem>>) offsets(%dma_start3A_1765 : memref<50xi32, #tpu.memory_space<vmem>>) semaphore(%arg8 : memref<!tpu.dma_semaphore, #tpu.memory_space<semaphore_mem>>)
      %dma_start3A_1769 = arith.constant 1 : i32
      %dma_start3A_1770 = arith.constant 9 : i32
      %dma_start3A_1771 = arith.constant 1 : i32
      %dma_start3A_1772 = arith.constant 9 : i32
      %dma_start3A_1773 = arith.constant 0 : i32
      %dma_start3A_1774 = arith.constant 0 : i32
      %dma_start3A_1775 = arith.constant 0 : i32
      %dma_start3A_1776 = tpu.memref_slice %arg6[%dma_start3A_1771, %dma_start3A_1773, %dma_start3A_1774, %dma_start3A_1775] : memref<2x16x50x32xf32, #tpu.memory_space<vmem>> -> memref<1x16x50x32xf32, #tpu.memory_space<vmem>>
      %dma_start3A_1777 = tpu.memref_squeeze %dma_start3A_1776 : memref<1x16x50x32xf32, #tpu.memory_space<vmem>> -> memref<16x50x32xf32, #tpu.memory_space<vmem>>
      %dma_start3A_1778 = arith.constant 0 : i32
      %dma_start3A_1779 = arith.constant 0 : i32
      %dma_start3A_1780 = tpu.memref_slice %dma_start3A_1777[%dma_start3A_1772, %dma_start3A_1778, %dma_start3A_1779] : memref<16x50x32xf32, #tpu.memory_space<vmem>> -> memref<1x50x32xf32, #tpu.memory_space<vmem>>
      %dma_start3A_1781 = tpu.memref_squeeze %dma_start3A_1780 : memref<1x50x32xf32, #tpu.memory_space<vmem>> -> memref<50x32xf32, #tpu.memory_space<vmem>>
      %dma_start3A_1782 = arith.constant 0 : i32
      %dma_start3A_1783 = arith.constant 0 : i32
      %dma_start3A_1784 = tpu.memref_slice %arg5[%dma_start3A_1769, %dma_start3A_1782, %dma_start3A_1783] : memref<2x16x50xi32, #tpu.memory_space<vmem>> -> memref<1x16x50xi32, #tpu.memory_space<vmem>>
      %dma_start3A_1785 = tpu.memref_squeeze %dma_start3A_1784 : memref<1x16x50xi32, #tpu.memory_space<vmem>> -> memref<16x50xi32, #tpu.memory_space<vmem>>
      %dma_start3A_1786 = arith.constant 0 : i32
      %dma_start3A_1787 = tpu.memref_slice %dma_start3A_1785[%dma_start3A_1770, %dma_start3A_1786] : memref<16x50xi32, #tpu.memory_space<vmem>> -> memref<1x50xi32, #tpu.memory_space<vmem>>
      %dma_start3A_1788 = tpu.memref_squeeze %dma_start3A_1787 : memref<1x50xi32, #tpu.memory_space<vmem>> -> memref<50xi32, #tpu.memory_space<vmem>>
      %dma_start3A_1789 = arith.constant 0 : i32
      %dma_start3A_1790 = arith.constant 0 : i32
      %dma_start3A_1791 = tpu.memref_slice %arg2[%dma_start3A_1789, %dma_start3A_1790] : memref<1015808x32xf32, #tpu.memory_space<hbm>> -> memref<1015808x32xf32, #tpu.memory_space<hbm>>
      tpu.enqueue_indirect_dma source(%dma_start3A_1791 : memref<1015808x32xf32, #tpu.memory_space<hbm>>) target(%dma_start3A_1781 : memref<50x32xf32, #tpu.memory_space<vmem>>) offsets(%dma_start3A_1788 : memref<50xi32, #tpu.memory_space<vmem>>) semaphore(%arg8 : memref<!tpu.dma_semaphore, #tpu.memory_space<semaphore_mem>>)
      %dma_start3A_1792 = arith.constant 1 : i32
      %dma_start3A_1793 = arith.constant 10 : i32
      %dma_start3A_1794 = arith.constant 1 : i32
      %dma_start3A_1795 = arith.constant 10 : i32
      %dma_start3A_1796 = arith.constant 0 : i32
      %dma_start3A_1797 = arith.constant 0 : i32
      %dma_start3A_1798 = arith.constant 0 : i32
      %dma_start3A_1799 = tpu.memref_slice %arg6[%dma_start3A_1794, %dma_start3A_1796, %dma_start3A_1797, %dma_start3A_1798] : memref<2x16x50x32xf32, #tpu.memory_space<vmem>> -> memref<1x16x50x32xf32, #tpu.memory_space<vmem>>
      %dma_start3A_1800 = tpu.memref_squeeze %dma_start3A_1799 : memref<1x16x50x32xf32, #tpu.memory_space<vmem>> -> memref<16x50x32xf32, #tpu.memory_space<vmem>>
      %dma_start3A_1801 = arith.constant 0 : i32
      %dma_start3A_1802 = arith.constant 0 : i32
      %dma_start3A_1803 = tpu.memref_slice %dma_start3A_1800[%dma_start3A_1795, %dma_start3A_1801, %dma_start3A_1802] : memref<16x50x32xf32, #tpu.memory_space<vmem>> -> memref<1x50x32xf32, #tpu.memory_space<vmem>>
      %dma_start3A_1804 = tpu.memref_squeeze %dma_start3A_1803 : memref<1x50x32xf32, #tpu.memory_space<vmem>> -> memref<50x32xf32, #tpu.memory_space<vmem>>
      %dma_start3A_1805 = arith.constant 0 : i32
      %dma_start3A_1806 = arith.constant 0 : i32
      %dma_start3A_1807 = tpu.memref_slice %arg5[%dma_start3A_1792, %dma_start3A_1805, %dma_start3A_1806] : memref<2x16x50xi32, #tpu.memory_space<vmem>> -> memref<1x16x50xi32, #tpu.memory_space<vmem>>
      %dma_start3A_1808 = tpu.memref_squeeze %dma_start3A_1807 : memref<1x16x50xi32, #tpu.memory_space<vmem>> -> memref<16x50xi32, #tpu.memory_space<vmem>>
      %dma_start3A_1809 = arith.constant 0 : i32
      %dma_start3A_1810 = tpu.memref_slice %dma_start3A_1808[%dma_start3A_1793, %dma_start3A_1809] : memref<16x50xi32, #tpu.memory_space<vmem>> -> memref<1x50xi32, #tpu.memory_space<vmem>>
      %dma_start3A_1811 = tpu.memref_squeeze %dma_start3A_1810 : memref<1x50xi32, #tpu.memory_space<vmem>> -> memref<50xi32, #tpu.memory_space<vmem>>
      %dma_start3A_1812 = arith.constant 0 : i32
      %dma_start3A_1813 = arith.constant 0 : i32
      %dma_start3A_1814 = tpu.memref_slice %arg2[%dma_start3A_1812, %dma_start3A_1813] : memref<1015808x32xf32, #tpu.memory_space<hbm>> -> memref<1015808x32xf32, #tpu.memory_space<hbm>>
      tpu.enqueue_indirect_dma source(%dma_start3A_1814 : memref<1015808x32xf32, #tpu.memory_space<hbm>>) target(%dma_start3A_1804 : memref<50x32xf32, #tpu.memory_space<vmem>>) offsets(%dma_start3A_1811 : memref<50xi32, #tpu.memory_space<vmem>>) semaphore(%arg8 : memref<!tpu.dma_semaphore, #tpu.memory_space<semaphore_mem>>)
      %dma_start3A_1815 = arith.constant 1 : i32
      %dma_start3A_1816 = arith.constant 11 : i32
      %dma_start3A_1817 = arith.constant 1 : i32
      %dma_start3A_1818 = arith.constant 11 : i32
      %dma_start3A_1819 = arith.constant 0 : i32
      %dma_start3A_1820 = arith.constant 0 : i32
      %dma_start3A_1821 = arith.constant 0 : i32
      %dma_start3A_1822 = tpu.memref_slice %arg6[%dma_start3A_1817, %dma_start3A_1819, %dma_start3A_1820, %dma_start3A_1821] : memref<2x16x50x32xf32, #tpu.memory_space<vmem>> -> memref<1x16x50x32xf32, #tpu.memory_space<vmem>>
      %dma_start3A_1823 = tpu.memref_squeeze %dma_start3A_1822 : memref<1x16x50x32xf32, #tpu.memory_space<vmem>> -> memref<16x50x32xf32, #tpu.memory_space<vmem>>
      %dma_start3A_1824 = arith.constant 0 : i32
      %dma_start3A_1825 = arith.constant 0 : i32
      %dma_start3A_1826 = tpu.memref_slice %dma_start3A_1823[%dma_start3A_1818, %dma_start3A_1824, %dma_start3A_1825] : memref<16x50x32xf32, #tpu.memory_space<vmem>> -> memref<1x50x32xf32, #tpu.memory_space<vmem>>
      %dma_start3A_1827 = tpu.memref_squeeze %dma_start3A_1826 : memref<1x50x32xf32, #tpu.memory_space<vmem>> -> memref<50x32xf32, #tpu.memory_space<vmem>>
      %dma_start3A_1828 = arith.constant 0 : i32
      %dma_start3A_1829 = arith.constant 0 : i32
      %dma_start3A_1830 = tpu.memref_slice %arg5[%dma_start3A_1815, %dma_start3A_1828, %dma_start3A_1829] : memref<2x16x50xi32, #tpu.memory_space<vmem>> -> memref<1x16x50xi32, #tpu.memory_space<vmem>>
      %dma_start3A_1831 = tpu.memref_squeeze %dma_start3A_1830 : memref<1x16x50xi32, #tpu.memory_space<vmem>> -> memref<16x50xi32, #tpu.memory_space<vmem>>
      %dma_start3A_1832 = arith.constant 0 : i32
      %dma_start3A_1833 = tpu.memref_slice %dma_start3A_1831[%dma_start3A_1816, %dma_start3A_1832] : memref<16x50xi32, #tpu.memory_space<vmem>> -> memref<1x50xi32, #tpu.memory_space<vmem>>
      %dma_start3A_1834 = tpu.memref_squeeze %dma_start3A_1833 : memref<1x50xi32, #tpu.memory_space<vmem>> -> memref<50xi32, #tpu.memory_space<vmem>>
      %dma_start3A_1835 = arith.constant 0 : i32
      %dma_start3A_1836 = arith.constant 0 : i32
      %dma_start3A_1837 = tpu.memref_slice %arg2[%dma_start3A_1835, %dma_start3A_1836] : memref<1015808x32xf32, #tpu.memory_space<hbm>> -> memref<1015808x32xf32, #tpu.memory_space<hbm>>
      tpu.enqueue_indirect_dma source(%dma_start3A_1837 : memref<1015808x32xf32, #tpu.memory_space<hbm>>) target(%dma_start3A_1827 : memref<50x32xf32, #tpu.memory_space<vmem>>) offsets(%dma_start3A_1834 : memref<50xi32, #tpu.memory_space<vmem>>) semaphore(%arg8 : memref<!tpu.dma_semaphore, #tpu.memory_space<semaphore_mem>>)
      %dma_start3A_1838 = arith.constant 1 : i32
      %dma_start3A_1839 = arith.constant 12 : i32
      %dma_start3A_1840 = arith.constant 1 : i32
      %dma_start3A_1841 = arith.constant 12 : i32
      %dma_start3A_1842 = arith.constant 0 : i32
      %dma_start3A_1843 = arith.constant 0 : i32
      %dma_start3A_1844 = arith.constant 0 : i32
      %dma_start3A_1845 = tpu.memref_slice %arg6[%dma_start3A_1840, %dma_start3A_1842, %dma_start3A_1843, %dma_start3A_1844] : memref<2x16x50x32xf32, #tpu.memory_space<vmem>> -> memref<1x16x50x32xf32, #tpu.memory_space<vmem>>
      %dma_start3A_1846 = tpu.memref_squeeze %dma_start3A_1845 : memref<1x16x50x32xf32, #tpu.memory_space<vmem>> -> memref<16x50x32xf32, #tpu.memory_space<vmem>>
      %dma_start3A_1847 = arith.constant 0 : i32
      %dma_start3A_1848 = arith.constant 0 : i32
      %dma_start3A_1849 = tpu.memref_slice %dma_start3A_1846[%dma_start3A_1841, %dma_start3A_1847, %dma_start3A_1848] : memref<16x50x32xf32, #tpu.memory_space<vmem>> -> memref<1x50x32xf32, #tpu.memory_space<vmem>>
      %dma_start3A_1850 = tpu.memref_squeeze %dma_start3A_1849 : memref<1x50x32xf32, #tpu.memory_space<vmem>> -> memref<50x32xf32, #tpu.memory_space<vmem>>
      %dma_start3A_1851 = arith.constant 0 : i32
      %dma_start3A_1852 = arith.constant 0 : i32
      %dma_start3A_1853 = tpu.memref_slice %arg5[%dma_start3A_1838, %dma_start3A_1851, %dma_start3A_1852] : memref<2x16x50xi32, #tpu.memory_space<vmem>> -> memref<1x16x50xi32, #tpu.memory_space<vmem>>
      %dma_start3A_1854 = tpu.memref_squeeze %dma_start3A_1853 : memref<1x16x50xi32, #tpu.memory_space<vmem>> -> memref<16x50xi32, #tpu.memory_space<vmem>>
      %dma_start3A_1855 = arith.constant 0 : i32
      %dma_start3A_1856 = tpu.memref_slice %dma_start3A_1854[%dma_start3A_1839, %dma_start3A_1855] : memref<16x50xi32, #tpu.memory_space<vmem>> -> memref<1x50xi32, #tpu.memory_space<vmem>>
      %dma_start3A_1857 = tpu.memref_squeeze %dma_start3A_1856 : memref<1x50xi32, #tpu.memory_space<vmem>> -> memref<50xi32, #tpu.memory_space<vmem>>
      %dma_start3A_1858 = arith.constant 0 : i32
      %dma_start3A_1859 = arith.constant 0 : i32
      %dma_start3A_1860 = tpu.memref_slice %arg2[%dma_start3A_1858, %dma_start3A_1859] : memref<1015808x32xf32, #tpu.memory_space<hbm>> -> memref<1015808x32xf32, #tpu.memory_space<hbm>>
      tpu.enqueue_indirect_dma source(%dma_start3A_1860 : memref<1015808x32xf32, #tpu.memory_space<hbm>>) target(%dma_start3A_1850 : memref<50x32xf32, #tpu.memory_space<vmem>>) offsets(%dma_start3A_1857 : memref<50xi32, #tpu.memory_space<vmem>>) semaphore(%arg8 : memref<!tpu.dma_semaphore, #tpu.memory_space<semaphore_mem>>)
      %dma_start3A_1861 = arith.constant 1 : i32
      %dma_start3A_1862 = arith.constant 13 : i32
      %dma_start3A_1863 = arith.constant 1 : i32
      %dma_start3A_1864 = arith.constant 13 : i32
      %dma_start3A_1865 = arith.constant 0 : i32
      %dma_start3A_1866 = arith.constant 0 : i32
      %dma_start3A_1867 = arith.constant 0 : i32
      %dma_start3A_1868 = tpu.memref_slice %arg6[%dma_start3A_1863, %dma_start3A_1865, %dma_start3A_1866, %dma_start3A_1867] : memref<2x16x50x32xf32, #tpu.memory_space<vmem>> -> memref<1x16x50x32xf32, #tpu.memory_space<vmem>>
      %dma_start3A_1869 = tpu.memref_squeeze %dma_start3A_1868 : memref<1x16x50x32xf32, #tpu.memory_space<vmem>> -> memref<16x50x32xf32, #tpu.memory_space<vmem>>
      %dma_start3A_1870 = arith.constant 0 : i32
      %dma_start3A_1871 = arith.constant 0 : i32
      %dma_start3A_1872 = tpu.memref_slice %dma_start3A_1869[%dma_start3A_1864, %dma_start3A_1870, %dma_start3A_1871] : memref<16x50x32xf32, #tpu.memory_space<vmem>> -> memref<1x50x32xf32, #tpu.memory_space<vmem>>
      %dma_start3A_1873 = tpu.memref_squeeze %dma_start3A_1872 : memref<1x50x32xf32, #tpu.memory_space<vmem>> -> memref<50x32xf32, #tpu.memory_space<vmem>>
      %dma_start3A_1874 = arith.constant 0 : i32
      %dma_start3A_1875 = arith.constant 0 : i32
      %dma_start3A_1876 = tpu.memref_slice %arg5[%dma_start3A_1861, %dma_start3A_1874, %dma_start3A_1875] : memref<2x16x50xi32, #tpu.memory_space<vmem>> -> memref<1x16x50xi32, #tpu.memory_space<vmem>>
      %dma_start3A_1877 = tpu.memref_squeeze %dma_start3A_1876 : memref<1x16x50xi32, #tpu.memory_space<vmem>> -> memref<16x50xi32, #tpu.memory_space<vmem>>
      %dma_start3A_1878 = arith.constant 0 : i32
      %dma_start3A_1879 = tpu.memref_slice %dma_start3A_1877[%dma_start3A_1862, %dma_start3A_1878] : memref<16x50xi32, #tpu.memory_space<vmem>> -> memref<1x50xi32, #tpu.memory_space<vmem>>
      %dma_start3A_1880 = tpu.memref_squeeze %dma_start3A_1879 : memref<1x50xi32, #tpu.memory_space<vmem>> -> memref<50xi32, #tpu.memory_space<vmem>>
      %dma_start3A_1881 = arith.constant 0 : i32
      %dma_start3A_1882 = arith.constant 0 : i32
      %dma_start3A_1883 = tpu.memref_slice %arg2[%dma_start3A_1881, %dma_start3A_1882] : memref<1015808x32xf32, #tpu.memory_space<hbm>> -> memref<1015808x32xf32, #tpu.memory_space<hbm>>
      tpu.enqueue_indirect_dma source(%dma_start3A_1883 : memref<1015808x32xf32, #tpu.memory_space<hbm>>) target(%dma_start3A_1873 : memref<50x32xf32, #tpu.memory_space<vmem>>) offsets(%dma_start3A_1880 : memref<50xi32, #tpu.memory_space<vmem>>) semaphore(%arg8 : memref<!tpu.dma_semaphore, #tpu.memory_space<semaphore_mem>>)
      %dma_start3A_1884 = arith.constant 1 : i32
      %dma_start3A_1885 = arith.constant 14 : i32
      %dma_start3A_1886 = arith.constant 1 : i32
      %dma_start3A_1887 = arith.constant 14 : i32
      %dma_start3A_1888 = arith.constant 0 : i32
      %dma_start3A_1889 = arith.constant 0 : i32
      %dma_start3A_1890 = arith.constant 0 : i32
      %dma_start3A_1891 = tpu.memref_slice %arg6[%dma_start3A_1886, %dma_start3A_1888, %dma_start3A_1889, %dma_start3A_1890] : memref<2x16x50x32xf32, #tpu.memory_space<vmem>> -> memref<1x16x50x32xf32, #tpu.memory_space<vmem>>
      %dma_start3A_1892 = tpu.memref_squeeze %dma_start3A_1891 : memref<1x16x50x32xf32, #tpu.memory_space<vmem>> -> memref<16x50x32xf32, #tpu.memory_space<vmem>>
      %dma_start3A_1893 = arith.constant 0 : i32
      %dma_start3A_1894 = arith.constant 0 : i32
      %dma_start3A_1895 = tpu.memref_slice %dma_start3A_1892[%dma_start3A_1887, %dma_start3A_1893, %dma_start3A_1894] : memref<16x50x32xf32, #tpu.memory_space<vmem>> -> memref<1x50x32xf32, #tpu.memory_space<vmem>>
      %dma_start3A_1896 = tpu.memref_squeeze %dma_start3A_1895 : memref<1x50x32xf32, #tpu.memory_space<vmem>> -> memref<50x32xf32, #tpu.memory_space<vmem>>
      %dma_start3A_1897 = arith.constant 0 : i32
      %dma_start3A_1898 = arith.constant 0 : i32
      %dma_start3A_1899 = tpu.memref_slice %arg5[%dma_start3A_1884, %dma_start3A_1897, %dma_start3A_1898] : memref<2x16x50xi32, #tpu.memory_space<vmem>> -> memref<1x16x50xi32, #tpu.memory_space<vmem>>
      %dma_start3A_1900 = tpu.memref_squeeze %dma_start3A_1899 : memref<1x16x50xi32, #tpu.memory_space<vmem>> -> memref<16x50xi32, #tpu.memory_space<vmem>>
      %dma_start3A_1901 = arith.constant 0 : i32
      %dma_start3A_1902 = tpu.memref_slice %dma_start3A_1900[%dma_start3A_1885, %dma_start3A_1901] : memref<16x50xi32, #tpu.memory_space<vmem>> -> memref<1x50xi32, #tpu.memory_space<vmem>>
      %dma_start3A_1903 = tpu.memref_squeeze %dma_start3A_1902 : memref<1x50xi32, #tpu.memory_space<vmem>> -> memref<50xi32, #tpu.memory_space<vmem>>
      %dma_start3A_1904 = arith.constant 0 : i32
      %dma_start3A_1905 = arith.constant 0 : i32
      %dma_start3A_1906 = tpu.memref_slice %arg2[%dma_start3A_1904, %dma_start3A_1905] : memref<1015808x32xf32, #tpu.memory_space<hbm>> -> memref<1015808x32xf32, #tpu.memory_space<hbm>>
      tpu.enqueue_indirect_dma source(%dma_start3A_1906 : memref<1015808x32xf32, #tpu.memory_space<hbm>>) target(%dma_start3A_1896 : memref<50x32xf32, #tpu.memory_space<vmem>>) offsets(%dma_start3A_1903 : memref<50xi32, #tpu.memory_space<vmem>>) semaphore(%arg8 : memref<!tpu.dma_semaphore, #tpu.memory_space<semaphore_mem>>)
      %dma_start3A_1907 = arith.constant 1 : i32
      %dma_start3A_1908 = arith.constant 15 : i32
      %dma_start3A_1909 = arith.constant 1 : i32
      %dma_start3A_1910 = arith.constant 15 : i32
      %dma_start3A_1911 = arith.constant 0 : i32
      %dma_start3A_1912 = arith.constant 0 : i32
      %dma_start3A_1913 = arith.constant 0 : i32
      %dma_start3A_1914 = tpu.memref_slice %arg6[%dma_start3A_1909, %dma_start3A_1911, %dma_start3A_1912, %dma_start3A_1913] : memref<2x16x50x32xf32, #tpu.memory_space<vmem>> -> memref<1x16x50x32xf32, #tpu.memory_space<vmem>>
      %dma_start3A_1915 = tpu.memref_squeeze %dma_start3A_1914 : memref<1x16x50x32xf32, #tpu.memory_space<vmem>> -> memref<16x50x32xf32, #tpu.memory_space<vmem>>
      %dma_start3A_1916 = arith.constant 0 : i32
      %dma_start3A_1917 = arith.constant 0 : i32
      %dma_start3A_1918 = tpu.memref_slice %dma_start3A_1915[%dma_start3A_1910, %dma_start3A_1916, %dma_start3A_1917] : memref<16x50x32xf32, #tpu.memory_space<vmem>> -> memref<1x50x32xf32, #tpu.memory_space<vmem>>
      %dma_start3A_1919 = tpu.memref_squeeze %dma_start3A_1918 : memref<1x50x32xf32, #tpu.memory_space<vmem>> -> memref<50x32xf32, #tpu.memory_space<vmem>>
      %dma_start3A_1920 = arith.constant 0 : i32
      %dma_start3A_1921 = arith.constant 0 : i32
      %dma_start3A_1922 = tpu.memref_slice %arg5[%dma_start3A_1907, %dma_start3A_1920, %dma_start3A_1921] : memref<2x16x50xi32, #tpu.memory_space<vmem>> -> memref<1x16x50xi32, #tpu.memory_space<vmem>>
      %dma_start3A_1923 = tpu.memref_squeeze %dma_start3A_1922 : memref<1x16x50xi32, #tpu.memory_space<vmem>> -> memref<16x50xi32, #tpu.memory_space<vmem>>
      %dma_start3A_1924 = arith.constant 0 : i32
      %dma_start3A_1925 = tpu.memref_slice %dma_start3A_1923[%dma_start3A_1908, %dma_start3A_1924] : memref<16x50xi32, #tpu.memory_space<vmem>> -> memref<1x50xi32, #tpu.memory_space<vmem>>
      %dma_start3A_1926 = tpu.memref_squeeze %dma_start3A_1925 : memref<1x50xi32, #tpu.memory_space<vmem>> -> memref<50xi32, #tpu.memory_space<vmem>>
      %dma_start3A_1927 = arith.constant 0 : i32
      %dma_start3A_1928 = arith.constant 0 : i32
      %dma_start3A_1929 = tpu.memref_slice %arg2[%dma_start3A_1927, %dma_start3A_1928] : memref<1015808x32xf32, #tpu.memory_space<hbm>> -> memref<1015808x32xf32, #tpu.memory_space<hbm>>
      tpu.enqueue_indirect_dma source(%dma_start3A_1929 : memref<1015808x32xf32, #tpu.memory_space<hbm>>) target(%dma_start3A_1919 : memref<50x32xf32, #tpu.memory_space<vmem>>) offsets(%dma_start3A_1926 : memref<50xi32, #tpu.memory_space<vmem>>) semaphore(%arg8 : memref<!tpu.dma_semaphore, #tpu.memory_space<semaphore_mem>>)
      %dma_wait3A_1930 = arith.constant 0 : i32
      %dma_wait3A_1931 = arith.constant 0 : i32
      %dma_wait3A_1932 = arith.constant 0 : i32
      %dma_wait3A_1933 = tpu.memref_slice %arg6[%scan3A_374, %dma_wait3A_1930, %dma_wait3A_1931, %dma_wait3A_1932] : memref<2x16x50x32xf32, #tpu.memory_space<vmem>> -> memref<1x16x50x32xf32, #tpu.memory_space<vmem>>
      %dma_wait3A_1934 = tpu.memref_squeeze %dma_wait3A_1933 : memref<1x16x50x32xf32, #tpu.memory_space<vmem>> -> memref<16x50x32xf32, #tpu.memory_space<vmem>>
      %dma_wait3A_1935 = arith.constant 0 : i32
      %dma_wait3A_1936 = arith.constant 0 : i32
      %dma_wait3A_1937 = tpu.memref_slice %dma_wait3A_1934[%scan3A_375, %dma_wait3A_1935, %dma_wait3A_1936] : memref<16x50x32xf32, #tpu.memory_space<vmem>> -> memref<1x50x32xf32, #tpu.memory_space<vmem>>
      %dma_wait3A_1938 = tpu.memref_squeeze %dma_wait3A_1937 : memref<1x50x32xf32, #tpu.memory_space<vmem>> -> memref<50x32xf32, #tpu.memory_space<vmem>>
      %dma_wait3A_1939 = arith.constant 0 : i32
      %dma_wait3A_1940 = arith.constant 0 : i32
      %dma_wait3A_1941 = tpu.memref_slice %arg5[%scan3A_372, %dma_wait3A_1939, %dma_wait3A_1940] : memref<2x16x50xi32, #tpu.memory_space<vmem>> -> memref<1x16x50xi32, #tpu.memory_space<vmem>>
      %dma_wait3A_1942 = tpu.memref_squeeze %dma_wait3A_1941 : memref<1x16x50xi32, #tpu.memory_space<vmem>> -> memref<16x50xi32, #tpu.memory_space<vmem>>
      %dma_wait3A_1943 = arith.constant 0 : i32
      %dma_wait3A_1944 = tpu.memref_slice %dma_wait3A_1942[%scan3A_373, %dma_wait3A_1943] : memref<16x50xi32, #tpu.memory_space<vmem>> -> memref<1x50xi32, #tpu.memory_space<vmem>>
      %dma_wait3A_1945 = tpu.memref_squeeze %dma_wait3A_1944 : memref<1x50xi32, #tpu.memory_space<vmem>> -> memref<50xi32, #tpu.memory_space<vmem>>
      %dma_wait3A_1946 = arith.constant 0 : i32
      %dma_wait3A_1947 = arith.constant 0 : i32
      %dma_wait3A_1948 = tpu.memref_slice %arg2[%dma_wait3A_1946, %dma_wait3A_1947] : memref<1015808x32xf32, #tpu.memory_space<hbm>> -> memref<1015808x32xf32, #tpu.memory_space<hbm>>
      tpu.wait_indirect_dma semaphore(%arg7 : memref<!tpu.dma_semaphore, #tpu.memory_space<semaphore_mem>>) src(%dma_wait3A_1948 : memref<1015808x32xf32, #tpu.memory_space<hbm>>) dst(%dma_wait3A_1938 : memref<50x32xf32, #tpu.memory_space<vmem>>)
      %dma_wait3A_1949 = arith.constant 0 : i32
      %dma_wait3A_1950 = arith.constant 0 : i32
      %dma_wait3A_1951 = arith.constant 0 : i32
      %dma_wait3A_1952 = tpu.memref_slice %arg6[%scan3A_378, %dma_wait3A_1949, %dma_wait3A_1950, %dma_wait3A_1951] : memref<2x16x50x32xf32, #tpu.memory_space<vmem>> -> memref<1x16x50x32xf32, #tpu.memory_space<vmem>>
      %dma_wait3A_1953 = tpu.memref_squeeze %dma_wait3A_1952 : memref<1x16x50x32xf32, #tpu.memory_space<vmem>> -> memref<16x50x32xf32, #tpu.memory_space<vmem>>
      %dma_wait3A_1954 = arith.constant 0 : i32
      %dma_wait3A_1955 = arith.constant 0 : i32
      %dma_wait3A_1956 = tpu.memref_slice %dma_wait3A_1953[%scan3A_379, %dma_wait3A_1954, %dma_wait3A_1955] : memref<16x50x32xf32, #tpu.memory_space<vmem>> -> memref<1x50x32xf32, #tpu.memory_space<vmem>>
      %dma_wait3A_1957 = tpu.memref_squeeze %dma_wait3A_1956 : memref<1x50x32xf32, #tpu.memory_space<vmem>> -> memref<50x32xf32, #tpu.memory_space<vmem>>
      %dma_wait3A_1958 = arith.constant 0 : i32
      %dma_wait3A_1959 = arith.constant 0 : i32
      %dma_wait3A_1960 = tpu.memref_slice %arg5[%scan3A_376, %dma_wait3A_1958, %dma_wait3A_1959] : memref<2x16x50xi32, #tpu.memory_space<vmem>> -> memref<1x16x50xi32, #tpu.memory_space<vmem>>
      %dma_wait3A_1961 = tpu.memref_squeeze %dma_wait3A_1960 : memref<1x16x50xi32, #tpu.memory_space<vmem>> -> memref<16x50xi32, #tpu.memory_space<vmem>>
      %dma_wait3A_1962 = arith.constant 0 : i32
      %dma_wait3A_1963 = tpu.memref_slice %dma_wait3A_1961[%scan3A_377, %dma_wait3A_1962] : memref<16x50xi32, #tpu.memory_space<vmem>> -> memref<1x50xi32, #tpu.memory_space<vmem>>
      %dma_wait3A_1964 = tpu.memref_squeeze %dma_wait3A_1963 : memref<1x50xi32, #tpu.memory_space<vmem>> -> memref<50xi32, #tpu.memory_space<vmem>>
      %dma_wait3A_1965 = arith.constant 0 : i32
      %dma_wait3A_1966 = arith.constant 0 : i32
      %dma_wait3A_1967 = tpu.memref_slice %arg2[%dma_wait3A_1965, %dma_wait3A_1966] : memref<1015808x32xf32, #tpu.memory_space<hbm>> -> memref<1015808x32xf32, #tpu.memory_space<hbm>>
      tpu.wait_indirect_dma semaphore(%arg7 : memref<!tpu.dma_semaphore, #tpu.memory_space<semaphore_mem>>) src(%dma_wait3A_1967 : memref<1015808x32xf32, #tpu.memory_space<hbm>>) dst(%dma_wait3A_1957 : memref<50x32xf32, #tpu.memory_space<vmem>>)
      %dma_wait3A_1968 = arith.constant 0 : i32
      %dma_wait3A_1969 = arith.constant 0 : i32
      %dma_wait3A_1970 = arith.constant 0 : i32
      %dma_wait3A_1971 = tpu.memref_slice %arg6[%scan3A_382, %dma_wait3A_1968, %dma_wait3A_1969, %dma_wait3A_1970] : memref<2x16x50x32xf32, #tpu.memory_space<vmem>> -> memref<1x16x50x32xf32, #tpu.memory_space<vmem>>
      %dma_wait3A_1972 = tpu.memref_squeeze %dma_wait3A_1971 : memref<1x16x50x32xf32, #tpu.memory_space<vmem>> -> memref<16x50x32xf32, #tpu.memory_space<vmem>>
      %dma_wait3A_1973 = arith.constant 0 : i32
      %dma_wait3A_1974 = arith.constant 0 : i32
      %dma_wait3A_1975 = tpu.memref_slice %dma_wait3A_1972[%scan3A_383, %dma_wait3A_1973, %dma_wait3A_1974] : memref<16x50x32xf32, #tpu.memory_space<vmem>> -> memref<1x50x32xf32, #tpu.memory_space<vmem>>
      %dma_wait3A_1976 = tpu.memref_squeeze %dma_wait3A_1975 : memref<1x50x32xf32, #tpu.memory_space<vmem>> -> memref<50x32xf32, #tpu.memory_space<vmem>>
      %dma_wait3A_1977 = arith.constant 0 : i32
      %dma_wait3A_1978 = arith.constant 0 : i32
      %dma_wait3A_1979 = tpu.memref_slice %arg5[%scan3A_380, %dma_wait3A_1977, %dma_wait3A_1978] : memref<2x16x50xi32, #tpu.memory_space<vmem>> -> memref<1x16x50xi32, #tpu.memory_space<vmem>>
      %dma_wait3A_1980 = tpu.memref_squeeze %dma_wait3A_1979 : memref<1x16x50xi32, #tpu.memory_space<vmem>> -> memref<16x50xi32, #tpu.memory_space<vmem>>
      %dma_wait3A_1981 = arith.constant 0 : i32
      %dma_wait3A_1982 = tpu.memref_slice %dma_wait3A_1980[%scan3A_381, %dma_wait3A_1981] : memref<16x50xi32, #tpu.memory_space<vmem>> -> memref<1x50xi32, #tpu.memory_space<vmem>>
      %dma_wait3A_1983 = tpu.memref_squeeze %dma_wait3A_1982 : memref<1x50xi32, #tpu.memory_space<vmem>> -> memref<50xi32, #tpu.memory_space<vmem>>
      %dma_wait3A_1984 = arith.constant 0 : i32
      %dma_wait3A_1985 = arith.constant 0 : i32
      %dma_wait3A_1986 = tpu.memref_slice %arg2[%dma_wait3A_1984, %dma_wait3A_1985] : memref<1015808x32xf32, #tpu.memory_space<hbm>> -> memref<1015808x32xf32, #tpu.memory_space<hbm>>
      tpu.wait_indirect_dma semaphore(%arg7 : memref<!tpu.dma_semaphore, #tpu.memory_space<semaphore_mem>>) src(%dma_wait3A_1986 : memref<1015808x32xf32, #tpu.memory_space<hbm>>) dst(%dma_wait3A_1976 : memref<50x32xf32, #tpu.memory_space<vmem>>)
      %dma_wait3A_1987 = arith.constant 0 : i32
      %dma_wait3A_1988 = arith.constant 0 : i32
      %dma_wait3A_1989 = arith.constant 0 : i32
      %dma_wait3A_1990 = tpu.memref_slice %arg6[%scan3A_386, %dma_wait3A_1987, %dma_wait3A_1988, %dma_wait3A_1989] : memref<2x16x50x32xf32, #tpu.memory_space<vmem>> -> memref<1x16x50x32xf32, #tpu.memory_space<vmem>>
      %dma_wait3A_1991 = tpu.memref_squeeze %dma_wait3A_1990 : memref<1x16x50x32xf32, #tpu.memory_space<vmem>> -> memref<16x50x32xf32, #tpu.memory_space<vmem>>
      %dma_wait3A_1992 = arith.constant 0 : i32
      %dma_wait3A_1993 = arith.constant 0 : i32
      %dma_wait3A_1994 = tpu.memref_slice %dma_wait3A_1991[%scan3A_387, %dma_wait3A_1992, %dma_wait3A_1993] : memref<16x50x32xf32, #tpu.memory_space<vmem>> -> memref<1x50x32xf32, #tpu.memory_space<vmem>>
      %dma_wait3A_1995 = tpu.memref_squeeze %dma_wait3A_1994 : memref<1x50x32xf32, #tpu.memory_space<vmem>> -> memref<50x32xf32, #tpu.memory_space<vmem>>
      %dma_wait3A_1996 = arith.constant 0 : i32
      %dma_wait3A_1997 = arith.constant 0 : i32
      %dma_wait3A_1998 = tpu.memref_slice %arg5[%scan3A_384, %dma_wait3A_1996, %dma_wait3A_1997] : memref<2x16x50xi32, #tpu.memory_space<vmem>> -> memref<1x16x50xi32, #tpu.memory_space<vmem>>
      %dma_wait3A_1999 = tpu.memref_squeeze %dma_wait3A_1998 : memref<1x16x50xi32, #tpu.memory_space<vmem>> -> memref<16x50xi32, #tpu.memory_space<vmem>>
      %dma_wait3A_2000 = arith.constant 0 : i32
      %dma_wait3A_2001 = tpu.memref_slice %dma_wait3A_1999[%scan3A_385, %dma_wait3A_2000] : memref<16x50xi32, #tpu.memory_space<vmem>> -> memref<1x50xi32, #tpu.memory_space<vmem>>
      %dma_wait3A_2002 = tpu.memref_squeeze %dma_wait3A_2001 : memref<1x50xi32, #tpu.memory_space<vmem>> -> memref<50xi32, #tpu.memory_space<vmem>>
      %dma_wait3A_2003 = arith.constant 0 : i32
      %dma_wait3A_2004 = arith.constant 0 : i32
      %dma_wait3A_2005 = tpu.memref_slice %arg2[%dma_wait3A_2003, %dma_wait3A_2004] : memref<1015808x32xf32, #tpu.memory_space<hbm>> -> memref<1015808x32xf32, #tpu.memory_space<hbm>>
      tpu.wait_indirect_dma semaphore(%arg7 : memref<!tpu.dma_semaphore, #tpu.memory_space<semaphore_mem>>) src(%dma_wait3A_2005 : memref<1015808x32xf32, #tpu.memory_space<hbm>>) dst(%dma_wait3A_1995 : memref<50x32xf32, #tpu.memory_space<vmem>>)
      %dma_wait3A_2006 = arith.constant 0 : i32
      %dma_wait3A_2007 = arith.constant 0 : i32
      %dma_wait3A_2008 = arith.constant 0 : i32
      %dma_wait3A_2009 = tpu.memref_slice %arg6[%scan3A_390, %dma_wait3A_2006, %dma_wait3A_2007, %dma_wait3A_2008] : memref<2x16x50x32xf32, #tpu.memory_space<vmem>> -> memref<1x16x50x32xf32, #tpu.memory_space<vmem>>
      %dma_wait3A_2010 = tpu.memref_squeeze %dma_wait3A_2009 : memref<1x16x50x32xf32, #tpu.memory_space<vmem>> -> memref<16x50x32xf32, #tpu.memory_space<vmem>>
      %dma_wait3A_2011 = arith.constant 0 : i32
      %dma_wait3A_2012 = arith.constant 0 : i32
      %dma_wait3A_2013 = tpu.memref_slice %dma_wait3A_2010[%scan3A_391, %dma_wait3A_2011, %dma_wait3A_2012] : memref<16x50x32xf32, #tpu.memory_space<vmem>> -> memref<1x50x32xf32, #tpu.memory_space<vmem>>
      %dma_wait3A_2014 = tpu.memref_squeeze %dma_wait3A_2013 : memref<1x50x32xf32, #tpu.memory_space<vmem>> -> memref<50x32xf32, #tpu.memory_space<vmem>>
      %dma_wait3A_2015 = arith.constant 0 : i32
      %dma_wait3A_2016 = arith.constant 0 : i32
      %dma_wait3A_2017 = tpu.memref_slice %arg5[%scan3A_388, %dma_wait3A_2015, %dma_wait3A_2016] : memref<2x16x50xi32, #tpu.memory_space<vmem>> -> memref<1x16x50xi32, #tpu.memory_space<vmem>>
      %dma_wait3A_2018 = tpu.memref_squeeze %dma_wait3A_2017 : memref<1x16x50xi32, #tpu.memory_space<vmem>> -> memref<16x50xi32, #tpu.memory_space<vmem>>
      %dma_wait3A_2019 = arith.constant 0 : i32
      %dma_wait3A_2020 = tpu.memref_slice %dma_wait3A_2018[%scan3A_389, %dma_wait3A_2019] : memref<16x50xi32, #tpu.memory_space<vmem>> -> memref<1x50xi32, #tpu.memory_space<vmem>>
      %dma_wait3A_2021 = tpu.memref_squeeze %dma_wait3A_2020 : memref<1x50xi32, #tpu.memory_space<vmem>> -> memref<50xi32, #tpu.memory_space<vmem>>
      %dma_wait3A_2022 = arith.constant 0 : i32
      %dma_wait3A_2023 = arith.constant 0 : i32
      %dma_wait3A_2024 = tpu.memref_slice %arg2[%dma_wait3A_2022, %dma_wait3A_2023] : memref<1015808x32xf32, #tpu.memory_space<hbm>> -> memref<1015808x32xf32, #tpu.memory_space<hbm>>
      tpu.wait_indirect_dma semaphore(%arg7 : memref<!tpu.dma_semaphore, #tpu.memory_space<semaphore_mem>>) src(%dma_wait3A_2024 : memref<1015808x32xf32, #tpu.memory_space<hbm>>) dst(%dma_wait3A_2014 : memref<50x32xf32, #tpu.memory_space<vmem>>)
      %dma_wait3A_2025 = arith.constant 0 : i32
      %dma_wait3A_2026 = arith.constant 0 : i32
      %dma_wait3A_2027 = arith.constant 0 : i32
      %dma_wait3A_2028 = tpu.memref_slice %arg6[%scan3A_394, %dma_wait3A_2025, %dma_wait3A_2026, %dma_wait3A_2027] : memref<2x16x50x32xf32, #tpu.memory_space<vmem>> -> memref<1x16x50x32xf32, #tpu.memory_space<vmem>>
      %dma_wait3A_2029 = tpu.memref_squeeze %dma_wait3A_2028 : memref<1x16x50x32xf32, #tpu.memory_space<vmem>> -> memref<16x50x32xf32, #tpu.memory_space<vmem>>
      %dma_wait3A_2030 = arith.constant 0 : i32
      %dma_wait3A_2031 = arith.constant 0 : i32
      %dma_wait3A_2032 = tpu.memref_slice %dma_wait3A_2029[%scan3A_395, %dma_wait3A_2030, %dma_wait3A_2031] : memref<16x50x32xf32, #tpu.memory_space<vmem>> -> memref<1x50x32xf32, #tpu.memory_space<vmem>>
      %dma_wait3A_2033 = tpu.memref_squeeze %dma_wait3A_2032 : memref<1x50x32xf32, #tpu.memory_space<vmem>> -> memref<50x32xf32, #tpu.memory_space<vmem>>
      %dma_wait3A_2034 = arith.constant 0 : i32
      %dma_wait3A_2035 = arith.constant 0 : i32
      %dma_wait3A_2036 = tpu.memref_slice %arg5[%scan3A_392, %dma_wait3A_2034, %dma_wait3A_2035] : memref<2x16x50xi32, #tpu.memory_space<vmem>> -> memref<1x16x50xi32, #tpu.memory_space<vmem>>
      %dma_wait3A_2037 = tpu.memref_squeeze %dma_wait3A_2036 : memref<1x16x50xi32, #tpu.memory_space<vmem>> -> memref<16x50xi32, #tpu.memory_space<vmem>>
      %dma_wait3A_2038 = arith.constant 0 : i32
      %dma_wait3A_2039 = tpu.memref_slice %dma_wait3A_2037[%scan3A_393, %dma_wait3A_2038] : memref<16x50xi32, #tpu.memory_space<vmem>> -> memref<1x50xi32, #tpu.memory_space<vmem>>
      %dma_wait3A_2040 = tpu.memref_squeeze %dma_wait3A_2039 : memref<1x50xi32, #tpu.memory_space<vmem>> -> memref<50xi32, #tpu.memory_space<vmem>>
      %dma_wait3A_2041 = arith.constant 0 : i32
      %dma_wait3A_2042 = arith.constant 0 : i32
      %dma_wait3A_2043 = tpu.memref_slice %arg2[%dma_wait3A_2041, %dma_wait3A_2042] : memref<1015808x32xf32, #tpu.memory_space<hbm>> -> memref<1015808x32xf32, #tpu.memory_space<hbm>>
      tpu.wait_indirect_dma semaphore(%arg7 : memref<!tpu.dma_semaphore, #tpu.memory_space<semaphore_mem>>) src(%dma_wait3A_2043 : memref<1015808x32xf32, #tpu.memory_space<hbm>>) dst(%dma_wait3A_2033 : memref<50x32xf32, #tpu.memory_space<vmem>>)
      %dma_wait3A_2044 = arith.constant 0 : i32
      %dma_wait3A_2045 = arith.constant 0 : i32
      %dma_wait3A_2046 = arith.constant 0 : i32
      %dma_wait3A_2047 = tpu.memref_slice %arg6[%scan3A_398, %dma_wait3A_2044, %dma_wait3A_2045, %dma_wait3A_2046] : memref<2x16x50x32xf32, #tpu.memory_space<vmem>> -> memref<1x16x50x32xf32, #tpu.memory_space<vmem>>
      %dma_wait3A_2048 = tpu.memref_squeeze %dma_wait3A_2047 : memref<1x16x50x32xf32, #tpu.memory_space<vmem>> -> memref<16x50x32xf32, #tpu.memory_space<vmem>>
      %dma_wait3A_2049 = arith.constant 0 : i32
      %dma_wait3A_2050 = arith.constant 0 : i32
      %dma_wait3A_2051 = tpu.memref_slice %dma_wait3A_2048[%scan3A_399, %dma_wait3A_2049, %dma_wait3A_2050] : memref<16x50x32xf32, #tpu.memory_space<vmem>> -> memref<1x50x32xf32, #tpu.memory_space<vmem>>
      %dma_wait3A_2052 = tpu.memref_squeeze %dma_wait3A_2051 : memref<1x50x32xf32, #tpu.memory_space<vmem>> -> memref<50x32xf32, #tpu.memory_space<vmem>>
      %dma_wait3A_2053 = arith.constant 0 : i32
      %dma_wait3A_2054 = arith.constant 0 : i32
      %dma_wait3A_2055 = tpu.memref_slice %arg5[%scan3A_396, %dma_wait3A_2053, %dma_wait3A_2054] : memref<2x16x50xi32, #tpu.memory_space<vmem>> -> memref<1x16x50xi32, #tpu.memory_space<vmem>>
      %dma_wait3A_2056 = tpu.memref_squeeze %dma_wait3A_2055 : memref<1x16x50xi32, #tpu.memory_space<vmem>> -> memref<16x50xi32, #tpu.memory_space<vmem>>
      %dma_wait3A_2057 = arith.constant 0 : i32
      %dma_wait3A_2058 = tpu.memref_slice %dma_wait3A_2056[%scan3A_397, %dma_wait3A_2057] : memref<16x50xi32, #tpu.memory_space<vmem>> -> memref<1x50xi32, #tpu.memory_space<vmem>>
      %dma_wait3A_2059 = tpu.memref_squeeze %dma_wait3A_2058 : memref<1x50xi32, #tpu.memory_space<vmem>> -> memref<50xi32, #tpu.memory_space<vmem>>
      %dma_wait3A_2060 = arith.constant 0 : i32
      %dma_wait3A_2061 = arith.constant 0 : i32
      %dma_wait3A_2062 = tpu.memref_slice %arg2[%dma_wait3A_2060, %dma_wait3A_2061] : memref<1015808x32xf32, #tpu.memory_space<hbm>> -> memref<1015808x32xf32, #tpu.memory_space<hbm>>
      tpu.wait_indirect_dma semaphore(%arg7 : memref<!tpu.dma_semaphore, #tpu.memory_space<semaphore_mem>>) src(%dma_wait3A_2062 : memref<1015808x32xf32, #tpu.memory_space<hbm>>) dst(%dma_wait3A_2052 : memref<50x32xf32, #tpu.memory_space<vmem>>)
      %dma_wait3A_2063 = arith.constant 0 : i32
      %dma_wait3A_2064 = arith.constant 0 : i32
      %dma_wait3A_2065 = arith.constant 0 : i32
      %dma_wait3A_2066 = tpu.memref_slice %arg6[%scan3A_402, %dma_wait3A_2063, %dma_wait3A_2064, %dma_wait3A_2065] : memref<2x16x50x32xf32, #tpu.memory_space<vmem>> -> memref<1x16x50x32xf32, #tpu.memory_space<vmem>>
      %dma_wait3A_2067 = tpu.memref_squeeze %dma_wait3A_2066 : memref<1x16x50x32xf32, #tpu.memory_space<vmem>> -> memref<16x50x32xf32, #tpu.memory_space<vmem>>
      %dma_wait3A_2068 = arith.constant 0 : i32
      %dma_wait3A_2069 = arith.constant 0 : i32
      %dma_wait3A_2070 = tpu.memref_slice %dma_wait3A_2067[%scan3A_403, %dma_wait3A_2068, %dma_wait3A_2069] : memref<16x50x32xf32, #tpu.memory_space<vmem>> -> memref<1x50x32xf32, #tpu.memory_space<vmem>>
      %dma_wait3A_2071 = tpu.memref_squeeze %dma_wait3A_2070 : memref<1x50x32xf32, #tpu.memory_space<vmem>> -> memref<50x32xf32, #tpu.memory_space<vmem>>
      %dma_wait3A_2072 = arith.constant 0 : i32
      %dma_wait3A_2073 = arith.constant 0 : i32
      %dma_wait3A_2074 = tpu.memref_slice %arg5[%scan3A_400, %dma_wait3A_2072, %dma_wait3A_2073] : memref<2x16x50xi32, #tpu.memory_space<vmem>> -> memref<1x16x50xi32, #tpu.memory_space<vmem>>
      %dma_wait3A_2075 = tpu.memref_squeeze %dma_wait3A_2074 : memref<1x16x50xi32, #tpu.memory_space<vmem>> -> memref<16x50xi32, #tpu.memory_space<vmem>>
      %dma_wait3A_2076 = arith.constant 0 : i32
      %dma_wait3A_2077 = tpu.memref_slice %dma_wait3A_2075[%scan3A_401, %dma_wait3A_2076] : memref<16x50xi32, #tpu.memory_space<vmem>> -> memref<1x50xi32, #tpu.memory_space<vmem>>
      %dma_wait3A_2078 = tpu.memref_squeeze %dma_wait3A_2077 : memref<1x50xi32, #tpu.memory_space<vmem>> -> memref<50xi32, #tpu.memory_space<vmem>>
      %dma_wait3A_2079 = arith.constant 0 : i32
      %dma_wait3A_2080 = arith.constant 0 : i32
      %dma_wait3A_2081 = tpu.memref_slice %arg2[%dma_wait3A_2079, %dma_wait3A_2080] : memref<1015808x32xf32, #tpu.memory_space<hbm>> -> memref<1015808x32xf32, #tpu.memory_space<hbm>>
      tpu.wait_indirect_dma semaphore(%arg7 : memref<!tpu.dma_semaphore, #tpu.memory_space<semaphore_mem>>) src(%dma_wait3A_2081 : memref<1015808x32xf32, #tpu.memory_space<hbm>>) dst(%dma_wait3A_2071 : memref<50x32xf32, #tpu.memory_space<vmem>>)
      %dma_wait3A_2082 = arith.constant 0 : i32
      %dma_wait3A_2083 = arith.constant 0 : i32
      %dma_wait3A_2084 = arith.constant 0 : i32
      %dma_wait3A_2085 = tpu.memref_slice %arg6[%scan3A_406, %dma_wait3A_2082, %dma_wait3A_2083, %dma_wait3A_2084] : memref<2x16x50x32xf32, #tpu.memory_space<vmem>> -> memref<1x16x50x32xf32, #tpu.memory_space<vmem>>
      %dma_wait3A_2086 = tpu.memref_squeeze %dma_wait3A_2085 : memref<1x16x50x32xf32, #tpu.memory_space<vmem>> -> memref<16x50x32xf32, #tpu.memory_space<vmem>>
      %dma_wait3A_2087 = arith.constant 0 : i32
      %dma_wait3A_2088 = arith.constant 0 : i32
      %dma_wait3A_2089 = tpu.memref_slice %dma_wait3A_2086[%scan3A_407, %dma_wait3A_2087, %dma_wait3A_2088] : memref<16x50x32xf32, #tpu.memory_space<vmem>> -> memref<1x50x32xf32, #tpu.memory_space<vmem>>
      %dma_wait3A_2090 = tpu.memref_squeeze %dma_wait3A_2089 : memref<1x50x32xf32, #tpu.memory_space<vmem>> -> memref<50x32xf32, #tpu.memory_space<vmem>>
      %dma_wait3A_2091 = arith.constant 0 : i32
      %dma_wait3A_2092 = arith.constant 0 : i32
      %dma_wait3A_2093 = tpu.memref_slice %arg5[%scan3A_404, %dma_wait3A_2091, %dma_wait3A_2092] : memref<2x16x50xi32, #tpu.memory_space<vmem>> -> memref<1x16x50xi32, #tpu.memory_space<vmem>>
      %dma_wait3A_2094 = tpu.memref_squeeze %dma_wait3A_2093 : memref<1x16x50xi32, #tpu.memory_space<vmem>> -> memref<16x50xi32, #tpu.memory_space<vmem>>
      %dma_wait3A_2095 = arith.constant 0 : i32
      %dma_wait3A_2096 = tpu.memref_slice %dma_wait3A_2094[%scan3A_405, %dma_wait3A_2095] : memref<16x50xi32, #tpu.memory_space<vmem>> -> memref<1x50xi32, #tpu.memory_space<vmem>>
      %dma_wait3A_2097 = tpu.memref_squeeze %dma_wait3A_2096 : memref<1x50xi32, #tpu.memory_space<vmem>> -> memref<50xi32, #tpu.memory_space<vmem>>
      %dma_wait3A_2098 = arith.constant 0 : i32
      %dma_wait3A_2099 = arith.constant 0 : i32
      %dma_wait3A_2100 = tpu.memref_slice %arg2[%dma_wait3A_2098, %dma_wait3A_2099] : memref<1015808x32xf32, #tpu.memory_space<hbm>> -> memref<1015808x32xf32, #tpu.memory_space<hbm>>
      tpu.wait_indirect_dma semaphore(%arg7 : memref<!tpu.dma_semaphore, #tpu.memory_space<semaphore_mem>>) src(%dma_wait3A_2100 : memref<1015808x32xf32, #tpu.memory_space<hbm>>) dst(%dma_wait3A_2090 : memref<50x32xf32, #tpu.memory_space<vmem>>)
      %dma_wait3A_2101 = arith.constant 0 : i32
      %dma_wait3A_2102 = arith.constant 0 : i32
      %dma_wait3A_2103 = arith.constant 0 : i32
      %dma_wait3A_2104 = tpu.memref_slice %arg6[%scan3A_410, %dma_wait3A_2101, %dma_wait3A_2102, %dma_wait3A_2103] : memref<2x16x50x32xf32, #tpu.memory_space<vmem>> -> memref<1x16x50x32xf32, #tpu.memory_space<vmem>>
      %dma_wait3A_2105 = tpu.memref_squeeze %dma_wait3A_2104 : memref<1x16x50x32xf32, #tpu.memory_space<vmem>> -> memref<16x50x32xf32, #tpu.memory_space<vmem>>
      %dma_wait3A_2106 = arith.constant 0 : i32
      %dma_wait3A_2107 = arith.constant 0 : i32
      %dma_wait3A_2108 = tpu.memref_slice %dma_wait3A_2105[%scan3A_411, %dma_wait3A_2106, %dma_wait3A_2107] : memref<16x50x32xf32, #tpu.memory_space<vmem>> -> memref<1x50x32xf32, #tpu.memory_space<vmem>>
      %dma_wait3A_2109 = tpu.memref_squeeze %dma_wait3A_2108 : memref<1x50x32xf32, #tpu.memory_space<vmem>> -> memref<50x32xf32, #tpu.memory_space<vmem>>
      %dma_wait3A_2110 = arith.constant 0 : i32
      %dma_wait3A_2111 = arith.constant 0 : i32
      %dma_wait3A_2112 = tpu.memref_slice %arg5[%scan3A_408, %dma_wait3A_2110, %dma_wait3A_2111] : memref<2x16x50xi32, #tpu.memory_space<vmem>> -> memref<1x16x50xi32, #tpu.memory_space<vmem>>
      %dma_wait3A_2113 = tpu.memref_squeeze %dma_wait3A_2112 : memref<1x16x50xi32, #tpu.memory_space<vmem>> -> memref<16x50xi32, #tpu.memory_space<vmem>>
      %dma_wait3A_2114 = arith.constant 0 : i32
      %dma_wait3A_2115 = tpu.memref_slice %dma_wait3A_2113[%scan3A_409, %dma_wait3A_2114] : memref<16x50xi32, #tpu.memory_space<vmem>> -> memref<1x50xi32, #tpu.memory_space<vmem>>
      %dma_wait3A_2116 = tpu.memref_squeeze %dma_wait3A_2115 : memref<1x50xi32, #tpu.memory_space<vmem>> -> memref<50xi32, #tpu.memory_space<vmem>>
      %dma_wait3A_2117 = arith.constant 0 : i32
      %dma_wait3A_2118 = arith.constant 0 : i32
      %dma_wait3A_2119 = tpu.memref_slice %arg2[%dma_wait3A_2117, %dma_wait3A_2118] : memref<1015808x32xf32, #tpu.memory_space<hbm>> -> memref<1015808x32xf32, #tpu.memory_space<hbm>>
      tpu.wait_indirect_dma semaphore(%arg7 : memref<!tpu.dma_semaphore, #tpu.memory_space<semaphore_mem>>) src(%dma_wait3A_2119 : memref<1015808x32xf32, #tpu.memory_space<hbm>>) dst(%dma_wait3A_2109 : memref<50x32xf32, #tpu.memory_space<vmem>>)
      %dma_wait3A_2120 = arith.constant 0 : i32
      %dma_wait3A_2121 = arith.constant 0 : i32
      %dma_wait3A_2122 = arith.constant 0 : i32
      %dma_wait3A_2123 = tpu.memref_slice %arg6[%scan3A_414, %dma_wait3A_2120, %dma_wait3A_2121, %dma_wait3A_2122] : memref<2x16x50x32xf32, #tpu.memory_space<vmem>> -> memref<1x16x50x32xf32, #tpu.memory_space<vmem>>
      %dma_wait3A_2124 = tpu.memref_squeeze %dma_wait3A_2123 : memref<1x16x50x32xf32, #tpu.memory_space<vmem>> -> memref<16x50x32xf32, #tpu.memory_space<vmem>>
      %dma_wait3A_2125 = arith.constant 0 : i32
      %dma_wait3A_2126 = arith.constant 0 : i32
      %dma_wait3A_2127 = tpu.memref_slice %dma_wait3A_2124[%scan3A_415, %dma_wait3A_2125, %dma_wait3A_2126] : memref<16x50x32xf32, #tpu.memory_space<vmem>> -> memref<1x50x32xf32, #tpu.memory_space<vmem>>
      %dma_wait3A_2128 = tpu.memref_squeeze %dma_wait3A_2127 : memref<1x50x32xf32, #tpu.memory_space<vmem>> -> memref<50x32xf32, #tpu.memory_space<vmem>>
      %dma_wait3A_2129 = arith.constant 0 : i32
      %dma_wait3A_2130 = arith.constant 0 : i32
      %dma_wait3A_2131 = tpu.memref_slice %arg5[%scan3A_412, %dma_wait3A_2129, %dma_wait3A_2130] : memref<2x16x50xi32, #tpu.memory_space<vmem>> -> memref<1x16x50xi32, #tpu.memory_space<vmem>>
      %dma_wait3A_2132 = tpu.memref_squeeze %dma_wait3A_2131 : memref<1x16x50xi32, #tpu.memory_space<vmem>> -> memref<16x50xi32, #tpu.memory_space<vmem>>
      %dma_wait3A_2133 = arith.constant 0 : i32
      %dma_wait3A_2134 = tpu.memref_slice %dma_wait3A_2132[%scan3A_413, %dma_wait3A_2133] : memref<16x50xi32, #tpu.memory_space<vmem>> -> memref<1x50xi32, #tpu.memory_space<vmem>>
      %dma_wait3A_2135 = tpu.memref_squeeze %dma_wait3A_2134 : memref<1x50xi32, #tpu.memory_space<vmem>> -> memref<50xi32, #tpu.memory_space<vmem>>
      %dma_wait3A_2136 = arith.constant 0 : i32
      %dma_wait3A_2137 = arith.constant 0 : i32
      %dma_wait3A_2138 = tpu.memref_slice %arg2[%dma_wait3A_2136, %dma_wait3A_2137] : memref<1015808x32xf32, #tpu.memory_space<hbm>> -> memref<1015808x32xf32, #tpu.memory_space<hbm>>
      tpu.wait_indirect_dma semaphore(%arg7 : memref<!tpu.dma_semaphore, #tpu.memory_space<semaphore_mem>>) src(%dma_wait3A_2138 : memref<1015808x32xf32, #tpu.memory_space<hbm>>) dst(%dma_wait3A_2128 : memref<50x32xf32, #tpu.memory_space<vmem>>)
      %dma_wait3A_2139 = arith.constant 0 : i32
      %dma_wait3A_2140 = arith.constant 0 : i32
      %dma_wait3A_2141 = arith.constant 0 : i32
      %dma_wait3A_2142 = tpu.memref_slice %arg6[%scan3A_418, %dma_wait3A_2139, %dma_wait3A_2140, %dma_wait3A_2141] : memref<2x16x50x32xf32, #tpu.memory_space<vmem>> -> memref<1x16x50x32xf32, #tpu.memory_space<vmem>>
      %dma_wait3A_2143 = tpu.memref_squeeze %dma_wait3A_2142 : memref<1x16x50x32xf32, #tpu.memory_space<vmem>> -> memref<16x50x32xf32, #tpu.memory_space<vmem>>
      %dma_wait3A_2144 = arith.constant 0 : i32
      %dma_wait3A_2145 = arith.constant 0 : i32
      %dma_wait3A_2146 = tpu.memref_slice %dma_wait3A_2143[%scan3A_419, %dma_wait3A_2144, %dma_wait3A_2145] : memref<16x50x32xf32, #tpu.memory_space<vmem>> -> memref<1x50x32xf32, #tpu.memory_space<vmem>>
      %dma_wait3A_2147 = tpu.memref_squeeze %dma_wait3A_2146 : memref<1x50x32xf32, #tpu.memory_space<vmem>> -> memref<50x32xf32, #tpu.memory_space<vmem>>
      %dma_wait3A_2148 = arith.constant 0 : i32
      %dma_wait3A_2149 = arith.constant 0 : i32
      %dma_wait3A_2150 = tpu.memref_slice %arg5[%scan3A_416, %dma_wait3A_2148, %dma_wait3A_2149] : memref<2x16x50xi32, #tpu.memory_space<vmem>> -> memref<1x16x50xi32, #tpu.memory_space<vmem>>
      %dma_wait3A_2151 = tpu.memref_squeeze %dma_wait3A_2150 : memref<1x16x50xi32, #tpu.memory_space<vmem>> -> memref<16x50xi32, #tpu.memory_space<vmem>>
      %dma_wait3A_2152 = arith.constant 0 : i32
      %dma_wait3A_2153 = tpu.memref_slice %dma_wait3A_2151[%scan3A_417, %dma_wait3A_2152] : memref<16x50xi32, #tpu.memory_space<vmem>> -> memref<1x50xi32, #tpu.memory_space<vmem>>
      %dma_wait3A_2154 = tpu.memref_squeeze %dma_wait3A_2153 : memref<1x50xi32, #tpu.memory_space<vmem>> -> memref<50xi32, #tpu.memory_space<vmem>>
      %dma_wait3A_2155 = arith.constant 0 : i32
      %dma_wait3A_2156 = arith.constant 0 : i32
      %dma_wait3A_2157 = tpu.memref_slice %arg2[%dma_wait3A_2155, %dma_wait3A_2156] : memref<1015808x32xf32, #tpu.memory_space<hbm>> -> memref<1015808x32xf32, #tpu.memory_space<hbm>>
      tpu.wait_indirect_dma semaphore(%arg7 : memref<!tpu.dma_semaphore, #tpu.memory_space<semaphore_mem>>) src(%dma_wait3A_2157 : memref<1015808x32xf32, #tpu.memory_space<hbm>>) dst(%dma_wait3A_2147 : memref<50x32xf32, #tpu.memory_space<vmem>>)
      %dma_wait3A_2158 = arith.constant 0 : i32
      %dma_wait3A_2159 = arith.constant 0 : i32
      %dma_wait3A_2160 = arith.constant 0 : i32
      %dma_wait3A_2161 = tpu.memref_slice %arg6[%scan3A_422, %dma_wait3A_2158, %dma_wait3A_2159, %dma_wait3A_2160] : memref<2x16x50x32xf32, #tpu.memory_space<vmem>> -> memref<1x16x50x32xf32, #tpu.memory_space<vmem>>
      %dma_wait3A_2162 = tpu.memref_squeeze %dma_wait3A_2161 : memref<1x16x50x32xf32, #tpu.memory_space<vmem>> -> memref<16x50x32xf32, #tpu.memory_space<vmem>>
      %dma_wait3A_2163 = arith.constant 0 : i32
      %dma_wait3A_2164 = arith.constant 0 : i32
      %dma_wait3A_2165 = tpu.memref_slice %dma_wait3A_2162[%scan3A_423, %dma_wait3A_2163, %dma_wait3A_2164] : memref<16x50x32xf32, #tpu.memory_space<vmem>> -> memref<1x50x32xf32, #tpu.memory_space<vmem>>
      %dma_wait3A_2166 = tpu.memref_squeeze %dma_wait3A_2165 : memref<1x50x32xf32, #tpu.memory_space<vmem>> -> memref<50x32xf32, #tpu.memory_space<vmem>>
      %dma_wait3A_2167 = arith.constant 0 : i32
      %dma_wait3A_2168 = arith.constant 0 : i32
      %dma_wait3A_2169 = tpu.memref_slice %arg5[%scan3A_420, %dma_wait3A_2167, %dma_wait3A_2168] : memref<2x16x50xi32, #tpu.memory_space<vmem>> -> memref<1x16x50xi32, #tpu.memory_space<vmem>>
      %dma_wait3A_2170 = tpu.memref_squeeze %dma_wait3A_2169 : memref<1x16x50xi32, #tpu.memory_space<vmem>> -> memref<16x50xi32, #tpu.memory_space<vmem>>
      %dma_wait3A_2171 = arith.constant 0 : i32
      %dma_wait3A_2172 = tpu.memref_slice %dma_wait3A_2170[%scan3A_421, %dma_wait3A_2171] : memref<16x50xi32, #tpu.memory_space<vmem>> -> memref<1x50xi32, #tpu.memory_space<vmem>>
      %dma_wait3A_2173 = tpu.memref_squeeze %dma_wait3A_2172 : memref<1x50xi32, #tpu.memory_space<vmem>> -> memref<50xi32, #tpu.memory_space<vmem>>
      %dma_wait3A_2174 = arith.constant 0 : i32
      %dma_wait3A_2175 = arith.constant 0 : i32
      %dma_wait3A_2176 = tpu.memref_slice %arg2[%dma_wait3A_2174, %dma_wait3A_2175] : memref<1015808x32xf32, #tpu.memory_space<hbm>> -> memref<1015808x32xf32, #tpu.memory_space<hbm>>
      tpu.wait_indirect_dma semaphore(%arg7 : memref<!tpu.dma_semaphore, #tpu.memory_space<semaphore_mem>>) src(%dma_wait3A_2176 : memref<1015808x32xf32, #tpu.memory_space<hbm>>) dst(%dma_wait3A_2166 : memref<50x32xf32, #tpu.memory_space<vmem>>)
      %dma_wait3A_2177 = arith.constant 0 : i32
      %dma_wait3A_2178 = arith.constant 0 : i32
      %dma_wait3A_2179 = arith.constant 0 : i32
      %dma_wait3A_2180 = tpu.memref_slice %arg6[%scan3A_426, %dma_wait3A_2177, %dma_wait3A_2178, %dma_wait3A_2179] : memref<2x16x50x32xf32, #tpu.memory_space<vmem>> -> memref<1x16x50x32xf32, #tpu.memory_space<vmem>>
      %dma_wait3A_2181 = tpu.memref_squeeze %dma_wait3A_2180 : memref<1x16x50x32xf32, #tpu.memory_space<vmem>> -> memref<16x50x32xf32, #tpu.memory_space<vmem>>
      %dma_wait3A_2182 = arith.constant 0 : i32
      %dma_wait3A_2183 = arith.constant 0 : i32
      %dma_wait3A_2184 = tpu.memref_slice %dma_wait3A_2181[%scan3A_427, %dma_wait3A_2182, %dma_wait3A_2183] : memref<16x50x32xf32, #tpu.memory_space<vmem>> -> memref<1x50x32xf32, #tpu.memory_space<vmem>>
      %dma_wait3A_2185 = tpu.memref_squeeze %dma_wait3A_2184 : memref<1x50x32xf32, #tpu.memory_space<vmem>> -> memref<50x32xf32, #tpu.memory_space<vmem>>
      %dma_wait3A_2186 = arith.constant 0 : i32
      %dma_wait3A_2187 = arith.constant 0 : i32
      %dma_wait3A_2188 = tpu.memref_slice %arg5[%scan3A_424, %dma_wait3A_2186, %dma_wait3A_2187] : memref<2x16x50xi32, #tpu.memory_space<vmem>> -> memref<1x16x50xi32, #tpu.memory_space<vmem>>
      %dma_wait3A_2189 = tpu.memref_squeeze %dma_wait3A_2188 : memref<1x16x50xi32, #tpu.memory_space<vmem>> -> memref<16x50xi32, #tpu.memory_space<vmem>>
      %dma_wait3A_2190 = arith.constant 0 : i32
      %dma_wait3A_2191 = tpu.memref_slice %dma_wait3A_2189[%scan3A_425, %dma_wait3A_2190] : memref<16x50xi32, #tpu.memory_space<vmem>> -> memref<1x50xi32, #tpu.memory_space<vmem>>
      %dma_wait3A_2192 = tpu.memref_squeeze %dma_wait3A_2191 : memref<1x50xi32, #tpu.memory_space<vmem>> -> memref<50xi32, #tpu.memory_space<vmem>>
      %dma_wait3A_2193 = arith.constant 0 : i32
      %dma_wait3A_2194 = arith.constant 0 : i32
      %dma_wait3A_2195 = tpu.memref_slice %arg2[%dma_wait3A_2193, %dma_wait3A_2194] : memref<1015808x32xf32, #tpu.memory_space<hbm>> -> memref<1015808x32xf32, #tpu.memory_space<hbm>>
      tpu.wait_indirect_dma semaphore(%arg7 : memref<!tpu.dma_semaphore, #tpu.memory_space<semaphore_mem>>) src(%dma_wait3A_2195 : memref<1015808x32xf32, #tpu.memory_space<hbm>>) dst(%dma_wait3A_2185 : memref<50x32xf32, #tpu.memory_space<vmem>>)
      %dma_wait3A_2196 = arith.constant 0 : i32
      %dma_wait3A_2197 = arith.constant 0 : i32
      %dma_wait3A_2198 = arith.constant 0 : i32
      %dma_wait3A_2199 = tpu.memref_slice %arg6[%scan3A_430, %dma_wait3A_2196, %dma_wait3A_2197, %dma_wait3A_2198] : memref<2x16x50x32xf32, #tpu.memory_space<vmem>> -> memref<1x16x50x32xf32, #tpu.memory_space<vmem>>
      %dma_wait3A_2200 = tpu.memref_squeeze %dma_wait3A_2199 : memref<1x16x50x32xf32, #tpu.memory_space<vmem>> -> memref<16x50x32xf32, #tpu.memory_space<vmem>>
      %dma_wait3A_2201 = arith.constant 0 : i32
      %dma_wait3A_2202 = arith.constant 0 : i32
      %dma_wait3A_2203 = tpu.memref_slice %dma_wait3A_2200[%scan3A_431, %dma_wait3A_2201, %dma_wait3A_2202] : memref<16x50x32xf32, #tpu.memory_space<vmem>> -> memref<1x50x32xf32, #tpu.memory_space<vmem>>
      %dma_wait3A_2204 = tpu.memref_squeeze %dma_wait3A_2203 : memref<1x50x32xf32, #tpu.memory_space<vmem>> -> memref<50x32xf32, #tpu.memory_space<vmem>>
      %dma_wait3A_2205 = arith.constant 0 : i32
      %dma_wait3A_2206 = arith.constant 0 : i32
      %dma_wait3A_2207 = tpu.memref_slice %arg5[%scan3A_428, %dma_wait3A_2205, %dma_wait3A_2206] : memref<2x16x50xi32, #tpu.memory_space<vmem>> -> memref<1x16x50xi32, #tpu.memory_space<vmem>>
      %dma_wait3A_2208 = tpu.memref_squeeze %dma_wait3A_2207 : memref<1x16x50xi32, #tpu.memory_space<vmem>> -> memref<16x50xi32, #tpu.memory_space<vmem>>
      %dma_wait3A_2209 = arith.constant 0 : i32
      %dma_wait3A_2210 = tpu.memref_slice %dma_wait3A_2208[%scan3A_429, %dma_wait3A_2209] : memref<16x50xi32, #tpu.memory_space<vmem>> -> memref<1x50xi32, #tpu.memory_space<vmem>>
      %dma_wait3A_2211 = tpu.memref_squeeze %dma_wait3A_2210 : memref<1x50xi32, #tpu.memory_space<vmem>> -> memref<50xi32, #tpu.memory_space<vmem>>
      %dma_wait3A_2212 = arith.constant 0 : i32
      %dma_wait3A_2213 = arith.constant 0 : i32
      %dma_wait3A_2214 = tpu.memref_slice %arg2[%dma_wait3A_2212, %dma_wait3A_2213] : memref<1015808x32xf32, #tpu.memory_space<hbm>> -> memref<1015808x32xf32, #tpu.memory_space<hbm>>
      tpu.wait_indirect_dma semaphore(%arg7 : memref<!tpu.dma_semaphore, #tpu.memory_space<semaphore_mem>>) src(%dma_wait3A_2214 : memref<1015808x32xf32, #tpu.memory_space<hbm>>) dst(%dma_wait3A_2204 : memref<50x32xf32, #tpu.memory_space<vmem>>)
      %dma_wait3A_2215 = arith.constant 0 : i32
      %dma_wait3A_2216 = arith.constant 0 : i32
      %dma_wait3A_2217 = arith.constant 0 : i32
      %dma_wait3A_2218 = tpu.memref_slice %arg6[%scan3A_434, %dma_wait3A_2215, %dma_wait3A_2216, %dma_wait3A_2217] : memref<2x16x50x32xf32, #tpu.memory_space<vmem>> -> memref<1x16x50x32xf32, #tpu.memory_space<vmem>>
      %dma_wait3A_2219 = tpu.memref_squeeze %dma_wait3A_2218 : memref<1x16x50x32xf32, #tpu.memory_space<vmem>> -> memref<16x50x32xf32, #tpu.memory_space<vmem>>
      %dma_wait3A_2220 = arith.constant 0 : i32
      %dma_wait3A_2221 = arith.constant 0 : i32
      %dma_wait3A_2222 = tpu.memref_slice %dma_wait3A_2219[%scan3A_435, %dma_wait3A_2220, %dma_wait3A_2221] : memref<16x50x32xf32, #tpu.memory_space<vmem>> -> memref<1x50x32xf32, #tpu.memory_space<vmem>>
      %dma_wait3A_2223 = tpu.memref_squeeze %dma_wait3A_2222 : memref<1x50x32xf32, #tpu.memory_space<vmem>> -> memref<50x32xf32, #tpu.memory_space<vmem>>
      %dma_wait3A_2224 = arith.constant 0 : i32
      %dma_wait3A_2225 = arith.constant 0 : i32
      %dma_wait3A_2226 = tpu.memref_slice %arg5[%scan3A_432, %dma_wait3A_2224, %dma_wait3A_2225] : memref<2x16x50xi32, #tpu.memory_space<vmem>> -> memref<1x16x50xi32, #tpu.memory_space<vmem>>
      %dma_wait3A_2227 = tpu.memref_squeeze %dma_wait3A_2226 : memref<1x16x50xi32, #tpu.memory_space<vmem>> -> memref<16x50xi32, #tpu.memory_space<vmem>>
      %dma_wait3A_2228 = arith.constant 0 : i32
      %dma_wait3A_2229 = tpu.memref_slice %dma_wait3A_2227[%scan3A_433, %dma_wait3A_2228] : memref<16x50xi32, #tpu.memory_space<vmem>> -> memref<1x50xi32, #tpu.memory_space<vmem>>
      %dma_wait3A_2230 = tpu.memref_squeeze %dma_wait3A_2229 : memref<1x50xi32, #tpu.memory_space<vmem>> -> memref<50xi32, #tpu.memory_space<vmem>>
      %dma_wait3A_2231 = arith.constant 0 : i32
      %dma_wait3A_2232 = arith.constant 0 : i32
      %dma_wait3A_2233 = tpu.memref_slice %arg2[%dma_wait3A_2231, %dma_wait3A_2232] : memref<1015808x32xf32, #tpu.memory_space<hbm>> -> memref<1015808x32xf32, #tpu.memory_space<hbm>>
      tpu.wait_indirect_dma semaphore(%arg7 : memref<!tpu.dma_semaphore, #tpu.memory_space<semaphore_mem>>) src(%dma_wait3A_2233 : memref<1015808x32xf32, #tpu.memory_space<hbm>>) dst(%dma_wait3A_2223 : memref<50x32xf32, #tpu.memory_space<vmem>>)
      %mul3A_2234 = arith.constant 16 : i32
      %mul3A_2235 = arith.muli %mul3A_1555, %mul3A_2234 : i32
      %add3A_2236 = arith.addi %mul3A_2, %mul3A_2235 : i32
      %run_scoped3A_2237 = arith.constant 0 : i32
      "tpu.region"() ({
        %run_scoped3A_2986 = tpu.sem_alloc : memref<!tpu.dma_semaphore, #tpu.memory_space<semaphore_mem>>
        %dma_start3A_2987 = arith.constant 0 : i32
        %dma_start3A_2988 = arith.constant 0 : i32
        %dma_start3A_2989 = arith.constant 0 : i32
        %dma_start3A_2990 = tpu.memref_slice %arg6[%run_scoped3A_2237, %dma_start3A_2987, %dma_start3A_2988, %dma_start3A_2989] : memref<2x16x50x32xf32, #tpu.memory_space<vmem>> -> memref<1x16x50x32xf32, #tpu.memory_space<vmem>>
        %dma_start3A_2991 = tpu.memref_squeeze %dma_start3A_2990 : memref<1x16x50x32xf32, #tpu.memory_space<vmem>> -> memref<16x50x32xf32, #tpu.memory_space<vmem>>
        %dma_start3A_2992 = arith.constant 0 : i32
        %dma_start3A_2993 = arith.constant 0 : i32
        %dma_start3A_2994 = tpu.memref_slice %arg4[%add3A_2236, %dma_start3A_2992, %dma_start3A_2993] : memref<16384x50x32xf32, #tpu.memory_space<hbm>> -> memref<16x50x32xf32, #tpu.memory_space<hbm>>
        %dma_start3A_2995 = arith.constant 0 : i32
        %dma_start3A_2996 = arith.constant 0 : i32
        %dma_start3A_2997 = tpu.memref_slice %arg4[%add3A_2236, %dma_start3A_2995, %dma_start3A_2996] : memref<16384x50x32xf32, #tpu.memory_space<hbm>> -> memref<16x50x32xf32, #tpu.memory_space<hbm>>
        %dma_start3A_2998 = arith.constant 0 : i32
        %dma_start3A_2999 = arith.constant 0 : i32
        %dma_start3A_3000 = arith.constant 0 : i32
        %dma_start3A_3001 = tpu.memref_slice %arg6[%run_scoped3A_2237, %dma_start3A_2998, %dma_start3A_2999, %dma_start3A_3000] : memref<2x16x50x32xf32, #tpu.memory_space<vmem>> -> memref<1x16x50x32xf32, #tpu.memory_space<vmem>>
        %dma_start3A_3002 = tpu.memref_squeeze %dma_start3A_3001 : memref<1x16x50x32xf32, #tpu.memory_space<vmem>> -> memref<16x50x32xf32, #tpu.memory_space<vmem>>
        tpu.enqueue_dma source(%dma_start3A_3002 : memref<16x50x32xf32, #tpu.memory_space<vmem>>) target(%dma_start3A_2997 : memref<16x50x32xf32, #tpu.memory_space<hbm>>) target_semaphore(%run_scoped3A_2986 : memref<!tpu.dma_semaphore, #tpu.memory_space<semaphore_mem>>)
        %dma_wait3A_3003 = arith.constant 0 : i32
        %dma_wait3A_3004 = arith.constant 0 : i32
        %dma_wait3A_3005 = arith.constant 0 : i32
        %dma_wait3A_3006 = tpu.memref_slice %arg6[%run_scoped3A_2237, %dma_wait3A_3003, %dma_wait3A_3004, %dma_wait3A_3005] : memref<2x16x50x32xf32, #tpu.memory_space<vmem>> -> memref<1x16x50x32xf32, #tpu.memory_space<vmem>>
        %dma_wait3A_3007 = tpu.memref_squeeze %dma_wait3A_3006 : memref<1x16x50x32xf32, #tpu.memory_space<vmem>> -> memref<16x50x32xf32, #tpu.memory_space<vmem>>
        %dma_wait3A_3008 = arith.constant 0 : i32
        %dma_wait3A_3009 = arith.constant 0 : i32
        %dma_wait3A_3010 = tpu.memref_slice %arg4[%add3A_2236, %dma_wait3A_3008, %dma_wait3A_3009] : memref<16384x50x32xf32, #tpu.memory_space<hbm>> -> memref<16x50x32xf32, #tpu.memory_space<hbm>>
        %dma_wait3A_3011 = arith.constant 0 : i32
        %dma_wait3A_3012 = arith.constant 0 : i32
        %dma_wait3A_3013 = tpu.memref_slice %arg4[%add3A_2236, %dma_wait3A_3011, %dma_wait3A_3012] : memref<16384x50x32xf32, #tpu.memory_space<hbm>> -> memref<16x50x32xf32, #tpu.memory_space<hbm>>
        %dma_wait3A_3014 = arith.constant 0 : i32
        %dma_wait3A_3015 = arith.constant 0 : i32
        %dma_wait3A_3016 = arith.constant 0 : i32
        %dma_wait3A_3017 = tpu.memref_slice %arg6[%run_scoped3A_2237, %dma_wait3A_3014, %dma_wait3A_3015, %dma_wait3A_3016] : memref<2x16x50x32xf32, #tpu.memory_space<vmem>> -> memref<1x16x50x32xf32, #tpu.memory_space<vmem>>
        %dma_wait3A_3018 = tpu.memref_squeeze %dma_wait3A_3017 : memref<1x16x50x32xf32, #tpu.memory_space<vmem>> -> memref<16x50x32xf32, #tpu.memory_space<vmem>>
        tpu.wait_dma2 semaphore(%run_scoped3A_2986 : memref<!tpu.dma_semaphore, #tpu.memory_space<semaphore_mem>>) src(%dma_wait3A_3018 : memref<16x50x32xf32, #tpu.memory_space<vmem>>) dst(%dma_wait3A_3013 : memref<16x50x32xf32, #tpu.memory_space<hbm>>)
        tpu.yield
      }) : () -> ()
      %add3A_2238 = arith.constant 2 : i32
      %add3A_2239 = arith.addi %mul3A_1555, %add3A_2238 : i32
      %mul3A_2240 = arith.constant 16 : i32
      %mul3A_2241 = arith.muli %add3A_2239, %mul3A_2240 : i32
      %add3A_2242 = arith.addi %mul3A_2, %mul3A_2241 : i32
      %run_scoped3A_2243 = arith.constant 0 : i32
      "tpu.region"() ({
        %run_scoped3A_2986 = tpu.sem_alloc : memref<!tpu.dma_semaphore, #tpu.memory_space<semaphore_mem>>
        %dma_start3A_2987 = arith.constant 0 : i32
        %dma_start3A_2988 = arith.constant 0 : i32
        %dma_start3A_2989 = tpu.memref_slice %arg5[%run_scoped3A_2243, %dma_start3A_2987, %dma_start3A_2988] : memref<2x16x50xi32, #tpu.memory_space<vmem>> -> memref<1x16x50xi32, #tpu.memory_space<vmem>>
        %dma_start3A_2990 = tpu.memref_squeeze %dma_start3A_2989 : memref<1x16x50xi32, #tpu.memory_space<vmem>> -> memref<16x50xi32, #tpu.memory_space<vmem>>
        %dma_start3A_2991 = arith.constant 0 : i32
        %dma_start3A_2992 = tpu.memref_slice %arg3[%add3A_2242, %dma_start3A_2991] : memref<16384x50xi32, #tpu.memory_space<hbm>> -> memref<16x50xi32, #tpu.memory_space<hbm>>
        %dma_start3A_2993 = arith.constant 0 : i32
        %dma_start3A_2994 = arith.constant 0 : i32
        %dma_start3A_2995 = tpu.memref_slice %arg5[%run_scoped3A_2243, %dma_start3A_2993, %dma_start3A_2994] : memref<2x16x50xi32, #tpu.memory_space<vmem>> -> memref<1x16x50xi32, #tpu.memory_space<vmem>>
        %dma_start3A_2996 = tpu.memref_squeeze %dma_start3A_2995 : memref<1x16x50xi32, #tpu.memory_space<vmem>> -> memref<16x50xi32, #tpu.memory_space<vmem>>
        %dma_start3A_2997 = arith.constant 0 : i32
        %dma_start3A_2998 = tpu.memref_slice %arg3[%add3A_2242, %dma_start3A_2997] : memref<16384x50xi32, #tpu.memory_space<hbm>> -> memref<16x50xi32, #tpu.memory_space<hbm>>
        tpu.enqueue_dma source(%dma_start3A_2998 : memref<16x50xi32, #tpu.memory_space<hbm>>) target(%dma_start3A_2996 : memref<16x50xi32, #tpu.memory_space<vmem>>) target_semaphore(%run_scoped3A_2986 : memref<!tpu.dma_semaphore, #tpu.memory_space<semaphore_mem>>)
        %dma_wait3A_2999 = arith.constant 0 : i32
        %dma_wait3A_3000 = arith.constant 0 : i32
        %dma_wait3A_3001 = tpu.memref_slice %arg5[%run_scoped3A_2243, %dma_wait3A_2999, %dma_wait3A_3000] : memref<2x16x50xi32, #tpu.memory_space<vmem>> -> memref<1x16x50xi32, #tpu.memory_space<vmem>>
        %dma_wait3A_3002 = tpu.memref_squeeze %dma_wait3A_3001 : memref<1x16x50xi32, #tpu.memory_space<vmem>> -> memref<16x50xi32, #tpu.memory_space<vmem>>
        %dma_wait3A_3003 = arith.constant 0 : i32
        %dma_wait3A_3004 = tpu.memref_slice %arg3[%add3A_2242, %dma_wait3A_3003] : memref<16384x50xi32, #tpu.memory_space<hbm>> -> memref<16x50xi32, #tpu.memory_space<hbm>>
        %dma_wait3A_3005 = arith.constant 0 : i32
        %dma_wait3A_3006 = arith.constant 0 : i32
        %dma_wait3A_3007 = tpu.memref_slice %arg5[%run_scoped3A_2243, %dma_wait3A_3005, %dma_wait3A_3006] : memref<2x16x50xi32, #tpu.memory_space<vmem>> -> memref<1x16x50xi32, #tpu.memory_space<vmem>>
        %dma_wait3A_3008 = tpu.memref_squeeze %dma_wait3A_3007 : memref<1x16x50xi32, #tpu.memory_space<vmem>> -> memref<16x50xi32, #tpu.memory_space<vmem>>
        %dma_wait3A_3009 = arith.constant 0 : i32
        %dma_wait3A_3010 = tpu.memref_slice %arg3[%add3A_2242, %dma_wait3A_3009] : memref<16384x50xi32, #tpu.memory_space<hbm>> -> memref<16x50xi32, #tpu.memory_space<hbm>>
        tpu.wait_dma2 semaphore(%run_scoped3A_2986 : memref<!tpu.dma_semaphore, #tpu.memory_space<semaphore_mem>>) src(%dma_wait3A_3010 : memref<16x50xi32, #tpu.memory_space<hbm>>) dst(%dma_wait3A_3008 : memref<16x50xi32, #tpu.memory_space<vmem>>)
        tpu.yield
      }) : () -> ()
      %dma_start3A_2244 = arith.constant 0 : i32
      %dma_start3A_2245 = arith.constant 0 : i32
      %dma_start3A_2246 = arith.constant 0 : i32
      %dma_start3A_2247 = arith.constant 0 : i32
      %dma_start3A_2248 = arith.constant 0 : i32
      %dma_start3A_2249 = arith.constant 0 : i32
      %dma_start3A_2250 = arith.constant 0 : i32
      %dma_start3A_2251 = tpu.memref_slice %arg6[%dma_start3A_2246, %dma_start3A_2248, %dma_start3A_2249, %dma_start3A_2250] : memref<2x16x50x32xf32, #tpu.memory_space<vmem>> -> memref<1x16x50x32xf32, #tpu.memory_space<vmem>>
      %dma_start3A_2252 = tpu.memref_squeeze %dma_start3A_2251 : memref<1x16x50x32xf32, #tpu.memory_space<vmem>> -> memref<16x50x32xf32, #tpu.memory_space<vmem>>
      %dma_start3A_2253 = arith.constant 0 : i32
      %dma_start3A_2254 = arith.constant 0 : i32
      %dma_start3A_2255 = tpu.memref_slice %dma_start3A_2252[%dma_start3A_2247, %dma_start3A_2253, %dma_start3A_2254] : memref<16x50x32xf32, #tpu.memory_space<vmem>> -> memref<1x50x32xf32, #tpu.memory_space<vmem>>
      %dma_start3A_2256 = tpu.memref_squeeze %dma_start3A_2255 : memref<1x50x32xf32, #tpu.memory_space<vmem>> -> memref<50x32xf32, #tpu.memory_space<vmem>>
      %dma_start3A_2257 = arith.constant 0 : i32
      %dma_start3A_2258 = arith.constant 0 : i32
      %dma_start3A_2259 = tpu.memref_slice %arg5[%dma_start3A_2244, %dma_start3A_2257, %dma_start3A_2258] : memref<2x16x50xi32, #tpu.memory_space<vmem>> -> memref<1x16x50xi32, #tpu.memory_space<vmem>>
      %dma_start3A_2260 = tpu.memref_squeeze %dma_start3A_2259 : memref<1x16x50xi32, #tpu.memory_space<vmem>> -> memref<16x50xi32, #tpu.memory_space<vmem>>
      %dma_start3A_2261 = arith.constant 0 : i32
      %dma_start3A_2262 = tpu.memref_slice %dma_start3A_2260[%dma_start3A_2245, %dma_start3A_2261] : memref<16x50xi32, #tpu.memory_space<vmem>> -> memref<1x50xi32, #tpu.memory_space<vmem>>
      %dma_start3A_2263 = tpu.memref_squeeze %dma_start3A_2262 : memref<1x50xi32, #tpu.memory_space<vmem>> -> memref<50xi32, #tpu.memory_space<vmem>>
      %dma_start3A_2264 = arith.constant 0 : i32
      %dma_start3A_2265 = arith.constant 0 : i32
      %dma_start3A_2266 = tpu.memref_slice %arg2[%dma_start3A_2264, %dma_start3A_2265] : memref<1015808x32xf32, #tpu.memory_space<hbm>> -> memref<1015808x32xf32, #tpu.memory_space<hbm>>
      tpu.enqueue_indirect_dma source(%dma_start3A_2266 : memref<1015808x32xf32, #tpu.memory_space<hbm>>) target(%dma_start3A_2256 : memref<50x32xf32, #tpu.memory_space<vmem>>) offsets(%dma_start3A_2263 : memref<50xi32, #tpu.memory_space<vmem>>) semaphore(%arg7 : memref<!tpu.dma_semaphore, #tpu.memory_space<semaphore_mem>>)
      %dma_start3A_2267 = arith.constant 0 : i32
      %dma_start3A_2268 = arith.constant 1 : i32
      %dma_start3A_2269 = arith.constant 0 : i32
      %dma_start3A_2270 = arith.constant 1 : i32
      %dma_start3A_2271 = arith.constant 0 : i32
      %dma_start3A_2272 = arith.constant 0 : i32
      %dma_start3A_2273 = arith.constant 0 : i32
      %dma_start3A_2274 = tpu.memref_slice %arg6[%dma_start3A_2269, %dma_start3A_2271, %dma_start3A_2272, %dma_start3A_2273] : memref<2x16x50x32xf32, #tpu.memory_space<vmem>> -> memref<1x16x50x32xf32, #tpu.memory_space<vmem>>
      %dma_start3A_2275 = tpu.memref_squeeze %dma_start3A_2274 : memref<1x16x50x32xf32, #tpu.memory_space<vmem>> -> memref<16x50x32xf32, #tpu.memory_space<vmem>>
      %dma_start3A_2276 = arith.constant 0 : i32
      %dma_start3A_2277 = arith.constant 0 : i32
      %dma_start3A_2278 = tpu.memref_slice %dma_start3A_2275[%dma_start3A_2270, %dma_start3A_2276, %dma_start3A_2277] : memref<16x50x32xf32, #tpu.memory_space<vmem>> -> memref<1x50x32xf32, #tpu.memory_space<vmem>>
      %dma_start3A_2279 = tpu.memref_squeeze %dma_start3A_2278 : memref<1x50x32xf32, #tpu.memory_space<vmem>> -> memref<50x32xf32, #tpu.memory_space<vmem>>
      %dma_start3A_2280 = arith.constant 0 : i32
      %dma_start3A_2281 = arith.constant 0 : i32
      %dma_start3A_2282 = tpu.memref_slice %arg5[%dma_start3A_2267, %dma_start3A_2280, %dma_start3A_2281] : memref<2x16x50xi32, #tpu.memory_space<vmem>> -> memref<1x16x50xi32, #tpu.memory_space<vmem>>
      %dma_start3A_2283 = tpu.memref_squeeze %dma_start3A_2282 : memref<1x16x50xi32, #tpu.memory_space<vmem>> -> memref<16x50xi32, #tpu.memory_space<vmem>>
      %dma_start3A_2284 = arith.constant 0 : i32
      %dma_start3A_2285 = tpu.memref_slice %dma_start3A_2283[%dma_start3A_2268, %dma_start3A_2284] : memref<16x50xi32, #tpu.memory_space<vmem>> -> memref<1x50xi32, #tpu.memory_space<vmem>>
      %dma_start3A_2286 = tpu.memref_squeeze %dma_start3A_2285 : memref<1x50xi32, #tpu.memory_space<vmem>> -> memref<50xi32, #tpu.memory_space<vmem>>
      %dma_start3A_2287 = arith.constant 0 : i32
      %dma_start3A_2288 = arith.constant 0 : i32
      %dma_start3A_2289 = tpu.memref_slice %arg2[%dma_start3A_2287, %dma_start3A_2288] : memref<1015808x32xf32, #tpu.memory_space<hbm>> -> memref<1015808x32xf32, #tpu.memory_space<hbm>>
      tpu.enqueue_indirect_dma source(%dma_start3A_2289 : memref<1015808x32xf32, #tpu.memory_space<hbm>>) target(%dma_start3A_2279 : memref<50x32xf32, #tpu.memory_space<vmem>>) offsets(%dma_start3A_2286 : memref<50xi32, #tpu.memory_space<vmem>>) semaphore(%arg7 : memref<!tpu.dma_semaphore, #tpu.memory_space<semaphore_mem>>)
      %dma_start3A_2290 = arith.constant 0 : i32
      %dma_start3A_2291 = arith.constant 2 : i32
      %dma_start3A_2292 = arith.constant 0 : i32
      %dma_start3A_2293 = arith.constant 2 : i32
      %dma_start3A_2294 = arith.constant 0 : i32
      %dma_start3A_2295 = arith.constant 0 : i32
      %dma_start3A_2296 = arith.constant 0 : i32
      %dma_start3A_2297 = tpu.memref_slice %arg6[%dma_start3A_2292, %dma_start3A_2294, %dma_start3A_2295, %dma_start3A_2296] : memref<2x16x50x32xf32, #tpu.memory_space<vmem>> -> memref<1x16x50x32xf32, #tpu.memory_space<vmem>>
      %dma_start3A_2298 = tpu.memref_squeeze %dma_start3A_2297 : memref<1x16x50x32xf32, #tpu.memory_space<vmem>> -> memref<16x50x32xf32, #tpu.memory_space<vmem>>
      %dma_start3A_2299 = arith.constant 0 : i32
      %dma_start3A_2300 = arith.constant 0 : i32
      %dma_start3A_2301 = tpu.memref_slice %dma_start3A_2298[%dma_start3A_2293, %dma_start3A_2299, %dma_start3A_2300] : memref<16x50x32xf32, #tpu.memory_space<vmem>> -> memref<1x50x32xf32, #tpu.memory_space<vmem>>
      %dma_start3A_2302 = tpu.memref_squeeze %dma_start3A_2301 : memref<1x50x32xf32, #tpu.memory_space<vmem>> -> memref<50x32xf32, #tpu.memory_space<vmem>>
      %dma_start3A_2303 = arith.constant 0 : i32
      %dma_start3A_2304 = arith.constant 0 : i32
      %dma_start3A_2305 = tpu.memref_slice %arg5[%dma_start3A_2290, %dma_start3A_2303, %dma_start3A_2304] : memref<2x16x50xi32, #tpu.memory_space<vmem>> -> memref<1x16x50xi32, #tpu.memory_space<vmem>>
      %dma_start3A_2306 = tpu.memref_squeeze %dma_start3A_2305 : memref<1x16x50xi32, #tpu.memory_space<vmem>> -> memref<16x50xi32, #tpu.memory_space<vmem>>
      %dma_start3A_2307 = arith.constant 0 : i32
      %dma_start3A_2308 = tpu.memref_slice %dma_start3A_2306[%dma_start3A_2291, %dma_start3A_2307] : memref<16x50xi32, #tpu.memory_space<vmem>> -> memref<1x50xi32, #tpu.memory_space<vmem>>
      %dma_start3A_2309 = tpu.memref_squeeze %dma_start3A_2308 : memref<1x50xi32, #tpu.memory_space<vmem>> -> memref<50xi32, #tpu.memory_space<vmem>>
      %dma_start3A_2310 = arith.constant 0 : i32
      %dma_start3A_2311 = arith.constant 0 : i32
      %dma_start3A_2312 = tpu.memref_slice %arg2[%dma_start3A_2310, %dma_start3A_2311] : memref<1015808x32xf32, #tpu.memory_space<hbm>> -> memref<1015808x32xf32, #tpu.memory_space<hbm>>
      tpu.enqueue_indirect_dma source(%dma_start3A_2312 : memref<1015808x32xf32, #tpu.memory_space<hbm>>) target(%dma_start3A_2302 : memref<50x32xf32, #tpu.memory_space<vmem>>) offsets(%dma_start3A_2309 : memref<50xi32, #tpu.memory_space<vmem>>) semaphore(%arg7 : memref<!tpu.dma_semaphore, #tpu.memory_space<semaphore_mem>>)
      %dma_start3A_2313 = arith.constant 0 : i32
      %dma_start3A_2314 = arith.constant 3 : i32
      %dma_start3A_2315 = arith.constant 0 : i32
      %dma_start3A_2316 = arith.constant 3 : i32
      %dma_start3A_2317 = arith.constant 0 : i32
      %dma_start3A_2318 = arith.constant 0 : i32
      %dma_start3A_2319 = arith.constant 0 : i32
      %dma_start3A_2320 = tpu.memref_slice %arg6[%dma_start3A_2315, %dma_start3A_2317, %dma_start3A_2318, %dma_start3A_2319] : memref<2x16x50x32xf32, #tpu.memory_space<vmem>> -> memref<1x16x50x32xf32, #tpu.memory_space<vmem>>
      %dma_start3A_2321 = tpu.memref_squeeze %dma_start3A_2320 : memref<1x16x50x32xf32, #tpu.memory_space<vmem>> -> memref<16x50x32xf32, #tpu.memory_space<vmem>>
      %dma_start3A_2322 = arith.constant 0 : i32
      %dma_start3A_2323 = arith.constant 0 : i32
      %dma_start3A_2324 = tpu.memref_slice %dma_start3A_2321[%dma_start3A_2316, %dma_start3A_2322, %dma_start3A_2323] : memref<16x50x32xf32, #tpu.memory_space<vmem>> -> memref<1x50x32xf32, #tpu.memory_space<vmem>>
      %dma_start3A_2325 = tpu.memref_squeeze %dma_start3A_2324 : memref<1x50x32xf32, #tpu.memory_space<vmem>> -> memref<50x32xf32, #tpu.memory_space<vmem>>
      %dma_start3A_2326 = arith.constant 0 : i32
      %dma_start3A_2327 = arith.constant 0 : i32
      %dma_start3A_2328 = tpu.memref_slice %arg5[%dma_start3A_2313, %dma_start3A_2326, %dma_start3A_2327] : memref<2x16x50xi32, #tpu.memory_space<vmem>> -> memref<1x16x50xi32, #tpu.memory_space<vmem>>
      %dma_start3A_2329 = tpu.memref_squeeze %dma_start3A_2328 : memref<1x16x50xi32, #tpu.memory_space<vmem>> -> memref<16x50xi32, #tpu.memory_space<vmem>>
      %dma_start3A_2330 = arith.constant 0 : i32
      %dma_start3A_2331 = tpu.memref_slice %dma_start3A_2329[%dma_start3A_2314, %dma_start3A_2330] : memref<16x50xi32, #tpu.memory_space<vmem>> -> memref<1x50xi32, #tpu.memory_space<vmem>>
      %dma_start3A_2332 = tpu.memref_squeeze %dma_start3A_2331 : memref<1x50xi32, #tpu.memory_space<vmem>> -> memref<50xi32, #tpu.memory_space<vmem>>
      %dma_start3A_2333 = arith.constant 0 : i32
      %dma_start3A_2334 = arith.constant 0 : i32
      %dma_start3A_2335 = tpu.memref_slice %arg2[%dma_start3A_2333, %dma_start3A_2334] : memref<1015808x32xf32, #tpu.memory_space<hbm>> -> memref<1015808x32xf32, #tpu.memory_space<hbm>>
      tpu.enqueue_indirect_dma source(%dma_start3A_2335 : memref<1015808x32xf32, #tpu.memory_space<hbm>>) target(%dma_start3A_2325 : memref<50x32xf32, #tpu.memory_space<vmem>>) offsets(%dma_start3A_2332 : memref<50xi32, #tpu.memory_space<vmem>>) semaphore(%arg7 : memref<!tpu.dma_semaphore, #tpu.memory_space<semaphore_mem>>)
      %dma_start3A_2336 = arith.constant 0 : i32
      %dma_start3A_2337 = arith.constant 4 : i32
      %dma_start3A_2338 = arith.constant 0 : i32
      %dma_start3A_2339 = arith.constant 4 : i32
      %dma_start3A_2340 = arith.constant 0 : i32
      %dma_start3A_2341 = arith.constant 0 : i32
      %dma_start3A_2342 = arith.constant 0 : i32
      %dma_start3A_2343 = tpu.memref_slice %arg6[%dma_start3A_2338, %dma_start3A_2340, %dma_start3A_2341, %dma_start3A_2342] : memref<2x16x50x32xf32, #tpu.memory_space<vmem>> -> memref<1x16x50x32xf32, #tpu.memory_space<vmem>>
      %dma_start3A_2344 = tpu.memref_squeeze %dma_start3A_2343 : memref<1x16x50x32xf32, #tpu.memory_space<vmem>> -> memref<16x50x32xf32, #tpu.memory_space<vmem>>
      %dma_start3A_2345 = arith.constant 0 : i32
      %dma_start3A_2346 = arith.constant 0 : i32
      %dma_start3A_2347 = tpu.memref_slice %dma_start3A_2344[%dma_start3A_2339, %dma_start3A_2345, %dma_start3A_2346] : memref<16x50x32xf32, #tpu.memory_space<vmem>> -> memref<1x50x32xf32, #tpu.memory_space<vmem>>
      %dma_start3A_2348 = tpu.memref_squeeze %dma_start3A_2347 : memref<1x50x32xf32, #tpu.memory_space<vmem>> -> memref<50x32xf32, #tpu.memory_space<vmem>>
      %dma_start3A_2349 = arith.constant 0 : i32
      %dma_start3A_2350 = arith.constant 0 : i32
      %dma_start3A_2351 = tpu.memref_slice %arg5[%dma_start3A_2336, %dma_start3A_2349, %dma_start3A_2350] : memref<2x16x50xi32, #tpu.memory_space<vmem>> -> memref<1x16x50xi32, #tpu.memory_space<vmem>>
      %dma_start3A_2352 = tpu.memref_squeeze %dma_start3A_2351 : memref<1x16x50xi32, #tpu.memory_space<vmem>> -> memref<16x50xi32, #tpu.memory_space<vmem>>
      %dma_start3A_2353 = arith.constant 0 : i32
      %dma_start3A_2354 = tpu.memref_slice %dma_start3A_2352[%dma_start3A_2337, %dma_start3A_2353] : memref<16x50xi32, #tpu.memory_space<vmem>> -> memref<1x50xi32, #tpu.memory_space<vmem>>
      %dma_start3A_2355 = tpu.memref_squeeze %dma_start3A_2354 : memref<1x50xi32, #tpu.memory_space<vmem>> -> memref<50xi32, #tpu.memory_space<vmem>>
      %dma_start3A_2356 = arith.constant 0 : i32
      %dma_start3A_2357 = arith.constant 0 : i32
      %dma_start3A_2358 = tpu.memref_slice %arg2[%dma_start3A_2356, %dma_start3A_2357] : memref<1015808x32xf32, #tpu.memory_space<hbm>> -> memref<1015808x32xf32, #tpu.memory_space<hbm>>
      tpu.enqueue_indirect_dma source(%dma_start3A_2358 : memref<1015808x32xf32, #tpu.memory_space<hbm>>) target(%dma_start3A_2348 : memref<50x32xf32, #tpu.memory_space<vmem>>) offsets(%dma_start3A_2355 : memref<50xi32, #tpu.memory_space<vmem>>) semaphore(%arg7 : memref<!tpu.dma_semaphore, #tpu.memory_space<semaphore_mem>>)
      %dma_start3A_2359 = arith.constant 0 : i32
      %dma_start3A_2360 = arith.constant 5 : i32
      %dma_start3A_2361 = arith.constant 0 : i32
      %dma_start3A_2362 = arith.constant 5 : i32
      %dma_start3A_2363 = arith.constant 0 : i32
      %dma_start3A_2364 = arith.constant 0 : i32
      %dma_start3A_2365 = arith.constant 0 : i32
      %dma_start3A_2366 = tpu.memref_slice %arg6[%dma_start3A_2361, %dma_start3A_2363, %dma_start3A_2364, %dma_start3A_2365] : memref<2x16x50x32xf32, #tpu.memory_space<vmem>> -> memref<1x16x50x32xf32, #tpu.memory_space<vmem>>
      %dma_start3A_2367 = tpu.memref_squeeze %dma_start3A_2366 : memref<1x16x50x32xf32, #tpu.memory_space<vmem>> -> memref<16x50x32xf32, #tpu.memory_space<vmem>>
      %dma_start3A_2368 = arith.constant 0 : i32
      %dma_start3A_2369 = arith.constant 0 : i32
      %dma_start3A_2370 = tpu.memref_slice %dma_start3A_2367[%dma_start3A_2362, %dma_start3A_2368, %dma_start3A_2369] : memref<16x50x32xf32, #tpu.memory_space<vmem>> -> memref<1x50x32xf32, #tpu.memory_space<vmem>>
      %dma_start3A_2371 = tpu.memref_squeeze %dma_start3A_2370 : memref<1x50x32xf32, #tpu.memory_space<vmem>> -> memref<50x32xf32, #tpu.memory_space<vmem>>
      %dma_start3A_2372 = arith.constant 0 : i32
      %dma_start3A_2373 = arith.constant 0 : i32
      %dma_start3A_2374 = tpu.memref_slice %arg5[%dma_start3A_2359, %dma_start3A_2372, %dma_start3A_2373] : memref<2x16x50xi32, #tpu.memory_space<vmem>> -> memref<1x16x50xi32, #tpu.memory_space<vmem>>
      %dma_start3A_2375 = tpu.memref_squeeze %dma_start3A_2374 : memref<1x16x50xi32, #tpu.memory_space<vmem>> -> memref<16x50xi32, #tpu.memory_space<vmem>>
      %dma_start3A_2376 = arith.constant 0 : i32
      %dma_start3A_2377 = tpu.memref_slice %dma_start3A_2375[%dma_start3A_2360, %dma_start3A_2376] : memref<16x50xi32, #tpu.memory_space<vmem>> -> memref<1x50xi32, #tpu.memory_space<vmem>>
      %dma_start3A_2378 = tpu.memref_squeeze %dma_start3A_2377 : memref<1x50xi32, #tpu.memory_space<vmem>> -> memref<50xi32, #tpu.memory_space<vmem>>
      %dma_start3A_2379 = arith.constant 0 : i32
      %dma_start3A_2380 = arith.constant 0 : i32
      %dma_start3A_2381 = tpu.memref_slice %arg2[%dma_start3A_2379, %dma_start3A_2380] : memref<1015808x32xf32, #tpu.memory_space<hbm>> -> memref<1015808x32xf32, #tpu.memory_space<hbm>>
      tpu.enqueue_indirect_dma source(%dma_start3A_2381 : memref<1015808x32xf32, #tpu.memory_space<hbm>>) target(%dma_start3A_2371 : memref<50x32xf32, #tpu.memory_space<vmem>>) offsets(%dma_start3A_2378 : memref<50xi32, #tpu.memory_space<vmem>>) semaphore(%arg7 : memref<!tpu.dma_semaphore, #tpu.memory_space<semaphore_mem>>)
      %dma_start3A_2382 = arith.constant 0 : i32
      %dma_start3A_2383 = arith.constant 6 : i32
      %dma_start3A_2384 = arith.constant 0 : i32
      %dma_start3A_2385 = arith.constant 6 : i32
      %dma_start3A_2386 = arith.constant 0 : i32
      %dma_start3A_2387 = arith.constant 0 : i32
      %dma_start3A_2388 = arith.constant 0 : i32
      %dma_start3A_2389 = tpu.memref_slice %arg6[%dma_start3A_2384, %dma_start3A_2386, %dma_start3A_2387, %dma_start3A_2388] : memref<2x16x50x32xf32, #tpu.memory_space<vmem>> -> memref<1x16x50x32xf32, #tpu.memory_space<vmem>>
      %dma_start3A_2390 = tpu.memref_squeeze %dma_start3A_2389 : memref<1x16x50x32xf32, #tpu.memory_space<vmem>> -> memref<16x50x32xf32, #tpu.memory_space<vmem>>
      %dma_start3A_2391 = arith.constant 0 : i32
      %dma_start3A_2392 = arith.constant 0 : i32
      %dma_start3A_2393 = tpu.memref_slice %dma_start3A_2390[%dma_start3A_2385, %dma_start3A_2391, %dma_start3A_2392] : memref<16x50x32xf32, #tpu.memory_space<vmem>> -> memref<1x50x32xf32, #tpu.memory_space<vmem>>
      %dma_start3A_2394 = tpu.memref_squeeze %dma_start3A_2393 : memref<1x50x32xf32, #tpu.memory_space<vmem>> -> memref<50x32xf32, #tpu.memory_space<vmem>>
      %dma_start3A_2395 = arith.constant 0 : i32
      %dma_start3A_2396 = arith.constant 0 : i32
      %dma_start3A_2397 = tpu.memref_slice %arg5[%dma_start3A_2382, %dma_start3A_2395, %dma_start3A_2396] : memref<2x16x50xi32, #tpu.memory_space<vmem>> -> memref<1x16x50xi32, #tpu.memory_space<vmem>>
      %dma_start3A_2398 = tpu.memref_squeeze %dma_start3A_2397 : memref<1x16x50xi32, #tpu.memory_space<vmem>> -> memref<16x50xi32, #tpu.memory_space<vmem>>
      %dma_start3A_2399 = arith.constant 0 : i32
      %dma_start3A_2400 = tpu.memref_slice %dma_start3A_2398[%dma_start3A_2383, %dma_start3A_2399] : memref<16x50xi32, #tpu.memory_space<vmem>> -> memref<1x50xi32, #tpu.memory_space<vmem>>
      %dma_start3A_2401 = tpu.memref_squeeze %dma_start3A_2400 : memref<1x50xi32, #tpu.memory_space<vmem>> -> memref<50xi32, #tpu.memory_space<vmem>>
      %dma_start3A_2402 = arith.constant 0 : i32
      %dma_start3A_2403 = arith.constant 0 : i32
      %dma_start3A_2404 = tpu.memref_slice %arg2[%dma_start3A_2402, %dma_start3A_2403] : memref<1015808x32xf32, #tpu.memory_space<hbm>> -> memref<1015808x32xf32, #tpu.memory_space<hbm>>
      tpu.enqueue_indirect_dma source(%dma_start3A_2404 : memref<1015808x32xf32, #tpu.memory_space<hbm>>) target(%dma_start3A_2394 : memref<50x32xf32, #tpu.memory_space<vmem>>) offsets(%dma_start3A_2401 : memref<50xi32, #tpu.memory_space<vmem>>) semaphore(%arg7 : memref<!tpu.dma_semaphore, #tpu.memory_space<semaphore_mem>>)
      %dma_start3A_2405 = arith.constant 0 : i32
      %dma_start3A_2406 = arith.constant 7 : i32
      %dma_start3A_2407 = arith.constant 0 : i32
      %dma_start3A_2408 = arith.constant 7 : i32
      %dma_start3A_2409 = arith.constant 0 : i32
      %dma_start3A_2410 = arith.constant 0 : i32
      %dma_start3A_2411 = arith.constant 0 : i32
      %dma_start3A_2412 = tpu.memref_slice %arg6[%dma_start3A_2407, %dma_start3A_2409, %dma_start3A_2410, %dma_start3A_2411] : memref<2x16x50x32xf32, #tpu.memory_space<vmem>> -> memref<1x16x50x32xf32, #tpu.memory_space<vmem>>
      %dma_start3A_2413 = tpu.memref_squeeze %dma_start3A_2412 : memref<1x16x50x32xf32, #tpu.memory_space<vmem>> -> memref<16x50x32xf32, #tpu.memory_space<vmem>>
      %dma_start3A_2414 = arith.constant 0 : i32
      %dma_start3A_2415 = arith.constant 0 : i32
      %dma_start3A_2416 = tpu.memref_slice %dma_start3A_2413[%dma_start3A_2408, %dma_start3A_2414, %dma_start3A_2415] : memref<16x50x32xf32, #tpu.memory_space<vmem>> -> memref<1x50x32xf32, #tpu.memory_space<vmem>>
      %dma_start3A_2417 = tpu.memref_squeeze %dma_start3A_2416 : memref<1x50x32xf32, #tpu.memory_space<vmem>> -> memref<50x32xf32, #tpu.memory_space<vmem>>
      %dma_start3A_2418 = arith.constant 0 : i32
      %dma_start3A_2419 = arith.constant 0 : i32
      %dma_start3A_2420 = tpu.memref_slice %arg5[%dma_start3A_2405, %dma_start3A_2418, %dma_start3A_2419] : memref<2x16x50xi32, #tpu.memory_space<vmem>> -> memref<1x16x50xi32, #tpu.memory_space<vmem>>
      %dma_start3A_2421 = tpu.memref_squeeze %dma_start3A_2420 : memref<1x16x50xi32, #tpu.memory_space<vmem>> -> memref<16x50xi32, #tpu.memory_space<vmem>>
      %dma_start3A_2422 = arith.constant 0 : i32
      %dma_start3A_2423 = tpu.memref_slice %dma_start3A_2421[%dma_start3A_2406, %dma_start3A_2422] : memref<16x50xi32, #tpu.memory_space<vmem>> -> memref<1x50xi32, #tpu.memory_space<vmem>>
      %dma_start3A_2424 = tpu.memref_squeeze %dma_start3A_2423 : memref<1x50xi32, #tpu.memory_space<vmem>> -> memref<50xi32, #tpu.memory_space<vmem>>
      %dma_start3A_2425 = arith.constant 0 : i32
      %dma_start3A_2426 = arith.constant 0 : i32
      %dma_start3A_2427 = tpu.memref_slice %arg2[%dma_start3A_2425, %dma_start3A_2426] : memref<1015808x32xf32, #tpu.memory_space<hbm>> -> memref<1015808x32xf32, #tpu.memory_space<hbm>>
      tpu.enqueue_indirect_dma source(%dma_start3A_2427 : memref<1015808x32xf32, #tpu.memory_space<hbm>>) target(%dma_start3A_2417 : memref<50x32xf32, #tpu.memory_space<vmem>>) offsets(%dma_start3A_2424 : memref<50xi32, #tpu.memory_space<vmem>>) semaphore(%arg7 : memref<!tpu.dma_semaphore, #tpu.memory_space<semaphore_mem>>)
      %dma_start3A_2428 = arith.constant 0 : i32
      %dma_start3A_2429 = arith.constant 8 : i32
      %dma_start3A_2430 = arith.constant 0 : i32
      %dma_start3A_2431 = arith.constant 8 : i32
      %dma_start3A_2432 = arith.constant 0 : i32
      %dma_start3A_2433 = arith.constant 0 : i32
      %dma_start3A_2434 = arith.constant 0 : i32
      %dma_start3A_2435 = tpu.memref_slice %arg6[%dma_start3A_2430, %dma_start3A_2432, %dma_start3A_2433, %dma_start3A_2434] : memref<2x16x50x32xf32, #tpu.memory_space<vmem>> -> memref<1x16x50x32xf32, #tpu.memory_space<vmem>>
      %dma_start3A_2436 = tpu.memref_squeeze %dma_start3A_2435 : memref<1x16x50x32xf32, #tpu.memory_space<vmem>> -> memref<16x50x32xf32, #tpu.memory_space<vmem>>
      %dma_start3A_2437 = arith.constant 0 : i32
      %dma_start3A_2438 = arith.constant 0 : i32
      %dma_start3A_2439 = tpu.memref_slice %dma_start3A_2436[%dma_start3A_2431, %dma_start3A_2437, %dma_start3A_2438] : memref<16x50x32xf32, #tpu.memory_space<vmem>> -> memref<1x50x32xf32, #tpu.memory_space<vmem>>
      %dma_start3A_2440 = tpu.memref_squeeze %dma_start3A_2439 : memref<1x50x32xf32, #tpu.memory_space<vmem>> -> memref<50x32xf32, #tpu.memory_space<vmem>>
      %dma_start3A_2441 = arith.constant 0 : i32
      %dma_start3A_2442 = arith.constant 0 : i32
      %dma_start3A_2443 = tpu.memref_slice %arg5[%dma_start3A_2428, %dma_start3A_2441, %dma_start3A_2442] : memref<2x16x50xi32, #tpu.memory_space<vmem>> -> memref<1x16x50xi32, #tpu.memory_space<vmem>>
      %dma_start3A_2444 = tpu.memref_squeeze %dma_start3A_2443 : memref<1x16x50xi32, #tpu.memory_space<vmem>> -> memref<16x50xi32, #tpu.memory_space<vmem>>
      %dma_start3A_2445 = arith.constant 0 : i32
      %dma_start3A_2446 = tpu.memref_slice %dma_start3A_2444[%dma_start3A_2429, %dma_start3A_2445] : memref<16x50xi32, #tpu.memory_space<vmem>> -> memref<1x50xi32, #tpu.memory_space<vmem>>
      %dma_start3A_2447 = tpu.memref_squeeze %dma_start3A_2446 : memref<1x50xi32, #tpu.memory_space<vmem>> -> memref<50xi32, #tpu.memory_space<vmem>>
      %dma_start3A_2448 = arith.constant 0 : i32
      %dma_start3A_2449 = arith.constant 0 : i32
      %dma_start3A_2450 = tpu.memref_slice %arg2[%dma_start3A_2448, %dma_start3A_2449] : memref<1015808x32xf32, #tpu.memory_space<hbm>> -> memref<1015808x32xf32, #tpu.memory_space<hbm>>
      tpu.enqueue_indirect_dma source(%dma_start3A_2450 : memref<1015808x32xf32, #tpu.memory_space<hbm>>) target(%dma_start3A_2440 : memref<50x32xf32, #tpu.memory_space<vmem>>) offsets(%dma_start3A_2447 : memref<50xi32, #tpu.memory_space<vmem>>) semaphore(%arg7 : memref<!tpu.dma_semaphore, #tpu.memory_space<semaphore_mem>>)
      %dma_start3A_2451 = arith.constant 0 : i32
      %dma_start3A_2452 = arith.constant 9 : i32
      %dma_start3A_2453 = arith.constant 0 : i32
      %dma_start3A_2454 = arith.constant 9 : i32
      %dma_start3A_2455 = arith.constant 0 : i32
      %dma_start3A_2456 = arith.constant 0 : i32
      %dma_start3A_2457 = arith.constant 0 : i32
      %dma_start3A_2458 = tpu.memref_slice %arg6[%dma_start3A_2453, %dma_start3A_2455, %dma_start3A_2456, %dma_start3A_2457] : memref<2x16x50x32xf32, #tpu.memory_space<vmem>> -> memref<1x16x50x32xf32, #tpu.memory_space<vmem>>
      %dma_start3A_2459 = tpu.memref_squeeze %dma_start3A_2458 : memref<1x16x50x32xf32, #tpu.memory_space<vmem>> -> memref<16x50x32xf32, #tpu.memory_space<vmem>>
      %dma_start3A_2460 = arith.constant 0 : i32
      %dma_start3A_2461 = arith.constant 0 : i32
      %dma_start3A_2462 = tpu.memref_slice %dma_start3A_2459[%dma_start3A_2454, %dma_start3A_2460, %dma_start3A_2461] : memref<16x50x32xf32, #tpu.memory_space<vmem>> -> memref<1x50x32xf32, #tpu.memory_space<vmem>>
      %dma_start3A_2463 = tpu.memref_squeeze %dma_start3A_2462 : memref<1x50x32xf32, #tpu.memory_space<vmem>> -> memref<50x32xf32, #tpu.memory_space<vmem>>
      %dma_start3A_2464 = arith.constant 0 : i32
      %dma_start3A_2465 = arith.constant 0 : i32
      %dma_start3A_2466 = tpu.memref_slice %arg5[%dma_start3A_2451, %dma_start3A_2464, %dma_start3A_2465] : memref<2x16x50xi32, #tpu.memory_space<vmem>> -> memref<1x16x50xi32, #tpu.memory_space<vmem>>
      %dma_start3A_2467 = tpu.memref_squeeze %dma_start3A_2466 : memref<1x16x50xi32, #tpu.memory_space<vmem>> -> memref<16x50xi32, #tpu.memory_space<vmem>>
      %dma_start3A_2468 = arith.constant 0 : i32
      %dma_start3A_2469 = tpu.memref_slice %dma_start3A_2467[%dma_start3A_2452, %dma_start3A_2468] : memref<16x50xi32, #tpu.memory_space<vmem>> -> memref<1x50xi32, #tpu.memory_space<vmem>>
      %dma_start3A_2470 = tpu.memref_squeeze %dma_start3A_2469 : memref<1x50xi32, #tpu.memory_space<vmem>> -> memref<50xi32, #tpu.memory_space<vmem>>
      %dma_start3A_2471 = arith.constant 0 : i32
      %dma_start3A_2472 = arith.constant 0 : i32
      %dma_start3A_2473 = tpu.memref_slice %arg2[%dma_start3A_2471, %dma_start3A_2472] : memref<1015808x32xf32, #tpu.memory_space<hbm>> -> memref<1015808x32xf32, #tpu.memory_space<hbm>>
      tpu.enqueue_indirect_dma source(%dma_start3A_2473 : memref<1015808x32xf32, #tpu.memory_space<hbm>>) target(%dma_start3A_2463 : memref<50x32xf32, #tpu.memory_space<vmem>>) offsets(%dma_start3A_2470 : memref<50xi32, #tpu.memory_space<vmem>>) semaphore(%arg7 : memref<!tpu.dma_semaphore, #tpu.memory_space<semaphore_mem>>)
      %dma_start3A_2474 = arith.constant 0 : i32
      %dma_start3A_2475 = arith.constant 10 : i32
      %dma_start3A_2476 = arith.constant 0 : i32
      %dma_start3A_2477 = arith.constant 10 : i32
      %dma_start3A_2478 = arith.constant 0 : i32
      %dma_start3A_2479 = arith.constant 0 : i32
      %dma_start3A_2480 = arith.constant 0 : i32
      %dma_start3A_2481 = tpu.memref_slice %arg6[%dma_start3A_2476, %dma_start3A_2478, %dma_start3A_2479, %dma_start3A_2480] : memref<2x16x50x32xf32, #tpu.memory_space<vmem>> -> memref<1x16x50x32xf32, #tpu.memory_space<vmem>>
      %dma_start3A_2482 = tpu.memref_squeeze %dma_start3A_2481 : memref<1x16x50x32xf32, #tpu.memory_space<vmem>> -> memref<16x50x32xf32, #tpu.memory_space<vmem>>
      %dma_start3A_2483 = arith.constant 0 : i32
      %dma_start3A_2484 = arith.constant 0 : i32
      %dma_start3A_2485 = tpu.memref_slice %dma_start3A_2482[%dma_start3A_2477, %dma_start3A_2483, %dma_start3A_2484] : memref<16x50x32xf32, #tpu.memory_space<vmem>> -> memref<1x50x32xf32, #tpu.memory_space<vmem>>
      %dma_start3A_2486 = tpu.memref_squeeze %dma_start3A_2485 : memref<1x50x32xf32, #tpu.memory_space<vmem>> -> memref<50x32xf32, #tpu.memory_space<vmem>>
      %dma_start3A_2487 = arith.constant 0 : i32
      %dma_start3A_2488 = arith.constant 0 : i32
      %dma_start3A_2489 = tpu.memref_slice %arg5[%dma_start3A_2474, %dma_start3A_2487, %dma_start3A_2488] : memref<2x16x50xi32, #tpu.memory_space<vmem>> -> memref<1x16x50xi32, #tpu.memory_space<vmem>>
      %dma_start3A_2490 = tpu.memref_squeeze %dma_start3A_2489 : memref<1x16x50xi32, #tpu.memory_space<vmem>> -> memref<16x50xi32, #tpu.memory_space<vmem>>
      %dma_start3A_2491 = arith.constant 0 : i32
      %dma_start3A_2492 = tpu.memref_slice %dma_start3A_2490[%dma_start3A_2475, %dma_start3A_2491] : memref<16x50xi32, #tpu.memory_space<vmem>> -> memref<1x50xi32, #tpu.memory_space<vmem>>
      %dma_start3A_2493 = tpu.memref_squeeze %dma_start3A_2492 : memref<1x50xi32, #tpu.memory_space<vmem>> -> memref<50xi32, #tpu.memory_space<vmem>>
      %dma_start3A_2494 = arith.constant 0 : i32
      %dma_start3A_2495 = arith.constant 0 : i32
      %dma_start3A_2496 = tpu.memref_slice %arg2[%dma_start3A_2494, %dma_start3A_2495] : memref<1015808x32xf32, #tpu.memory_space<hbm>> -> memref<1015808x32xf32, #tpu.memory_space<hbm>>
      tpu.enqueue_indirect_dma source(%dma_start3A_2496 : memref<1015808x32xf32, #tpu.memory_space<hbm>>) target(%dma_start3A_2486 : memref<50x32xf32, #tpu.memory_space<vmem>>) offsets(%dma_start3A_2493 : memref<50xi32, #tpu.memory_space<vmem>>) semaphore(%arg7 : memref<!tpu.dma_semaphore, #tpu.memory_space<semaphore_mem>>)
      %dma_start3A_2497 = arith.constant 0 : i32
      %dma_start3A_2498 = arith.constant 11 : i32
      %dma_start3A_2499 = arith.constant 0 : i32
      %dma_start3A_2500 = arith.constant 11 : i32
      %dma_start3A_2501 = arith.constant 0 : i32
      %dma_start3A_2502 = arith.constant 0 : i32
      %dma_start3A_2503 = arith.constant 0 : i32
      %dma_start3A_2504 = tpu.memref_slice %arg6[%dma_start3A_2499, %dma_start3A_2501, %dma_start3A_2502, %dma_start3A_2503] : memref<2x16x50x32xf32, #tpu.memory_space<vmem>> -> memref<1x16x50x32xf32, #tpu.memory_space<vmem>>
      %dma_start3A_2505 = tpu.memref_squeeze %dma_start3A_2504 : memref<1x16x50x32xf32, #tpu.memory_space<vmem>> -> memref<16x50x32xf32, #tpu.memory_space<vmem>>
      %dma_start3A_2506 = arith.constant 0 : i32
      %dma_start3A_2507 = arith.constant 0 : i32
      %dma_start3A_2508 = tpu.memref_slice %dma_start3A_2505[%dma_start3A_2500, %dma_start3A_2506, %dma_start3A_2507] : memref<16x50x32xf32, #tpu.memory_space<vmem>> -> memref<1x50x32xf32, #tpu.memory_space<vmem>>
      %dma_start3A_2509 = tpu.memref_squeeze %dma_start3A_2508 : memref<1x50x32xf32, #tpu.memory_space<vmem>> -> memref<50x32xf32, #tpu.memory_space<vmem>>
      %dma_start3A_2510 = arith.constant 0 : i32
      %dma_start3A_2511 = arith.constant 0 : i32
      %dma_start3A_2512 = tpu.memref_slice %arg5[%dma_start3A_2497, %dma_start3A_2510, %dma_start3A_2511] : memref<2x16x50xi32, #tpu.memory_space<vmem>> -> memref<1x16x50xi32, #tpu.memory_space<vmem>>
      %dma_start3A_2513 = tpu.memref_squeeze %dma_start3A_2512 : memref<1x16x50xi32, #tpu.memory_space<vmem>> -> memref<16x50xi32, #tpu.memory_space<vmem>>
      %dma_start3A_2514 = arith.constant 0 : i32
      %dma_start3A_2515 = tpu.memref_slice %dma_start3A_2513[%dma_start3A_2498, %dma_start3A_2514] : memref<16x50xi32, #tpu.memory_space<vmem>> -> memref<1x50xi32, #tpu.memory_space<vmem>>
      %dma_start3A_2516 = tpu.memref_squeeze %dma_start3A_2515 : memref<1x50xi32, #tpu.memory_space<vmem>> -> memref<50xi32, #tpu.memory_space<vmem>>
      %dma_start3A_2517 = arith.constant 0 : i32
      %dma_start3A_2518 = arith.constant 0 : i32
      %dma_start3A_2519 = tpu.memref_slice %arg2[%dma_start3A_2517, %dma_start3A_2518] : memref<1015808x32xf32, #tpu.memory_space<hbm>> -> memref<1015808x32xf32, #tpu.memory_space<hbm>>
      tpu.enqueue_indirect_dma source(%dma_start3A_2519 : memref<1015808x32xf32, #tpu.memory_space<hbm>>) target(%dma_start3A_2509 : memref<50x32xf32, #tpu.memory_space<vmem>>) offsets(%dma_start3A_2516 : memref<50xi32, #tpu.memory_space<vmem>>) semaphore(%arg7 : memref<!tpu.dma_semaphore, #tpu.memory_space<semaphore_mem>>)
      %dma_start3A_2520 = arith.constant 0 : i32
      %dma_start3A_2521 = arith.constant 12 : i32
      %dma_start3A_2522 = arith.constant 0 : i32
      %dma_start3A_2523 = arith.constant 12 : i32
      %dma_start3A_2524 = arith.constant 0 : i32
      %dma_start3A_2525 = arith.constant 0 : i32
      %dma_start3A_2526 = arith.constant 0 : i32
      %dma_start3A_2527 = tpu.memref_slice %arg6[%dma_start3A_2522, %dma_start3A_2524, %dma_start3A_2525, %dma_start3A_2526] : memref<2x16x50x32xf32, #tpu.memory_space<vmem>> -> memref<1x16x50x32xf32, #tpu.memory_space<vmem>>
      %dma_start3A_2528 = tpu.memref_squeeze %dma_start3A_2527 : memref<1x16x50x32xf32, #tpu.memory_space<vmem>> -> memref<16x50x32xf32, #tpu.memory_space<vmem>>
      %dma_start3A_2529 = arith.constant 0 : i32
      %dma_start3A_2530 = arith.constant 0 : i32
      %dma_start3A_2531 = tpu.memref_slice %dma_start3A_2528[%dma_start3A_2523, %dma_start3A_2529, %dma_start3A_2530] : memref<16x50x32xf32, #tpu.memory_space<vmem>> -> memref<1x50x32xf32, #tpu.memory_space<vmem>>
      %dma_start3A_2532 = tpu.memref_squeeze %dma_start3A_2531 : memref<1x50x32xf32, #tpu.memory_space<vmem>> -> memref<50x32xf32, #tpu.memory_space<vmem>>
      %dma_start3A_2533 = arith.constant 0 : i32
      %dma_start3A_2534 = arith.constant 0 : i32
      %dma_start3A_2535 = tpu.memref_slice %arg5[%dma_start3A_2520, %dma_start3A_2533, %dma_start3A_2534] : memref<2x16x50xi32, #tpu.memory_space<vmem>> -> memref<1x16x50xi32, #tpu.memory_space<vmem>>
      %dma_start3A_2536 = tpu.memref_squeeze %dma_start3A_2535 : memref<1x16x50xi32, #tpu.memory_space<vmem>> -> memref<16x50xi32, #tpu.memory_space<vmem>>
      %dma_start3A_2537 = arith.constant 0 : i32
      %dma_start3A_2538 = tpu.memref_slice %dma_start3A_2536[%dma_start3A_2521, %dma_start3A_2537] : memref<16x50xi32, #tpu.memory_space<vmem>> -> memref<1x50xi32, #tpu.memory_space<vmem>>
      %dma_start3A_2539 = tpu.memref_squeeze %dma_start3A_2538 : memref<1x50xi32, #tpu.memory_space<vmem>> -> memref<50xi32, #tpu.memory_space<vmem>>
      %dma_start3A_2540 = arith.constant 0 : i32
      %dma_start3A_2541 = arith.constant 0 : i32
      %dma_start3A_2542 = tpu.memref_slice %arg2[%dma_start3A_2540, %dma_start3A_2541] : memref<1015808x32xf32, #tpu.memory_space<hbm>> -> memref<1015808x32xf32, #tpu.memory_space<hbm>>
      tpu.enqueue_indirect_dma source(%dma_start3A_2542 : memref<1015808x32xf32, #tpu.memory_space<hbm>>) target(%dma_start3A_2532 : memref<50x32xf32, #tpu.memory_space<vmem>>) offsets(%dma_start3A_2539 : memref<50xi32, #tpu.memory_space<vmem>>) semaphore(%arg7 : memref<!tpu.dma_semaphore, #tpu.memory_space<semaphore_mem>>)
      %dma_start3A_2543 = arith.constant 0 : i32
      %dma_start3A_2544 = arith.constant 13 : i32
      %dma_start3A_2545 = arith.constant 0 : i32
      %dma_start3A_2546 = arith.constant 13 : i32
      %dma_start3A_2547 = arith.constant 0 : i32
      %dma_start3A_2548 = arith.constant 0 : i32
      %dma_start3A_2549 = arith.constant 0 : i32
      %dma_start3A_2550 = tpu.memref_slice %arg6[%dma_start3A_2545, %dma_start3A_2547, %dma_start3A_2548, %dma_start3A_2549] : memref<2x16x50x32xf32, #tpu.memory_space<vmem>> -> memref<1x16x50x32xf32, #tpu.memory_space<vmem>>
      %dma_start3A_2551 = tpu.memref_squeeze %dma_start3A_2550 : memref<1x16x50x32xf32, #tpu.memory_space<vmem>> -> memref<16x50x32xf32, #tpu.memory_space<vmem>>
      %dma_start3A_2552 = arith.constant 0 : i32
      %dma_start3A_2553 = arith.constant 0 : i32
      %dma_start3A_2554 = tpu.memref_slice %dma_start3A_2551[%dma_start3A_2546, %dma_start3A_2552, %dma_start3A_2553] : memref<16x50x32xf32, #tpu.memory_space<vmem>> -> memref<1x50x32xf32, #tpu.memory_space<vmem>>
      %dma_start3A_2555 = tpu.memref_squeeze %dma_start3A_2554 : memref<1x50x32xf32, #tpu.memory_space<vmem>> -> memref<50x32xf32, #tpu.memory_space<vmem>>
      %dma_start3A_2556 = arith.constant 0 : i32
      %dma_start3A_2557 = arith.constant 0 : i32
      %dma_start3A_2558 = tpu.memref_slice %arg5[%dma_start3A_2543, %dma_start3A_2556, %dma_start3A_2557] : memref<2x16x50xi32, #tpu.memory_space<vmem>> -> memref<1x16x50xi32, #tpu.memory_space<vmem>>
      %dma_start3A_2559 = tpu.memref_squeeze %dma_start3A_2558 : memref<1x16x50xi32, #tpu.memory_space<vmem>> -> memref<16x50xi32, #tpu.memory_space<vmem>>
      %dma_start3A_2560 = arith.constant 0 : i32
      %dma_start3A_2561 = tpu.memref_slice %dma_start3A_2559[%dma_start3A_2544, %dma_start3A_2560] : memref<16x50xi32, #tpu.memory_space<vmem>> -> memref<1x50xi32, #tpu.memory_space<vmem>>
      %dma_start3A_2562 = tpu.memref_squeeze %dma_start3A_2561 : memref<1x50xi32, #tpu.memory_space<vmem>> -> memref<50xi32, #tpu.memory_space<vmem>>
      %dma_start3A_2563 = arith.constant 0 : i32
      %dma_start3A_2564 = arith.constant 0 : i32
      %dma_start3A_2565 = tpu.memref_slice %arg2[%dma_start3A_2563, %dma_start3A_2564] : memref<1015808x32xf32, #tpu.memory_space<hbm>> -> memref<1015808x32xf32, #tpu.memory_space<hbm>>
      tpu.enqueue_indirect_dma source(%dma_start3A_2565 : memref<1015808x32xf32, #tpu.memory_space<hbm>>) target(%dma_start3A_2555 : memref<50x32xf32, #tpu.memory_space<vmem>>) offsets(%dma_start3A_2562 : memref<50xi32, #tpu.memory_space<vmem>>) semaphore(%arg7 : memref<!tpu.dma_semaphore, #tpu.memory_space<semaphore_mem>>)
      %dma_start3A_2566 = arith.constant 0 : i32
      %dma_start3A_2567 = arith.constant 14 : i32
      %dma_start3A_2568 = arith.constant 0 : i32
      %dma_start3A_2569 = arith.constant 14 : i32
      %dma_start3A_2570 = arith.constant 0 : i32
      %dma_start3A_2571 = arith.constant 0 : i32
      %dma_start3A_2572 = arith.constant 0 : i32
      %dma_start3A_2573 = tpu.memref_slice %arg6[%dma_start3A_2568, %dma_start3A_2570, %dma_start3A_2571, %dma_start3A_2572] : memref<2x16x50x32xf32, #tpu.memory_space<vmem>> -> memref<1x16x50x32xf32, #tpu.memory_space<vmem>>
      %dma_start3A_2574 = tpu.memref_squeeze %dma_start3A_2573 : memref<1x16x50x32xf32, #tpu.memory_space<vmem>> -> memref<16x50x32xf32, #tpu.memory_space<vmem>>
      %dma_start3A_2575 = arith.constant 0 : i32
      %dma_start3A_2576 = arith.constant 0 : i32
      %dma_start3A_2577 = tpu.memref_slice %dma_start3A_2574[%dma_start3A_2569, %dma_start3A_2575, %dma_start3A_2576] : memref<16x50x32xf32, #tpu.memory_space<vmem>> -> memref<1x50x32xf32, #tpu.memory_space<vmem>>
      %dma_start3A_2578 = tpu.memref_squeeze %dma_start3A_2577 : memref<1x50x32xf32, #tpu.memory_space<vmem>> -> memref<50x32xf32, #tpu.memory_space<vmem>>
      %dma_start3A_2579 = arith.constant 0 : i32
      %dma_start3A_2580 = arith.constant 0 : i32
      %dma_start3A_2581 = tpu.memref_slice %arg5[%dma_start3A_2566, %dma_start3A_2579, %dma_start3A_2580] : memref<2x16x50xi32, #tpu.memory_space<vmem>> -> memref<1x16x50xi32, #tpu.memory_space<vmem>>
      %dma_start3A_2582 = tpu.memref_squeeze %dma_start3A_2581 : memref<1x16x50xi32, #tpu.memory_space<vmem>> -> memref<16x50xi32, #tpu.memory_space<vmem>>
      %dma_start3A_2583 = arith.constant 0 : i32
      %dma_start3A_2584 = tpu.memref_slice %dma_start3A_2582[%dma_start3A_2567, %dma_start3A_2583] : memref<16x50xi32, #tpu.memory_space<vmem>> -> memref<1x50xi32, #tpu.memory_space<vmem>>
      %dma_start3A_2585 = tpu.memref_squeeze %dma_start3A_2584 : memref<1x50xi32, #tpu.memory_space<vmem>> -> memref<50xi32, #tpu.memory_space<vmem>>
      %dma_start3A_2586 = arith.constant 0 : i32
      %dma_start3A_2587 = arith.constant 0 : i32
      %dma_start3A_2588 = tpu.memref_slice %arg2[%dma_start3A_2586, %dma_start3A_2587] : memref<1015808x32xf32, #tpu.memory_space<hbm>> -> memref<1015808x32xf32, #tpu.memory_space<hbm>>
      tpu.enqueue_indirect_dma source(%dma_start3A_2588 : memref<1015808x32xf32, #tpu.memory_space<hbm>>) target(%dma_start3A_2578 : memref<50x32xf32, #tpu.memory_space<vmem>>) offsets(%dma_start3A_2585 : memref<50xi32, #tpu.memory_space<vmem>>) semaphore(%arg7 : memref<!tpu.dma_semaphore, #tpu.memory_space<semaphore_mem>>)
      %dma_start3A_2589 = arith.constant 0 : i32
      %dma_start3A_2590 = arith.constant 15 : i32
      %dma_start3A_2591 = arith.constant 0 : i32
      %dma_start3A_2592 = arith.constant 15 : i32
      %dma_start3A_2593 = arith.constant 0 : i32
      %dma_start3A_2594 = arith.constant 0 : i32
      %dma_start3A_2595 = arith.constant 0 : i32
      %dma_start3A_2596 = tpu.memref_slice %arg6[%dma_start3A_2591, %dma_start3A_2593, %dma_start3A_2594, %dma_start3A_2595] : memref<2x16x50x32xf32, #tpu.memory_space<vmem>> -> memref<1x16x50x32xf32, #tpu.memory_space<vmem>>
      %dma_start3A_2597 = tpu.memref_squeeze %dma_start3A_2596 : memref<1x16x50x32xf32, #tpu.memory_space<vmem>> -> memref<16x50x32xf32, #tpu.memory_space<vmem>>
      %dma_start3A_2598 = arith.constant 0 : i32
      %dma_start3A_2599 = arith.constant 0 : i32
      %dma_start3A_2600 = tpu.memref_slice %dma_start3A_2597[%dma_start3A_2592, %dma_start3A_2598, %dma_start3A_2599] : memref<16x50x32xf32, #tpu.memory_space<vmem>> -> memref<1x50x32xf32, #tpu.memory_space<vmem>>
      %dma_start3A_2601 = tpu.memref_squeeze %dma_start3A_2600 : memref<1x50x32xf32, #tpu.memory_space<vmem>> -> memref<50x32xf32, #tpu.memory_space<vmem>>
      %dma_start3A_2602 = arith.constant 0 : i32
      %dma_start3A_2603 = arith.constant 0 : i32
      %dma_start3A_2604 = tpu.memref_slice %arg5[%dma_start3A_2589, %dma_start3A_2602, %dma_start3A_2603] : memref<2x16x50xi32, #tpu.memory_space<vmem>> -> memref<1x16x50xi32, #tpu.memory_space<vmem>>
      %dma_start3A_2605 = tpu.memref_squeeze %dma_start3A_2604 : memref<1x16x50xi32, #tpu.memory_space<vmem>> -> memref<16x50xi32, #tpu.memory_space<vmem>>
      %dma_start3A_2606 = arith.constant 0 : i32
      %dma_start3A_2607 = tpu.memref_slice %dma_start3A_2605[%dma_start3A_2590, %dma_start3A_2606] : memref<16x50xi32, #tpu.memory_space<vmem>> -> memref<1x50xi32, #tpu.memory_space<vmem>>
      %dma_start3A_2608 = tpu.memref_squeeze %dma_start3A_2607 : memref<1x50xi32, #tpu.memory_space<vmem>> -> memref<50xi32, #tpu.memory_space<vmem>>
      %dma_start3A_2609 = arith.constant 0 : i32
      %dma_start3A_2610 = arith.constant 0 : i32
      %dma_start3A_2611 = tpu.memref_slice %arg2[%dma_start3A_2609, %dma_start3A_2610] : memref<1015808x32xf32, #tpu.memory_space<hbm>> -> memref<1015808x32xf32, #tpu.memory_space<hbm>>
      tpu.enqueue_indirect_dma source(%dma_start3A_2611 : memref<1015808x32xf32, #tpu.memory_space<hbm>>) target(%dma_start3A_2601 : memref<50x32xf32, #tpu.memory_space<vmem>>) offsets(%dma_start3A_2608 : memref<50xi32, #tpu.memory_space<vmem>>) semaphore(%arg7 : memref<!tpu.dma_semaphore, #tpu.memory_space<semaphore_mem>>)
      %add3A_2612 = arith.constant 1 : i32
      %add3A_2613 = arith.addi %mul3A_1555, %add3A_2612 : i32
      %dma_wait3A_2614 = arith.constant 1 : i32
      %dma_wait3A_2615 = arith.constant 0 : i32
      %dma_wait3A_2616 = arith.constant 1 : i32
      %dma_wait3A_2617 = arith.constant 0 : i32
      %dma_wait3A_2618 = arith.constant 0 : i32
      %dma_wait3A_2619 = arith.constant 0 : i32
      %dma_wait3A_2620 = arith.constant 0 : i32
      %dma_wait3A_2621 = tpu.memref_slice %arg6[%dma_wait3A_2616, %dma_wait3A_2618, %dma_wait3A_2619, %dma_wait3A_2620] : memref<2x16x50x32xf32, #tpu.memory_space<vmem>> -> memref<1x16x50x32xf32, #tpu.memory_space<vmem>>
      %dma_wait3A_2622 = tpu.memref_squeeze %dma_wait3A_2621 : memref<1x16x50x32xf32, #tpu.memory_space<vmem>> -> memref<16x50x32xf32, #tpu.memory_space<vmem>>
      %dma_wait3A_2623 = arith.constant 0 : i32
      %dma_wait3A_2624 = arith.constant 0 : i32
      %dma_wait3A_2625 = tpu.memref_slice %dma_wait3A_2622[%dma_wait3A_2617, %dma_wait3A_2623, %dma_wait3A_2624] : memref<16x50x32xf32, #tpu.memory_space<vmem>> -> memref<1x50x32xf32, #tpu.memory_space<vmem>>
      %dma_wait3A_2626 = tpu.memref_squeeze %dma_wait3A_2625 : memref<1x50x32xf32, #tpu.memory_space<vmem>> -> memref<50x32xf32, #tpu.memory_space<vmem>>
      %dma_wait3A_2627 = arith.constant 0 : i32
      %dma_wait3A_2628 = arith.constant 0 : i32
      %dma_wait3A_2629 = tpu.memref_slice %arg5[%dma_wait3A_2614, %dma_wait3A_2627, %dma_wait3A_2628] : memref<2x16x50xi32, #tpu.memory_space<vmem>> -> memref<1x16x50xi32, #tpu.memory_space<vmem>>
      %dma_wait3A_2630 = tpu.memref_squeeze %dma_wait3A_2629 : memref<1x16x50xi32, #tpu.memory_space<vmem>> -> memref<16x50xi32, #tpu.memory_space<vmem>>
      %dma_wait3A_2631 = arith.constant 0 : i32
      %dma_wait3A_2632 = tpu.memref_slice %dma_wait3A_2630[%dma_wait3A_2615, %dma_wait3A_2631] : memref<16x50xi32, #tpu.memory_space<vmem>> -> memref<1x50xi32, #tpu.memory_space<vmem>>
      %dma_wait3A_2633 = tpu.memref_squeeze %dma_wait3A_2632 : memref<1x50xi32, #tpu.memory_space<vmem>> -> memref<50xi32, #tpu.memory_space<vmem>>
      %dma_wait3A_2634 = arith.constant 0 : i32
      %dma_wait3A_2635 = arith.constant 0 : i32
      %dma_wait3A_2636 = tpu.memref_slice %arg2[%dma_wait3A_2634, %dma_wait3A_2635] : memref<1015808x32xf32, #tpu.memory_space<hbm>> -> memref<1015808x32xf32, #tpu.memory_space<hbm>>
      tpu.wait_indirect_dma semaphore(%arg8 : memref<!tpu.dma_semaphore, #tpu.memory_space<semaphore_mem>>) src(%dma_wait3A_2636 : memref<1015808x32xf32, #tpu.memory_space<hbm>>) dst(%dma_wait3A_2626 : memref<50x32xf32, #tpu.memory_space<vmem>>)
      %dma_wait3A_2637 = arith.constant 1 : i32
      %dma_wait3A_2638 = arith.constant 1 : i32
      %dma_wait3A_2639 = arith.constant 1 : i32
      %dma_wait3A_2640 = arith.constant 1 : i32
      %dma_wait3A_2641 = arith.constant 0 : i32
      %dma_wait3A_2642 = arith.constant 0 : i32
      %dma_wait3A_2643 = arith.constant 0 : i32
      %dma_wait3A_2644 = tpu.memref_slice %arg6[%dma_wait3A_2639, %dma_wait3A_2641, %dma_wait3A_2642, %dma_wait3A_2643] : memref<2x16x50x32xf32, #tpu.memory_space<vmem>> -> memref<1x16x50x32xf32, #tpu.memory_space<vmem>>
      %dma_wait3A_2645 = tpu.memref_squeeze %dma_wait3A_2644 : memref<1x16x50x32xf32, #tpu.memory_space<vmem>> -> memref<16x50x32xf32, #tpu.memory_space<vmem>>
      %dma_wait3A_2646 = arith.constant 0 : i32
      %dma_wait3A_2647 = arith.constant 0 : i32
      %dma_wait3A_2648 = tpu.memref_slice %dma_wait3A_2645[%dma_wait3A_2640, %dma_wait3A_2646, %dma_wait3A_2647] : memref<16x50x32xf32, #tpu.memory_space<vmem>> -> memref<1x50x32xf32, #tpu.memory_space<vmem>>
      %dma_wait3A_2649 = tpu.memref_squeeze %dma_wait3A_2648 : memref<1x50x32xf32, #tpu.memory_space<vmem>> -> memref<50x32xf32, #tpu.memory_space<vmem>>
      %dma_wait3A_2650 = arith.constant 0 : i32
      %dma_wait3A_2651 = arith.constant 0 : i32
      %dma_wait3A_2652 = tpu.memref_slice %arg5[%dma_wait3A_2637, %dma_wait3A_2650, %dma_wait3A_2651] : memref<2x16x50xi32, #tpu.memory_space<vmem>> -> memref<1x16x50xi32, #tpu.memory_space<vmem>>
      %dma_wait3A_2653 = tpu.memref_squeeze %dma_wait3A_2652 : memref<1x16x50xi32, #tpu.memory_space<vmem>> -> memref<16x50xi32, #tpu.memory_space<vmem>>
      %dma_wait3A_2654 = arith.constant 0 : i32
      %dma_wait3A_2655 = tpu.memref_slice %dma_wait3A_2653[%dma_wait3A_2638, %dma_wait3A_2654] : memref<16x50xi32, #tpu.memory_space<vmem>> -> memref<1x50xi32, #tpu.memory_space<vmem>>
      %dma_wait3A_2656 = tpu.memref_squeeze %dma_wait3A_2655 : memref<1x50xi32, #tpu.memory_space<vmem>> -> memref<50xi32, #tpu.memory_space<vmem>>
      %dma_wait3A_2657 = arith.constant 0 : i32
      %dma_wait3A_2658 = arith.constant 0 : i32
      %dma_wait3A_2659 = tpu.memref_slice %arg2[%dma_wait3A_2657, %dma_wait3A_2658] : memref<1015808x32xf32, #tpu.memory_space<hbm>> -> memref<1015808x32xf32, #tpu.memory_space<hbm>>
      tpu.wait_indirect_dma semaphore(%arg8 : memref<!tpu.dma_semaphore, #tpu.memory_space<semaphore_mem>>) src(%dma_wait3A_2659 : memref<1015808x32xf32, #tpu.memory_space<hbm>>) dst(%dma_wait3A_2649 : memref<50x32xf32, #tpu.memory_space<vmem>>)
      %dma_wait3A_2660 = arith.constant 1 : i32
      %dma_wait3A_2661 = arith.constant 2 : i32
      %dma_wait3A_2662 = arith.constant 1 : i32
      %dma_wait3A_2663 = arith.constant 2 : i32
      %dma_wait3A_2664 = arith.constant 0 : i32
      %dma_wait3A_2665 = arith.constant 0 : i32
      %dma_wait3A_2666 = arith.constant 0 : i32
      %dma_wait3A_2667 = tpu.memref_slice %arg6[%dma_wait3A_2662, %dma_wait3A_2664, %dma_wait3A_2665, %dma_wait3A_2666] : memref<2x16x50x32xf32, #tpu.memory_space<vmem>> -> memref<1x16x50x32xf32, #tpu.memory_space<vmem>>
      %dma_wait3A_2668 = tpu.memref_squeeze %dma_wait3A_2667 : memref<1x16x50x32xf32, #tpu.memory_space<vmem>> -> memref<16x50x32xf32, #tpu.memory_space<vmem>>
      %dma_wait3A_2669 = arith.constant 0 : i32
      %dma_wait3A_2670 = arith.constant 0 : i32
      %dma_wait3A_2671 = tpu.memref_slice %dma_wait3A_2668[%dma_wait3A_2663, %dma_wait3A_2669, %dma_wait3A_2670] : memref<16x50x32xf32, #tpu.memory_space<vmem>> -> memref<1x50x32xf32, #tpu.memory_space<vmem>>
      %dma_wait3A_2672 = tpu.memref_squeeze %dma_wait3A_2671 : memref<1x50x32xf32, #tpu.memory_space<vmem>> -> memref<50x32xf32, #tpu.memory_space<vmem>>
      %dma_wait3A_2673 = arith.constant 0 : i32
      %dma_wait3A_2674 = arith.constant 0 : i32
      %dma_wait3A_2675 = tpu.memref_slice %arg5[%dma_wait3A_2660, %dma_wait3A_2673, %dma_wait3A_2674] : memref<2x16x50xi32, #tpu.memory_space<vmem>> -> memref<1x16x50xi32, #tpu.memory_space<vmem>>
      %dma_wait3A_2676 = tpu.memref_squeeze %dma_wait3A_2675 : memref<1x16x50xi32, #tpu.memory_space<vmem>> -> memref<16x50xi32, #tpu.memory_space<vmem>>
      %dma_wait3A_2677 = arith.constant 0 : i32
      %dma_wait3A_2678 = tpu.memref_slice %dma_wait3A_2676[%dma_wait3A_2661, %dma_wait3A_2677] : memref<16x50xi32, #tpu.memory_space<vmem>> -> memref<1x50xi32, #tpu.memory_space<vmem>>
      %dma_wait3A_2679 = tpu.memref_squeeze %dma_wait3A_2678 : memref<1x50xi32, #tpu.memory_space<vmem>> -> memref<50xi32, #tpu.memory_space<vmem>>
      %dma_wait3A_2680 = arith.constant 0 : i32
      %dma_wait3A_2681 = arith.constant 0 : i32
      %dma_wait3A_2682 = tpu.memref_slice %arg2[%dma_wait3A_2680, %dma_wait3A_2681] : memref<1015808x32xf32, #tpu.memory_space<hbm>> -> memref<1015808x32xf32, #tpu.memory_space<hbm>>
      tpu.wait_indirect_dma semaphore(%arg8 : memref<!tpu.dma_semaphore, #tpu.memory_space<semaphore_mem>>) src(%dma_wait3A_2682 : memref<1015808x32xf32, #tpu.memory_space<hbm>>) dst(%dma_wait3A_2672 : memref<50x32xf32, #tpu.memory_space<vmem>>)
      %dma_wait3A_2683 = arith.constant 1 : i32
      %dma_wait3A_2684 = arith.constant 3 : i32
      %dma_wait3A_2685 = arith.constant 1 : i32
      %dma_wait3A_2686 = arith.constant 3 : i32
      %dma_wait3A_2687 = arith.constant 0 : i32
      %dma_wait3A_2688 = arith.constant 0 : i32
      %dma_wait3A_2689 = arith.constant 0 : i32
      %dma_wait3A_2690 = tpu.memref_slice %arg6[%dma_wait3A_2685, %dma_wait3A_2687, %dma_wait3A_2688, %dma_wait3A_2689] : memref<2x16x50x32xf32, #tpu.memory_space<vmem>> -> memref<1x16x50x32xf32, #tpu.memory_space<vmem>>
      %dma_wait3A_2691 = tpu.memref_squeeze %dma_wait3A_2690 : memref<1x16x50x32xf32, #tpu.memory_space<vmem>> -> memref<16x50x32xf32, #tpu.memory_space<vmem>>
      %dma_wait3A_2692 = arith.constant 0 : i32
      %dma_wait3A_2693 = arith.constant 0 : i32
      %dma_wait3A_2694 = tpu.memref_slice %dma_wait3A_2691[%dma_wait3A_2686, %dma_wait3A_2692, %dma_wait3A_2693] : memref<16x50x32xf32, #tpu.memory_space<vmem>> -> memref<1x50x32xf32, #tpu.memory_space<vmem>>
      %dma_wait3A_2695 = tpu.memref_squeeze %dma_wait3A_2694 : memref<1x50x32xf32, #tpu.memory_space<vmem>> -> memref<50x32xf32, #tpu.memory_space<vmem>>
      %dma_wait3A_2696 = arith.constant 0 : i32
      %dma_wait3A_2697 = arith.constant 0 : i32
      %dma_wait3A_2698 = tpu.memref_slice %arg5[%dma_wait3A_2683, %dma_wait3A_2696, %dma_wait3A_2697] : memref<2x16x50xi32, #tpu.memory_space<vmem>> -> memref<1x16x50xi32, #tpu.memory_space<vmem>>
      %dma_wait3A_2699 = tpu.memref_squeeze %dma_wait3A_2698 : memref<1x16x50xi32, #tpu.memory_space<vmem>> -> memref<16x50xi32, #tpu.memory_space<vmem>>
      %dma_wait3A_2700 = arith.constant 0 : i32
      %dma_wait3A_2701 = tpu.memref_slice %dma_wait3A_2699[%dma_wait3A_2684, %dma_wait3A_2700] : memref<16x50xi32, #tpu.memory_space<vmem>> -> memref<1x50xi32, #tpu.memory_space<vmem>>
      %dma_wait3A_2702 = tpu.memref_squeeze %dma_wait3A_2701 : memref<1x50xi32, #tpu.memory_space<vmem>> -> memref<50xi32, #tpu.memory_space<vmem>>
      %dma_wait3A_2703 = arith.constant 0 : i32
      %dma_wait3A_2704 = arith.constant 0 : i32
      %dma_wait3A_2705 = tpu.memref_slice %arg2[%dma_wait3A_2703, %dma_wait3A_2704] : memref<1015808x32xf32, #tpu.memory_space<hbm>> -> memref<1015808x32xf32, #tpu.memory_space<hbm>>
      tpu.wait_indirect_dma semaphore(%arg8 : memref<!tpu.dma_semaphore, #tpu.memory_space<semaphore_mem>>) src(%dma_wait3A_2705 : memref<1015808x32xf32, #tpu.memory_space<hbm>>) dst(%dma_wait3A_2695 : memref<50x32xf32, #tpu.memory_space<vmem>>)
      %dma_wait3A_2706 = arith.constant 1 : i32
      %dma_wait3A_2707 = arith.constant 4 : i32
      %dma_wait3A_2708 = arith.constant 1 : i32
      %dma_wait3A_2709 = arith.constant 4 : i32
      %dma_wait3A_2710 = arith.constant 0 : i32
      %dma_wait3A_2711 = arith.constant 0 : i32
      %dma_wait3A_2712 = arith.constant 0 : i32
      %dma_wait3A_2713 = tpu.memref_slice %arg6[%dma_wait3A_2708, %dma_wait3A_2710, %dma_wait3A_2711, %dma_wait3A_2712] : memref<2x16x50x32xf32, #tpu.memory_space<vmem>> -> memref<1x16x50x32xf32, #tpu.memory_space<vmem>>
      %dma_wait3A_2714 = tpu.memref_squeeze %dma_wait3A_2713 : memref<1x16x50x32xf32, #tpu.memory_space<vmem>> -> memref<16x50x32xf32, #tpu.memory_space<vmem>>
      %dma_wait3A_2715 = arith.constant 0 : i32
      %dma_wait3A_2716 = arith.constant 0 : i32
      %dma_wait3A_2717 = tpu.memref_slice %dma_wait3A_2714[%dma_wait3A_2709, %dma_wait3A_2715, %dma_wait3A_2716] : memref<16x50x32xf32, #tpu.memory_space<vmem>> -> memref<1x50x32xf32, #tpu.memory_space<vmem>>
      %dma_wait3A_2718 = tpu.memref_squeeze %dma_wait3A_2717 : memref<1x50x32xf32, #tpu.memory_space<vmem>> -> memref<50x32xf32, #tpu.memory_space<vmem>>
      %dma_wait3A_2719 = arith.constant 0 : i32
      %dma_wait3A_2720 = arith.constant 0 : i32
      %dma_wait3A_2721 = tpu.memref_slice %arg5[%dma_wait3A_2706, %dma_wait3A_2719, %dma_wait3A_2720] : memref<2x16x50xi32, #tpu.memory_space<vmem>> -> memref<1x16x50xi32, #tpu.memory_space<vmem>>
      %dma_wait3A_2722 = tpu.memref_squeeze %dma_wait3A_2721 : memref<1x16x50xi32, #tpu.memory_space<vmem>> -> memref<16x50xi32, #tpu.memory_space<vmem>>
      %dma_wait3A_2723 = arith.constant 0 : i32
      %dma_wait3A_2724 = tpu.memref_slice %dma_wait3A_2722[%dma_wait3A_2707, %dma_wait3A_2723] : memref<16x50xi32, #tpu.memory_space<vmem>> -> memref<1x50xi32, #tpu.memory_space<vmem>>
      %dma_wait3A_2725 = tpu.memref_squeeze %dma_wait3A_2724 : memref<1x50xi32, #tpu.memory_space<vmem>> -> memref<50xi32, #tpu.memory_space<vmem>>
      %dma_wait3A_2726 = arith.constant 0 : i32
      %dma_wait3A_2727 = arith.constant 0 : i32
      %dma_wait3A_2728 = tpu.memref_slice %arg2[%dma_wait3A_2726, %dma_wait3A_2727] : memref<1015808x32xf32, #tpu.memory_space<hbm>> -> memref<1015808x32xf32, #tpu.memory_space<hbm>>
      tpu.wait_indirect_dma semaphore(%arg8 : memref<!tpu.dma_semaphore, #tpu.memory_space<semaphore_mem>>) src(%dma_wait3A_2728 : memref<1015808x32xf32, #tpu.memory_space<hbm>>) dst(%dma_wait3A_2718 : memref<50x32xf32, #tpu.memory_space<vmem>>)
      %dma_wait3A_2729 = arith.constant 1 : i32
      %dma_wait3A_2730 = arith.constant 5 : i32
      %dma_wait3A_2731 = arith.constant 1 : i32
      %dma_wait3A_2732 = arith.constant 5 : i32
      %dma_wait3A_2733 = arith.constant 0 : i32
      %dma_wait3A_2734 = arith.constant 0 : i32
      %dma_wait3A_2735 = arith.constant 0 : i32
      %dma_wait3A_2736 = tpu.memref_slice %arg6[%dma_wait3A_2731, %dma_wait3A_2733, %dma_wait3A_2734, %dma_wait3A_2735] : memref<2x16x50x32xf32, #tpu.memory_space<vmem>> -> memref<1x16x50x32xf32, #tpu.memory_space<vmem>>
      %dma_wait3A_2737 = tpu.memref_squeeze %dma_wait3A_2736 : memref<1x16x50x32xf32, #tpu.memory_space<vmem>> -> memref<16x50x32xf32, #tpu.memory_space<vmem>>
      %dma_wait3A_2738 = arith.constant 0 : i32
      %dma_wait3A_2739 = arith.constant 0 : i32
      %dma_wait3A_2740 = tpu.memref_slice %dma_wait3A_2737[%dma_wait3A_2732, %dma_wait3A_2738, %dma_wait3A_2739] : memref<16x50x32xf32, #tpu.memory_space<vmem>> -> memref<1x50x32xf32, #tpu.memory_space<vmem>>
      %dma_wait3A_2741 = tpu.memref_squeeze %dma_wait3A_2740 : memref<1x50x32xf32, #tpu.memory_space<vmem>> -> memref<50x32xf32, #tpu.memory_space<vmem>>
      %dma_wait3A_2742 = arith.constant 0 : i32
      %dma_wait3A_2743 = arith.constant 0 : i32
      %dma_wait3A_2744 = tpu.memref_slice %arg5[%dma_wait3A_2729, %dma_wait3A_2742, %dma_wait3A_2743] : memref<2x16x50xi32, #tpu.memory_space<vmem>> -> memref<1x16x50xi32, #tpu.memory_space<vmem>>
      %dma_wait3A_2745 = tpu.memref_squeeze %dma_wait3A_2744 : memref<1x16x50xi32, #tpu.memory_space<vmem>> -> memref<16x50xi32, #tpu.memory_space<vmem>>
      %dma_wait3A_2746 = arith.constant 0 : i32
      %dma_wait3A_2747 = tpu.memref_slice %dma_wait3A_2745[%dma_wait3A_2730, %dma_wait3A_2746] : memref<16x50xi32, #tpu.memory_space<vmem>> -> memref<1x50xi32, #tpu.memory_space<vmem>>
      %dma_wait3A_2748 = tpu.memref_squeeze %dma_wait3A_2747 : memref<1x50xi32, #tpu.memory_space<vmem>> -> memref<50xi32, #tpu.memory_space<vmem>>
      %dma_wait3A_2749 = arith.constant 0 : i32
      %dma_wait3A_2750 = arith.constant 0 : i32
      %dma_wait3A_2751 = tpu.memref_slice %arg2[%dma_wait3A_2749, %dma_wait3A_2750] : memref<1015808x32xf32, #tpu.memory_space<hbm>> -> memref<1015808x32xf32, #tpu.memory_space<hbm>>
      tpu.wait_indirect_dma semaphore(%arg8 : memref<!tpu.dma_semaphore, #tpu.memory_space<semaphore_mem>>) src(%dma_wait3A_2751 : memref<1015808x32xf32, #tpu.memory_space<hbm>>) dst(%dma_wait3A_2741 : memref<50x32xf32, #tpu.memory_space<vmem>>)
      %dma_wait3A_2752 = arith.constant 1 : i32
      %dma_wait3A_2753 = arith.constant 6 : i32
      %dma_wait3A_2754 = arith.constant 1 : i32
      %dma_wait3A_2755 = arith.constant 6 : i32
      %dma_wait3A_2756 = arith.constant 0 : i32
      %dma_wait3A_2757 = arith.constant 0 : i32
      %dma_wait3A_2758 = arith.constant 0 : i32
      %dma_wait3A_2759 = tpu.memref_slice %arg6[%dma_wait3A_2754, %dma_wait3A_2756, %dma_wait3A_2757, %dma_wait3A_2758] : memref<2x16x50x32xf32, #tpu.memory_space<vmem>> -> memref<1x16x50x32xf32, #tpu.memory_space<vmem>>
      %dma_wait3A_2760 = tpu.memref_squeeze %dma_wait3A_2759 : memref<1x16x50x32xf32, #tpu.memory_space<vmem>> -> memref<16x50x32xf32, #tpu.memory_space<vmem>>
      %dma_wait3A_2761 = arith.constant 0 : i32
      %dma_wait3A_2762 = arith.constant 0 : i32
      %dma_wait3A_2763 = tpu.memref_slice %dma_wait3A_2760[%dma_wait3A_2755, %dma_wait3A_2761, %dma_wait3A_2762] : memref<16x50x32xf32, #tpu.memory_space<vmem>> -> memref<1x50x32xf32, #tpu.memory_space<vmem>>
      %dma_wait3A_2764 = tpu.memref_squeeze %dma_wait3A_2763 : memref<1x50x32xf32, #tpu.memory_space<vmem>> -> memref<50x32xf32, #tpu.memory_space<vmem>>
      %dma_wait3A_2765 = arith.constant 0 : i32
      %dma_wait3A_2766 = arith.constant 0 : i32
      %dma_wait3A_2767 = tpu.memref_slice %arg5[%dma_wait3A_2752, %dma_wait3A_2765, %dma_wait3A_2766] : memref<2x16x50xi32, #tpu.memory_space<vmem>> -> memref<1x16x50xi32, #tpu.memory_space<vmem>>
      %dma_wait3A_2768 = tpu.memref_squeeze %dma_wait3A_2767 : memref<1x16x50xi32, #tpu.memory_space<vmem>> -> memref<16x50xi32, #tpu.memory_space<vmem>>
      %dma_wait3A_2769 = arith.constant 0 : i32
      %dma_wait3A_2770 = tpu.memref_slice %dma_wait3A_2768[%dma_wait3A_2753, %dma_wait3A_2769] : memref<16x50xi32, #tpu.memory_space<vmem>> -> memref<1x50xi32, #tpu.memory_space<vmem>>
      %dma_wait3A_2771 = tpu.memref_squeeze %dma_wait3A_2770 : memref<1x50xi32, #tpu.memory_space<vmem>> -> memref<50xi32, #tpu.memory_space<vmem>>
      %dma_wait3A_2772 = arith.constant 0 : i32
      %dma_wait3A_2773 = arith.constant 0 : i32
      %dma_wait3A_2774 = tpu.memref_slice %arg2[%dma_wait3A_2772, %dma_wait3A_2773] : memref<1015808x32xf32, #tpu.memory_space<hbm>> -> memref<1015808x32xf32, #tpu.memory_space<hbm>>
      tpu.wait_indirect_dma semaphore(%arg8 : memref<!tpu.dma_semaphore, #tpu.memory_space<semaphore_mem>>) src(%dma_wait3A_2774 : memref<1015808x32xf32, #tpu.memory_space<hbm>>) dst(%dma_wait3A_2764 : memref<50x32xf32, #tpu.memory_space<vmem>>)
      %dma_wait3A_2775 = arith.constant 1 : i32
      %dma_wait3A_2776 = arith.constant 7 : i32
      %dma_wait3A_2777 = arith.constant 1 : i32
      %dma_wait3A_2778 = arith.constant 7 : i32
      %dma_wait3A_2779 = arith.constant 0 : i32
      %dma_wait3A_2780 = arith.constant 0 : i32
      %dma_wait3A_2781 = arith.constant 0 : i32
      %dma_wait3A_2782 = tpu.memref_slice %arg6[%dma_wait3A_2777, %dma_wait3A_2779, %dma_wait3A_2780, %dma_wait3A_2781] : memref<2x16x50x32xf32, #tpu.memory_space<vmem>> -> memref<1x16x50x32xf32, #tpu.memory_space<vmem>>
      %dma_wait3A_2783 = tpu.memref_squeeze %dma_wait3A_2782 : memref<1x16x50x32xf32, #tpu.memory_space<vmem>> -> memref<16x50x32xf32, #tpu.memory_space<vmem>>
      %dma_wait3A_2784 = arith.constant 0 : i32
      %dma_wait3A_2785 = arith.constant 0 : i32
      %dma_wait3A_2786 = tpu.memref_slice %dma_wait3A_2783[%dma_wait3A_2778, %dma_wait3A_2784, %dma_wait3A_2785] : memref<16x50x32xf32, #tpu.memory_space<vmem>> -> memref<1x50x32xf32, #tpu.memory_space<vmem>>
      %dma_wait3A_2787 = tpu.memref_squeeze %dma_wait3A_2786 : memref<1x50x32xf32, #tpu.memory_space<vmem>> -> memref<50x32xf32, #tpu.memory_space<vmem>>
      %dma_wait3A_2788 = arith.constant 0 : i32
      %dma_wait3A_2789 = arith.constant 0 : i32
      %dma_wait3A_2790 = tpu.memref_slice %arg5[%dma_wait3A_2775, %dma_wait3A_2788, %dma_wait3A_2789] : memref<2x16x50xi32, #tpu.memory_space<vmem>> -> memref<1x16x50xi32, #tpu.memory_space<vmem>>
      %dma_wait3A_2791 = tpu.memref_squeeze %dma_wait3A_2790 : memref<1x16x50xi32, #tpu.memory_space<vmem>> -> memref<16x50xi32, #tpu.memory_space<vmem>>
      %dma_wait3A_2792 = arith.constant 0 : i32
      %dma_wait3A_2793 = tpu.memref_slice %dma_wait3A_2791[%dma_wait3A_2776, %dma_wait3A_2792] : memref<16x50xi32, #tpu.memory_space<vmem>> -> memref<1x50xi32, #tpu.memory_space<vmem>>
      %dma_wait3A_2794 = tpu.memref_squeeze %dma_wait3A_2793 : memref<1x50xi32, #tpu.memory_space<vmem>> -> memref<50xi32, #tpu.memory_space<vmem>>
      %dma_wait3A_2795 = arith.constant 0 : i32
      %dma_wait3A_2796 = arith.constant 0 : i32
      %dma_wait3A_2797 = tpu.memref_slice %arg2[%dma_wait3A_2795, %dma_wait3A_2796] : memref<1015808x32xf32, #tpu.memory_space<hbm>> -> memref<1015808x32xf32, #tpu.memory_space<hbm>>
      tpu.wait_indirect_dma semaphore(%arg8 : memref<!tpu.dma_semaphore, #tpu.memory_space<semaphore_mem>>) src(%dma_wait3A_2797 : memref<1015808x32xf32, #tpu.memory_space<hbm>>) dst(%dma_wait3A_2787 : memref<50x32xf32, #tpu.memory_space<vmem>>)
      %dma_wait3A_2798 = arith.constant 1 : i32
      %dma_wait3A_2799 = arith.constant 8 : i32
      %dma_wait3A_2800 = arith.constant 1 : i32
      %dma_wait3A_2801 = arith.constant 8 : i32
      %dma_wait3A_2802 = arith.constant 0 : i32
      %dma_wait3A_2803 = arith.constant 0 : i32
      %dma_wait3A_2804 = arith.constant 0 : i32
      %dma_wait3A_2805 = tpu.memref_slice %arg6[%dma_wait3A_2800, %dma_wait3A_2802, %dma_wait3A_2803, %dma_wait3A_2804] : memref<2x16x50x32xf32, #tpu.memory_space<vmem>> -> memref<1x16x50x32xf32, #tpu.memory_space<vmem>>
      %dma_wait3A_2806 = tpu.memref_squeeze %dma_wait3A_2805 : memref<1x16x50x32xf32, #tpu.memory_space<vmem>> -> memref<16x50x32xf32, #tpu.memory_space<vmem>>
      %dma_wait3A_2807 = arith.constant 0 : i32
      %dma_wait3A_2808 = arith.constant 0 : i32
      %dma_wait3A_2809 = tpu.memref_slice %dma_wait3A_2806[%dma_wait3A_2801, %dma_wait3A_2807, %dma_wait3A_2808] : memref<16x50x32xf32, #tpu.memory_space<vmem>> -> memref<1x50x32xf32, #tpu.memory_space<vmem>>
      %dma_wait3A_2810 = tpu.memref_squeeze %dma_wait3A_2809 : memref<1x50x32xf32, #tpu.memory_space<vmem>> -> memref<50x32xf32, #tpu.memory_space<vmem>>
      %dma_wait3A_2811 = arith.constant 0 : i32
      %dma_wait3A_2812 = arith.constant 0 : i32
      %dma_wait3A_2813 = tpu.memref_slice %arg5[%dma_wait3A_2798, %dma_wait3A_2811, %dma_wait3A_2812] : memref<2x16x50xi32, #tpu.memory_space<vmem>> -> memref<1x16x50xi32, #tpu.memory_space<vmem>>
      %dma_wait3A_2814 = tpu.memref_squeeze %dma_wait3A_2813 : memref<1x16x50xi32, #tpu.memory_space<vmem>> -> memref<16x50xi32, #tpu.memory_space<vmem>>
      %dma_wait3A_2815 = arith.constant 0 : i32
      %dma_wait3A_2816 = tpu.memref_slice %dma_wait3A_2814[%dma_wait3A_2799, %dma_wait3A_2815] : memref<16x50xi32, #tpu.memory_space<vmem>> -> memref<1x50xi32, #tpu.memory_space<vmem>>
      %dma_wait3A_2817 = tpu.memref_squeeze %dma_wait3A_2816 : memref<1x50xi32, #tpu.memory_space<vmem>> -> memref<50xi32, #tpu.memory_space<vmem>>
      %dma_wait3A_2818 = arith.constant 0 : i32
      %dma_wait3A_2819 = arith.constant 0 : i32
      %dma_wait3A_2820 = tpu.memref_slice %arg2[%dma_wait3A_2818, %dma_wait3A_2819] : memref<1015808x32xf32, #tpu.memory_space<hbm>> -> memref<1015808x32xf32, #tpu.memory_space<hbm>>
      tpu.wait_indirect_dma semaphore(%arg8 : memref<!tpu.dma_semaphore, #tpu.memory_space<semaphore_mem>>) src(%dma_wait3A_2820 : memref<1015808x32xf32, #tpu.memory_space<hbm>>) dst(%dma_wait3A_2810 : memref<50x32xf32, #tpu.memory_space<vmem>>)
      %dma_wait3A_2821 = arith.constant 1 : i32
      %dma_wait3A_2822 = arith.constant 9 : i32
      %dma_wait3A_2823 = arith.constant 1 : i32
      %dma_wait3A_2824 = arith.constant 9 : i32
      %dma_wait3A_2825 = arith.constant 0 : i32
      %dma_wait3A_2826 = arith.constant 0 : i32
      %dma_wait3A_2827 = arith.constant 0 : i32
      %dma_wait3A_2828 = tpu.memref_slice %arg6[%dma_wait3A_2823, %dma_wait3A_2825, %dma_wait3A_2826, %dma_wait3A_2827] : memref<2x16x50x32xf32, #tpu.memory_space<vmem>> -> memref<1x16x50x32xf32, #tpu.memory_space<vmem>>
      %dma_wait3A_2829 = tpu.memref_squeeze %dma_wait3A_2828 : memref<1x16x50x32xf32, #tpu.memory_space<vmem>> -> memref<16x50x32xf32, #tpu.memory_space<vmem>>
      %dma_wait3A_2830 = arith.constant 0 : i32
      %dma_wait3A_2831 = arith.constant 0 : i32
      %dma_wait3A_2832 = tpu.memref_slice %dma_wait3A_2829[%dma_wait3A_2824, %dma_wait3A_2830, %dma_wait3A_2831] : memref<16x50x32xf32, #tpu.memory_space<vmem>> -> memref<1x50x32xf32, #tpu.memory_space<vmem>>
      %dma_wait3A_2833 = tpu.memref_squeeze %dma_wait3A_2832 : memref<1x50x32xf32, #tpu.memory_space<vmem>> -> memref<50x32xf32, #tpu.memory_space<vmem>>
      %dma_wait3A_2834 = arith.constant 0 : i32
      %dma_wait3A_2835 = arith.constant 0 : i32
      %dma_wait3A_2836 = tpu.memref_slice %arg5[%dma_wait3A_2821, %dma_wait3A_2834, %dma_wait3A_2835] : memref<2x16x50xi32, #tpu.memory_space<vmem>> -> memref<1x16x50xi32, #tpu.memory_space<vmem>>
      %dma_wait3A_2837 = tpu.memref_squeeze %dma_wait3A_2836 : memref<1x16x50xi32, #tpu.memory_space<vmem>> -> memref<16x50xi32, #tpu.memory_space<vmem>>
      %dma_wait3A_2838 = arith.constant 0 : i32
      %dma_wait3A_2839 = tpu.memref_slice %dma_wait3A_2837[%dma_wait3A_2822, %dma_wait3A_2838] : memref<16x50xi32, #tpu.memory_space<vmem>> -> memref<1x50xi32, #tpu.memory_space<vmem>>
      %dma_wait3A_2840 = tpu.memref_squeeze %dma_wait3A_2839 : memref<1x50xi32, #tpu.memory_space<vmem>> -> memref<50xi32, #tpu.memory_space<vmem>>
      %dma_wait3A_2841 = arith.constant 0 : i32
      %dma_wait3A_2842 = arith.constant 0 : i32
      %dma_wait3A_2843 = tpu.memref_slice %arg2[%dma_wait3A_2841, %dma_wait3A_2842] : memref<1015808x32xf32, #tpu.memory_space<hbm>> -> memref<1015808x32xf32, #tpu.memory_space<hbm>>
      tpu.wait_indirect_dma semaphore(%arg8 : memref<!tpu.dma_semaphore, #tpu.memory_space<semaphore_mem>>) src(%dma_wait3A_2843 : memref<1015808x32xf32, #tpu.memory_space<hbm>>) dst(%dma_wait3A_2833 : memref<50x32xf32, #tpu.memory_space<vmem>>)
      %dma_wait3A_2844 = arith.constant 1 : i32
      %dma_wait3A_2845 = arith.constant 10 : i32
      %dma_wait3A_2846 = arith.constant 1 : i32
      %dma_wait3A_2847 = arith.constant 10 : i32
      %dma_wait3A_2848 = arith.constant 0 : i32
      %dma_wait3A_2849 = arith.constant 0 : i32
      %dma_wait3A_2850 = arith.constant 0 : i32
      %dma_wait3A_2851 = tpu.memref_slice %arg6[%dma_wait3A_2846, %dma_wait3A_2848, %dma_wait3A_2849, %dma_wait3A_2850] : memref<2x16x50x32xf32, #tpu.memory_space<vmem>> -> memref<1x16x50x32xf32, #tpu.memory_space<vmem>>
      %dma_wait3A_2852 = tpu.memref_squeeze %dma_wait3A_2851 : memref<1x16x50x32xf32, #tpu.memory_space<vmem>> -> memref<16x50x32xf32, #tpu.memory_space<vmem>>
      %dma_wait3A_2853 = arith.constant 0 : i32
      %dma_wait3A_2854 = arith.constant 0 : i32
      %dma_wait3A_2855 = tpu.memref_slice %dma_wait3A_2852[%dma_wait3A_2847, %dma_wait3A_2853, %dma_wait3A_2854] : memref<16x50x32xf32, #tpu.memory_space<vmem>> -> memref<1x50x32xf32, #tpu.memory_space<vmem>>
      %dma_wait3A_2856 = tpu.memref_squeeze %dma_wait3A_2855 : memref<1x50x32xf32, #tpu.memory_space<vmem>> -> memref<50x32xf32, #tpu.memory_space<vmem>>
      %dma_wait3A_2857 = arith.constant 0 : i32
      %dma_wait3A_2858 = arith.constant 0 : i32
      %dma_wait3A_2859 = tpu.memref_slice %arg5[%dma_wait3A_2844, %dma_wait3A_2857, %dma_wait3A_2858] : memref<2x16x50xi32, #tpu.memory_space<vmem>> -> memref<1x16x50xi32, #tpu.memory_space<vmem>>
      %dma_wait3A_2860 = tpu.memref_squeeze %dma_wait3A_2859 : memref<1x16x50xi32, #tpu.memory_space<vmem>> -> memref<16x50xi32, #tpu.memory_space<vmem>>
      %dma_wait3A_2861 = arith.constant 0 : i32
      %dma_wait3A_2862 = tpu.memref_slice %dma_wait3A_2860[%dma_wait3A_2845, %dma_wait3A_2861] : memref<16x50xi32, #tpu.memory_space<vmem>> -> memref<1x50xi32, #tpu.memory_space<vmem>>
      %dma_wait3A_2863 = tpu.memref_squeeze %dma_wait3A_2862 : memref<1x50xi32, #tpu.memory_space<vmem>> -> memref<50xi32, #tpu.memory_space<vmem>>
      %dma_wait3A_2864 = arith.constant 0 : i32
      %dma_wait3A_2865 = arith.constant 0 : i32
      %dma_wait3A_2866 = tpu.memref_slice %arg2[%dma_wait3A_2864, %dma_wait3A_2865] : memref<1015808x32xf32, #tpu.memory_space<hbm>> -> memref<1015808x32xf32, #tpu.memory_space<hbm>>
      tpu.wait_indirect_dma semaphore(%arg8 : memref<!tpu.dma_semaphore, #tpu.memory_space<semaphore_mem>>) src(%dma_wait3A_2866 : memref<1015808x32xf32, #tpu.memory_space<hbm>>) dst(%dma_wait3A_2856 : memref<50x32xf32, #tpu.memory_space<vmem>>)
      %dma_wait3A_2867 = arith.constant 1 : i32
      %dma_wait3A_2868 = arith.constant 11 : i32
      %dma_wait3A_2869 = arith.constant 1 : i32
      %dma_wait3A_2870 = arith.constant 11 : i32
      %dma_wait3A_2871 = arith.constant 0 : i32
      %dma_wait3A_2872 = arith.constant 0 : i32
      %dma_wait3A_2873 = arith.constant 0 : i32
      %dma_wait3A_2874 = tpu.memref_slice %arg6[%dma_wait3A_2869, %dma_wait3A_2871, %dma_wait3A_2872, %dma_wait3A_2873] : memref<2x16x50x32xf32, #tpu.memory_space<vmem>> -> memref<1x16x50x32xf32, #tpu.memory_space<vmem>>
      %dma_wait3A_2875 = tpu.memref_squeeze %dma_wait3A_2874 : memref<1x16x50x32xf32, #tpu.memory_space<vmem>> -> memref<16x50x32xf32, #tpu.memory_space<vmem>>
      %dma_wait3A_2876 = arith.constant 0 : i32
      %dma_wait3A_2877 = arith.constant 0 : i32
      %dma_wait3A_2878 = tpu.memref_slice %dma_wait3A_2875[%dma_wait3A_2870, %dma_wait3A_2876, %dma_wait3A_2877] : memref<16x50x32xf32, #tpu.memory_space<vmem>> -> memref<1x50x32xf32, #tpu.memory_space<vmem>>
      %dma_wait3A_2879 = tpu.memref_squeeze %dma_wait3A_2878 : memref<1x50x32xf32, #tpu.memory_space<vmem>> -> memref<50x32xf32, #tpu.memory_space<vmem>>
      %dma_wait3A_2880 = arith.constant 0 : i32
      %dma_wait3A_2881 = arith.constant 0 : i32
      %dma_wait3A_2882 = tpu.memref_slice %arg5[%dma_wait3A_2867, %dma_wait3A_2880, %dma_wait3A_2881] : memref<2x16x50xi32, #tpu.memory_space<vmem>> -> memref<1x16x50xi32, #tpu.memory_space<vmem>>
      %dma_wait3A_2883 = tpu.memref_squeeze %dma_wait3A_2882 : memref<1x16x50xi32, #tpu.memory_space<vmem>> -> memref<16x50xi32, #tpu.memory_space<vmem>>
      %dma_wait3A_2884 = arith.constant 0 : i32
      %dma_wait3A_2885 = tpu.memref_slice %dma_wait3A_2883[%dma_wait3A_2868, %dma_wait3A_2884] : memref<16x50xi32, #tpu.memory_space<vmem>> -> memref<1x50xi32, #tpu.memory_space<vmem>>
      %dma_wait3A_2886 = tpu.memref_squeeze %dma_wait3A_2885 : memref<1x50xi32, #tpu.memory_space<vmem>> -> memref<50xi32, #tpu.memory_space<vmem>>
      %dma_wait3A_2887 = arith.constant 0 : i32
      %dma_wait3A_2888 = arith.constant 0 : i32
      %dma_wait3A_2889 = tpu.memref_slice %arg2[%dma_wait3A_2887, %dma_wait3A_2888] : memref<1015808x32xf32, #tpu.memory_space<hbm>> -> memref<1015808x32xf32, #tpu.memory_space<hbm>>
      tpu.wait_indirect_dma semaphore(%arg8 : memref<!tpu.dma_semaphore, #tpu.memory_space<semaphore_mem>>) src(%dma_wait3A_2889 : memref<1015808x32xf32, #tpu.memory_space<hbm>>) dst(%dma_wait3A_2879 : memref<50x32xf32, #tpu.memory_space<vmem>>)
      %dma_wait3A_2890 = arith.constant 1 : i32
      %dma_wait3A_2891 = arith.constant 12 : i32
      %dma_wait3A_2892 = arith.constant 1 : i32
      %dma_wait3A_2893 = arith.constant 12 : i32
      %dma_wait3A_2894 = arith.constant 0 : i32
      %dma_wait3A_2895 = arith.constant 0 : i32
      %dma_wait3A_2896 = arith.constant 0 : i32
      %dma_wait3A_2897 = tpu.memref_slice %arg6[%dma_wait3A_2892, %dma_wait3A_2894, %dma_wait3A_2895, %dma_wait3A_2896] : memref<2x16x50x32xf32, #tpu.memory_space<vmem>> -> memref<1x16x50x32xf32, #tpu.memory_space<vmem>>
      %dma_wait3A_2898 = tpu.memref_squeeze %dma_wait3A_2897 : memref<1x16x50x32xf32, #tpu.memory_space<vmem>> -> memref<16x50x32xf32, #tpu.memory_space<vmem>>
      %dma_wait3A_2899 = arith.constant 0 : i32
      %dma_wait3A_2900 = arith.constant 0 : i32
      %dma_wait3A_2901 = tpu.memref_slice %dma_wait3A_2898[%dma_wait3A_2893, %dma_wait3A_2899, %dma_wait3A_2900] : memref<16x50x32xf32, #tpu.memory_space<vmem>> -> memref<1x50x32xf32, #tpu.memory_space<vmem>>
      %dma_wait3A_2902 = tpu.memref_squeeze %dma_wait3A_2901 : memref<1x50x32xf32, #tpu.memory_space<vmem>> -> memref<50x32xf32, #tpu.memory_space<vmem>>
      %dma_wait3A_2903 = arith.constant 0 : i32
      %dma_wait3A_2904 = arith.constant 0 : i32
      %dma_wait3A_2905 = tpu.memref_slice %arg5[%dma_wait3A_2890, %dma_wait3A_2903, %dma_wait3A_2904] : memref<2x16x50xi32, #tpu.memory_space<vmem>> -> memref<1x16x50xi32, #tpu.memory_space<vmem>>
      %dma_wait3A_2906 = tpu.memref_squeeze %dma_wait3A_2905 : memref<1x16x50xi32, #tpu.memory_space<vmem>> -> memref<16x50xi32, #tpu.memory_space<vmem>>
      %dma_wait3A_2907 = arith.constant 0 : i32
      %dma_wait3A_2908 = tpu.memref_slice %dma_wait3A_2906[%dma_wait3A_2891, %dma_wait3A_2907] : memref<16x50xi32, #tpu.memory_space<vmem>> -> memref<1x50xi32, #tpu.memory_space<vmem>>
      %dma_wait3A_2909 = tpu.memref_squeeze %dma_wait3A_2908 : memref<1x50xi32, #tpu.memory_space<vmem>> -> memref<50xi32, #tpu.memory_space<vmem>>
      %dma_wait3A_2910 = arith.constant 0 : i32
      %dma_wait3A_2911 = arith.constant 0 : i32
      %dma_wait3A_2912 = tpu.memref_slice %arg2[%dma_wait3A_2910, %dma_wait3A_2911] : memref<1015808x32xf32, #tpu.memory_space<hbm>> -> memref<1015808x32xf32, #tpu.memory_space<hbm>>
      tpu.wait_indirect_dma semaphore(%arg8 : memref<!tpu.dma_semaphore, #tpu.memory_space<semaphore_mem>>) src(%dma_wait3A_2912 : memref<1015808x32xf32, #tpu.memory_space<hbm>>) dst(%dma_wait3A_2902 : memref<50x32xf32, #tpu.memory_space<vmem>>)
      %dma_wait3A_2913 = arith.constant 1 : i32
      %dma_wait3A_2914 = arith.constant 13 : i32
      %dma_wait3A_2915 = arith.constant 1 : i32
      %dma_wait3A_2916 = arith.constant 13 : i32
      %dma_wait3A_2917 = arith.constant 0 : i32
      %dma_wait3A_2918 = arith.constant 0 : i32
      %dma_wait3A_2919 = arith.constant 0 : i32
      %dma_wait3A_2920 = tpu.memref_slice %arg6[%dma_wait3A_2915, %dma_wait3A_2917, %dma_wait3A_2918, %dma_wait3A_2919] : memref<2x16x50x32xf32, #tpu.memory_space<vmem>> -> memref<1x16x50x32xf32, #tpu.memory_space<vmem>>
      %dma_wait3A_2921 = tpu.memref_squeeze %dma_wait3A_2920 : memref<1x16x50x32xf32, #tpu.memory_space<vmem>> -> memref<16x50x32xf32, #tpu.memory_space<vmem>>
      %dma_wait3A_2922 = arith.constant 0 : i32
      %dma_wait3A_2923 = arith.constant 0 : i32
      %dma_wait3A_2924 = tpu.memref_slice %dma_wait3A_2921[%dma_wait3A_2916, %dma_wait3A_2922, %dma_wait3A_2923] : memref<16x50x32xf32, #tpu.memory_space<vmem>> -> memref<1x50x32xf32, #tpu.memory_space<vmem>>
      %dma_wait3A_2925 = tpu.memref_squeeze %dma_wait3A_2924 : memref<1x50x32xf32, #tpu.memory_space<vmem>> -> memref<50x32xf32, #tpu.memory_space<vmem>>
      %dma_wait3A_2926 = arith.constant 0 : i32
      %dma_wait3A_2927 = arith.constant 0 : i32
      %dma_wait3A_2928 = tpu.memref_slice %arg5[%dma_wait3A_2913, %dma_wait3A_2926, %dma_wait3A_2927] : memref<2x16x50xi32, #tpu.memory_space<vmem>> -> memref<1x16x50xi32, #tpu.memory_space<vmem>>
      %dma_wait3A_2929 = tpu.memref_squeeze %dma_wait3A_2928 : memref<1x16x50xi32, #tpu.memory_space<vmem>> -> memref<16x50xi32, #tpu.memory_space<vmem>>
      %dma_wait3A_2930 = arith.constant 0 : i32
      %dma_wait3A_2931 = tpu.memref_slice %dma_wait3A_2929[%dma_wait3A_2914, %dma_wait3A_2930] : memref<16x50xi32, #tpu.memory_space<vmem>> -> memref<1x50xi32, #tpu.memory_space<vmem>>
      %dma_wait3A_2932 = tpu.memref_squeeze %dma_wait3A_2931 : memref<1x50xi32, #tpu.memory_space<vmem>> -> memref<50xi32, #tpu.memory_space<vmem>>
      %dma_wait3A_2933 = arith.constant 0 : i32
      %dma_wait3A_2934 = arith.constant 0 : i32
      %dma_wait3A_2935 = tpu.memref_slice %arg2[%dma_wait3A_2933, %dma_wait3A_2934] : memref<1015808x32xf32, #tpu.memory_space<hbm>> -> memref<1015808x32xf32, #tpu.memory_space<hbm>>
      tpu.wait_indirect_dma semaphore(%arg8 : memref<!tpu.dma_semaphore, #tpu.memory_space<semaphore_mem>>) src(%dma_wait3A_2935 : memref<1015808x32xf32, #tpu.memory_space<hbm>>) dst(%dma_wait3A_2925 : memref<50x32xf32, #tpu.memory_space<vmem>>)
      %dma_wait3A_2936 = arith.constant 1 : i32
      %dma_wait3A_2937 = arith.constant 14 : i32
      %dma_wait3A_2938 = arith.constant 1 : i32
      %dma_wait3A_2939 = arith.constant 14 : i32
      %dma_wait3A_2940 = arith.constant 0 : i32
      %dma_wait3A_2941 = arith.constant 0 : i32
      %dma_wait3A_2942 = arith.constant 0 : i32
      %dma_wait3A_2943 = tpu.memref_slice %arg6[%dma_wait3A_2938, %dma_wait3A_2940, %dma_wait3A_2941, %dma_wait3A_2942] : memref<2x16x50x32xf32, #tpu.memory_space<vmem>> -> memref<1x16x50x32xf32, #tpu.memory_space<vmem>>
      %dma_wait3A_2944 = tpu.memref_squeeze %dma_wait3A_2943 : memref<1x16x50x32xf32, #tpu.memory_space<vmem>> -> memref<16x50x32xf32, #tpu.memory_space<vmem>>
      %dma_wait3A_2945 = arith.constant 0 : i32
      %dma_wait3A_2946 = arith.constant 0 : i32
      %dma_wait3A_2947 = tpu.memref_slice %dma_wait3A_2944[%dma_wait3A_2939, %dma_wait3A_2945, %dma_wait3A_2946] : memref<16x50x32xf32, #tpu.memory_space<vmem>> -> memref<1x50x32xf32, #tpu.memory_space<vmem>>
      %dma_wait3A_2948 = tpu.memref_squeeze %dma_wait3A_2947 : memref<1x50x32xf32, #tpu.memory_space<vmem>> -> memref<50x32xf32, #tpu.memory_space<vmem>>
      %dma_wait3A_2949 = arith.constant 0 : i32
      %dma_wait3A_2950 = arith.constant 0 : i32
      %dma_wait3A_2951 = tpu.memref_slice %arg5[%dma_wait3A_2936, %dma_wait3A_2949, %dma_wait3A_2950] : memref<2x16x50xi32, #tpu.memory_space<vmem>> -> memref<1x16x50xi32, #tpu.memory_space<vmem>>
      %dma_wait3A_2952 = tpu.memref_squeeze %dma_wait3A_2951 : memref<1x16x50xi32, #tpu.memory_space<vmem>> -> memref<16x50xi32, #tpu.memory_space<vmem>>
      %dma_wait3A_2953 = arith.constant 0 : i32
      %dma_wait3A_2954 = tpu.memref_slice %dma_wait3A_2952[%dma_wait3A_2937, %dma_wait3A_2953] : memref<16x50xi32, #tpu.memory_space<vmem>> -> memref<1x50xi32, #tpu.memory_space<vmem>>
      %dma_wait3A_2955 = tpu.memref_squeeze %dma_wait3A_2954 : memref<1x50xi32, #tpu.memory_space<vmem>> -> memref<50xi32, #tpu.memory_space<vmem>>
      %dma_wait3A_2956 = arith.constant 0 : i32
      %dma_wait3A_2957 = arith.constant 0 : i32
      %dma_wait3A_2958 = tpu.memref_slice %arg2[%dma_wait3A_2956, %dma_wait3A_2957] : memref<1015808x32xf32, #tpu.memory_space<hbm>> -> memref<1015808x32xf32, #tpu.memory_space<hbm>>
      tpu.wait_indirect_dma semaphore(%arg8 : memref<!tpu.dma_semaphore, #tpu.memory_space<semaphore_mem>>) src(%dma_wait3A_2958 : memref<1015808x32xf32, #tpu.memory_space<hbm>>) dst(%dma_wait3A_2948 : memref<50x32xf32, #tpu.memory_space<vmem>>)
      %dma_wait3A_2959 = arith.constant 1 : i32
      %dma_wait3A_2960 = arith.constant 15 : i32
      %dma_wait3A_2961 = arith.constant 1 : i32
      %dma_wait3A_2962 = arith.constant 15 : i32
      %dma_wait3A_2963 = arith.constant 0 : i32
      %dma_wait3A_2964 = arith.constant 0 : i32
      %dma_wait3A_2965 = arith.constant 0 : i32
      %dma_wait3A_2966 = tpu.memref_slice %arg6[%dma_wait3A_2961, %dma_wait3A_2963, %dma_wait3A_2964, %dma_wait3A_2965] : memref<2x16x50x32xf32, #tpu.memory_space<vmem>> -> memref<1x16x50x32xf32, #tpu.memory_space<vmem>>
      %dma_wait3A_2967 = tpu.memref_squeeze %dma_wait3A_2966 : memref<1x16x50x32xf32, #tpu.memory_space<vmem>> -> memref<16x50x32xf32, #tpu.memory_space<vmem>>
      %dma_wait3A_2968 = arith.constant 0 : i32
      %dma_wait3A_2969 = arith.constant 0 : i32
      %dma_wait3A_2970 = tpu.memref_slice %dma_wait3A_2967[%dma_wait3A_2962, %dma_wait3A_2968, %dma_wait3A_2969] : memref<16x50x32xf32, #tpu.memory_space<vmem>> -> memref<1x50x32xf32, #tpu.memory_space<vmem>>
      %dma_wait3A_2971 = tpu.memref_squeeze %dma_wait3A_2970 : memref<1x50x32xf32, #tpu.memory_space<vmem>> -> memref<50x32xf32, #tpu.memory_space<vmem>>
      %dma_wait3A_2972 = arith.constant 0 : i32
      %dma_wait3A_2973 = arith.constant 0 : i32
      %dma_wait3A_2974 = tpu.memref_slice %arg5[%dma_wait3A_2959, %dma_wait3A_2972, %dma_wait3A_2973] : memref<2x16x50xi32, #tpu.memory_space<vmem>> -> memref<1x16x50xi32, #tpu.memory_space<vmem>>
      %dma_wait3A_2975 = tpu.memref_squeeze %dma_wait3A_2974 : memref<1x16x50xi32, #tpu.memory_space<vmem>> -> memref<16x50xi32, #tpu.memory_space<vmem>>
      %dma_wait3A_2976 = arith.constant 0 : i32
      %dma_wait3A_2977 = tpu.memref_slice %dma_wait3A_2975[%dma_wait3A_2960, %dma_wait3A_2976] : memref<16x50xi32, #tpu.memory_space<vmem>> -> memref<1x50xi32, #tpu.memory_space<vmem>>
      %dma_wait3A_2978 = tpu.memref_squeeze %dma_wait3A_2977 : memref<1x50xi32, #tpu.memory_space<vmem>> -> memref<50xi32, #tpu.memory_space<vmem>>
      %dma_wait3A_2979 = arith.constant 0 : i32
      %dma_wait3A_2980 = arith.constant 0 : i32
      %dma_wait3A_2981 = tpu.memref_slice %arg2[%dma_wait3A_2979, %dma_wait3A_2980] : memref<1015808x32xf32, #tpu.memory_space<hbm>> -> memref<1015808x32xf32, #tpu.memory_space<hbm>>
      tpu.wait_indirect_dma semaphore(%arg8 : memref<!tpu.dma_semaphore, #tpu.memory_space<semaphore_mem>>) src(%dma_wait3A_2981 : memref<1015808x32xf32, #tpu.memory_space<hbm>>) dst(%dma_wait3A_2971 : memref<50x32xf32, #tpu.memory_space<vmem>>)
      %mul3A_2982 = arith.constant 16 : i32
      %mul3A_2983 = arith.muli %add3A_2613, %mul3A_2982 : i32
      %add3A_2984 = arith.addi %mul3A_2, %mul3A_2983 : i32
      %run_scoped3A_2985 = arith.constant 1 : i32
      "tpu.region"() ({
        %run_scoped3A_2986 = tpu.sem_alloc : memref<!tpu.dma_semaphore, #tpu.memory_space<semaphore_mem>>
        %dma_start3A_2987 = arith.constant 0 : i32
        %dma_start3A_2988 = arith.constant 0 : i32
        %dma_start3A_2989 = arith.constant 0 : i32
        %dma_start3A_2990 = tpu.memref_slice %arg6[%run_scoped3A_2985, %dma_start3A_2987, %dma_start3A_2988, %dma_start3A_2989] : memref<2x16x50x32xf32, #tpu.memory_space<vmem>> -> memref<1x16x50x32xf32, #tpu.memory_space<vmem>>
        %dma_start3A_2991 = tpu.memref_squeeze %dma_start3A_2990 : memref<1x16x50x32xf32, #tpu.memory_space<vmem>> -> memref<16x50x32xf32, #tpu.memory_space<vmem>>
        %dma_start3A_2992 = arith.constant 0 : i32
        %dma_start3A_2993 = arith.constant 0 : i32
        %dma_start3A_2994 = tpu.memref_slice %arg4[%add3A_2984, %dma_start3A_2992, %dma_start3A_2993] : memref<16384x50x32xf32, #tpu.memory_space<hbm>> -> memref<16x50x32xf32, #tpu.memory_space<hbm>>
        %dma_start3A_2995 = arith.constant 0 : i32
        %dma_start3A_2996 = arith.constant 0 : i32
        %dma_start3A_2997 = tpu.memref_slice %arg4[%add3A_2984, %dma_start3A_2995, %dma_start3A_2996] : memref<16384x50x32xf32, #tpu.memory_space<hbm>> -> memref<16x50x32xf32, #tpu.memory_space<hbm>>
        %dma_start3A_2998 = arith.constant 0 : i32
        %dma_start3A_2999 = arith.constant 0 : i32
        %dma_start3A_3000 = arith.constant 0 : i32
        %dma_start3A_3001 = tpu.memref_slice %arg6[%run_scoped3A_2985, %dma_start3A_2998, %dma_start3A_2999, %dma_start3A_3000] : memref<2x16x50x32xf32, #tpu.memory_space<vmem>> -> memref<1x16x50x32xf32, #tpu.memory_space<vmem>>
        %dma_start3A_3002 = tpu.memref_squeeze %dma_start3A_3001 : memref<1x16x50x32xf32, #tpu.memory_space<vmem>> -> memref<16x50x32xf32, #tpu.memory_space<vmem>>
        tpu.enqueue_dma source(%dma_start3A_3002 : memref<16x50x32xf32, #tpu.memory_space<vmem>>) target(%dma_start3A_2997 : memref<16x50x32xf32, #tpu.memory_space<hbm>>) target_semaphore(%run_scoped3A_2986 : memref<!tpu.dma_semaphore, #tpu.memory_space<semaphore_mem>>)
        %dma_wait3A_3003 = arith.constant 0 : i32
        %dma_wait3A_3004 = arith.constant 0 : i32
        %dma_wait3A_3005 = arith.constant 0 : i32
        %dma_wait3A_3006 = tpu.memref_slice %arg6[%run_scoped3A_2985, %dma_wait3A_3003, %dma_wait3A_3004, %dma_wait3A_3005] : memref<2x16x50x32xf32, #tpu.memory_space<vmem>> -> memref<1x16x50x32xf32, #tpu.memory_space<vmem>>
        %dma_wait3A_3007 = tpu.memref_squeeze %dma_wait3A_3006 : memref<1x16x50x32xf32, #tpu.memory_space<vmem>> -> memref<16x50x32xf32, #tpu.memory_space<vmem>>
        %dma_wait3A_3008 = arith.constant 0 : i32
        %dma_wait3A_3009 = arith.constant 0 : i32
        %dma_wait3A_3010 = tpu.memref_slice %arg4[%add3A_2984, %dma_wait3A_3008, %dma_wait3A_3009] : memref<16384x50x32xf32, #tpu.memory_space<hbm>> -> memref<16x50x32xf32, #tpu.memory_space<hbm>>
        %dma_wait3A_3011 = arith.constant 0 : i32
        %dma_wait3A_3012 = arith.constant 0 : i32
        %dma_wait3A_3013 = tpu.memref_slice %arg4[%add3A_2984, %dma_wait3A_3011, %dma_wait3A_3012] : memref<16384x50x32xf32, #tpu.memory_space<hbm>> -> memref<16x50x32xf32, #tpu.memory_space<hbm>>
        %dma_wait3A_3014 = arith.constant 0 : i32
        %dma_wait3A_3015 = arith.constant 0 : i32
        %dma_wait3A_3016 = arith.constant 0 : i32
        %dma_wait3A_3017 = tpu.memref_slice %arg6[%run_scoped3A_2985, %dma_wait3A_3014, %dma_wait3A_3015, %dma_wait3A_3016] : memref<2x16x50x32xf32, #tpu.memory_space<vmem>> -> memref<1x16x50x32xf32, #tpu.memory_space<vmem>>
        %dma_wait3A_3018 = tpu.memref_squeeze %dma_wait3A_3017 : memref<1x16x50x32xf32, #tpu.memory_space<vmem>> -> memref<16x50x32xf32, #tpu.memory_space<vmem>>
        tpu.wait_dma2 semaphore(%run_scoped3A_2986 : memref<!tpu.dma_semaphore, #tpu.memory_space<semaphore_mem>>) src(%dma_wait3A_3018 : memref<16x50x32xf32, #tpu.memory_space<vmem>>) dst(%dma_wait3A_3013 : memref<16x50x32xf32, #tpu.memory_space<hbm>>)
        tpu.yield
      }) : () -> ()
    }
    %scan3A_440 = arith.constant 15 : i32
    %add3A_441 = arith.constant 496 : i32
    %add3A_442 = arith.addi %mul3A_2, %add3A_441 : i32
    %run_scoped3A_443 = arith.constant 1 : i32
    "tpu.region"() ({
      %run_scoped3A_1553 = tpu.sem_alloc : memref<!tpu.dma_semaphore, #tpu.memory_space<semaphore_mem>>
      %dma_start3A_1554 = arith.constant 0 : i32
      %dma_start3A_1555 = arith.constant 0 : i32
      %dma_start3A_1556 = tpu.memref_slice %arg5[%run_scoped3A_443, %dma_start3A_1554, %dma_start3A_1555] : memref<2x16x50xi32, #tpu.memory_space<vmem>> -> memref<1x16x50xi32, #tpu.memory_space<vmem>>
      %dma_start3A_1557 = tpu.memref_squeeze %dma_start3A_1556 : memref<1x16x50xi32, #tpu.memory_space<vmem>> -> memref<16x50xi32, #tpu.memory_space<vmem>>
      %dma_start3A_1558 = arith.constant 0 : i32
      %dma_start3A_1559 = tpu.memref_slice %arg3[%add3A_442, %dma_start3A_1558] : memref<16384x50xi32, #tpu.memory_space<hbm>> -> memref<16x50xi32, #tpu.memory_space<hbm>>
      %dma_start3A_1560 = arith.constant 0 : i32
      %dma_start3A_1561 = arith.constant 0 : i32
      %dma_start3A_1562 = tpu.memref_slice %arg5[%run_scoped3A_443, %dma_start3A_1560, %dma_start3A_1561] : memref<2x16x50xi32, #tpu.memory_space<vmem>> -> memref<1x16x50xi32, #tpu.memory_space<vmem>>
      %dma_start3A_1563 = tpu.memref_squeeze %dma_start3A_1562 : memref<1x16x50xi32, #tpu.memory_space<vmem>> -> memref<16x50xi32, #tpu.memory_space<vmem>>
      %dma_start3A_1564 = arith.constant 0 : i32
      %dma_start3A_1565 = tpu.memref_slice %arg3[%add3A_442, %dma_start3A_1564] : memref<16384x50xi32, #tpu.memory_space<hbm>> -> memref<16x50xi32, #tpu.memory_space<hbm>>
      tpu.enqueue_dma source(%dma_start3A_1565 : memref<16x50xi32, #tpu.memory_space<hbm>>) target(%dma_start3A_1563 : memref<16x50xi32, #tpu.memory_space<vmem>>) target_semaphore(%run_scoped3A_1553 : memref<!tpu.dma_semaphore, #tpu.memory_space<semaphore_mem>>)
      %dma_wait3A_1566 = arith.constant 0 : i32
      %dma_wait3A_1567 = arith.constant 0 : i32
      %dma_wait3A_1568 = tpu.memref_slice %arg5[%run_scoped3A_443, %dma_wait3A_1566, %dma_wait3A_1567] : memref<2x16x50xi32, #tpu.memory_space<vmem>> -> memref<1x16x50xi32, #tpu.memory_space<vmem>>
      %dma_wait3A_1569 = tpu.memref_squeeze %dma_wait3A_1568 : memref<1x16x50xi32, #tpu.memory_space<vmem>> -> memref<16x50xi32, #tpu.memory_space<vmem>>
      %dma_wait3A_1570 = arith.constant 0 : i32
      %dma_wait3A_1571 = tpu.memref_slice %arg3[%add3A_442, %dma_wait3A_1570] : memref<16384x50xi32, #tpu.memory_space<hbm>> -> memref<16x50xi32, #tpu.memory_space<hbm>>
      %dma_wait3A_1572 = arith.constant 0 : i32
      %dma_wait3A_1573 = arith.constant 0 : i32
      %dma_wait3A_1574 = tpu.memref_slice %arg5[%run_scoped3A_443, %dma_wait3A_1572, %dma_wait3A_1573] : memref<2x16x50xi32, #tpu.memory_space<vmem>> -> memref<1x16x50xi32, #tpu.memory_space<vmem>>
      %dma_wait3A_1575 = tpu.memref_squeeze %dma_wait3A_1574 : memref<1x16x50xi32, #tpu.memory_space<vmem>> -> memref<16x50xi32, #tpu.memory_space<vmem>>
      %dma_wait3A_1576 = arith.constant 0 : i32
      %dma_wait3A_1577 = tpu.memref_slice %arg3[%add3A_442, %dma_wait3A_1576] : memref<16384x50xi32, #tpu.memory_space<hbm>> -> memref<16x50xi32, #tpu.memory_space<hbm>>
      tpu.wait_dma2 semaphore(%run_scoped3A_1553 : memref<!tpu.dma_semaphore, #tpu.memory_space<semaphore_mem>>) src(%dma_wait3A_1577 : memref<16x50xi32, #tpu.memory_space<hbm>>) dst(%dma_wait3A_1575 : memref<16x50xi32, #tpu.memory_space<vmem>>)
      tpu.yield
    }) : () -> ()
    %dma_start3A_444 = arith.constant 1 : i32
    %dma_start3A_445 = arith.constant 0 : i32
    %dma_start3A_446 = arith.constant 1 : i32
    %dma_start3A_447 = arith.constant 0 : i32
    %dma_start3A_448 = arith.constant 0 : i32
    %dma_start3A_449 = arith.constant 0 : i32
    %dma_start3A_450 = arith.constant 0 : i32
    %dma_start3A_451 = tpu.memref_slice %arg6[%dma_start3A_446, %dma_start3A_448, %dma_start3A_449, %dma_start3A_450] : memref<2x16x50x32xf32, #tpu.memory_space<vmem>> -> memref<1x16x50x32xf32, #tpu.memory_space<vmem>>
    %dma_start3A_452 = tpu.memref_squeeze %dma_start3A_451 : memref<1x16x50x32xf32, #tpu.memory_space<vmem>> -> memref<16x50x32xf32, #tpu.memory_space<vmem>>
    %dma_start3A_453 = arith.constant 0 : i32
    %dma_start3A_454 = arith.constant 0 : i32
    %dma_start3A_455 = tpu.memref_slice %dma_start3A_452[%dma_start3A_447, %dma_start3A_453, %dma_start3A_454] : memref<16x50x32xf32, #tpu.memory_space<vmem>> -> memref<1x50x32xf32, #tpu.memory_space<vmem>>
    %dma_start3A_456 = tpu.memref_squeeze %dma_start3A_455 : memref<1x50x32xf32, #tpu.memory_space<vmem>> -> memref<50x32xf32, #tpu.memory_space<vmem>>
    %dma_start3A_457 = arith.constant 0 : i32
    %dma_start3A_458 = arith.constant 0 : i32
    %dma_start3A_459 = tpu.memref_slice %arg5[%dma_start3A_444, %dma_start3A_457, %dma_start3A_458] : memref<2x16x50xi32, #tpu.memory_space<vmem>> -> memref<1x16x50xi32, #tpu.memory_space<vmem>>
    %dma_start3A_460 = tpu.memref_squeeze %dma_start3A_459 : memref<1x16x50xi32, #tpu.memory_space<vmem>> -> memref<16x50xi32, #tpu.memory_space<vmem>>
    %dma_start3A_461 = arith.constant 0 : i32
    %dma_start3A_462 = tpu.memref_slice %dma_start3A_460[%dma_start3A_445, %dma_start3A_461] : memref<16x50xi32, #tpu.memory_space<vmem>> -> memref<1x50xi32, #tpu.memory_space<vmem>>
    %dma_start3A_463 = tpu.memref_squeeze %dma_start3A_462 : memref<1x50xi32, #tpu.memory_space<vmem>> -> memref<50xi32, #tpu.memory_space<vmem>>
    %dma_start3A_464 = arith.constant 0 : i32
    %dma_start3A_465 = arith.constant 0 : i32
    %dma_start3A_466 = tpu.memref_slice %arg2[%dma_start3A_464, %dma_start3A_465] : memref<1015808x32xf32, #tpu.memory_space<hbm>> -> memref<1015808x32xf32, #tpu.memory_space<hbm>>
    tpu.enqueue_indirect_dma source(%dma_start3A_466 : memref<1015808x32xf32, #tpu.memory_space<hbm>>) target(%dma_start3A_456 : memref<50x32xf32, #tpu.memory_space<vmem>>) offsets(%dma_start3A_463 : memref<50xi32, #tpu.memory_space<vmem>>) semaphore(%arg8 : memref<!tpu.dma_semaphore, #tpu.memory_space<semaphore_mem>>)
    %dma_start3A_467 = arith.constant 1 : i32
    %dma_start3A_468 = arith.constant 1 : i32
    %dma_start3A_469 = arith.constant 1 : i32
    %dma_start3A_470 = arith.constant 1 : i32
    %dma_start3A_471 = arith.constant 0 : i32
    %dma_start3A_472 = arith.constant 0 : i32
    %dma_start3A_473 = arith.constant 0 : i32
    %dma_start3A_474 = tpu.memref_slice %arg6[%dma_start3A_469, %dma_start3A_471, %dma_start3A_472, %dma_start3A_473] : memref<2x16x50x32xf32, #tpu.memory_space<vmem>> -> memref<1x16x50x32xf32, #tpu.memory_space<vmem>>
    %dma_start3A_475 = tpu.memref_squeeze %dma_start3A_474 : memref<1x16x50x32xf32, #tpu.memory_space<vmem>> -> memref<16x50x32xf32, #tpu.memory_space<vmem>>
    %dma_start3A_476 = arith.constant 0 : i32
    %dma_start3A_477 = arith.constant 0 : i32
    %dma_start3A_478 = tpu.memref_slice %dma_start3A_475[%dma_start3A_470, %dma_start3A_476, %dma_start3A_477] : memref<16x50x32xf32, #tpu.memory_space<vmem>> -> memref<1x50x32xf32, #tpu.memory_space<vmem>>
    %dma_start3A_479 = tpu.memref_squeeze %dma_start3A_478 : memref<1x50x32xf32, #tpu.memory_space<vmem>> -> memref<50x32xf32, #tpu.memory_space<vmem>>
    %dma_start3A_480 = arith.constant 0 : i32
    %dma_start3A_481 = arith.constant 0 : i32
    %dma_start3A_482 = tpu.memref_slice %arg5[%dma_start3A_467, %dma_start3A_480, %dma_start3A_481] : memref<2x16x50xi32, #tpu.memory_space<vmem>> -> memref<1x16x50xi32, #tpu.memory_space<vmem>>
    %dma_start3A_483 = tpu.memref_squeeze %dma_start3A_482 : memref<1x16x50xi32, #tpu.memory_space<vmem>> -> memref<16x50xi32, #tpu.memory_space<vmem>>
    %dma_start3A_484 = arith.constant 0 : i32
    %dma_start3A_485 = tpu.memref_slice %dma_start3A_483[%dma_start3A_468, %dma_start3A_484] : memref<16x50xi32, #tpu.memory_space<vmem>> -> memref<1x50xi32, #tpu.memory_space<vmem>>
    %dma_start3A_486 = tpu.memref_squeeze %dma_start3A_485 : memref<1x50xi32, #tpu.memory_space<vmem>> -> memref<50xi32, #tpu.memory_space<vmem>>
    %dma_start3A_487 = arith.constant 0 : i32
    %dma_start3A_488 = arith.constant 0 : i32
    %dma_start3A_489 = tpu.memref_slice %arg2[%dma_start3A_487, %dma_start3A_488] : memref<1015808x32xf32, #tpu.memory_space<hbm>> -> memref<1015808x32xf32, #tpu.memory_space<hbm>>
    tpu.enqueue_indirect_dma source(%dma_start3A_489 : memref<1015808x32xf32, #tpu.memory_space<hbm>>) target(%dma_start3A_479 : memref<50x32xf32, #tpu.memory_space<vmem>>) offsets(%dma_start3A_486 : memref<50xi32, #tpu.memory_space<vmem>>) semaphore(%arg8 : memref<!tpu.dma_semaphore, #tpu.memory_space<semaphore_mem>>)
    %dma_start3A_490 = arith.constant 1 : i32
    %dma_start3A_491 = arith.constant 2 : i32
    %dma_start3A_492 = arith.constant 1 : i32
    %dma_start3A_493 = arith.constant 2 : i32
    %dma_start3A_494 = arith.constant 0 : i32
    %dma_start3A_495 = arith.constant 0 : i32
    %dma_start3A_496 = arith.constant 0 : i32
    %dma_start3A_497 = tpu.memref_slice %arg6[%dma_start3A_492, %dma_start3A_494, %dma_start3A_495, %dma_start3A_496] : memref<2x16x50x32xf32, #tpu.memory_space<vmem>> -> memref<1x16x50x32xf32, #tpu.memory_space<vmem>>
    %dma_start3A_498 = tpu.memref_squeeze %dma_start3A_497 : memref<1x16x50x32xf32, #tpu.memory_space<vmem>> -> memref<16x50x32xf32, #tpu.memory_space<vmem>>
    %dma_start3A_499 = arith.constant 0 : i32
    %dma_start3A_500 = arith.constant 0 : i32
    %dma_start3A_501 = tpu.memref_slice %dma_start3A_498[%dma_start3A_493, %dma_start3A_499, %dma_start3A_500] : memref<16x50x32xf32, #tpu.memory_space<vmem>> -> memref<1x50x32xf32, #tpu.memory_space<vmem>>
    %dma_start3A_502 = tpu.memref_squeeze %dma_start3A_501 : memref<1x50x32xf32, #tpu.memory_space<vmem>> -> memref<50x32xf32, #tpu.memory_space<vmem>>
    %dma_start3A_503 = arith.constant 0 : i32
    %dma_start3A_504 = arith.constant 0 : i32
    %dma_start3A_505 = tpu.memref_slice %arg5[%dma_start3A_490, %dma_start3A_503, %dma_start3A_504] : memref<2x16x50xi32, #tpu.memory_space<vmem>> -> memref<1x16x50xi32, #tpu.memory_space<vmem>>
    %dma_start3A_506 = tpu.memref_squeeze %dma_start3A_505 : memref<1x16x50xi32, #tpu.memory_space<vmem>> -> memref<16x50xi32, #tpu.memory_space<vmem>>
    %dma_start3A_507 = arith.constant 0 : i32
    %dma_start3A_508 = tpu.memref_slice %dma_start3A_506[%dma_start3A_491, %dma_start3A_507] : memref<16x50xi32, #tpu.memory_space<vmem>> -> memref<1x50xi32, #tpu.memory_space<vmem>>
    %dma_start3A_509 = tpu.memref_squeeze %dma_start3A_508 : memref<1x50xi32, #tpu.memory_space<vmem>> -> memref<50xi32, #tpu.memory_space<vmem>>
    %dma_start3A_510 = arith.constant 0 : i32
    %dma_start3A_511 = arith.constant 0 : i32
    %dma_start3A_512 = tpu.memref_slice %arg2[%dma_start3A_510, %dma_start3A_511] : memref<1015808x32xf32, #tpu.memory_space<hbm>> -> memref<1015808x32xf32, #tpu.memory_space<hbm>>
    tpu.enqueue_indirect_dma source(%dma_start3A_512 : memref<1015808x32xf32, #tpu.memory_space<hbm>>) target(%dma_start3A_502 : memref<50x32xf32, #tpu.memory_space<vmem>>) offsets(%dma_start3A_509 : memref<50xi32, #tpu.memory_space<vmem>>) semaphore(%arg8 : memref<!tpu.dma_semaphore, #tpu.memory_space<semaphore_mem>>)
    %dma_start3A_513 = arith.constant 1 : i32
    %dma_start3A_514 = arith.constant 3 : i32
    %dma_start3A_515 = arith.constant 1 : i32
    %dma_start3A_516 = arith.constant 3 : i32
    %dma_start3A_517 = arith.constant 0 : i32
    %dma_start3A_518 = arith.constant 0 : i32
    %dma_start3A_519 = arith.constant 0 : i32
    %dma_start3A_520 = tpu.memref_slice %arg6[%dma_start3A_515, %dma_start3A_517, %dma_start3A_518, %dma_start3A_519] : memref<2x16x50x32xf32, #tpu.memory_space<vmem>> -> memref<1x16x50x32xf32, #tpu.memory_space<vmem>>
    %dma_start3A_521 = tpu.memref_squeeze %dma_start3A_520 : memref<1x16x50x32xf32, #tpu.memory_space<vmem>> -> memref<16x50x32xf32, #tpu.memory_space<vmem>>
    %dma_start3A_522 = arith.constant 0 : i32
    %dma_start3A_523 = arith.constant 0 : i32
    %dma_start3A_524 = tpu.memref_slice %dma_start3A_521[%dma_start3A_516, %dma_start3A_522, %dma_start3A_523] : memref<16x50x32xf32, #tpu.memory_space<vmem>> -> memref<1x50x32xf32, #tpu.memory_space<vmem>>
    %dma_start3A_525 = tpu.memref_squeeze %dma_start3A_524 : memref<1x50x32xf32, #tpu.memory_space<vmem>> -> memref<50x32xf32, #tpu.memory_space<vmem>>
    %dma_start3A_526 = arith.constant 0 : i32
    %dma_start3A_527 = arith.constant 0 : i32
    %dma_start3A_528 = tpu.memref_slice %arg5[%dma_start3A_513, %dma_start3A_526, %dma_start3A_527] : memref<2x16x50xi32, #tpu.memory_space<vmem>> -> memref<1x16x50xi32, #tpu.memory_space<vmem>>
    %dma_start3A_529 = tpu.memref_squeeze %dma_start3A_528 : memref<1x16x50xi32, #tpu.memory_space<vmem>> -> memref<16x50xi32, #tpu.memory_space<vmem>>
    %dma_start3A_530 = arith.constant 0 : i32
    %dma_start3A_531 = tpu.memref_slice %dma_start3A_529[%dma_start3A_514, %dma_start3A_530] : memref<16x50xi32, #tpu.memory_space<vmem>> -> memref<1x50xi32, #tpu.memory_space<vmem>>
    %dma_start3A_532 = tpu.memref_squeeze %dma_start3A_531 : memref<1x50xi32, #tpu.memory_space<vmem>> -> memref<50xi32, #tpu.memory_space<vmem>>
    %dma_start3A_533 = arith.constant 0 : i32
    %dma_start3A_534 = arith.constant 0 : i32
    %dma_start3A_535 = tpu.memref_slice %arg2[%dma_start3A_533, %dma_start3A_534] : memref<1015808x32xf32, #tpu.memory_space<hbm>> -> memref<1015808x32xf32, #tpu.memory_space<hbm>>
    tpu.enqueue_indirect_dma source(%dma_start3A_535 : memref<1015808x32xf32, #tpu.memory_space<hbm>>) target(%dma_start3A_525 : memref<50x32xf32, #tpu.memory_space<vmem>>) offsets(%dma_start3A_532 : memref<50xi32, #tpu.memory_space<vmem>>) semaphore(%arg8 : memref<!tpu.dma_semaphore, #tpu.memory_space<semaphore_mem>>)
    %dma_start3A_536 = arith.constant 1 : i32
    %dma_start3A_537 = arith.constant 4 : i32
    %dma_start3A_538 = arith.constant 1 : i32
    %dma_start3A_539 = arith.constant 4 : i32
    %dma_start3A_540 = arith.constant 0 : i32
    %dma_start3A_541 = arith.constant 0 : i32
    %dma_start3A_542 = arith.constant 0 : i32
    %dma_start3A_543 = tpu.memref_slice %arg6[%dma_start3A_538, %dma_start3A_540, %dma_start3A_541, %dma_start3A_542] : memref<2x16x50x32xf32, #tpu.memory_space<vmem>> -> memref<1x16x50x32xf32, #tpu.memory_space<vmem>>
    %dma_start3A_544 = tpu.memref_squeeze %dma_start3A_543 : memref<1x16x50x32xf32, #tpu.memory_space<vmem>> -> memref<16x50x32xf32, #tpu.memory_space<vmem>>
    %dma_start3A_545 = arith.constant 0 : i32
    %dma_start3A_546 = arith.constant 0 : i32
    %dma_start3A_547 = tpu.memref_slice %dma_start3A_544[%dma_start3A_539, %dma_start3A_545, %dma_start3A_546] : memref<16x50x32xf32, #tpu.memory_space<vmem>> -> memref<1x50x32xf32, #tpu.memory_space<vmem>>
    %dma_start3A_548 = tpu.memref_squeeze %dma_start3A_547 : memref<1x50x32xf32, #tpu.memory_space<vmem>> -> memref<50x32xf32, #tpu.memory_space<vmem>>
    %dma_start3A_549 = arith.constant 0 : i32
    %dma_start3A_550 = arith.constant 0 : i32
    %dma_start3A_551 = tpu.memref_slice %arg5[%dma_start3A_536, %dma_start3A_549, %dma_start3A_550] : memref<2x16x50xi32, #tpu.memory_space<vmem>> -> memref<1x16x50xi32, #tpu.memory_space<vmem>>
    %dma_start3A_552 = tpu.memref_squeeze %dma_start3A_551 : memref<1x16x50xi32, #tpu.memory_space<vmem>> -> memref<16x50xi32, #tpu.memory_space<vmem>>
    %dma_start3A_553 = arith.constant 0 : i32
    %dma_start3A_554 = tpu.memref_slice %dma_start3A_552[%dma_start3A_537, %dma_start3A_553] : memref<16x50xi32, #tpu.memory_space<vmem>> -> memref<1x50xi32, #tpu.memory_space<vmem>>
    %dma_start3A_555 = tpu.memref_squeeze %dma_start3A_554 : memref<1x50xi32, #tpu.memory_space<vmem>> -> memref<50xi32, #tpu.memory_space<vmem>>
    %dma_start3A_556 = arith.constant 0 : i32
    %dma_start3A_557 = arith.constant 0 : i32
    %dma_start3A_558 = tpu.memref_slice %arg2[%dma_start3A_556, %dma_start3A_557] : memref<1015808x32xf32, #tpu.memory_space<hbm>> -> memref<1015808x32xf32, #tpu.memory_space<hbm>>
    tpu.enqueue_indirect_dma source(%dma_start3A_558 : memref<1015808x32xf32, #tpu.memory_space<hbm>>) target(%dma_start3A_548 : memref<50x32xf32, #tpu.memory_space<vmem>>) offsets(%dma_start3A_555 : memref<50xi32, #tpu.memory_space<vmem>>) semaphore(%arg8 : memref<!tpu.dma_semaphore, #tpu.memory_space<semaphore_mem>>)
    %dma_start3A_559 = arith.constant 1 : i32
    %dma_start3A_560 = arith.constant 5 : i32
    %dma_start3A_561 = arith.constant 1 : i32
    %dma_start3A_562 = arith.constant 5 : i32
    %dma_start3A_563 = arith.constant 0 : i32
    %dma_start3A_564 = arith.constant 0 : i32
    %dma_start3A_565 = arith.constant 0 : i32
    %dma_start3A_566 = tpu.memref_slice %arg6[%dma_start3A_561, %dma_start3A_563, %dma_start3A_564, %dma_start3A_565] : memref<2x16x50x32xf32, #tpu.memory_space<vmem>> -> memref<1x16x50x32xf32, #tpu.memory_space<vmem>>
    %dma_start3A_567 = tpu.memref_squeeze %dma_start3A_566 : memref<1x16x50x32xf32, #tpu.memory_space<vmem>> -> memref<16x50x32xf32, #tpu.memory_space<vmem>>
    %dma_start3A_568 = arith.constant 0 : i32
    %dma_start3A_569 = arith.constant 0 : i32
    %dma_start3A_570 = tpu.memref_slice %dma_start3A_567[%dma_start3A_562, %dma_start3A_568, %dma_start3A_569] : memref<16x50x32xf32, #tpu.memory_space<vmem>> -> memref<1x50x32xf32, #tpu.memory_space<vmem>>
    %dma_start3A_571 = tpu.memref_squeeze %dma_start3A_570 : memref<1x50x32xf32, #tpu.memory_space<vmem>> -> memref<50x32xf32, #tpu.memory_space<vmem>>
    %dma_start3A_572 = arith.constant 0 : i32
    %dma_start3A_573 = arith.constant 0 : i32
    %dma_start3A_574 = tpu.memref_slice %arg5[%dma_start3A_559, %dma_start3A_572, %dma_start3A_573] : memref<2x16x50xi32, #tpu.memory_space<vmem>> -> memref<1x16x50xi32, #tpu.memory_space<vmem>>
    %dma_start3A_575 = tpu.memref_squeeze %dma_start3A_574 : memref<1x16x50xi32, #tpu.memory_space<vmem>> -> memref<16x50xi32, #tpu.memory_space<vmem>>
    %dma_start3A_576 = arith.constant 0 : i32
    %dma_start3A_577 = tpu.memref_slice %dma_start3A_575[%dma_start3A_560, %dma_start3A_576] : memref<16x50xi32, #tpu.memory_space<vmem>> -> memref<1x50xi32, #tpu.memory_space<vmem>>
    %dma_start3A_578 = tpu.memref_squeeze %dma_start3A_577 : memref<1x50xi32, #tpu.memory_space<vmem>> -> memref<50xi32, #tpu.memory_space<vmem>>
    %dma_start3A_579 = arith.constant 0 : i32
    %dma_start3A_580 = arith.constant 0 : i32
    %dma_start3A_581 = tpu.memref_slice %arg2[%dma_start3A_579, %dma_start3A_580] : memref<1015808x32xf32, #tpu.memory_space<hbm>> -> memref<1015808x32xf32, #tpu.memory_space<hbm>>
    tpu.enqueue_indirect_dma source(%dma_start3A_581 : memref<1015808x32xf32, #tpu.memory_space<hbm>>) target(%dma_start3A_571 : memref<50x32xf32, #tpu.memory_space<vmem>>) offsets(%dma_start3A_578 : memref<50xi32, #tpu.memory_space<vmem>>) semaphore(%arg8 : memref<!tpu.dma_semaphore, #tpu.memory_space<semaphore_mem>>)
    %dma_start3A_582 = arith.constant 1 : i32
    %dma_start3A_583 = arith.constant 6 : i32
    %dma_start3A_584 = arith.constant 1 : i32
    %dma_start3A_585 = arith.constant 6 : i32
    %dma_start3A_586 = arith.constant 0 : i32
    %dma_start3A_587 = arith.constant 0 : i32
    %dma_start3A_588 = arith.constant 0 : i32
    %dma_start3A_589 = tpu.memref_slice %arg6[%dma_start3A_584, %dma_start3A_586, %dma_start3A_587, %dma_start3A_588] : memref<2x16x50x32xf32, #tpu.memory_space<vmem>> -> memref<1x16x50x32xf32, #tpu.memory_space<vmem>>
    %dma_start3A_590 = tpu.memref_squeeze %dma_start3A_589 : memref<1x16x50x32xf32, #tpu.memory_space<vmem>> -> memref<16x50x32xf32, #tpu.memory_space<vmem>>
    %dma_start3A_591 = arith.constant 0 : i32
    %dma_start3A_592 = arith.constant 0 : i32
    %dma_start3A_593 = tpu.memref_slice %dma_start3A_590[%dma_start3A_585, %dma_start3A_591, %dma_start3A_592] : memref<16x50x32xf32, #tpu.memory_space<vmem>> -> memref<1x50x32xf32, #tpu.memory_space<vmem>>
    %dma_start3A_594 = tpu.memref_squeeze %dma_start3A_593 : memref<1x50x32xf32, #tpu.memory_space<vmem>> -> memref<50x32xf32, #tpu.memory_space<vmem>>
    %dma_start3A_595 = arith.constant 0 : i32
    %dma_start3A_596 = arith.constant 0 : i32
    %dma_start3A_597 = tpu.memref_slice %arg5[%dma_start3A_582, %dma_start3A_595, %dma_start3A_596] : memref<2x16x50xi32, #tpu.memory_space<vmem>> -> memref<1x16x50xi32, #tpu.memory_space<vmem>>
    %dma_start3A_598 = tpu.memref_squeeze %dma_start3A_597 : memref<1x16x50xi32, #tpu.memory_space<vmem>> -> memref<16x50xi32, #tpu.memory_space<vmem>>
    %dma_start3A_599 = arith.constant 0 : i32
    %dma_start3A_600 = tpu.memref_slice %dma_start3A_598[%dma_start3A_583, %dma_start3A_599] : memref<16x50xi32, #tpu.memory_space<vmem>> -> memref<1x50xi32, #tpu.memory_space<vmem>>
    %dma_start3A_601 = tpu.memref_squeeze %dma_start3A_600 : memref<1x50xi32, #tpu.memory_space<vmem>> -> memref<50xi32, #tpu.memory_space<vmem>>
    %dma_start3A_602 = arith.constant 0 : i32
    %dma_start3A_603 = arith.constant 0 : i32
    %dma_start3A_604 = tpu.memref_slice %arg2[%dma_start3A_602, %dma_start3A_603] : memref<1015808x32xf32, #tpu.memory_space<hbm>> -> memref<1015808x32xf32, #tpu.memory_space<hbm>>
    tpu.enqueue_indirect_dma source(%dma_start3A_604 : memref<1015808x32xf32, #tpu.memory_space<hbm>>) target(%dma_start3A_594 : memref<50x32xf32, #tpu.memory_space<vmem>>) offsets(%dma_start3A_601 : memref<50xi32, #tpu.memory_space<vmem>>) semaphore(%arg8 : memref<!tpu.dma_semaphore, #tpu.memory_space<semaphore_mem>>)
    %dma_start3A_605 = arith.constant 1 : i32
    %dma_start3A_606 = arith.constant 7 : i32
    %dma_start3A_607 = arith.constant 1 : i32
    %dma_start3A_608 = arith.constant 7 : i32
    %dma_start3A_609 = arith.constant 0 : i32
    %dma_start3A_610 = arith.constant 0 : i32
    %dma_start3A_611 = arith.constant 0 : i32
    %dma_start3A_612 = tpu.memref_slice %arg6[%dma_start3A_607, %dma_start3A_609, %dma_start3A_610, %dma_start3A_611] : memref<2x16x50x32xf32, #tpu.memory_space<vmem>> -> memref<1x16x50x32xf32, #tpu.memory_space<vmem>>
    %dma_start3A_613 = tpu.memref_squeeze %dma_start3A_612 : memref<1x16x50x32xf32, #tpu.memory_space<vmem>> -> memref<16x50x32xf32, #tpu.memory_space<vmem>>
    %dma_start3A_614 = arith.constant 0 : i32
    %dma_start3A_615 = arith.constant 0 : i32
    %dma_start3A_616 = tpu.memref_slice %dma_start3A_613[%dma_start3A_608, %dma_start3A_614, %dma_start3A_615] : memref<16x50x32xf32, #tpu.memory_space<vmem>> -> memref<1x50x32xf32, #tpu.memory_space<vmem>>
    %dma_start3A_617 = tpu.memref_squeeze %dma_start3A_616 : memref<1x50x32xf32, #tpu.memory_space<vmem>> -> memref<50x32xf32, #tpu.memory_space<vmem>>
    %dma_start3A_618 = arith.constant 0 : i32
    %dma_start3A_619 = arith.constant 0 : i32
    %dma_start3A_620 = tpu.memref_slice %arg5[%dma_start3A_605, %dma_start3A_618, %dma_start3A_619] : memref<2x16x50xi32, #tpu.memory_space<vmem>> -> memref<1x16x50xi32, #tpu.memory_space<vmem>>
    %dma_start3A_621 = tpu.memref_squeeze %dma_start3A_620 : memref<1x16x50xi32, #tpu.memory_space<vmem>> -> memref<16x50xi32, #tpu.memory_space<vmem>>
    %dma_start3A_622 = arith.constant 0 : i32
    %dma_start3A_623 = tpu.memref_slice %dma_start3A_621[%dma_start3A_606, %dma_start3A_622] : memref<16x50xi32, #tpu.memory_space<vmem>> -> memref<1x50xi32, #tpu.memory_space<vmem>>
    %dma_start3A_624 = tpu.memref_squeeze %dma_start3A_623 : memref<1x50xi32, #tpu.memory_space<vmem>> -> memref<50xi32, #tpu.memory_space<vmem>>
    %dma_start3A_625 = arith.constant 0 : i32
    %dma_start3A_626 = arith.constant 0 : i32
    %dma_start3A_627 = tpu.memref_slice %arg2[%dma_start3A_625, %dma_start3A_626] : memref<1015808x32xf32, #tpu.memory_space<hbm>> -> memref<1015808x32xf32, #tpu.memory_space<hbm>>
    tpu.enqueue_indirect_dma source(%dma_start3A_627 : memref<1015808x32xf32, #tpu.memory_space<hbm>>) target(%dma_start3A_617 : memref<50x32xf32, #tpu.memory_space<vmem>>) offsets(%dma_start3A_624 : memref<50xi32, #tpu.memory_space<vmem>>) semaphore(%arg8 : memref<!tpu.dma_semaphore, #tpu.memory_space<semaphore_mem>>)
    %dma_start3A_628 = arith.constant 1 : i32
    %dma_start3A_629 = arith.constant 8 : i32
    %dma_start3A_630 = arith.constant 1 : i32
    %dma_start3A_631 = arith.constant 8 : i32
    %dma_start3A_632 = arith.constant 0 : i32
    %dma_start3A_633 = arith.constant 0 : i32
    %dma_start3A_634 = arith.constant 0 : i32
    %dma_start3A_635 = tpu.memref_slice %arg6[%dma_start3A_630, %dma_start3A_632, %dma_start3A_633, %dma_start3A_634] : memref<2x16x50x32xf32, #tpu.memory_space<vmem>> -> memref<1x16x50x32xf32, #tpu.memory_space<vmem>>
    %dma_start3A_636 = tpu.memref_squeeze %dma_start3A_635 : memref<1x16x50x32xf32, #tpu.memory_space<vmem>> -> memref<16x50x32xf32, #tpu.memory_space<vmem>>
    %dma_start3A_637 = arith.constant 0 : i32
    %dma_start3A_638 = arith.constant 0 : i32
    %dma_start3A_639 = tpu.memref_slice %dma_start3A_636[%dma_start3A_631, %dma_start3A_637, %dma_start3A_638] : memref<16x50x32xf32, #tpu.memory_space<vmem>> -> memref<1x50x32xf32, #tpu.memory_space<vmem>>
    %dma_start3A_640 = tpu.memref_squeeze %dma_start3A_639 : memref<1x50x32xf32, #tpu.memory_space<vmem>> -> memref<50x32xf32, #tpu.memory_space<vmem>>
    %dma_start3A_641 = arith.constant 0 : i32
    %dma_start3A_642 = arith.constant 0 : i32
    %dma_start3A_643 = tpu.memref_slice %arg5[%dma_start3A_628, %dma_start3A_641, %dma_start3A_642] : memref<2x16x50xi32, #tpu.memory_space<vmem>> -> memref<1x16x50xi32, #tpu.memory_space<vmem>>
    %dma_start3A_644 = tpu.memref_squeeze %dma_start3A_643 : memref<1x16x50xi32, #tpu.memory_space<vmem>> -> memref<16x50xi32, #tpu.memory_space<vmem>>
    %dma_start3A_645 = arith.constant 0 : i32
    %dma_start3A_646 = tpu.memref_slice %dma_start3A_644[%dma_start3A_629, %dma_start3A_645] : memref<16x50xi32, #tpu.memory_space<vmem>> -> memref<1x50xi32, #tpu.memory_space<vmem>>
    %dma_start3A_647 = tpu.memref_squeeze %dma_start3A_646 : memref<1x50xi32, #tpu.memory_space<vmem>> -> memref<50xi32, #tpu.memory_space<vmem>>
    %dma_start3A_648 = arith.constant 0 : i32
    %dma_start3A_649 = arith.constant 0 : i32
    %dma_start3A_650 = tpu.memref_slice %arg2[%dma_start3A_648, %dma_start3A_649] : memref<1015808x32xf32, #tpu.memory_space<hbm>> -> memref<1015808x32xf32, #tpu.memory_space<hbm>>
    tpu.enqueue_indirect_dma source(%dma_start3A_650 : memref<1015808x32xf32, #tpu.memory_space<hbm>>) target(%dma_start3A_640 : memref<50x32xf32, #tpu.memory_space<vmem>>) offsets(%dma_start3A_647 : memref<50xi32, #tpu.memory_space<vmem>>) semaphore(%arg8 : memref<!tpu.dma_semaphore, #tpu.memory_space<semaphore_mem>>)
    %dma_start3A_651 = arith.constant 1 : i32
    %dma_start3A_652 = arith.constant 9 : i32
    %dma_start3A_653 = arith.constant 1 : i32
    %dma_start3A_654 = arith.constant 9 : i32
    %dma_start3A_655 = arith.constant 0 : i32
    %dma_start3A_656 = arith.constant 0 : i32
    %dma_start3A_657 = arith.constant 0 : i32
    %dma_start3A_658 = tpu.memref_slice %arg6[%dma_start3A_653, %dma_start3A_655, %dma_start3A_656, %dma_start3A_657] : memref<2x16x50x32xf32, #tpu.memory_space<vmem>> -> memref<1x16x50x32xf32, #tpu.memory_space<vmem>>
    %dma_start3A_659 = tpu.memref_squeeze %dma_start3A_658 : memref<1x16x50x32xf32, #tpu.memory_space<vmem>> -> memref<16x50x32xf32, #tpu.memory_space<vmem>>
    %dma_start3A_660 = arith.constant 0 : i32
    %dma_start3A_661 = arith.constant 0 : i32
    %dma_start3A_662 = tpu.memref_slice %dma_start3A_659[%dma_start3A_654, %dma_start3A_660, %dma_start3A_661] : memref<16x50x32xf32, #tpu.memory_space<vmem>> -> memref<1x50x32xf32, #tpu.memory_space<vmem>>
    %dma_start3A_663 = tpu.memref_squeeze %dma_start3A_662 : memref<1x50x32xf32, #tpu.memory_space<vmem>> -> memref<50x32xf32, #tpu.memory_space<vmem>>
    %dma_start3A_664 = arith.constant 0 : i32
    %dma_start3A_665 = arith.constant 0 : i32
    %dma_start3A_666 = tpu.memref_slice %arg5[%dma_start3A_651, %dma_start3A_664, %dma_start3A_665] : memref<2x16x50xi32, #tpu.memory_space<vmem>> -> memref<1x16x50xi32, #tpu.memory_space<vmem>>
    %dma_start3A_667 = tpu.memref_squeeze %dma_start3A_666 : memref<1x16x50xi32, #tpu.memory_space<vmem>> -> memref<16x50xi32, #tpu.memory_space<vmem>>
    %dma_start3A_668 = arith.constant 0 : i32
    %dma_start3A_669 = tpu.memref_slice %dma_start3A_667[%dma_start3A_652, %dma_start3A_668] : memref<16x50xi32, #tpu.memory_space<vmem>> -> memref<1x50xi32, #tpu.memory_space<vmem>>
    %dma_start3A_670 = tpu.memref_squeeze %dma_start3A_669 : memref<1x50xi32, #tpu.memory_space<vmem>> -> memref<50xi32, #tpu.memory_space<vmem>>
    %dma_start3A_671 = arith.constant 0 : i32
    %dma_start3A_672 = arith.constant 0 : i32
    %dma_start3A_673 = tpu.memref_slice %arg2[%dma_start3A_671, %dma_start3A_672] : memref<1015808x32xf32, #tpu.memory_space<hbm>> -> memref<1015808x32xf32, #tpu.memory_space<hbm>>
    tpu.enqueue_indirect_dma source(%dma_start3A_673 : memref<1015808x32xf32, #tpu.memory_space<hbm>>) target(%dma_start3A_663 : memref<50x32xf32, #tpu.memory_space<vmem>>) offsets(%dma_start3A_670 : memref<50xi32, #tpu.memory_space<vmem>>) semaphore(%arg8 : memref<!tpu.dma_semaphore, #tpu.memory_space<semaphore_mem>>)
    %dma_start3A_674 = arith.constant 1 : i32
    %dma_start3A_675 = arith.constant 10 : i32
    %dma_start3A_676 = arith.constant 1 : i32
    %dma_start3A_677 = arith.constant 10 : i32
    %dma_start3A_678 = arith.constant 0 : i32
    %dma_start3A_679 = arith.constant 0 : i32
    %dma_start3A_680 = arith.constant 0 : i32
    %dma_start3A_681 = tpu.memref_slice %arg6[%dma_start3A_676, %dma_start3A_678, %dma_start3A_679, %dma_start3A_680] : memref<2x16x50x32xf32, #tpu.memory_space<vmem>> -> memref<1x16x50x32xf32, #tpu.memory_space<vmem>>
    %dma_start3A_682 = tpu.memref_squeeze %dma_start3A_681 : memref<1x16x50x32xf32, #tpu.memory_space<vmem>> -> memref<16x50x32xf32, #tpu.memory_space<vmem>>
    %dma_start3A_683 = arith.constant 0 : i32
    %dma_start3A_684 = arith.constant 0 : i32
    %dma_start3A_685 = tpu.memref_slice %dma_start3A_682[%dma_start3A_677, %dma_start3A_683, %dma_start3A_684] : memref<16x50x32xf32, #tpu.memory_space<vmem>> -> memref<1x50x32xf32, #tpu.memory_space<vmem>>
    %dma_start3A_686 = tpu.memref_squeeze %dma_start3A_685 : memref<1x50x32xf32, #tpu.memory_space<vmem>> -> memref<50x32xf32, #tpu.memory_space<vmem>>
    %dma_start3A_687 = arith.constant 0 : i32
    %dma_start3A_688 = arith.constant 0 : i32
    %dma_start3A_689 = tpu.memref_slice %arg5[%dma_start3A_674, %dma_start3A_687, %dma_start3A_688] : memref<2x16x50xi32, #tpu.memory_space<vmem>> -> memref<1x16x50xi32, #tpu.memory_space<vmem>>
    %dma_start3A_690 = tpu.memref_squeeze %dma_start3A_689 : memref<1x16x50xi32, #tpu.memory_space<vmem>> -> memref<16x50xi32, #tpu.memory_space<vmem>>
    %dma_start3A_691 = arith.constant 0 : i32
    %dma_start3A_692 = tpu.memref_slice %dma_start3A_690[%dma_start3A_675, %dma_start3A_691] : memref<16x50xi32, #tpu.memory_space<vmem>> -> memref<1x50xi32, #tpu.memory_space<vmem>>
    %dma_start3A_693 = tpu.memref_squeeze %dma_start3A_692 : memref<1x50xi32, #tpu.memory_space<vmem>> -> memref<50xi32, #tpu.memory_space<vmem>>
    %dma_start3A_694 = arith.constant 0 : i32
    %dma_start3A_695 = arith.constant 0 : i32
    %dma_start3A_696 = tpu.memref_slice %arg2[%dma_start3A_694, %dma_start3A_695] : memref<1015808x32xf32, #tpu.memory_space<hbm>> -> memref<1015808x32xf32, #tpu.memory_space<hbm>>
    tpu.enqueue_indirect_dma source(%dma_start3A_696 : memref<1015808x32xf32, #tpu.memory_space<hbm>>) target(%dma_start3A_686 : memref<50x32xf32, #tpu.memory_space<vmem>>) offsets(%dma_start3A_693 : memref<50xi32, #tpu.memory_space<vmem>>) semaphore(%arg8 : memref<!tpu.dma_semaphore, #tpu.memory_space<semaphore_mem>>)
    %dma_start3A_697 = arith.constant 1 : i32
    %dma_start3A_698 = arith.constant 11 : i32
    %dma_start3A_699 = arith.constant 1 : i32
    %dma_start3A_700 = arith.constant 11 : i32
    %dma_start3A_701 = arith.constant 0 : i32
    %dma_start3A_702 = arith.constant 0 : i32
    %dma_start3A_703 = arith.constant 0 : i32
    %dma_start3A_704 = tpu.memref_slice %arg6[%dma_start3A_699, %dma_start3A_701, %dma_start3A_702, %dma_start3A_703] : memref<2x16x50x32xf32, #tpu.memory_space<vmem>> -> memref<1x16x50x32xf32, #tpu.memory_space<vmem>>
    %dma_start3A_705 = tpu.memref_squeeze %dma_start3A_704 : memref<1x16x50x32xf32, #tpu.memory_space<vmem>> -> memref<16x50x32xf32, #tpu.memory_space<vmem>>
    %dma_start3A_706 = arith.constant 0 : i32
    %dma_start3A_707 = arith.constant 0 : i32
    %dma_start3A_708 = tpu.memref_slice %dma_start3A_705[%dma_start3A_700, %dma_start3A_706, %dma_start3A_707] : memref<16x50x32xf32, #tpu.memory_space<vmem>> -> memref<1x50x32xf32, #tpu.memory_space<vmem>>
    %dma_start3A_709 = tpu.memref_squeeze %dma_start3A_708 : memref<1x50x32xf32, #tpu.memory_space<vmem>> -> memref<50x32xf32, #tpu.memory_space<vmem>>
    %dma_start3A_710 = arith.constant 0 : i32
    %dma_start3A_711 = arith.constant 0 : i32
    %dma_start3A_712 = tpu.memref_slice %arg5[%dma_start3A_697, %dma_start3A_710, %dma_start3A_711] : memref<2x16x50xi32, #tpu.memory_space<vmem>> -> memref<1x16x50xi32, #tpu.memory_space<vmem>>
    %dma_start3A_713 = tpu.memref_squeeze %dma_start3A_712 : memref<1x16x50xi32, #tpu.memory_space<vmem>> -> memref<16x50xi32, #tpu.memory_space<vmem>>
    %dma_start3A_714 = arith.constant 0 : i32
    %dma_start3A_715 = tpu.memref_slice %dma_start3A_713[%dma_start3A_698, %dma_start3A_714] : memref<16x50xi32, #tpu.memory_space<vmem>> -> memref<1x50xi32, #tpu.memory_space<vmem>>
    %dma_start3A_716 = tpu.memref_squeeze %dma_start3A_715 : memref<1x50xi32, #tpu.memory_space<vmem>> -> memref<50xi32, #tpu.memory_space<vmem>>
    %dma_start3A_717 = arith.constant 0 : i32
    %dma_start3A_718 = arith.constant 0 : i32
    %dma_start3A_719 = tpu.memref_slice %arg2[%dma_start3A_717, %dma_start3A_718] : memref<1015808x32xf32, #tpu.memory_space<hbm>> -> memref<1015808x32xf32, #tpu.memory_space<hbm>>
    tpu.enqueue_indirect_dma source(%dma_start3A_719 : memref<1015808x32xf32, #tpu.memory_space<hbm>>) target(%dma_start3A_709 : memref<50x32xf32, #tpu.memory_space<vmem>>) offsets(%dma_start3A_716 : memref<50xi32, #tpu.memory_space<vmem>>) semaphore(%arg8 : memref<!tpu.dma_semaphore, #tpu.memory_space<semaphore_mem>>)
    %dma_start3A_720 = arith.constant 1 : i32
    %dma_start3A_721 = arith.constant 12 : i32
    %dma_start3A_722 = arith.constant 1 : i32
    %dma_start3A_723 = arith.constant 12 : i32
    %dma_start3A_724 = arith.constant 0 : i32
    %dma_start3A_725 = arith.constant 0 : i32
    %dma_start3A_726 = arith.constant 0 : i32
    %dma_start3A_727 = tpu.memref_slice %arg6[%dma_start3A_722, %dma_start3A_724, %dma_start3A_725, %dma_start3A_726] : memref<2x16x50x32xf32, #tpu.memory_space<vmem>> -> memref<1x16x50x32xf32, #tpu.memory_space<vmem>>
    %dma_start3A_728 = tpu.memref_squeeze %dma_start3A_727 : memref<1x16x50x32xf32, #tpu.memory_space<vmem>> -> memref<16x50x32xf32, #tpu.memory_space<vmem>>
    %dma_start3A_729 = arith.constant 0 : i32
    %dma_start3A_730 = arith.constant 0 : i32
    %dma_start3A_731 = tpu.memref_slice %dma_start3A_728[%dma_start3A_723, %dma_start3A_729, %dma_start3A_730] : memref<16x50x32xf32, #tpu.memory_space<vmem>> -> memref<1x50x32xf32, #tpu.memory_space<vmem>>
    %dma_start3A_732 = tpu.memref_squeeze %dma_start3A_731 : memref<1x50x32xf32, #tpu.memory_space<vmem>> -> memref<50x32xf32, #tpu.memory_space<vmem>>
    %dma_start3A_733 = arith.constant 0 : i32
    %dma_start3A_734 = arith.constant 0 : i32
    %dma_start3A_735 = tpu.memref_slice %arg5[%dma_start3A_720, %dma_start3A_733, %dma_start3A_734] : memref<2x16x50xi32, #tpu.memory_space<vmem>> -> memref<1x16x50xi32, #tpu.memory_space<vmem>>
    %dma_start3A_736 = tpu.memref_squeeze %dma_start3A_735 : memref<1x16x50xi32, #tpu.memory_space<vmem>> -> memref<16x50xi32, #tpu.memory_space<vmem>>
    %dma_start3A_737 = arith.constant 0 : i32
    %dma_start3A_738 = tpu.memref_slice %dma_start3A_736[%dma_start3A_721, %dma_start3A_737] : memref<16x50xi32, #tpu.memory_space<vmem>> -> memref<1x50xi32, #tpu.memory_space<vmem>>
    %dma_start3A_739 = tpu.memref_squeeze %dma_start3A_738 : memref<1x50xi32, #tpu.memory_space<vmem>> -> memref<50xi32, #tpu.memory_space<vmem>>
    %dma_start3A_740 = arith.constant 0 : i32
    %dma_start3A_741 = arith.constant 0 : i32
    %dma_start3A_742 = tpu.memref_slice %arg2[%dma_start3A_740, %dma_start3A_741] : memref<1015808x32xf32, #tpu.memory_space<hbm>> -> memref<1015808x32xf32, #tpu.memory_space<hbm>>
    tpu.enqueue_indirect_dma source(%dma_start3A_742 : memref<1015808x32xf32, #tpu.memory_space<hbm>>) target(%dma_start3A_732 : memref<50x32xf32, #tpu.memory_space<vmem>>) offsets(%dma_start3A_739 : memref<50xi32, #tpu.memory_space<vmem>>) semaphore(%arg8 : memref<!tpu.dma_semaphore, #tpu.memory_space<semaphore_mem>>)
    %dma_start3A_743 = arith.constant 1 : i32
    %dma_start3A_744 = arith.constant 13 : i32
    %dma_start3A_745 = arith.constant 1 : i32
    %dma_start3A_746 = arith.constant 13 : i32
    %dma_start3A_747 = arith.constant 0 : i32
    %dma_start3A_748 = arith.constant 0 : i32
    %dma_start3A_749 = arith.constant 0 : i32
    %dma_start3A_750 = tpu.memref_slice %arg6[%dma_start3A_745, %dma_start3A_747, %dma_start3A_748, %dma_start3A_749] : memref<2x16x50x32xf32, #tpu.memory_space<vmem>> -> memref<1x16x50x32xf32, #tpu.memory_space<vmem>>
    %dma_start3A_751 = tpu.memref_squeeze %dma_start3A_750 : memref<1x16x50x32xf32, #tpu.memory_space<vmem>> -> memref<16x50x32xf32, #tpu.memory_space<vmem>>
    %dma_start3A_752 = arith.constant 0 : i32
    %dma_start3A_753 = arith.constant 0 : i32
    %dma_start3A_754 = tpu.memref_slice %dma_start3A_751[%dma_start3A_746, %dma_start3A_752, %dma_start3A_753] : memref<16x50x32xf32, #tpu.memory_space<vmem>> -> memref<1x50x32xf32, #tpu.memory_space<vmem>>
    %dma_start3A_755 = tpu.memref_squeeze %dma_start3A_754 : memref<1x50x32xf32, #tpu.memory_space<vmem>> -> memref<50x32xf32, #tpu.memory_space<vmem>>
    %dma_start3A_756 = arith.constant 0 : i32
    %dma_start3A_757 = arith.constant 0 : i32
    %dma_start3A_758 = tpu.memref_slice %arg5[%dma_start3A_743, %dma_start3A_756, %dma_start3A_757] : memref<2x16x50xi32, #tpu.memory_space<vmem>> -> memref<1x16x50xi32, #tpu.memory_space<vmem>>
    %dma_start3A_759 = tpu.memref_squeeze %dma_start3A_758 : memref<1x16x50xi32, #tpu.memory_space<vmem>> -> memref<16x50xi32, #tpu.memory_space<vmem>>
    %dma_start3A_760 = arith.constant 0 : i32
    %dma_start3A_761 = tpu.memref_slice %dma_start3A_759[%dma_start3A_744, %dma_start3A_760] : memref<16x50xi32, #tpu.memory_space<vmem>> -> memref<1x50xi32, #tpu.memory_space<vmem>>
    %dma_start3A_762 = tpu.memref_squeeze %dma_start3A_761 : memref<1x50xi32, #tpu.memory_space<vmem>> -> memref<50xi32, #tpu.memory_space<vmem>>
    %dma_start3A_763 = arith.constant 0 : i32
    %dma_start3A_764 = arith.constant 0 : i32
    %dma_start3A_765 = tpu.memref_slice %arg2[%dma_start3A_763, %dma_start3A_764] : memref<1015808x32xf32, #tpu.memory_space<hbm>> -> memref<1015808x32xf32, #tpu.memory_space<hbm>>
    tpu.enqueue_indirect_dma source(%dma_start3A_765 : memref<1015808x32xf32, #tpu.memory_space<hbm>>) target(%dma_start3A_755 : memref<50x32xf32, #tpu.memory_space<vmem>>) offsets(%dma_start3A_762 : memref<50xi32, #tpu.memory_space<vmem>>) semaphore(%arg8 : memref<!tpu.dma_semaphore, #tpu.memory_space<semaphore_mem>>)
    %dma_start3A_766 = arith.constant 1 : i32
    %dma_start3A_767 = arith.constant 14 : i32
    %dma_start3A_768 = arith.constant 1 : i32
    %dma_start3A_769 = arith.constant 14 : i32
    %dma_start3A_770 = arith.constant 0 : i32
    %dma_start3A_771 = arith.constant 0 : i32
    %dma_start3A_772 = arith.constant 0 : i32
    %dma_start3A_773 = tpu.memref_slice %arg6[%dma_start3A_768, %dma_start3A_770, %dma_start3A_771, %dma_start3A_772] : memref<2x16x50x32xf32, #tpu.memory_space<vmem>> -> memref<1x16x50x32xf32, #tpu.memory_space<vmem>>
    %dma_start3A_774 = tpu.memref_squeeze %dma_start3A_773 : memref<1x16x50x32xf32, #tpu.memory_space<vmem>> -> memref<16x50x32xf32, #tpu.memory_space<vmem>>
    %dma_start3A_775 = arith.constant 0 : i32
    %dma_start3A_776 = arith.constant 0 : i32
    %dma_start3A_777 = tpu.memref_slice %dma_start3A_774[%dma_start3A_769, %dma_start3A_775, %dma_start3A_776] : memref<16x50x32xf32, #tpu.memory_space<vmem>> -> memref<1x50x32xf32, #tpu.memory_space<vmem>>
    %dma_start3A_778 = tpu.memref_squeeze %dma_start3A_777 : memref<1x50x32xf32, #tpu.memory_space<vmem>> -> memref<50x32xf32, #tpu.memory_space<vmem>>
    %dma_start3A_779 = arith.constant 0 : i32
    %dma_start3A_780 = arith.constant 0 : i32
    %dma_start3A_781 = tpu.memref_slice %arg5[%dma_start3A_766, %dma_start3A_779, %dma_start3A_780] : memref<2x16x50xi32, #tpu.memory_space<vmem>> -> memref<1x16x50xi32, #tpu.memory_space<vmem>>
    %dma_start3A_782 = tpu.memref_squeeze %dma_start3A_781 : memref<1x16x50xi32, #tpu.memory_space<vmem>> -> memref<16x50xi32, #tpu.memory_space<vmem>>
    %dma_start3A_783 = arith.constant 0 : i32
    %dma_start3A_784 = tpu.memref_slice %dma_start3A_782[%dma_start3A_767, %dma_start3A_783] : memref<16x50xi32, #tpu.memory_space<vmem>> -> memref<1x50xi32, #tpu.memory_space<vmem>>
    %dma_start3A_785 = tpu.memref_squeeze %dma_start3A_784 : memref<1x50xi32, #tpu.memory_space<vmem>> -> memref<50xi32, #tpu.memory_space<vmem>>
    %dma_start3A_786 = arith.constant 0 : i32
    %dma_start3A_787 = arith.constant 0 : i32
    %dma_start3A_788 = tpu.memref_slice %arg2[%dma_start3A_786, %dma_start3A_787] : memref<1015808x32xf32, #tpu.memory_space<hbm>> -> memref<1015808x32xf32, #tpu.memory_space<hbm>>
    tpu.enqueue_indirect_dma source(%dma_start3A_788 : memref<1015808x32xf32, #tpu.memory_space<hbm>>) target(%dma_start3A_778 : memref<50x32xf32, #tpu.memory_space<vmem>>) offsets(%dma_start3A_785 : memref<50xi32, #tpu.memory_space<vmem>>) semaphore(%arg8 : memref<!tpu.dma_semaphore, #tpu.memory_space<semaphore_mem>>)
    %dma_start3A_789 = arith.constant 1 : i32
    %dma_start3A_790 = arith.constant 15 : i32
    %dma_start3A_791 = arith.constant 1 : i32
    %dma_start3A_792 = arith.constant 15 : i32
    %dma_start3A_793 = arith.constant 0 : i32
    %dma_start3A_794 = arith.constant 0 : i32
    %dma_start3A_795 = arith.constant 0 : i32
    %dma_start3A_796 = tpu.memref_slice %arg6[%dma_start3A_791, %dma_start3A_793, %dma_start3A_794, %dma_start3A_795] : memref<2x16x50x32xf32, #tpu.memory_space<vmem>> -> memref<1x16x50x32xf32, #tpu.memory_space<vmem>>
    %dma_start3A_797 = tpu.memref_squeeze %dma_start3A_796 : memref<1x16x50x32xf32, #tpu.memory_space<vmem>> -> memref<16x50x32xf32, #tpu.memory_space<vmem>>
    %dma_start3A_798 = arith.constant 0 : i32
    %dma_start3A_799 = arith.constant 0 : i32
    %dma_start3A_800 = tpu.memref_slice %dma_start3A_797[%dma_start3A_792, %dma_start3A_798, %dma_start3A_799] : memref<16x50x32xf32, #tpu.memory_space<vmem>> -> memref<1x50x32xf32, #tpu.memory_space<vmem>>
    %dma_start3A_801 = tpu.memref_squeeze %dma_start3A_800 : memref<1x50x32xf32, #tpu.memory_space<vmem>> -> memref<50x32xf32, #tpu.memory_space<vmem>>
    %dma_start3A_802 = arith.constant 0 : i32
    %dma_start3A_803 = arith.constant 0 : i32
    %dma_start3A_804 = tpu.memref_slice %arg5[%dma_start3A_789, %dma_start3A_802, %dma_start3A_803] : memref<2x16x50xi32, #tpu.memory_space<vmem>> -> memref<1x16x50xi32, #tpu.memory_space<vmem>>
    %dma_start3A_805 = tpu.memref_squeeze %dma_start3A_804 : memref<1x16x50xi32, #tpu.memory_space<vmem>> -> memref<16x50xi32, #tpu.memory_space<vmem>>
    %dma_start3A_806 = arith.constant 0 : i32
    %dma_start3A_807 = tpu.memref_slice %dma_start3A_805[%dma_start3A_790, %dma_start3A_806] : memref<16x50xi32, #tpu.memory_space<vmem>> -> memref<1x50xi32, #tpu.memory_space<vmem>>
    %dma_start3A_808 = tpu.memref_squeeze %dma_start3A_807 : memref<1x50xi32, #tpu.memory_space<vmem>> -> memref<50xi32, #tpu.memory_space<vmem>>
    %dma_start3A_809 = arith.constant 0 : i32
    %dma_start3A_810 = arith.constant 0 : i32
    %dma_start3A_811 = tpu.memref_slice %arg2[%dma_start3A_809, %dma_start3A_810] : memref<1015808x32xf32, #tpu.memory_space<hbm>> -> memref<1015808x32xf32, #tpu.memory_space<hbm>>
    tpu.enqueue_indirect_dma source(%dma_start3A_811 : memref<1015808x32xf32, #tpu.memory_space<hbm>>) target(%dma_start3A_801 : memref<50x32xf32, #tpu.memory_space<vmem>>) offsets(%dma_start3A_808 : memref<50xi32, #tpu.memory_space<vmem>>) semaphore(%arg8 : memref<!tpu.dma_semaphore, #tpu.memory_space<semaphore_mem>>)
    %dma_wait3A = arith.constant 0 : i32
    %dma_wait3A_812 = arith.constant 0 : i32
    %dma_wait3A_813 = arith.constant 0 : i32
    %dma_wait3A_814 = arith.constant 0 : i32
    %dma_wait3A_815 = arith.constant 0 : i32
    %dma_wait3A_816 = arith.constant 0 : i32
    %dma_wait3A_817 = arith.constant 0 : i32
    %dma_wait3A_818 = tpu.memref_slice %arg6[%dma_wait3A_813, %dma_wait3A_815, %dma_wait3A_816, %dma_wait3A_817] : memref<2x16x50x32xf32, #tpu.memory_space<vmem>> -> memref<1x16x50x32xf32, #tpu.memory_space<vmem>>
    %dma_wait3A_819 = tpu.memref_squeeze %dma_wait3A_818 : memref<1x16x50x32xf32, #tpu.memory_space<vmem>> -> memref<16x50x32xf32, #tpu.memory_space<vmem>>
    %dma_wait3A_820 = arith.constant 0 : i32
    %dma_wait3A_821 = arith.constant 0 : i32
    %dma_wait3A_822 = tpu.memref_slice %dma_wait3A_819[%dma_wait3A_814, %dma_wait3A_820, %dma_wait3A_821] : memref<16x50x32xf32, #tpu.memory_space<vmem>> -> memref<1x50x32xf32, #tpu.memory_space<vmem>>
    %dma_wait3A_823 = tpu.memref_squeeze %dma_wait3A_822 : memref<1x50x32xf32, #tpu.memory_space<vmem>> -> memref<50x32xf32, #tpu.memory_space<vmem>>
    %dma_wait3A_824 = arith.constant 0 : i32
    %dma_wait3A_825 = arith.constant 0 : i32
    %dma_wait3A_826 = tpu.memref_slice %arg5[%dma_wait3A, %dma_wait3A_824, %dma_wait3A_825] : memref<2x16x50xi32, #tpu.memory_space<vmem>> -> memref<1x16x50xi32, #tpu.memory_space<vmem>>
    %dma_wait3A_827 = tpu.memref_squeeze %dma_wait3A_826 : memref<1x16x50xi32, #tpu.memory_space<vmem>> -> memref<16x50xi32, #tpu.memory_space<vmem>>
    %dma_wait3A_828 = arith.constant 0 : i32
    %dma_wait3A_829 = tpu.memref_slice %dma_wait3A_827[%dma_wait3A_812, %dma_wait3A_828] : memref<16x50xi32, #tpu.memory_space<vmem>> -> memref<1x50xi32, #tpu.memory_space<vmem>>
    %dma_wait3A_830 = tpu.memref_squeeze %dma_wait3A_829 : memref<1x50xi32, #tpu.memory_space<vmem>> -> memref<50xi32, #tpu.memory_space<vmem>>
    %dma_wait3A_831 = arith.constant 0 : i32
    %dma_wait3A_832 = arith.constant 0 : i32
    %dma_wait3A_833 = tpu.memref_slice %arg2[%dma_wait3A_831, %dma_wait3A_832] : memref<1015808x32xf32, #tpu.memory_space<hbm>> -> memref<1015808x32xf32, #tpu.memory_space<hbm>>
    tpu.wait_indirect_dma semaphore(%arg7 : memref<!tpu.dma_semaphore, #tpu.memory_space<semaphore_mem>>) src(%dma_wait3A_833 : memref<1015808x32xf32, #tpu.memory_space<hbm>>) dst(%dma_wait3A_823 : memref<50x32xf32, #tpu.memory_space<vmem>>)
    %dma_wait3A_834 = arith.constant 0 : i32
    %dma_wait3A_835 = arith.constant 1 : i32
    %dma_wait3A_836 = arith.constant 0 : i32
    %dma_wait3A_837 = arith.constant 1 : i32
    %dma_wait3A_838 = arith.constant 0 : i32
    %dma_wait3A_839 = arith.constant 0 : i32
    %dma_wait3A_840 = arith.constant 0 : i32
    %dma_wait3A_841 = tpu.memref_slice %arg6[%dma_wait3A_836, %dma_wait3A_838, %dma_wait3A_839, %dma_wait3A_840] : memref<2x16x50x32xf32, #tpu.memory_space<vmem>> -> memref<1x16x50x32xf32, #tpu.memory_space<vmem>>
    %dma_wait3A_842 = tpu.memref_squeeze %dma_wait3A_841 : memref<1x16x50x32xf32, #tpu.memory_space<vmem>> -> memref<16x50x32xf32, #tpu.memory_space<vmem>>
    %dma_wait3A_843 = arith.constant 0 : i32
    %dma_wait3A_844 = arith.constant 0 : i32
    %dma_wait3A_845 = tpu.memref_slice %dma_wait3A_842[%dma_wait3A_837, %dma_wait3A_843, %dma_wait3A_844] : memref<16x50x32xf32, #tpu.memory_space<vmem>> -> memref<1x50x32xf32, #tpu.memory_space<vmem>>
    %dma_wait3A_846 = tpu.memref_squeeze %dma_wait3A_845 : memref<1x50x32xf32, #tpu.memory_space<vmem>> -> memref<50x32xf32, #tpu.memory_space<vmem>>
    %dma_wait3A_847 = arith.constant 0 : i32
    %dma_wait3A_848 = arith.constant 0 : i32
    %dma_wait3A_849 = tpu.memref_slice %arg5[%dma_wait3A_834, %dma_wait3A_847, %dma_wait3A_848] : memref<2x16x50xi32, #tpu.memory_space<vmem>> -> memref<1x16x50xi32, #tpu.memory_space<vmem>>
    %dma_wait3A_850 = tpu.memref_squeeze %dma_wait3A_849 : memref<1x16x50xi32, #tpu.memory_space<vmem>> -> memref<16x50xi32, #tpu.memory_space<vmem>>
    %dma_wait3A_851 = arith.constant 0 : i32
    %dma_wait3A_852 = tpu.memref_slice %dma_wait3A_850[%dma_wait3A_835, %dma_wait3A_851] : memref<16x50xi32, #tpu.memory_space<vmem>> -> memref<1x50xi32, #tpu.memory_space<vmem>>
    %dma_wait3A_853 = tpu.memref_squeeze %dma_wait3A_852 : memref<1x50xi32, #tpu.memory_space<vmem>> -> memref<50xi32, #tpu.memory_space<vmem>>
    %dma_wait3A_854 = arith.constant 0 : i32
    %dma_wait3A_855 = arith.constant 0 : i32
    %dma_wait3A_856 = tpu.memref_slice %arg2[%dma_wait3A_854, %dma_wait3A_855] : memref<1015808x32xf32, #tpu.memory_space<hbm>> -> memref<1015808x32xf32, #tpu.memory_space<hbm>>
    tpu.wait_indirect_dma semaphore(%arg7 : memref<!tpu.dma_semaphore, #tpu.memory_space<semaphore_mem>>) src(%dma_wait3A_856 : memref<1015808x32xf32, #tpu.memory_space<hbm>>) dst(%dma_wait3A_846 : memref<50x32xf32, #tpu.memory_space<vmem>>)
    %dma_wait3A_857 = arith.constant 0 : i32
    %dma_wait3A_858 = arith.constant 2 : i32
    %dma_wait3A_859 = arith.constant 0 : i32
    %dma_wait3A_860 = arith.constant 2 : i32
    %dma_wait3A_861 = arith.constant 0 : i32
    %dma_wait3A_862 = arith.constant 0 : i32
    %dma_wait3A_863 = arith.constant 0 : i32
    %dma_wait3A_864 = tpu.memref_slice %arg6[%dma_wait3A_859, %dma_wait3A_861, %dma_wait3A_862, %dma_wait3A_863] : memref<2x16x50x32xf32, #tpu.memory_space<vmem>> -> memref<1x16x50x32xf32, #tpu.memory_space<vmem>>
    %dma_wait3A_865 = tpu.memref_squeeze %dma_wait3A_864 : memref<1x16x50x32xf32, #tpu.memory_space<vmem>> -> memref<16x50x32xf32, #tpu.memory_space<vmem>>
    %dma_wait3A_866 = arith.constant 0 : i32
    %dma_wait3A_867 = arith.constant 0 : i32
    %dma_wait3A_868 = tpu.memref_slice %dma_wait3A_865[%dma_wait3A_860, %dma_wait3A_866, %dma_wait3A_867] : memref<16x50x32xf32, #tpu.memory_space<vmem>> -> memref<1x50x32xf32, #tpu.memory_space<vmem>>
    %dma_wait3A_869 = tpu.memref_squeeze %dma_wait3A_868 : memref<1x50x32xf32, #tpu.memory_space<vmem>> -> memref<50x32xf32, #tpu.memory_space<vmem>>
    %dma_wait3A_870 = arith.constant 0 : i32
    %dma_wait3A_871 = arith.constant 0 : i32
    %dma_wait3A_872 = tpu.memref_slice %arg5[%dma_wait3A_857, %dma_wait3A_870, %dma_wait3A_871] : memref<2x16x50xi32, #tpu.memory_space<vmem>> -> memref<1x16x50xi32, #tpu.memory_space<vmem>>
    %dma_wait3A_873 = tpu.memref_squeeze %dma_wait3A_872 : memref<1x16x50xi32, #tpu.memory_space<vmem>> -> memref<16x50xi32, #tpu.memory_space<vmem>>
    %dma_wait3A_874 = arith.constant 0 : i32
    %dma_wait3A_875 = tpu.memref_slice %dma_wait3A_873[%dma_wait3A_858, %dma_wait3A_874] : memref<16x50xi32, #tpu.memory_space<vmem>> -> memref<1x50xi32, #tpu.memory_space<vmem>>
    %dma_wait3A_876 = tpu.memref_squeeze %dma_wait3A_875 : memref<1x50xi32, #tpu.memory_space<vmem>> -> memref<50xi32, #tpu.memory_space<vmem>>
    %dma_wait3A_877 = arith.constant 0 : i32
    %dma_wait3A_878 = arith.constant 0 : i32
    %dma_wait3A_879 = tpu.memref_slice %arg2[%dma_wait3A_877, %dma_wait3A_878] : memref<1015808x32xf32, #tpu.memory_space<hbm>> -> memref<1015808x32xf32, #tpu.memory_space<hbm>>
    tpu.wait_indirect_dma semaphore(%arg7 : memref<!tpu.dma_semaphore, #tpu.memory_space<semaphore_mem>>) src(%dma_wait3A_879 : memref<1015808x32xf32, #tpu.memory_space<hbm>>) dst(%dma_wait3A_869 : memref<50x32xf32, #tpu.memory_space<vmem>>)
    %dma_wait3A_880 = arith.constant 0 : i32
    %dma_wait3A_881 = arith.constant 3 : i32
    %dma_wait3A_882 = arith.constant 0 : i32
    %dma_wait3A_883 = arith.constant 3 : i32
    %dma_wait3A_884 = arith.constant 0 : i32
    %dma_wait3A_885 = arith.constant 0 : i32
    %dma_wait3A_886 = arith.constant 0 : i32
    %dma_wait3A_887 = tpu.memref_slice %arg6[%dma_wait3A_882, %dma_wait3A_884, %dma_wait3A_885, %dma_wait3A_886] : memref<2x16x50x32xf32, #tpu.memory_space<vmem>> -> memref<1x16x50x32xf32, #tpu.memory_space<vmem>>
    %dma_wait3A_888 = tpu.memref_squeeze %dma_wait3A_887 : memref<1x16x50x32xf32, #tpu.memory_space<vmem>> -> memref<16x50x32xf32, #tpu.memory_space<vmem>>
    %dma_wait3A_889 = arith.constant 0 : i32
    %dma_wait3A_890 = arith.constant 0 : i32
    %dma_wait3A_891 = tpu.memref_slice %dma_wait3A_888[%dma_wait3A_883, %dma_wait3A_889, %dma_wait3A_890] : memref<16x50x32xf32, #tpu.memory_space<vmem>> -> memref<1x50x32xf32, #tpu.memory_space<vmem>>
    %dma_wait3A_892 = tpu.memref_squeeze %dma_wait3A_891 : memref<1x50x32xf32, #tpu.memory_space<vmem>> -> memref<50x32xf32, #tpu.memory_space<vmem>>
    %dma_wait3A_893 = arith.constant 0 : i32
    %dma_wait3A_894 = arith.constant 0 : i32
    %dma_wait3A_895 = tpu.memref_slice %arg5[%dma_wait3A_880, %dma_wait3A_893, %dma_wait3A_894] : memref<2x16x50xi32, #tpu.memory_space<vmem>> -> memref<1x16x50xi32, #tpu.memory_space<vmem>>
    %dma_wait3A_896 = tpu.memref_squeeze %dma_wait3A_895 : memref<1x16x50xi32, #tpu.memory_space<vmem>> -> memref<16x50xi32, #tpu.memory_space<vmem>>
    %dma_wait3A_897 = arith.constant 0 : i32
    %dma_wait3A_898 = tpu.memref_slice %dma_wait3A_896[%dma_wait3A_881, %dma_wait3A_897] : memref<16x50xi32, #tpu.memory_space<vmem>> -> memref<1x50xi32, #tpu.memory_space<vmem>>
    %dma_wait3A_899 = tpu.memref_squeeze %dma_wait3A_898 : memref<1x50xi32, #tpu.memory_space<vmem>> -> memref<50xi32, #tpu.memory_space<vmem>>
    %dma_wait3A_900 = arith.constant 0 : i32
    %dma_wait3A_901 = arith.constant 0 : i32
    %dma_wait3A_902 = tpu.memref_slice %arg2[%dma_wait3A_900, %dma_wait3A_901] : memref<1015808x32xf32, #tpu.memory_space<hbm>> -> memref<1015808x32xf32, #tpu.memory_space<hbm>>
    tpu.wait_indirect_dma semaphore(%arg7 : memref<!tpu.dma_semaphore, #tpu.memory_space<semaphore_mem>>) src(%dma_wait3A_902 : memref<1015808x32xf32, #tpu.memory_space<hbm>>) dst(%dma_wait3A_892 : memref<50x32xf32, #tpu.memory_space<vmem>>)
    %dma_wait3A_903 = arith.constant 0 : i32
    %dma_wait3A_904 = arith.constant 4 : i32
    %dma_wait3A_905 = arith.constant 0 : i32
    %dma_wait3A_906 = arith.constant 4 : i32
    %dma_wait3A_907 = arith.constant 0 : i32
    %dma_wait3A_908 = arith.constant 0 : i32
    %dma_wait3A_909 = arith.constant 0 : i32
    %dma_wait3A_910 = tpu.memref_slice %arg6[%dma_wait3A_905, %dma_wait3A_907, %dma_wait3A_908, %dma_wait3A_909] : memref<2x16x50x32xf32, #tpu.memory_space<vmem>> -> memref<1x16x50x32xf32, #tpu.memory_space<vmem>>
    %dma_wait3A_911 = tpu.memref_squeeze %dma_wait3A_910 : memref<1x16x50x32xf32, #tpu.memory_space<vmem>> -> memref<16x50x32xf32, #tpu.memory_space<vmem>>
    %dma_wait3A_912 = arith.constant 0 : i32
    %dma_wait3A_913 = arith.constant 0 : i32
    %dma_wait3A_914 = tpu.memref_slice %dma_wait3A_911[%dma_wait3A_906, %dma_wait3A_912, %dma_wait3A_913] : memref<16x50x32xf32, #tpu.memory_space<vmem>> -> memref<1x50x32xf32, #tpu.memory_space<vmem>>
    %dma_wait3A_915 = tpu.memref_squeeze %dma_wait3A_914 : memref<1x50x32xf32, #tpu.memory_space<vmem>> -> memref<50x32xf32, #tpu.memory_space<vmem>>
    %dma_wait3A_916 = arith.constant 0 : i32
    %dma_wait3A_917 = arith.constant 0 : i32
    %dma_wait3A_918 = tpu.memref_slice %arg5[%dma_wait3A_903, %dma_wait3A_916, %dma_wait3A_917] : memref<2x16x50xi32, #tpu.memory_space<vmem>> -> memref<1x16x50xi32, #tpu.memory_space<vmem>>
    %dma_wait3A_919 = tpu.memref_squeeze %dma_wait3A_918 : memref<1x16x50xi32, #tpu.memory_space<vmem>> -> memref<16x50xi32, #tpu.memory_space<vmem>>
    %dma_wait3A_920 = arith.constant 0 : i32
    %dma_wait3A_921 = tpu.memref_slice %dma_wait3A_919[%dma_wait3A_904, %dma_wait3A_920] : memref<16x50xi32, #tpu.memory_space<vmem>> -> memref<1x50xi32, #tpu.memory_space<vmem>>
    %dma_wait3A_922 = tpu.memref_squeeze %dma_wait3A_921 : memref<1x50xi32, #tpu.memory_space<vmem>> -> memref<50xi32, #tpu.memory_space<vmem>>
    %dma_wait3A_923 = arith.constant 0 : i32
    %dma_wait3A_924 = arith.constant 0 : i32
    %dma_wait3A_925 = tpu.memref_slice %arg2[%dma_wait3A_923, %dma_wait3A_924] : memref<1015808x32xf32, #tpu.memory_space<hbm>> -> memref<1015808x32xf32, #tpu.memory_space<hbm>>
    tpu.wait_indirect_dma semaphore(%arg7 : memref<!tpu.dma_semaphore, #tpu.memory_space<semaphore_mem>>) src(%dma_wait3A_925 : memref<1015808x32xf32, #tpu.memory_space<hbm>>) dst(%dma_wait3A_915 : memref<50x32xf32, #tpu.memory_space<vmem>>)
    %dma_wait3A_926 = arith.constant 0 : i32
    %dma_wait3A_927 = arith.constant 5 : i32
    %dma_wait3A_928 = arith.constant 0 : i32
    %dma_wait3A_929 = arith.constant 5 : i32
    %dma_wait3A_930 = arith.constant 0 : i32
    %dma_wait3A_931 = arith.constant 0 : i32
    %dma_wait3A_932 = arith.constant 0 : i32
    %dma_wait3A_933 = tpu.memref_slice %arg6[%dma_wait3A_928, %dma_wait3A_930, %dma_wait3A_931, %dma_wait3A_932] : memref<2x16x50x32xf32, #tpu.memory_space<vmem>> -> memref<1x16x50x32xf32, #tpu.memory_space<vmem>>
    %dma_wait3A_934 = tpu.memref_squeeze %dma_wait3A_933 : memref<1x16x50x32xf32, #tpu.memory_space<vmem>> -> memref<16x50x32xf32, #tpu.memory_space<vmem>>
    %dma_wait3A_935 = arith.constant 0 : i32
    %dma_wait3A_936 = arith.constant 0 : i32
    %dma_wait3A_937 = tpu.memref_slice %dma_wait3A_934[%dma_wait3A_929, %dma_wait3A_935, %dma_wait3A_936] : memref<16x50x32xf32, #tpu.memory_space<vmem>> -> memref<1x50x32xf32, #tpu.memory_space<vmem>>
    %dma_wait3A_938 = tpu.memref_squeeze %dma_wait3A_937 : memref<1x50x32xf32, #tpu.memory_space<vmem>> -> memref<50x32xf32, #tpu.memory_space<vmem>>
    %dma_wait3A_939 = arith.constant 0 : i32
    %dma_wait3A_940 = arith.constant 0 : i32
    %dma_wait3A_941 = tpu.memref_slice %arg5[%dma_wait3A_926, %dma_wait3A_939, %dma_wait3A_940] : memref<2x16x50xi32, #tpu.memory_space<vmem>> -> memref<1x16x50xi32, #tpu.memory_space<vmem>>
    %dma_wait3A_942 = tpu.memref_squeeze %dma_wait3A_941 : memref<1x16x50xi32, #tpu.memory_space<vmem>> -> memref<16x50xi32, #tpu.memory_space<vmem>>
    %dma_wait3A_943 = arith.constant 0 : i32
    %dma_wait3A_944 = tpu.memref_slice %dma_wait3A_942[%dma_wait3A_927, %dma_wait3A_943] : memref<16x50xi32, #tpu.memory_space<vmem>> -> memref<1x50xi32, #tpu.memory_space<vmem>>
    %dma_wait3A_945 = tpu.memref_squeeze %dma_wait3A_944 : memref<1x50xi32, #tpu.memory_space<vmem>> -> memref<50xi32, #tpu.memory_space<vmem>>
    %dma_wait3A_946 = arith.constant 0 : i32
    %dma_wait3A_947 = arith.constant 0 : i32
    %dma_wait3A_948 = tpu.memref_slice %arg2[%dma_wait3A_946, %dma_wait3A_947] : memref<1015808x32xf32, #tpu.memory_space<hbm>> -> memref<1015808x32xf32, #tpu.memory_space<hbm>>
    tpu.wait_indirect_dma semaphore(%arg7 : memref<!tpu.dma_semaphore, #tpu.memory_space<semaphore_mem>>) src(%dma_wait3A_948 : memref<1015808x32xf32, #tpu.memory_space<hbm>>) dst(%dma_wait3A_938 : memref<50x32xf32, #tpu.memory_space<vmem>>)
    %dma_wait3A_949 = arith.constant 0 : i32
    %dma_wait3A_950 = arith.constant 6 : i32
    %dma_wait3A_951 = arith.constant 0 : i32
    %dma_wait3A_952 = arith.constant 6 : i32
    %dma_wait3A_953 = arith.constant 0 : i32
    %dma_wait3A_954 = arith.constant 0 : i32
    %dma_wait3A_955 = arith.constant 0 : i32
    %dma_wait3A_956 = tpu.memref_slice %arg6[%dma_wait3A_951, %dma_wait3A_953, %dma_wait3A_954, %dma_wait3A_955] : memref<2x16x50x32xf32, #tpu.memory_space<vmem>> -> memref<1x16x50x32xf32, #tpu.memory_space<vmem>>
    %dma_wait3A_957 = tpu.memref_squeeze %dma_wait3A_956 : memref<1x16x50x32xf32, #tpu.memory_space<vmem>> -> memref<16x50x32xf32, #tpu.memory_space<vmem>>
    %dma_wait3A_958 = arith.constant 0 : i32
    %dma_wait3A_959 = arith.constant 0 : i32
    %dma_wait3A_960 = tpu.memref_slice %dma_wait3A_957[%dma_wait3A_952, %dma_wait3A_958, %dma_wait3A_959] : memref<16x50x32xf32, #tpu.memory_space<vmem>> -> memref<1x50x32xf32, #tpu.memory_space<vmem>>
    %dma_wait3A_961 = tpu.memref_squeeze %dma_wait3A_960 : memref<1x50x32xf32, #tpu.memory_space<vmem>> -> memref<50x32xf32, #tpu.memory_space<vmem>>
    %dma_wait3A_962 = arith.constant 0 : i32
    %dma_wait3A_963 = arith.constant 0 : i32
    %dma_wait3A_964 = tpu.memref_slice %arg5[%dma_wait3A_949, %dma_wait3A_962, %dma_wait3A_963] : memref<2x16x50xi32, #tpu.memory_space<vmem>> -> memref<1x16x50xi32, #tpu.memory_space<vmem>>
    %dma_wait3A_965 = tpu.memref_squeeze %dma_wait3A_964 : memref<1x16x50xi32, #tpu.memory_space<vmem>> -> memref<16x50xi32, #tpu.memory_space<vmem>>
    %dma_wait3A_966 = arith.constant 0 : i32
    %dma_wait3A_967 = tpu.memref_slice %dma_wait3A_965[%dma_wait3A_950, %dma_wait3A_966] : memref<16x50xi32, #tpu.memory_space<vmem>> -> memref<1x50xi32, #tpu.memory_space<vmem>>
    %dma_wait3A_968 = tpu.memref_squeeze %dma_wait3A_967 : memref<1x50xi32, #tpu.memory_space<vmem>> -> memref<50xi32, #tpu.memory_space<vmem>>
    %dma_wait3A_969 = arith.constant 0 : i32
    %dma_wait3A_970 = arith.constant 0 : i32
    %dma_wait3A_971 = tpu.memref_slice %arg2[%dma_wait3A_969, %dma_wait3A_970] : memref<1015808x32xf32, #tpu.memory_space<hbm>> -> memref<1015808x32xf32, #tpu.memory_space<hbm>>
    tpu.wait_indirect_dma semaphore(%arg7 : memref<!tpu.dma_semaphore, #tpu.memory_space<semaphore_mem>>) src(%dma_wait3A_971 : memref<1015808x32xf32, #tpu.memory_space<hbm>>) dst(%dma_wait3A_961 : memref<50x32xf32, #tpu.memory_space<vmem>>)
    %dma_wait3A_972 = arith.constant 0 : i32
    %dma_wait3A_973 = arith.constant 7 : i32
    %dma_wait3A_974 = arith.constant 0 : i32
    %dma_wait3A_975 = arith.constant 7 : i32
    %dma_wait3A_976 = arith.constant 0 : i32
    %dma_wait3A_977 = arith.constant 0 : i32
    %dma_wait3A_978 = arith.constant 0 : i32
    %dma_wait3A_979 = tpu.memref_slice %arg6[%dma_wait3A_974, %dma_wait3A_976, %dma_wait3A_977, %dma_wait3A_978] : memref<2x16x50x32xf32, #tpu.memory_space<vmem>> -> memref<1x16x50x32xf32, #tpu.memory_space<vmem>>
    %dma_wait3A_980 = tpu.memref_squeeze %dma_wait3A_979 : memref<1x16x50x32xf32, #tpu.memory_space<vmem>> -> memref<16x50x32xf32, #tpu.memory_space<vmem>>
    %dma_wait3A_981 = arith.constant 0 : i32
    %dma_wait3A_982 = arith.constant 0 : i32
    %dma_wait3A_983 = tpu.memref_slice %dma_wait3A_980[%dma_wait3A_975, %dma_wait3A_981, %dma_wait3A_982] : memref<16x50x32xf32, #tpu.memory_space<vmem>> -> memref<1x50x32xf32, #tpu.memory_space<vmem>>
    %dma_wait3A_984 = tpu.memref_squeeze %dma_wait3A_983 : memref<1x50x32xf32, #tpu.memory_space<vmem>> -> memref<50x32xf32, #tpu.memory_space<vmem>>
    %dma_wait3A_985 = arith.constant 0 : i32
    %dma_wait3A_986 = arith.constant 0 : i32
    %dma_wait3A_987 = tpu.memref_slice %arg5[%dma_wait3A_972, %dma_wait3A_985, %dma_wait3A_986] : memref<2x16x50xi32, #tpu.memory_space<vmem>> -> memref<1x16x50xi32, #tpu.memory_space<vmem>>
    %dma_wait3A_988 = tpu.memref_squeeze %dma_wait3A_987 : memref<1x16x50xi32, #tpu.memory_space<vmem>> -> memref<16x50xi32, #tpu.memory_space<vmem>>
    %dma_wait3A_989 = arith.constant 0 : i32
    %dma_wait3A_990 = tpu.memref_slice %dma_wait3A_988[%dma_wait3A_973, %dma_wait3A_989] : memref<16x50xi32, #tpu.memory_space<vmem>> -> memref<1x50xi32, #tpu.memory_space<vmem>>
    %dma_wait3A_991 = tpu.memref_squeeze %dma_wait3A_990 : memref<1x50xi32, #tpu.memory_space<vmem>> -> memref<50xi32, #tpu.memory_space<vmem>>
    %dma_wait3A_992 = arith.constant 0 : i32
    %dma_wait3A_993 = arith.constant 0 : i32
    %dma_wait3A_994 = tpu.memref_slice %arg2[%dma_wait3A_992, %dma_wait3A_993] : memref<1015808x32xf32, #tpu.memory_space<hbm>> -> memref<1015808x32xf32, #tpu.memory_space<hbm>>
    tpu.wait_indirect_dma semaphore(%arg7 : memref<!tpu.dma_semaphore, #tpu.memory_space<semaphore_mem>>) src(%dma_wait3A_994 : memref<1015808x32xf32, #tpu.memory_space<hbm>>) dst(%dma_wait3A_984 : memref<50x32xf32, #tpu.memory_space<vmem>>)
    %dma_wait3A_995 = arith.constant 0 : i32
    %dma_wait3A_996 = arith.constant 8 : i32
    %dma_wait3A_997 = arith.constant 0 : i32
    %dma_wait3A_998 = arith.constant 8 : i32
    %dma_wait3A_999 = arith.constant 0 : i32
    %dma_wait3A_1000 = arith.constant 0 : i32
    %dma_wait3A_1001 = arith.constant 0 : i32
    %dma_wait3A_1002 = tpu.memref_slice %arg6[%dma_wait3A_997, %dma_wait3A_999, %dma_wait3A_1000, %dma_wait3A_1001] : memref<2x16x50x32xf32, #tpu.memory_space<vmem>> -> memref<1x16x50x32xf32, #tpu.memory_space<vmem>>
    %dma_wait3A_1003 = tpu.memref_squeeze %dma_wait3A_1002 : memref<1x16x50x32xf32, #tpu.memory_space<vmem>> -> memref<16x50x32xf32, #tpu.memory_space<vmem>>
    %dma_wait3A_1004 = arith.constant 0 : i32
    %dma_wait3A_1005 = arith.constant 0 : i32
    %dma_wait3A_1006 = tpu.memref_slice %dma_wait3A_1003[%dma_wait3A_998, %dma_wait3A_1004, %dma_wait3A_1005] : memref<16x50x32xf32, #tpu.memory_space<vmem>> -> memref<1x50x32xf32, #tpu.memory_space<vmem>>
    %dma_wait3A_1007 = tpu.memref_squeeze %dma_wait3A_1006 : memref<1x50x32xf32, #tpu.memory_space<vmem>> -> memref<50x32xf32, #tpu.memory_space<vmem>>
    %dma_wait3A_1008 = arith.constant 0 : i32
    %dma_wait3A_1009 = arith.constant 0 : i32
    %dma_wait3A_1010 = tpu.memref_slice %arg5[%dma_wait3A_995, %dma_wait3A_1008, %dma_wait3A_1009] : memref<2x16x50xi32, #tpu.memory_space<vmem>> -> memref<1x16x50xi32, #tpu.memory_space<vmem>>
    %dma_wait3A_1011 = tpu.memref_squeeze %dma_wait3A_1010 : memref<1x16x50xi32, #tpu.memory_space<vmem>> -> memref<16x50xi32, #tpu.memory_space<vmem>>
    %dma_wait3A_1012 = arith.constant 0 : i32
    %dma_wait3A_1013 = tpu.memref_slice %dma_wait3A_1011[%dma_wait3A_996, %dma_wait3A_1012] : memref<16x50xi32, #tpu.memory_space<vmem>> -> memref<1x50xi32, #tpu.memory_space<vmem>>
    %dma_wait3A_1014 = tpu.memref_squeeze %dma_wait3A_1013 : memref<1x50xi32, #tpu.memory_space<vmem>> -> memref<50xi32, #tpu.memory_space<vmem>>
    %dma_wait3A_1015 = arith.constant 0 : i32
    %dma_wait3A_1016 = arith.constant 0 : i32
    %dma_wait3A_1017 = tpu.memref_slice %arg2[%dma_wait3A_1015, %dma_wait3A_1016] : memref<1015808x32xf32, #tpu.memory_space<hbm>> -> memref<1015808x32xf32, #tpu.memory_space<hbm>>
    tpu.wait_indirect_dma semaphore(%arg7 : memref<!tpu.dma_semaphore, #tpu.memory_space<semaphore_mem>>) src(%dma_wait3A_1017 : memref<1015808x32xf32, #tpu.memory_space<hbm>>) dst(%dma_wait3A_1007 : memref<50x32xf32, #tpu.memory_space<vmem>>)
    %dma_wait3A_1018 = arith.constant 0 : i32
    %dma_wait3A_1019 = arith.constant 9 : i32
    %dma_wait3A_1020 = arith.constant 0 : i32
    %dma_wait3A_1021 = arith.constant 9 : i32
    %dma_wait3A_1022 = arith.constant 0 : i32
    %dma_wait3A_1023 = arith.constant 0 : i32
    %dma_wait3A_1024 = arith.constant 0 : i32
    %dma_wait3A_1025 = tpu.memref_slice %arg6[%dma_wait3A_1020, %dma_wait3A_1022, %dma_wait3A_1023, %dma_wait3A_1024] : memref<2x16x50x32xf32, #tpu.memory_space<vmem>> -> memref<1x16x50x32xf32, #tpu.memory_space<vmem>>
    %dma_wait3A_1026 = tpu.memref_squeeze %dma_wait3A_1025 : memref<1x16x50x32xf32, #tpu.memory_space<vmem>> -> memref<16x50x32xf32, #tpu.memory_space<vmem>>
    %dma_wait3A_1027 = arith.constant 0 : i32
    %dma_wait3A_1028 = arith.constant 0 : i32
    %dma_wait3A_1029 = tpu.memref_slice %dma_wait3A_1026[%dma_wait3A_1021, %dma_wait3A_1027, %dma_wait3A_1028] : memref<16x50x32xf32, #tpu.memory_space<vmem>> -> memref<1x50x32xf32, #tpu.memory_space<vmem>>
    %dma_wait3A_1030 = tpu.memref_squeeze %dma_wait3A_1029 : memref<1x50x32xf32, #tpu.memory_space<vmem>> -> memref<50x32xf32, #tpu.memory_space<vmem>>
    %dma_wait3A_1031 = arith.constant 0 : i32
    %dma_wait3A_1032 = arith.constant 0 : i32
    %dma_wait3A_1033 = tpu.memref_slice %arg5[%dma_wait3A_1018, %dma_wait3A_1031, %dma_wait3A_1032] : memref<2x16x50xi32, #tpu.memory_space<vmem>> -> memref<1x16x50xi32, #tpu.memory_space<vmem>>
    %dma_wait3A_1034 = tpu.memref_squeeze %dma_wait3A_1033 : memref<1x16x50xi32, #tpu.memory_space<vmem>> -> memref<16x50xi32, #tpu.memory_space<vmem>>
    %dma_wait3A_1035 = arith.constant 0 : i32
    %dma_wait3A_1036 = tpu.memref_slice %dma_wait3A_1034[%dma_wait3A_1019, %dma_wait3A_1035] : memref<16x50xi32, #tpu.memory_space<vmem>> -> memref<1x50xi32, #tpu.memory_space<vmem>>
    %dma_wait3A_1037 = tpu.memref_squeeze %dma_wait3A_1036 : memref<1x50xi32, #tpu.memory_space<vmem>> -> memref<50xi32, #tpu.memory_space<vmem>>
    %dma_wait3A_1038 = arith.constant 0 : i32
    %dma_wait3A_1039 = arith.constant 0 : i32
    %dma_wait3A_1040 = tpu.memref_slice %arg2[%dma_wait3A_1038, %dma_wait3A_1039] : memref<1015808x32xf32, #tpu.memory_space<hbm>> -> memref<1015808x32xf32, #tpu.memory_space<hbm>>
    tpu.wait_indirect_dma semaphore(%arg7 : memref<!tpu.dma_semaphore, #tpu.memory_space<semaphore_mem>>) src(%dma_wait3A_1040 : memref<1015808x32xf32, #tpu.memory_space<hbm>>) dst(%dma_wait3A_1030 : memref<50x32xf32, #tpu.memory_space<vmem>>)
    %dma_wait3A_1041 = arith.constant 0 : i32
    %dma_wait3A_1042 = arith.constant 10 : i32
    %dma_wait3A_1043 = arith.constant 0 : i32
    %dma_wait3A_1044 = arith.constant 10 : i32
    %dma_wait3A_1045 = arith.constant 0 : i32
    %dma_wait3A_1046 = arith.constant 0 : i32
    %dma_wait3A_1047 = arith.constant 0 : i32
    %dma_wait3A_1048 = tpu.memref_slice %arg6[%dma_wait3A_1043, %dma_wait3A_1045, %dma_wait3A_1046, %dma_wait3A_1047] : memref<2x16x50x32xf32, #tpu.memory_space<vmem>> -> memref<1x16x50x32xf32, #tpu.memory_space<vmem>>
    %dma_wait3A_1049 = tpu.memref_squeeze %dma_wait3A_1048 : memref<1x16x50x32xf32, #tpu.memory_space<vmem>> -> memref<16x50x32xf32, #tpu.memory_space<vmem>>
    %dma_wait3A_1050 = arith.constant 0 : i32
    %dma_wait3A_1051 = arith.constant 0 : i32
    %dma_wait3A_1052 = tpu.memref_slice %dma_wait3A_1049[%dma_wait3A_1044, %dma_wait3A_1050, %dma_wait3A_1051] : memref<16x50x32xf32, #tpu.memory_space<vmem>> -> memref<1x50x32xf32, #tpu.memory_space<vmem>>
    %dma_wait3A_1053 = tpu.memref_squeeze %dma_wait3A_1052 : memref<1x50x32xf32, #tpu.memory_space<vmem>> -> memref<50x32xf32, #tpu.memory_space<vmem>>
    %dma_wait3A_1054 = arith.constant 0 : i32
    %dma_wait3A_1055 = arith.constant 0 : i32
    %dma_wait3A_1056 = tpu.memref_slice %arg5[%dma_wait3A_1041, %dma_wait3A_1054, %dma_wait3A_1055] : memref<2x16x50xi32, #tpu.memory_space<vmem>> -> memref<1x16x50xi32, #tpu.memory_space<vmem>>
    %dma_wait3A_1057 = tpu.memref_squeeze %dma_wait3A_1056 : memref<1x16x50xi32, #tpu.memory_space<vmem>> -> memref<16x50xi32, #tpu.memory_space<vmem>>
    %dma_wait3A_1058 = arith.constant 0 : i32
    %dma_wait3A_1059 = tpu.memref_slice %dma_wait3A_1057[%dma_wait3A_1042, %dma_wait3A_1058] : memref<16x50xi32, #tpu.memory_space<vmem>> -> memref<1x50xi32, #tpu.memory_space<vmem>>
    %dma_wait3A_1060 = tpu.memref_squeeze %dma_wait3A_1059 : memref<1x50xi32, #tpu.memory_space<vmem>> -> memref<50xi32, #tpu.memory_space<vmem>>
    %dma_wait3A_1061 = arith.constant 0 : i32
    %dma_wait3A_1062 = arith.constant 0 : i32
    %dma_wait3A_1063 = tpu.memref_slice %arg2[%dma_wait3A_1061, %dma_wait3A_1062] : memref<1015808x32xf32, #tpu.memory_space<hbm>> -> memref<1015808x32xf32, #tpu.memory_space<hbm>>
    tpu.wait_indirect_dma semaphore(%arg7 : memref<!tpu.dma_semaphore, #tpu.memory_space<semaphore_mem>>) src(%dma_wait3A_1063 : memref<1015808x32xf32, #tpu.memory_space<hbm>>) dst(%dma_wait3A_1053 : memref<50x32xf32, #tpu.memory_space<vmem>>)
    %dma_wait3A_1064 = arith.constant 0 : i32
    %dma_wait3A_1065 = arith.constant 11 : i32
    %dma_wait3A_1066 = arith.constant 0 : i32
    %dma_wait3A_1067 = arith.constant 11 : i32
    %dma_wait3A_1068 = arith.constant 0 : i32
    %dma_wait3A_1069 = arith.constant 0 : i32
    %dma_wait3A_1070 = arith.constant 0 : i32
    %dma_wait3A_1071 = tpu.memref_slice %arg6[%dma_wait3A_1066, %dma_wait3A_1068, %dma_wait3A_1069, %dma_wait3A_1070] : memref<2x16x50x32xf32, #tpu.memory_space<vmem>> -> memref<1x16x50x32xf32, #tpu.memory_space<vmem>>
    %dma_wait3A_1072 = tpu.memref_squeeze %dma_wait3A_1071 : memref<1x16x50x32xf32, #tpu.memory_space<vmem>> -> memref<16x50x32xf32, #tpu.memory_space<vmem>>
    %dma_wait3A_1073 = arith.constant 0 : i32
    %dma_wait3A_1074 = arith.constant 0 : i32
    %dma_wait3A_1075 = tpu.memref_slice %dma_wait3A_1072[%dma_wait3A_1067, %dma_wait3A_1073, %dma_wait3A_1074] : memref<16x50x32xf32, #tpu.memory_space<vmem>> -> memref<1x50x32xf32, #tpu.memory_space<vmem>>
    %dma_wait3A_1076 = tpu.memref_squeeze %dma_wait3A_1075 : memref<1x50x32xf32, #tpu.memory_space<vmem>> -> memref<50x32xf32, #tpu.memory_space<vmem>>
    %dma_wait3A_1077 = arith.constant 0 : i32
    %dma_wait3A_1078 = arith.constant 0 : i32
    %dma_wait3A_1079 = tpu.memref_slice %arg5[%dma_wait3A_1064, %dma_wait3A_1077, %dma_wait3A_1078] : memref<2x16x50xi32, #tpu.memory_space<vmem>> -> memref<1x16x50xi32, #tpu.memory_space<vmem>>
    %dma_wait3A_1080 = tpu.memref_squeeze %dma_wait3A_1079 : memref<1x16x50xi32, #tpu.memory_space<vmem>> -> memref<16x50xi32, #tpu.memory_space<vmem>>
    %dma_wait3A_1081 = arith.constant 0 : i32
    %dma_wait3A_1082 = tpu.memref_slice %dma_wait3A_1080[%dma_wait3A_1065, %dma_wait3A_1081] : memref<16x50xi32, #tpu.memory_space<vmem>> -> memref<1x50xi32, #tpu.memory_space<vmem>>
    %dma_wait3A_1083 = tpu.memref_squeeze %dma_wait3A_1082 : memref<1x50xi32, #tpu.memory_space<vmem>> -> memref<50xi32, #tpu.memory_space<vmem>>
    %dma_wait3A_1084 = arith.constant 0 : i32
    %dma_wait3A_1085 = arith.constant 0 : i32
    %dma_wait3A_1086 = tpu.memref_slice %arg2[%dma_wait3A_1084, %dma_wait3A_1085] : memref<1015808x32xf32, #tpu.memory_space<hbm>> -> memref<1015808x32xf32, #tpu.memory_space<hbm>>
    tpu.wait_indirect_dma semaphore(%arg7 : memref<!tpu.dma_semaphore, #tpu.memory_space<semaphore_mem>>) src(%dma_wait3A_1086 : memref<1015808x32xf32, #tpu.memory_space<hbm>>) dst(%dma_wait3A_1076 : memref<50x32xf32, #tpu.memory_space<vmem>>)
    %dma_wait3A_1087 = arith.constant 0 : i32
    %dma_wait3A_1088 = arith.constant 12 : i32
    %dma_wait3A_1089 = arith.constant 0 : i32
    %dma_wait3A_1090 = arith.constant 12 : i32
    %dma_wait3A_1091 = arith.constant 0 : i32
    %dma_wait3A_1092 = arith.constant 0 : i32
    %dma_wait3A_1093 = arith.constant 0 : i32
    %dma_wait3A_1094 = tpu.memref_slice %arg6[%dma_wait3A_1089, %dma_wait3A_1091, %dma_wait3A_1092, %dma_wait3A_1093] : memref<2x16x50x32xf32, #tpu.memory_space<vmem>> -> memref<1x16x50x32xf32, #tpu.memory_space<vmem>>
    %dma_wait3A_1095 = tpu.memref_squeeze %dma_wait3A_1094 : memref<1x16x50x32xf32, #tpu.memory_space<vmem>> -> memref<16x50x32xf32, #tpu.memory_space<vmem>>
    %dma_wait3A_1096 = arith.constant 0 : i32
    %dma_wait3A_1097 = arith.constant 0 : i32
    %dma_wait3A_1098 = tpu.memref_slice %dma_wait3A_1095[%dma_wait3A_1090, %dma_wait3A_1096, %dma_wait3A_1097] : memref<16x50x32xf32, #tpu.memory_space<vmem>> -> memref<1x50x32xf32, #tpu.memory_space<vmem>>
    %dma_wait3A_1099 = tpu.memref_squeeze %dma_wait3A_1098 : memref<1x50x32xf32, #tpu.memory_space<vmem>> -> memref<50x32xf32, #tpu.memory_space<vmem>>
    %dma_wait3A_1100 = arith.constant 0 : i32
    %dma_wait3A_1101 = arith.constant 0 : i32
    %dma_wait3A_1102 = tpu.memref_slice %arg5[%dma_wait3A_1087, %dma_wait3A_1100, %dma_wait3A_1101] : memref<2x16x50xi32, #tpu.memory_space<vmem>> -> memref<1x16x50xi32, #tpu.memory_space<vmem>>
    %dma_wait3A_1103 = tpu.memref_squeeze %dma_wait3A_1102 : memref<1x16x50xi32, #tpu.memory_space<vmem>> -> memref<16x50xi32, #tpu.memory_space<vmem>>
    %dma_wait3A_1104 = arith.constant 0 : i32
    %dma_wait3A_1105 = tpu.memref_slice %dma_wait3A_1103[%dma_wait3A_1088, %dma_wait3A_1104] : memref<16x50xi32, #tpu.memory_space<vmem>> -> memref<1x50xi32, #tpu.memory_space<vmem>>
    %dma_wait3A_1106 = tpu.memref_squeeze %dma_wait3A_1105 : memref<1x50xi32, #tpu.memory_space<vmem>> -> memref<50xi32, #tpu.memory_space<vmem>>
    %dma_wait3A_1107 = arith.constant 0 : i32
    %dma_wait3A_1108 = arith.constant 0 : i32
    %dma_wait3A_1109 = tpu.memref_slice %arg2[%dma_wait3A_1107, %dma_wait3A_1108] : memref<1015808x32xf32, #tpu.memory_space<hbm>> -> memref<1015808x32xf32, #tpu.memory_space<hbm>>
    tpu.wait_indirect_dma semaphore(%arg7 : memref<!tpu.dma_semaphore, #tpu.memory_space<semaphore_mem>>) src(%dma_wait3A_1109 : memref<1015808x32xf32, #tpu.memory_space<hbm>>) dst(%dma_wait3A_1099 : memref<50x32xf32, #tpu.memory_space<vmem>>)
    %dma_wait3A_1110 = arith.constant 0 : i32
    %dma_wait3A_1111 = arith.constant 13 : i32
    %dma_wait3A_1112 = arith.constant 0 : i32
    %dma_wait3A_1113 = arith.constant 13 : i32
    %dma_wait3A_1114 = arith.constant 0 : i32
    %dma_wait3A_1115 = arith.constant 0 : i32
    %dma_wait3A_1116 = arith.constant 0 : i32
    %dma_wait3A_1117 = tpu.memref_slice %arg6[%dma_wait3A_1112, %dma_wait3A_1114, %dma_wait3A_1115, %dma_wait3A_1116] : memref<2x16x50x32xf32, #tpu.memory_space<vmem>> -> memref<1x16x50x32xf32, #tpu.memory_space<vmem>>
    %dma_wait3A_1118 = tpu.memref_squeeze %dma_wait3A_1117 : memref<1x16x50x32xf32, #tpu.memory_space<vmem>> -> memref<16x50x32xf32, #tpu.memory_space<vmem>>
    %dma_wait3A_1119 = arith.constant 0 : i32
    %dma_wait3A_1120 = arith.constant 0 : i32
    %dma_wait3A_1121 = tpu.memref_slice %dma_wait3A_1118[%dma_wait3A_1113, %dma_wait3A_1119, %dma_wait3A_1120] : memref<16x50x32xf32, #tpu.memory_space<vmem>> -> memref<1x50x32xf32, #tpu.memory_space<vmem>>
    %dma_wait3A_1122 = tpu.memref_squeeze %dma_wait3A_1121 : memref<1x50x32xf32, #tpu.memory_space<vmem>> -> memref<50x32xf32, #tpu.memory_space<vmem>>
    %dma_wait3A_1123 = arith.constant 0 : i32
    %dma_wait3A_1124 = arith.constant 0 : i32
    %dma_wait3A_1125 = tpu.memref_slice %arg5[%dma_wait3A_1110, %dma_wait3A_1123, %dma_wait3A_1124] : memref<2x16x50xi32, #tpu.memory_space<vmem>> -> memref<1x16x50xi32, #tpu.memory_space<vmem>>
    %dma_wait3A_1126 = tpu.memref_squeeze %dma_wait3A_1125 : memref<1x16x50xi32, #tpu.memory_space<vmem>> -> memref<16x50xi32, #tpu.memory_space<vmem>>
    %dma_wait3A_1127 = arith.constant 0 : i32
    %dma_wait3A_1128 = tpu.memref_slice %dma_wait3A_1126[%dma_wait3A_1111, %dma_wait3A_1127] : memref<16x50xi32, #tpu.memory_space<vmem>> -> memref<1x50xi32, #tpu.memory_space<vmem>>
    %dma_wait3A_1129 = tpu.memref_squeeze %dma_wait3A_1128 : memref<1x50xi32, #tpu.memory_space<vmem>> -> memref<50xi32, #tpu.memory_space<vmem>>
    %dma_wait3A_1130 = arith.constant 0 : i32
    %dma_wait3A_1131 = arith.constant 0 : i32
    %dma_wait3A_1132 = tpu.memref_slice %arg2[%dma_wait3A_1130, %dma_wait3A_1131] : memref<1015808x32xf32, #tpu.memory_space<hbm>> -> memref<1015808x32xf32, #tpu.memory_space<hbm>>
    tpu.wait_indirect_dma semaphore(%arg7 : memref<!tpu.dma_semaphore, #tpu.memory_space<semaphore_mem>>) src(%dma_wait3A_1132 : memref<1015808x32xf32, #tpu.memory_space<hbm>>) dst(%dma_wait3A_1122 : memref<50x32xf32, #tpu.memory_space<vmem>>)
    %dma_wait3A_1133 = arith.constant 0 : i32
    %dma_wait3A_1134 = arith.constant 14 : i32
    %dma_wait3A_1135 = arith.constant 0 : i32
    %dma_wait3A_1136 = arith.constant 14 : i32
    %dma_wait3A_1137 = arith.constant 0 : i32
    %dma_wait3A_1138 = arith.constant 0 : i32
    %dma_wait3A_1139 = arith.constant 0 : i32
    %dma_wait3A_1140 = tpu.memref_slice %arg6[%dma_wait3A_1135, %dma_wait3A_1137, %dma_wait3A_1138, %dma_wait3A_1139] : memref<2x16x50x32xf32, #tpu.memory_space<vmem>> -> memref<1x16x50x32xf32, #tpu.memory_space<vmem>>
    %dma_wait3A_1141 = tpu.memref_squeeze %dma_wait3A_1140 : memref<1x16x50x32xf32, #tpu.memory_space<vmem>> -> memref<16x50x32xf32, #tpu.memory_space<vmem>>
    %dma_wait3A_1142 = arith.constant 0 : i32
    %dma_wait3A_1143 = arith.constant 0 : i32
    %dma_wait3A_1144 = tpu.memref_slice %dma_wait3A_1141[%dma_wait3A_1136, %dma_wait3A_1142, %dma_wait3A_1143] : memref<16x50x32xf32, #tpu.memory_space<vmem>> -> memref<1x50x32xf32, #tpu.memory_space<vmem>>
    %dma_wait3A_1145 = tpu.memref_squeeze %dma_wait3A_1144 : memref<1x50x32xf32, #tpu.memory_space<vmem>> -> memref<50x32xf32, #tpu.memory_space<vmem>>
    %dma_wait3A_1146 = arith.constant 0 : i32
    %dma_wait3A_1147 = arith.constant 0 : i32
    %dma_wait3A_1148 = tpu.memref_slice %arg5[%dma_wait3A_1133, %dma_wait3A_1146, %dma_wait3A_1147] : memref<2x16x50xi32, #tpu.memory_space<vmem>> -> memref<1x16x50xi32, #tpu.memory_space<vmem>>
    %dma_wait3A_1149 = tpu.memref_squeeze %dma_wait3A_1148 : memref<1x16x50xi32, #tpu.memory_space<vmem>> -> memref<16x50xi32, #tpu.memory_space<vmem>>
    %dma_wait3A_1150 = arith.constant 0 : i32
    %dma_wait3A_1151 = tpu.memref_slice %dma_wait3A_1149[%dma_wait3A_1134, %dma_wait3A_1150] : memref<16x50xi32, #tpu.memory_space<vmem>> -> memref<1x50xi32, #tpu.memory_space<vmem>>
    %dma_wait3A_1152 = tpu.memref_squeeze %dma_wait3A_1151 : memref<1x50xi32, #tpu.memory_space<vmem>> -> memref<50xi32, #tpu.memory_space<vmem>>
    %dma_wait3A_1153 = arith.constant 0 : i32
    %dma_wait3A_1154 = arith.constant 0 : i32
    %dma_wait3A_1155 = tpu.memref_slice %arg2[%dma_wait3A_1153, %dma_wait3A_1154] : memref<1015808x32xf32, #tpu.memory_space<hbm>> -> memref<1015808x32xf32, #tpu.memory_space<hbm>>
    tpu.wait_indirect_dma semaphore(%arg7 : memref<!tpu.dma_semaphore, #tpu.memory_space<semaphore_mem>>) src(%dma_wait3A_1155 : memref<1015808x32xf32, #tpu.memory_space<hbm>>) dst(%dma_wait3A_1145 : memref<50x32xf32, #tpu.memory_space<vmem>>)
    %dma_wait3A_1156 = arith.constant 0 : i32
    %dma_wait3A_1157 = arith.constant 15 : i32
    %dma_wait3A_1158 = arith.constant 0 : i32
    %dma_wait3A_1159 = arith.constant 15 : i32
    %dma_wait3A_1160 = arith.constant 0 : i32
    %dma_wait3A_1161 = arith.constant 0 : i32
    %dma_wait3A_1162 = arith.constant 0 : i32
    %dma_wait3A_1163 = tpu.memref_slice %arg6[%dma_wait3A_1158, %dma_wait3A_1160, %dma_wait3A_1161, %dma_wait3A_1162] : memref<2x16x50x32xf32, #tpu.memory_space<vmem>> -> memref<1x16x50x32xf32, #tpu.memory_space<vmem>>
    %dma_wait3A_1164 = tpu.memref_squeeze %dma_wait3A_1163 : memref<1x16x50x32xf32, #tpu.memory_space<vmem>> -> memref<16x50x32xf32, #tpu.memory_space<vmem>>
    %dma_wait3A_1165 = arith.constant 0 : i32
    %dma_wait3A_1166 = arith.constant 0 : i32
    %dma_wait3A_1167 = tpu.memref_slice %dma_wait3A_1164[%dma_wait3A_1159, %dma_wait3A_1165, %dma_wait3A_1166] : memref<16x50x32xf32, #tpu.memory_space<vmem>> -> memref<1x50x32xf32, #tpu.memory_space<vmem>>
    %dma_wait3A_1168 = tpu.memref_squeeze %dma_wait3A_1167 : memref<1x50x32xf32, #tpu.memory_space<vmem>> -> memref<50x32xf32, #tpu.memory_space<vmem>>
    %dma_wait3A_1169 = arith.constant 0 : i32
    %dma_wait3A_1170 = arith.constant 0 : i32
    %dma_wait3A_1171 = tpu.memref_slice %arg5[%dma_wait3A_1156, %dma_wait3A_1169, %dma_wait3A_1170] : memref<2x16x50xi32, #tpu.memory_space<vmem>> -> memref<1x16x50xi32, #tpu.memory_space<vmem>>
    %dma_wait3A_1172 = tpu.memref_squeeze %dma_wait3A_1171 : memref<1x16x50xi32, #tpu.memory_space<vmem>> -> memref<16x50xi32, #tpu.memory_space<vmem>>
    %dma_wait3A_1173 = arith.constant 0 : i32
    %dma_wait3A_1174 = tpu.memref_slice %dma_wait3A_1172[%dma_wait3A_1157, %dma_wait3A_1173] : memref<16x50xi32, #tpu.memory_space<vmem>> -> memref<1x50xi32, #tpu.memory_space<vmem>>
    %dma_wait3A_1175 = tpu.memref_squeeze %dma_wait3A_1174 : memref<1x50xi32, #tpu.memory_space<vmem>> -> memref<50xi32, #tpu.memory_space<vmem>>
    %dma_wait3A_1176 = arith.constant 0 : i32
    %dma_wait3A_1177 = arith.constant 0 : i32
    %dma_wait3A_1178 = tpu.memref_slice %arg2[%dma_wait3A_1176, %dma_wait3A_1177] : memref<1015808x32xf32, #tpu.memory_space<hbm>> -> memref<1015808x32xf32, #tpu.memory_space<hbm>>
    tpu.wait_indirect_dma semaphore(%arg7 : memref<!tpu.dma_semaphore, #tpu.memory_space<semaphore_mem>>) src(%dma_wait3A_1178 : memref<1015808x32xf32, #tpu.memory_space<hbm>>) dst(%dma_wait3A_1168 : memref<50x32xf32, #tpu.memory_space<vmem>>)
    %add3A_1179 = arith.constant 480 : i32
    %add3A_1180 = arith.addi %mul3A_2, %add3A_1179 : i32
    %run_scoped3A_1181 = arith.constant 0 : i32
    "tpu.region"() ({
      %run_scoped3A_1553 = tpu.sem_alloc : memref<!tpu.dma_semaphore, #tpu.memory_space<semaphore_mem>>
      %dma_start3A_1554 = arith.constant 0 : i32
      %dma_start3A_1555 = arith.constant 0 : i32
      %dma_start3A_1556 = arith.constant 0 : i32
      %dma_start3A_1557 = tpu.memref_slice %arg6[%run_scoped3A_1181, %dma_start3A_1554, %dma_start3A_1555, %dma_start3A_1556] : memref<2x16x50x32xf32, #tpu.memory_space<vmem>> -> memref<1x16x50x32xf32, #tpu.memory_space<vmem>>
      %dma_start3A_1558 = tpu.memref_squeeze %dma_start3A_1557 : memref<1x16x50x32xf32, #tpu.memory_space<vmem>> -> memref<16x50x32xf32, #tpu.memory_space<vmem>>
      %dma_start3A_1559 = arith.constant 0 : i32
      %dma_start3A_1560 = arith.constant 0 : i32
      %dma_start3A_1561 = tpu.memref_slice %arg4[%add3A_1180, %dma_start3A_1559, %dma_start3A_1560] : memref<16384x50x32xf32, #tpu.memory_space<hbm>> -> memref<16x50x32xf32, #tpu.memory_space<hbm>>
      %dma_start3A_1562 = arith.constant 0 : i32
      %dma_start3A_1563 = arith.constant 0 : i32
      %dma_start3A_1564 = tpu.memref_slice %arg4[%add3A_1180, %dma_start3A_1562, %dma_start3A_1563] : memref<16384x50x32xf32, #tpu.memory_space<hbm>> -> memref<16x50x32xf32, #tpu.memory_space<hbm>>
      %dma_start3A_1565 = arith.constant 0 : i32
      %dma_start3A_1566 = arith.constant 0 : i32
      %dma_start3A_1567 = arith.constant 0 : i32
      %dma_start3A_1568 = tpu.memref_slice %arg6[%run_scoped3A_1181, %dma_start3A_1565, %dma_start3A_1566, %dma_start3A_1567] : memref<2x16x50x32xf32, #tpu.memory_space<vmem>> -> memref<1x16x50x32xf32, #tpu.memory_space<vmem>>
      %dma_start3A_1569 = tpu.memref_squeeze %dma_start3A_1568 : memref<1x16x50x32xf32, #tpu.memory_space<vmem>> -> memref<16x50x32xf32, #tpu.memory_space<vmem>>
      tpu.enqueue_dma source(%dma_start3A_1569 : memref<16x50x32xf32, #tpu.memory_space<vmem>>) target(%dma_start3A_1564 : memref<16x50x32xf32, #tpu.memory_space<hbm>>) target_semaphore(%run_scoped3A_1553 : memref<!tpu.dma_semaphore, #tpu.memory_space<semaphore_mem>>)
      %dma_wait3A_1570 = arith.constant 0 : i32
      %dma_wait3A_1571 = arith.constant 0 : i32
      %dma_wait3A_1572 = arith.constant 0 : i32
      %dma_wait3A_1573 = tpu.memref_slice %arg6[%run_scoped3A_1181, %dma_wait3A_1570, %dma_wait3A_1571, %dma_wait3A_1572] : memref<2x16x50x32xf32, #tpu.memory_space<vmem>> -> memref<1x16x50x32xf32, #tpu.memory_space<vmem>>
      %dma_wait3A_1574 = tpu.memref_squeeze %dma_wait3A_1573 : memref<1x16x50x32xf32, #tpu.memory_space<vmem>> -> memref<16x50x32xf32, #tpu.memory_space<vmem>>
      %dma_wait3A_1575 = arith.constant 0 : i32
      %dma_wait3A_1576 = arith.constant 0 : i32
      %dma_wait3A_1577 = tpu.memref_slice %arg4[%add3A_1180, %dma_wait3A_1575, %dma_wait3A_1576] : memref<16384x50x32xf32, #tpu.memory_space<hbm>> -> memref<16x50x32xf32, #tpu.memory_space<hbm>>
      %dma_wait3A_1578 = arith.constant 0 : i32
      %dma_wait3A_1579 = arith.constant 0 : i32
      %dma_wait3A_1580 = tpu.memref_slice %arg4[%add3A_1180, %dma_wait3A_1578, %dma_wait3A_1579] : memref<16384x50x32xf32, #tpu.memory_space<hbm>> -> memref<16x50x32xf32, #tpu.memory_space<hbm>>
      %dma_wait3A_1581 = arith.constant 0 : i32
      %dma_wait3A_1582 = arith.constant 0 : i32
      %dma_wait3A_1583 = arith.constant 0 : i32
      %dma_wait3A_1584 = tpu.memref_slice %arg6[%run_scoped3A_1181, %dma_wait3A_1581, %dma_wait3A_1582, %dma_wait3A_1583] : memref<2x16x50x32xf32, #tpu.memory_space<vmem>> -> memref<1x16x50x32xf32, #tpu.memory_space<vmem>>
      %dma_wait3A_1585 = tpu.memref_squeeze %dma_wait3A_1584 : memref<1x16x50x32xf32, #tpu.memory_space<vmem>> -> memref<16x50x32xf32, #tpu.memory_space<vmem>>
      tpu.wait_dma2 semaphore(%run_scoped3A_1553 : memref<!tpu.dma_semaphore, #tpu.memory_space<semaphore_mem>>) src(%dma_wait3A_1585 : memref<16x50x32xf32, #tpu.memory_space<vmem>>) dst(%dma_wait3A_1580 : memref<16x50x32xf32, #tpu.memory_space<hbm>>)
      tpu.yield
    }) : () -> ()
    %dma_wait3A_1182 = arith.constant 1 : i32
    %dma_wait3A_1183 = arith.constant 0 : i32
    %dma_wait3A_1184 = arith.constant 1 : i32
    %dma_wait3A_1185 = arith.constant 0 : i32
    %dma_wait3A_1186 = arith.constant 0 : i32
    %dma_wait3A_1187 = arith.constant 0 : i32
    %dma_wait3A_1188 = arith.constant 0 : i32
    %dma_wait3A_1189 = tpu.memref_slice %arg6[%dma_wait3A_1184, %dma_wait3A_1186, %dma_wait3A_1187, %dma_wait3A_1188] : memref<2x16x50x32xf32, #tpu.memory_space<vmem>> -> memref<1x16x50x32xf32, #tpu.memory_space<vmem>>
    %dma_wait3A_1190 = tpu.memref_squeeze %dma_wait3A_1189 : memref<1x16x50x32xf32, #tpu.memory_space<vmem>> -> memref<16x50x32xf32, #tpu.memory_space<vmem>>
    %dma_wait3A_1191 = arith.constant 0 : i32
    %dma_wait3A_1192 = arith.constant 0 : i32
    %dma_wait3A_1193 = tpu.memref_slice %dma_wait3A_1190[%dma_wait3A_1185, %dma_wait3A_1191, %dma_wait3A_1192] : memref<16x50x32xf32, #tpu.memory_space<vmem>> -> memref<1x50x32xf32, #tpu.memory_space<vmem>>
    %dma_wait3A_1194 = tpu.memref_squeeze %dma_wait3A_1193 : memref<1x50x32xf32, #tpu.memory_space<vmem>> -> memref<50x32xf32, #tpu.memory_space<vmem>>
    %dma_wait3A_1195 = arith.constant 0 : i32
    %dma_wait3A_1196 = arith.constant 0 : i32
    %dma_wait3A_1197 = tpu.memref_slice %arg5[%dma_wait3A_1182, %dma_wait3A_1195, %dma_wait3A_1196] : memref<2x16x50xi32, #tpu.memory_space<vmem>> -> memref<1x16x50xi32, #tpu.memory_space<vmem>>
    %dma_wait3A_1198 = tpu.memref_squeeze %dma_wait3A_1197 : memref<1x16x50xi32, #tpu.memory_space<vmem>> -> memref<16x50xi32, #tpu.memory_space<vmem>>
    %dma_wait3A_1199 = arith.constant 0 : i32
    %dma_wait3A_1200 = tpu.memref_slice %dma_wait3A_1198[%dma_wait3A_1183, %dma_wait3A_1199] : memref<16x50xi32, #tpu.memory_space<vmem>> -> memref<1x50xi32, #tpu.memory_space<vmem>>
    %dma_wait3A_1201 = tpu.memref_squeeze %dma_wait3A_1200 : memref<1x50xi32, #tpu.memory_space<vmem>> -> memref<50xi32, #tpu.memory_space<vmem>>
    %dma_wait3A_1202 = arith.constant 0 : i32
    %dma_wait3A_1203 = arith.constant 0 : i32
    %dma_wait3A_1204 = tpu.memref_slice %arg2[%dma_wait3A_1202, %dma_wait3A_1203] : memref<1015808x32xf32, #tpu.memory_space<hbm>> -> memref<1015808x32xf32, #tpu.memory_space<hbm>>
    tpu.wait_indirect_dma semaphore(%arg8 : memref<!tpu.dma_semaphore, #tpu.memory_space<semaphore_mem>>) src(%dma_wait3A_1204 : memref<1015808x32xf32, #tpu.memory_space<hbm>>) dst(%dma_wait3A_1194 : memref<50x32xf32, #tpu.memory_space<vmem>>)
    %dma_wait3A_1205 = arith.constant 1 : i32
    %dma_wait3A_1206 = arith.constant 1 : i32
    %dma_wait3A_1207 = arith.constant 1 : i32
    %dma_wait3A_1208 = arith.constant 1 : i32
    %dma_wait3A_1209 = arith.constant 0 : i32
    %dma_wait3A_1210 = arith.constant 0 : i32
    %dma_wait3A_1211 = arith.constant 0 : i32
    %dma_wait3A_1212 = tpu.memref_slice %arg6[%dma_wait3A_1207, %dma_wait3A_1209, %dma_wait3A_1210, %dma_wait3A_1211] : memref<2x16x50x32xf32, #tpu.memory_space<vmem>> -> memref<1x16x50x32xf32, #tpu.memory_space<vmem>>
    %dma_wait3A_1213 = tpu.memref_squeeze %dma_wait3A_1212 : memref<1x16x50x32xf32, #tpu.memory_space<vmem>> -> memref<16x50x32xf32, #tpu.memory_space<vmem>>
    %dma_wait3A_1214 = arith.constant 0 : i32
    %dma_wait3A_1215 = arith.constant 0 : i32
    %dma_wait3A_1216 = tpu.memref_slice %dma_wait3A_1213[%dma_wait3A_1208, %dma_wait3A_1214, %dma_wait3A_1215] : memref<16x50x32xf32, #tpu.memory_space<vmem>> -> memref<1x50x32xf32, #tpu.memory_space<vmem>>
    %dma_wait3A_1217 = tpu.memref_squeeze %dma_wait3A_1216 : memref<1x50x32xf32, #tpu.memory_space<vmem>> -> memref<50x32xf32, #tpu.memory_space<vmem>>
    %dma_wait3A_1218 = arith.constant 0 : i32
    %dma_wait3A_1219 = arith.constant 0 : i32
    %dma_wait3A_1220 = tpu.memref_slice %arg5[%dma_wait3A_1205, %dma_wait3A_1218, %dma_wait3A_1219] : memref<2x16x50xi32, #tpu.memory_space<vmem>> -> memref<1x16x50xi32, #tpu.memory_space<vmem>>
    %dma_wait3A_1221 = tpu.memref_squeeze %dma_wait3A_1220 : memref<1x16x50xi32, #tpu.memory_space<vmem>> -> memref<16x50xi32, #tpu.memory_space<vmem>>
    %dma_wait3A_1222 = arith.constant 0 : i32
    %dma_wait3A_1223 = tpu.memref_slice %dma_wait3A_1221[%dma_wait3A_1206, %dma_wait3A_1222] : memref<16x50xi32, #tpu.memory_space<vmem>> -> memref<1x50xi32, #tpu.memory_space<vmem>>
    %dma_wait3A_1224 = tpu.memref_squeeze %dma_wait3A_1223 : memref<1x50xi32, #tpu.memory_space<vmem>> -> memref<50xi32, #tpu.memory_space<vmem>>
    %dma_wait3A_1225 = arith.constant 0 : i32
    %dma_wait3A_1226 = arith.constant 0 : i32
    %dma_wait3A_1227 = tpu.memref_slice %arg2[%dma_wait3A_1225, %dma_wait3A_1226] : memref<1015808x32xf32, #tpu.memory_space<hbm>> -> memref<1015808x32xf32, #tpu.memory_space<hbm>>
    tpu.wait_indirect_dma semaphore(%arg8 : memref<!tpu.dma_semaphore, #tpu.memory_space<semaphore_mem>>) src(%dma_wait3A_1227 : memref<1015808x32xf32, #tpu.memory_space<hbm>>) dst(%dma_wait3A_1217 : memref<50x32xf32, #tpu.memory_space<vmem>>)
    %dma_wait3A_1228 = arith.constant 1 : i32
    %dma_wait3A_1229 = arith.constant 2 : i32
    %dma_wait3A_1230 = arith.constant 1 : i32
    %dma_wait3A_1231 = arith.constant 2 : i32
    %dma_wait3A_1232 = arith.constant 0 : i32
    %dma_wait3A_1233 = arith.constant 0 : i32
    %dma_wait3A_1234 = arith.constant 0 : i32
    %dma_wait3A_1235 = tpu.memref_slice %arg6[%dma_wait3A_1230, %dma_wait3A_1232, %dma_wait3A_1233, %dma_wait3A_1234] : memref<2x16x50x32xf32, #tpu.memory_space<vmem>> -> memref<1x16x50x32xf32, #tpu.memory_space<vmem>>
    %dma_wait3A_1236 = tpu.memref_squeeze %dma_wait3A_1235 : memref<1x16x50x32xf32, #tpu.memory_space<vmem>> -> memref<16x50x32xf32, #tpu.memory_space<vmem>>
    %dma_wait3A_1237 = arith.constant 0 : i32
    %dma_wait3A_1238 = arith.constant 0 : i32
    %dma_wait3A_1239 = tpu.memref_slice %dma_wait3A_1236[%dma_wait3A_1231, %dma_wait3A_1237, %dma_wait3A_1238] : memref<16x50x32xf32, #tpu.memory_space<vmem>> -> memref<1x50x32xf32, #tpu.memory_space<vmem>>
    %dma_wait3A_1240 = tpu.memref_squeeze %dma_wait3A_1239 : memref<1x50x32xf32, #tpu.memory_space<vmem>> -> memref<50x32xf32, #tpu.memory_space<vmem>>
    %dma_wait3A_1241 = arith.constant 0 : i32
    %dma_wait3A_1242 = arith.constant 0 : i32
    %dma_wait3A_1243 = tpu.memref_slice %arg5[%dma_wait3A_1228, %dma_wait3A_1241, %dma_wait3A_1242] : memref<2x16x50xi32, #tpu.memory_space<vmem>> -> memref<1x16x50xi32, #tpu.memory_space<vmem>>
    %dma_wait3A_1244 = tpu.memref_squeeze %dma_wait3A_1243 : memref<1x16x50xi32, #tpu.memory_space<vmem>> -> memref<16x50xi32, #tpu.memory_space<vmem>>
    %dma_wait3A_1245 = arith.constant 0 : i32
    %dma_wait3A_1246 = tpu.memref_slice %dma_wait3A_1244[%dma_wait3A_1229, %dma_wait3A_1245] : memref<16x50xi32, #tpu.memory_space<vmem>> -> memref<1x50xi32, #tpu.memory_space<vmem>>
    %dma_wait3A_1247 = tpu.memref_squeeze %dma_wait3A_1246 : memref<1x50xi32, #tpu.memory_space<vmem>> -> memref<50xi32, #tpu.memory_space<vmem>>
    %dma_wait3A_1248 = arith.constant 0 : i32
    %dma_wait3A_1249 = arith.constant 0 : i32
    %dma_wait3A_1250 = tpu.memref_slice %arg2[%dma_wait3A_1248, %dma_wait3A_1249] : memref<1015808x32xf32, #tpu.memory_space<hbm>> -> memref<1015808x32xf32, #tpu.memory_space<hbm>>
    tpu.wait_indirect_dma semaphore(%arg8 : memref<!tpu.dma_semaphore, #tpu.memory_space<semaphore_mem>>) src(%dma_wait3A_1250 : memref<1015808x32xf32, #tpu.memory_space<hbm>>) dst(%dma_wait3A_1240 : memref<50x32xf32, #tpu.memory_space<vmem>>)
    %dma_wait3A_1251 = arith.constant 1 : i32
    %dma_wait3A_1252 = arith.constant 3 : i32
    %dma_wait3A_1253 = arith.constant 1 : i32
    %dma_wait3A_1254 = arith.constant 3 : i32
    %dma_wait3A_1255 = arith.constant 0 : i32
    %dma_wait3A_1256 = arith.constant 0 : i32
    %dma_wait3A_1257 = arith.constant 0 : i32
    %dma_wait3A_1258 = tpu.memref_slice %arg6[%dma_wait3A_1253, %dma_wait3A_1255, %dma_wait3A_1256, %dma_wait3A_1257] : memref<2x16x50x32xf32, #tpu.memory_space<vmem>> -> memref<1x16x50x32xf32, #tpu.memory_space<vmem>>
    %dma_wait3A_1259 = tpu.memref_squeeze %dma_wait3A_1258 : memref<1x16x50x32xf32, #tpu.memory_space<vmem>> -> memref<16x50x32xf32, #tpu.memory_space<vmem>>
    %dma_wait3A_1260 = arith.constant 0 : i32
    %dma_wait3A_1261 = arith.constant 0 : i32
    %dma_wait3A_1262 = tpu.memref_slice %dma_wait3A_1259[%dma_wait3A_1254, %dma_wait3A_1260, %dma_wait3A_1261] : memref<16x50x32xf32, #tpu.memory_space<vmem>> -> memref<1x50x32xf32, #tpu.memory_space<vmem>>
    %dma_wait3A_1263 = tpu.memref_squeeze %dma_wait3A_1262 : memref<1x50x32xf32, #tpu.memory_space<vmem>> -> memref<50x32xf32, #tpu.memory_space<vmem>>
    %dma_wait3A_1264 = arith.constant 0 : i32
    %dma_wait3A_1265 = arith.constant 0 : i32
    %dma_wait3A_1266 = tpu.memref_slice %arg5[%dma_wait3A_1251, %dma_wait3A_1264, %dma_wait3A_1265] : memref<2x16x50xi32, #tpu.memory_space<vmem>> -> memref<1x16x50xi32, #tpu.memory_space<vmem>>
    %dma_wait3A_1267 = tpu.memref_squeeze %dma_wait3A_1266 : memref<1x16x50xi32, #tpu.memory_space<vmem>> -> memref<16x50xi32, #tpu.memory_space<vmem>>
    %dma_wait3A_1268 = arith.constant 0 : i32
    %dma_wait3A_1269 = tpu.memref_slice %dma_wait3A_1267[%dma_wait3A_1252, %dma_wait3A_1268] : memref<16x50xi32, #tpu.memory_space<vmem>> -> memref<1x50xi32, #tpu.memory_space<vmem>>
    %dma_wait3A_1270 = tpu.memref_squeeze %dma_wait3A_1269 : memref<1x50xi32, #tpu.memory_space<vmem>> -> memref<50xi32, #tpu.memory_space<vmem>>
    %dma_wait3A_1271 = arith.constant 0 : i32
    %dma_wait3A_1272 = arith.constant 0 : i32
    %dma_wait3A_1273 = tpu.memref_slice %arg2[%dma_wait3A_1271, %dma_wait3A_1272] : memref<1015808x32xf32, #tpu.memory_space<hbm>> -> memref<1015808x32xf32, #tpu.memory_space<hbm>>
    tpu.wait_indirect_dma semaphore(%arg8 : memref<!tpu.dma_semaphore, #tpu.memory_space<semaphore_mem>>) src(%dma_wait3A_1273 : memref<1015808x32xf32, #tpu.memory_space<hbm>>) dst(%dma_wait3A_1263 : memref<50x32xf32, #tpu.memory_space<vmem>>)
    %dma_wait3A_1274 = arith.constant 1 : i32
    %dma_wait3A_1275 = arith.constant 4 : i32
    %dma_wait3A_1276 = arith.constant 1 : i32
    %dma_wait3A_1277 = arith.constant 4 : i32
    %dma_wait3A_1278 = arith.constant 0 : i32
    %dma_wait3A_1279 = arith.constant 0 : i32
    %dma_wait3A_1280 = arith.constant 0 : i32
    %dma_wait3A_1281 = tpu.memref_slice %arg6[%dma_wait3A_1276, %dma_wait3A_1278, %dma_wait3A_1279, %dma_wait3A_1280] : memref<2x16x50x32xf32, #tpu.memory_space<vmem>> -> memref<1x16x50x32xf32, #tpu.memory_space<vmem>>
    %dma_wait3A_1282 = tpu.memref_squeeze %dma_wait3A_1281 : memref<1x16x50x32xf32, #tpu.memory_space<vmem>> -> memref<16x50x32xf32, #tpu.memory_space<vmem>>
    %dma_wait3A_1283 = arith.constant 0 : i32
    %dma_wait3A_1284 = arith.constant 0 : i32
    %dma_wait3A_1285 = tpu.memref_slice %dma_wait3A_1282[%dma_wait3A_1277, %dma_wait3A_1283, %dma_wait3A_1284] : memref<16x50x32xf32, #tpu.memory_space<vmem>> -> memref<1x50x32xf32, #tpu.memory_space<vmem>>
    %dma_wait3A_1286 = tpu.memref_squeeze %dma_wait3A_1285 : memref<1x50x32xf32, #tpu.memory_space<vmem>> -> memref<50x32xf32, #tpu.memory_space<vmem>>
    %dma_wait3A_1287 = arith.constant 0 : i32
    %dma_wait3A_1288 = arith.constant 0 : i32
    %dma_wait3A_1289 = tpu.memref_slice %arg5[%dma_wait3A_1274, %dma_wait3A_1287, %dma_wait3A_1288] : memref<2x16x50xi32, #tpu.memory_space<vmem>> -> memref<1x16x50xi32, #tpu.memory_space<vmem>>
    %dma_wait3A_1290 = tpu.memref_squeeze %dma_wait3A_1289 : memref<1x16x50xi32, #tpu.memory_space<vmem>> -> memref<16x50xi32, #tpu.memory_space<vmem>>
    %dma_wait3A_1291 = arith.constant 0 : i32
    %dma_wait3A_1292 = tpu.memref_slice %dma_wait3A_1290[%dma_wait3A_1275, %dma_wait3A_1291] : memref<16x50xi32, #tpu.memory_space<vmem>> -> memref<1x50xi32, #tpu.memory_space<vmem>>
    %dma_wait3A_1293 = tpu.memref_squeeze %dma_wait3A_1292 : memref<1x50xi32, #tpu.memory_space<vmem>> -> memref<50xi32, #tpu.memory_space<vmem>>
    %dma_wait3A_1294 = arith.constant 0 : i32
    %dma_wait3A_1295 = arith.constant 0 : i32
    %dma_wait3A_1296 = tpu.memref_slice %arg2[%dma_wait3A_1294, %dma_wait3A_1295] : memref<1015808x32xf32, #tpu.memory_space<hbm>> -> memref<1015808x32xf32, #tpu.memory_space<hbm>>
    tpu.wait_indirect_dma semaphore(%arg8 : memref<!tpu.dma_semaphore, #tpu.memory_space<semaphore_mem>>) src(%dma_wait3A_1296 : memref<1015808x32xf32, #tpu.memory_space<hbm>>) dst(%dma_wait3A_1286 : memref<50x32xf32, #tpu.memory_space<vmem>>)
    %dma_wait3A_1297 = arith.constant 1 : i32
    %dma_wait3A_1298 = arith.constant 5 : i32
    %dma_wait3A_1299 = arith.constant 1 : i32
    %dma_wait3A_1300 = arith.constant 5 : i32
    %dma_wait3A_1301 = arith.constant 0 : i32
    %dma_wait3A_1302 = arith.constant 0 : i32
    %dma_wait3A_1303 = arith.constant 0 : i32
    %dma_wait3A_1304 = tpu.memref_slice %arg6[%dma_wait3A_1299, %dma_wait3A_1301, %dma_wait3A_1302, %dma_wait3A_1303] : memref<2x16x50x32xf32, #tpu.memory_space<vmem>> -> memref<1x16x50x32xf32, #tpu.memory_space<vmem>>
    %dma_wait3A_1305 = tpu.memref_squeeze %dma_wait3A_1304 : memref<1x16x50x32xf32, #tpu.memory_space<vmem>> -> memref<16x50x32xf32, #tpu.memory_space<vmem>>
    %dma_wait3A_1306 = arith.constant 0 : i32
    %dma_wait3A_1307 = arith.constant 0 : i32
    %dma_wait3A_1308 = tpu.memref_slice %dma_wait3A_1305[%dma_wait3A_1300, %dma_wait3A_1306, %dma_wait3A_1307] : memref<16x50x32xf32, #tpu.memory_space<vmem>> -> memref<1x50x32xf32, #tpu.memory_space<vmem>>
    %dma_wait3A_1309 = tpu.memref_squeeze %dma_wait3A_1308 : memref<1x50x32xf32, #tpu.memory_space<vmem>> -> memref<50x32xf32, #tpu.memory_space<vmem>>
    %dma_wait3A_1310 = arith.constant 0 : i32
    %dma_wait3A_1311 = arith.constant 0 : i32
    %dma_wait3A_1312 = tpu.memref_slice %arg5[%dma_wait3A_1297, %dma_wait3A_1310, %dma_wait3A_1311] : memref<2x16x50xi32, #tpu.memory_space<vmem>> -> memref<1x16x50xi32, #tpu.memory_space<vmem>>
    %dma_wait3A_1313 = tpu.memref_squeeze %dma_wait3A_1312 : memref<1x16x50xi32, #tpu.memory_space<vmem>> -> memref<16x50xi32, #tpu.memory_space<vmem>>
    %dma_wait3A_1314 = arith.constant 0 : i32
    %dma_wait3A_1315 = tpu.memref_slice %dma_wait3A_1313[%dma_wait3A_1298, %dma_wait3A_1314] : memref<16x50xi32, #tpu.memory_space<vmem>> -> memref<1x50xi32, #tpu.memory_space<vmem>>
    %dma_wait3A_1316 = tpu.memref_squeeze %dma_wait3A_1315 : memref<1x50xi32, #tpu.memory_space<vmem>> -> memref<50xi32, #tpu.memory_space<vmem>>
    %dma_wait3A_1317 = arith.constant 0 : i32
    %dma_wait3A_1318 = arith.constant 0 : i32
    %dma_wait3A_1319 = tpu.memref_slice %arg2[%dma_wait3A_1317, %dma_wait3A_1318] : memref<1015808x32xf32, #tpu.memory_space<hbm>> -> memref<1015808x32xf32, #tpu.memory_space<hbm>>
    tpu.wait_indirect_dma semaphore(%arg8 : memref<!tpu.dma_semaphore, #tpu.memory_space<semaphore_mem>>) src(%dma_wait3A_1319 : memref<1015808x32xf32, #tpu.memory_space<hbm>>) dst(%dma_wait3A_1309 : memref<50x32xf32, #tpu.memory_space<vmem>>)
    %dma_wait3A_1320 = arith.constant 1 : i32
    %dma_wait3A_1321 = arith.constant 6 : i32
    %dma_wait3A_1322 = arith.constant 1 : i32
    %dma_wait3A_1323 = arith.constant 6 : i32
    %dma_wait3A_1324 = arith.constant 0 : i32
    %dma_wait3A_1325 = arith.constant 0 : i32
    %dma_wait3A_1326 = arith.constant 0 : i32
    %dma_wait3A_1327 = tpu.memref_slice %arg6[%dma_wait3A_1322, %dma_wait3A_1324, %dma_wait3A_1325, %dma_wait3A_1326] : memref<2x16x50x32xf32, #tpu.memory_space<vmem>> -> memref<1x16x50x32xf32, #tpu.memory_space<vmem>>
    %dma_wait3A_1328 = tpu.memref_squeeze %dma_wait3A_1327 : memref<1x16x50x32xf32, #tpu.memory_space<vmem>> -> memref<16x50x32xf32, #tpu.memory_space<vmem>>
    %dma_wait3A_1329 = arith.constant 0 : i32
    %dma_wait3A_1330 = arith.constant 0 : i32
    %dma_wait3A_1331 = tpu.memref_slice %dma_wait3A_1328[%dma_wait3A_1323, %dma_wait3A_1329, %dma_wait3A_1330] : memref<16x50x32xf32, #tpu.memory_space<vmem>> -> memref<1x50x32xf32, #tpu.memory_space<vmem>>
    %dma_wait3A_1332 = tpu.memref_squeeze %dma_wait3A_1331 : memref<1x50x32xf32, #tpu.memory_space<vmem>> -> memref<50x32xf32, #tpu.memory_space<vmem>>
    %dma_wait3A_1333 = arith.constant 0 : i32
    %dma_wait3A_1334 = arith.constant 0 : i32
    %dma_wait3A_1335 = tpu.memref_slice %arg5[%dma_wait3A_1320, %dma_wait3A_1333, %dma_wait3A_1334] : memref<2x16x50xi32, #tpu.memory_space<vmem>> -> memref<1x16x50xi32, #tpu.memory_space<vmem>>
    %dma_wait3A_1336 = tpu.memref_squeeze %dma_wait3A_1335 : memref<1x16x50xi32, #tpu.memory_space<vmem>> -> memref<16x50xi32, #tpu.memory_space<vmem>>
    %dma_wait3A_1337 = arith.constant 0 : i32
    %dma_wait3A_1338 = tpu.memref_slice %dma_wait3A_1336[%dma_wait3A_1321, %dma_wait3A_1337] : memref<16x50xi32, #tpu.memory_space<vmem>> -> memref<1x50xi32, #tpu.memory_space<vmem>>
    %dma_wait3A_1339 = tpu.memref_squeeze %dma_wait3A_1338 : memref<1x50xi32, #tpu.memory_space<vmem>> -> memref<50xi32, #tpu.memory_space<vmem>>
    %dma_wait3A_1340 = arith.constant 0 : i32
    %dma_wait3A_1341 = arith.constant 0 : i32
    %dma_wait3A_1342 = tpu.memref_slice %arg2[%dma_wait3A_1340, %dma_wait3A_1341] : memref<1015808x32xf32, #tpu.memory_space<hbm>> -> memref<1015808x32xf32, #tpu.memory_space<hbm>>
    tpu.wait_indirect_dma semaphore(%arg8 : memref<!tpu.dma_semaphore, #tpu.memory_space<semaphore_mem>>) src(%dma_wait3A_1342 : memref<1015808x32xf32, #tpu.memory_space<hbm>>) dst(%dma_wait3A_1332 : memref<50x32xf32, #tpu.memory_space<vmem>>)
    %dma_wait3A_1343 = arith.constant 1 : i32
    %dma_wait3A_1344 = arith.constant 7 : i32
    %dma_wait3A_1345 = arith.constant 1 : i32
    %dma_wait3A_1346 = arith.constant 7 : i32
    %dma_wait3A_1347 = arith.constant 0 : i32
    %dma_wait3A_1348 = arith.constant 0 : i32
    %dma_wait3A_1349 = arith.constant 0 : i32
    %dma_wait3A_1350 = tpu.memref_slice %arg6[%dma_wait3A_1345, %dma_wait3A_1347, %dma_wait3A_1348, %dma_wait3A_1349] : memref<2x16x50x32xf32, #tpu.memory_space<vmem>> -> memref<1x16x50x32xf32, #tpu.memory_space<vmem>>
    %dma_wait3A_1351 = tpu.memref_squeeze %dma_wait3A_1350 : memref<1x16x50x32xf32, #tpu.memory_space<vmem>> -> memref<16x50x32xf32, #tpu.memory_space<vmem>>
    %dma_wait3A_1352 = arith.constant 0 : i32
    %dma_wait3A_1353 = arith.constant 0 : i32
    %dma_wait3A_1354 = tpu.memref_slice %dma_wait3A_1351[%dma_wait3A_1346, %dma_wait3A_1352, %dma_wait3A_1353] : memref<16x50x32xf32, #tpu.memory_space<vmem>> -> memref<1x50x32xf32, #tpu.memory_space<vmem>>
    %dma_wait3A_1355 = tpu.memref_squeeze %dma_wait3A_1354 : memref<1x50x32xf32, #tpu.memory_space<vmem>> -> memref<50x32xf32, #tpu.memory_space<vmem>>
    %dma_wait3A_1356 = arith.constant 0 : i32
    %dma_wait3A_1357 = arith.constant 0 : i32
    %dma_wait3A_1358 = tpu.memref_slice %arg5[%dma_wait3A_1343, %dma_wait3A_1356, %dma_wait3A_1357] : memref<2x16x50xi32, #tpu.memory_space<vmem>> -> memref<1x16x50xi32, #tpu.memory_space<vmem>>
    %dma_wait3A_1359 = tpu.memref_squeeze %dma_wait3A_1358 : memref<1x16x50xi32, #tpu.memory_space<vmem>> -> memref<16x50xi32, #tpu.memory_space<vmem>>
    %dma_wait3A_1360 = arith.constant 0 : i32
    %dma_wait3A_1361 = tpu.memref_slice %dma_wait3A_1359[%dma_wait3A_1344, %dma_wait3A_1360] : memref<16x50xi32, #tpu.memory_space<vmem>> -> memref<1x50xi32, #tpu.memory_space<vmem>>
    %dma_wait3A_1362 = tpu.memref_squeeze %dma_wait3A_1361 : memref<1x50xi32, #tpu.memory_space<vmem>> -> memref<50xi32, #tpu.memory_space<vmem>>
    %dma_wait3A_1363 = arith.constant 0 : i32
    %dma_wait3A_1364 = arith.constant 0 : i32
    %dma_wait3A_1365 = tpu.memref_slice %arg2[%dma_wait3A_1363, %dma_wait3A_1364] : memref<1015808x32xf32, #tpu.memory_space<hbm>> -> memref<1015808x32xf32, #tpu.memory_space<hbm>>
    tpu.wait_indirect_dma semaphore(%arg8 : memref<!tpu.dma_semaphore, #tpu.memory_space<semaphore_mem>>) src(%dma_wait3A_1365 : memref<1015808x32xf32, #tpu.memory_space<hbm>>) dst(%dma_wait3A_1355 : memref<50x32xf32, #tpu.memory_space<vmem>>)
    %dma_wait3A_1366 = arith.constant 1 : i32
    %dma_wait3A_1367 = arith.constant 8 : i32
    %dma_wait3A_1368 = arith.constant 1 : i32
    %dma_wait3A_1369 = arith.constant 8 : i32
    %dma_wait3A_1370 = arith.constant 0 : i32
    %dma_wait3A_1371 = arith.constant 0 : i32
    %dma_wait3A_1372 = arith.constant 0 : i32
    %dma_wait3A_1373 = tpu.memref_slice %arg6[%dma_wait3A_1368, %dma_wait3A_1370, %dma_wait3A_1371, %dma_wait3A_1372] : memref<2x16x50x32xf32, #tpu.memory_space<vmem>> -> memref<1x16x50x32xf32, #tpu.memory_space<vmem>>
    %dma_wait3A_1374 = tpu.memref_squeeze %dma_wait3A_1373 : memref<1x16x50x32xf32, #tpu.memory_space<vmem>> -> memref<16x50x32xf32, #tpu.memory_space<vmem>>
    %dma_wait3A_1375 = arith.constant 0 : i32
    %dma_wait3A_1376 = arith.constant 0 : i32
    %dma_wait3A_1377 = tpu.memref_slice %dma_wait3A_1374[%dma_wait3A_1369, %dma_wait3A_1375, %dma_wait3A_1376] : memref<16x50x32xf32, #tpu.memory_space<vmem>> -> memref<1x50x32xf32, #tpu.memory_space<vmem>>
    %dma_wait3A_1378 = tpu.memref_squeeze %dma_wait3A_1377 : memref<1x50x32xf32, #tpu.memory_space<vmem>> -> memref<50x32xf32, #tpu.memory_space<vmem>>
    %dma_wait3A_1379 = arith.constant 0 : i32
    %dma_wait3A_1380 = arith.constant 0 : i32
    %dma_wait3A_1381 = tpu.memref_slice %arg5[%dma_wait3A_1366, %dma_wait3A_1379, %dma_wait3A_1380] : memref<2x16x50xi32, #tpu.memory_space<vmem>> -> memref<1x16x50xi32, #tpu.memory_space<vmem>>
    %dma_wait3A_1382 = tpu.memref_squeeze %dma_wait3A_1381 : memref<1x16x50xi32, #tpu.memory_space<vmem>> -> memref<16x50xi32, #tpu.memory_space<vmem>>
    %dma_wait3A_1383 = arith.constant 0 : i32
    %dma_wait3A_1384 = tpu.memref_slice %dma_wait3A_1382[%dma_wait3A_1367, %dma_wait3A_1383] : memref<16x50xi32, #tpu.memory_space<vmem>> -> memref<1x50xi32, #tpu.memory_space<vmem>>
    %dma_wait3A_1385 = tpu.memref_squeeze %dma_wait3A_1384 : memref<1x50xi32, #tpu.memory_space<vmem>> -> memref<50xi32, #tpu.memory_space<vmem>>
    %dma_wait3A_1386 = arith.constant 0 : i32
    %dma_wait3A_1387 = arith.constant 0 : i32
    %dma_wait3A_1388 = tpu.memref_slice %arg2[%dma_wait3A_1386, %dma_wait3A_1387] : memref<1015808x32xf32, #tpu.memory_space<hbm>> -> memref<1015808x32xf32, #tpu.memory_space<hbm>>
    tpu.wait_indirect_dma semaphore(%arg8 : memref<!tpu.dma_semaphore, #tpu.memory_space<semaphore_mem>>) src(%dma_wait3A_1388 : memref<1015808x32xf32, #tpu.memory_space<hbm>>) dst(%dma_wait3A_1378 : memref<50x32xf32, #tpu.memory_space<vmem>>)
    %dma_wait3A_1389 = arith.constant 1 : i32
    %dma_wait3A_1390 = arith.constant 9 : i32
    %dma_wait3A_1391 = arith.constant 1 : i32
    %dma_wait3A_1392 = arith.constant 9 : i32
    %dma_wait3A_1393 = arith.constant 0 : i32
    %dma_wait3A_1394 = arith.constant 0 : i32
    %dma_wait3A_1395 = arith.constant 0 : i32
    %dma_wait3A_1396 = tpu.memref_slice %arg6[%dma_wait3A_1391, %dma_wait3A_1393, %dma_wait3A_1394, %dma_wait3A_1395] : memref<2x16x50x32xf32, #tpu.memory_space<vmem>> -> memref<1x16x50x32xf32, #tpu.memory_space<vmem>>
    %dma_wait3A_1397 = tpu.memref_squeeze %dma_wait3A_1396 : memref<1x16x50x32xf32, #tpu.memory_space<vmem>> -> memref<16x50x32xf32, #tpu.memory_space<vmem>>
    %dma_wait3A_1398 = arith.constant 0 : i32
    %dma_wait3A_1399 = arith.constant 0 : i32
    %dma_wait3A_1400 = tpu.memref_slice %dma_wait3A_1397[%dma_wait3A_1392, %dma_wait3A_1398, %dma_wait3A_1399] : memref<16x50x32xf32, #tpu.memory_space<vmem>> -> memref<1x50x32xf32, #tpu.memory_space<vmem>>
    %dma_wait3A_1401 = tpu.memref_squeeze %dma_wait3A_1400 : memref<1x50x32xf32, #tpu.memory_space<vmem>> -> memref<50x32xf32, #tpu.memory_space<vmem>>
    %dma_wait3A_1402 = arith.constant 0 : i32
    %dma_wait3A_1403 = arith.constant 0 : i32
    %dma_wait3A_1404 = tpu.memref_slice %arg5[%dma_wait3A_1389, %dma_wait3A_1402, %dma_wait3A_1403] : memref<2x16x50xi32, #tpu.memory_space<vmem>> -> memref<1x16x50xi32, #tpu.memory_space<vmem>>
    %dma_wait3A_1405 = tpu.memref_squeeze %dma_wait3A_1404 : memref<1x16x50xi32, #tpu.memory_space<vmem>> -> memref<16x50xi32, #tpu.memory_space<vmem>>
    %dma_wait3A_1406 = arith.constant 0 : i32
    %dma_wait3A_1407 = tpu.memref_slice %dma_wait3A_1405[%dma_wait3A_1390, %dma_wait3A_1406] : memref<16x50xi32, #tpu.memory_space<vmem>> -> memref<1x50xi32, #tpu.memory_space<vmem>>
    %dma_wait3A_1408 = tpu.memref_squeeze %dma_wait3A_1407 : memref<1x50xi32, #tpu.memory_space<vmem>> -> memref<50xi32, #tpu.memory_space<vmem>>
    %dma_wait3A_1409 = arith.constant 0 : i32
    %dma_wait3A_1410 = arith.constant 0 : i32
    %dma_wait3A_1411 = tpu.memref_slice %arg2[%dma_wait3A_1409, %dma_wait3A_1410] : memref<1015808x32xf32, #tpu.memory_space<hbm>> -> memref<1015808x32xf32, #tpu.memory_space<hbm>>
    tpu.wait_indirect_dma semaphore(%arg8 : memref<!tpu.dma_semaphore, #tpu.memory_space<semaphore_mem>>) src(%dma_wait3A_1411 : memref<1015808x32xf32, #tpu.memory_space<hbm>>) dst(%dma_wait3A_1401 : memref<50x32xf32, #tpu.memory_space<vmem>>)
    %dma_wait3A_1412 = arith.constant 1 : i32
    %dma_wait3A_1413 = arith.constant 10 : i32
    %dma_wait3A_1414 = arith.constant 1 : i32
    %dma_wait3A_1415 = arith.constant 10 : i32
    %dma_wait3A_1416 = arith.constant 0 : i32
    %dma_wait3A_1417 = arith.constant 0 : i32
    %dma_wait3A_1418 = arith.constant 0 : i32
    %dma_wait3A_1419 = tpu.memref_slice %arg6[%dma_wait3A_1414, %dma_wait3A_1416, %dma_wait3A_1417, %dma_wait3A_1418] : memref<2x16x50x32xf32, #tpu.memory_space<vmem>> -> memref<1x16x50x32xf32, #tpu.memory_space<vmem>>
    %dma_wait3A_1420 = tpu.memref_squeeze %dma_wait3A_1419 : memref<1x16x50x32xf32, #tpu.memory_space<vmem>> -> memref<16x50x32xf32, #tpu.memory_space<vmem>>
    %dma_wait3A_1421 = arith.constant 0 : i32
    %dma_wait3A_1422 = arith.constant 0 : i32
    %dma_wait3A_1423 = tpu.memref_slice %dma_wait3A_1420[%dma_wait3A_1415, %dma_wait3A_1421, %dma_wait3A_1422] : memref<16x50x32xf32, #tpu.memory_space<vmem>> -> memref<1x50x32xf32, #tpu.memory_space<vmem>>
    %dma_wait3A_1424 = tpu.memref_squeeze %dma_wait3A_1423 : memref<1x50x32xf32, #tpu.memory_space<vmem>> -> memref<50x32xf32, #tpu.memory_space<vmem>>
    %dma_wait3A_1425 = arith.constant 0 : i32
    %dma_wait3A_1426 = arith.constant 0 : i32
    %dma_wait3A_1427 = tpu.memref_slice %arg5[%dma_wait3A_1412, %dma_wait3A_1425, %dma_wait3A_1426] : memref<2x16x50xi32, #tpu.memory_space<vmem>> -> memref<1x16x50xi32, #tpu.memory_space<vmem>>
    %dma_wait3A_1428 = tpu.memref_squeeze %dma_wait3A_1427 : memref<1x16x50xi32, #tpu.memory_space<vmem>> -> memref<16x50xi32, #tpu.memory_space<vmem>>
    %dma_wait3A_1429 = arith.constant 0 : i32
    %dma_wait3A_1430 = tpu.memref_slice %dma_wait3A_1428[%dma_wait3A_1413, %dma_wait3A_1429] : memref<16x50xi32, #tpu.memory_space<vmem>> -> memref<1x50xi32, #tpu.memory_space<vmem>>
    %dma_wait3A_1431 = tpu.memref_squeeze %dma_wait3A_1430 : memref<1x50xi32, #tpu.memory_space<vmem>> -> memref<50xi32, #tpu.memory_space<vmem>>
    %dma_wait3A_1432 = arith.constant 0 : i32
    %dma_wait3A_1433 = arith.constant 0 : i32
    %dma_wait3A_1434 = tpu.memref_slice %arg2[%dma_wait3A_1432, %dma_wait3A_1433] : memref<1015808x32xf32, #tpu.memory_space<hbm>> -> memref<1015808x32xf32, #tpu.memory_space<hbm>>
    tpu.wait_indirect_dma semaphore(%arg8 : memref<!tpu.dma_semaphore, #tpu.memory_space<semaphore_mem>>) src(%dma_wait3A_1434 : memref<1015808x32xf32, #tpu.memory_space<hbm>>) dst(%dma_wait3A_1424 : memref<50x32xf32, #tpu.memory_space<vmem>>)
    %dma_wait3A_1435 = arith.constant 1 : i32
    %dma_wait3A_1436 = arith.constant 11 : i32
    %dma_wait3A_1437 = arith.constant 1 : i32
    %dma_wait3A_1438 = arith.constant 11 : i32
    %dma_wait3A_1439 = arith.constant 0 : i32
    %dma_wait3A_1440 = arith.constant 0 : i32
    %dma_wait3A_1441 = arith.constant 0 : i32
    %dma_wait3A_1442 = tpu.memref_slice %arg6[%dma_wait3A_1437, %dma_wait3A_1439, %dma_wait3A_1440, %dma_wait3A_1441] : memref<2x16x50x32xf32, #tpu.memory_space<vmem>> -> memref<1x16x50x32xf32, #tpu.memory_space<vmem>>
    %dma_wait3A_1443 = tpu.memref_squeeze %dma_wait3A_1442 : memref<1x16x50x32xf32, #tpu.memory_space<vmem>> -> memref<16x50x32xf32, #tpu.memory_space<vmem>>
    %dma_wait3A_1444 = arith.constant 0 : i32
    %dma_wait3A_1445 = arith.constant 0 : i32
    %dma_wait3A_1446 = tpu.memref_slice %dma_wait3A_1443[%dma_wait3A_1438, %dma_wait3A_1444, %dma_wait3A_1445] : memref<16x50x32xf32, #tpu.memory_space<vmem>> -> memref<1x50x32xf32, #tpu.memory_space<vmem>>
    %dma_wait3A_1447 = tpu.memref_squeeze %dma_wait3A_1446 : memref<1x50x32xf32, #tpu.memory_space<vmem>> -> memref<50x32xf32, #tpu.memory_space<vmem>>
    %dma_wait3A_1448 = arith.constant 0 : i32
    %dma_wait3A_1449 = arith.constant 0 : i32
    %dma_wait3A_1450 = tpu.memref_slice %arg5[%dma_wait3A_1435, %dma_wait3A_1448, %dma_wait3A_1449] : memref<2x16x50xi32, #tpu.memory_space<vmem>> -> memref<1x16x50xi32, #tpu.memory_space<vmem>>
    %dma_wait3A_1451 = tpu.memref_squeeze %dma_wait3A_1450 : memref<1x16x50xi32, #tpu.memory_space<vmem>> -> memref<16x50xi32, #tpu.memory_space<vmem>>
    %dma_wait3A_1452 = arith.constant 0 : i32
    %dma_wait3A_1453 = tpu.memref_slice %dma_wait3A_1451[%dma_wait3A_1436, %dma_wait3A_1452] : memref<16x50xi32, #tpu.memory_space<vmem>> -> memref<1x50xi32, #tpu.memory_space<vmem>>
    %dma_wait3A_1454 = tpu.memref_squeeze %dma_wait3A_1453 : memref<1x50xi32, #tpu.memory_space<vmem>> -> memref<50xi32, #tpu.memory_space<vmem>>
    %dma_wait3A_1455 = arith.constant 0 : i32
    %dma_wait3A_1456 = arith.constant 0 : i32
    %dma_wait3A_1457 = tpu.memref_slice %arg2[%dma_wait3A_1455, %dma_wait3A_1456] : memref<1015808x32xf32, #tpu.memory_space<hbm>> -> memref<1015808x32xf32, #tpu.memory_space<hbm>>
    tpu.wait_indirect_dma semaphore(%arg8 : memref<!tpu.dma_semaphore, #tpu.memory_space<semaphore_mem>>) src(%dma_wait3A_1457 : memref<1015808x32xf32, #tpu.memory_space<hbm>>) dst(%dma_wait3A_1447 : memref<50x32xf32, #tpu.memory_space<vmem>>)
    %dma_wait3A_1458 = arith.constant 1 : i32
    %dma_wait3A_1459 = arith.constant 12 : i32
    %dma_wait3A_1460 = arith.constant 1 : i32
    %dma_wait3A_1461 = arith.constant 12 : i32
    %dma_wait3A_1462 = arith.constant 0 : i32
    %dma_wait3A_1463 = arith.constant 0 : i32
    %dma_wait3A_1464 = arith.constant 0 : i32
    %dma_wait3A_1465 = tpu.memref_slice %arg6[%dma_wait3A_1460, %dma_wait3A_1462, %dma_wait3A_1463, %dma_wait3A_1464] : memref<2x16x50x32xf32, #tpu.memory_space<vmem>> -> memref<1x16x50x32xf32, #tpu.memory_space<vmem>>
    %dma_wait3A_1466 = tpu.memref_squeeze %dma_wait3A_1465 : memref<1x16x50x32xf32, #tpu.memory_space<vmem>> -> memref<16x50x32xf32, #tpu.memory_space<vmem>>
    %dma_wait3A_1467 = arith.constant 0 : i32
    %dma_wait3A_1468 = arith.constant 0 : i32
    %dma_wait3A_1469 = tpu.memref_slice %dma_wait3A_1466[%dma_wait3A_1461, %dma_wait3A_1467, %dma_wait3A_1468] : memref<16x50x32xf32, #tpu.memory_space<vmem>> -> memref<1x50x32xf32, #tpu.memory_space<vmem>>
    %dma_wait3A_1470 = tpu.memref_squeeze %dma_wait3A_1469 : memref<1x50x32xf32, #tpu.memory_space<vmem>> -> memref<50x32xf32, #tpu.memory_space<vmem>>
    %dma_wait3A_1471 = arith.constant 0 : i32
    %dma_wait3A_1472 = arith.constant 0 : i32
    %dma_wait3A_1473 = tpu.memref_slice %arg5[%dma_wait3A_1458, %dma_wait3A_1471, %dma_wait3A_1472] : memref<2x16x50xi32, #tpu.memory_space<vmem>> -> memref<1x16x50xi32, #tpu.memory_space<vmem>>
    %dma_wait3A_1474 = tpu.memref_squeeze %dma_wait3A_1473 : memref<1x16x50xi32, #tpu.memory_space<vmem>> -> memref<16x50xi32, #tpu.memory_space<vmem>>
    %dma_wait3A_1475 = arith.constant 0 : i32
    %dma_wait3A_1476 = tpu.memref_slice %dma_wait3A_1474[%dma_wait3A_1459, %dma_wait3A_1475] : memref<16x50xi32, #tpu.memory_space<vmem>> -> memref<1x50xi32, #tpu.memory_space<vmem>>
    %dma_wait3A_1477 = tpu.memref_squeeze %dma_wait3A_1476 : memref<1x50xi32, #tpu.memory_space<vmem>> -> memref<50xi32, #tpu.memory_space<vmem>>
    %dma_wait3A_1478 = arith.constant 0 : i32
    %dma_wait3A_1479 = arith.constant 0 : i32
    %dma_wait3A_1480 = tpu.memref_slice %arg2[%dma_wait3A_1478, %dma_wait3A_1479] : memref<1015808x32xf32, #tpu.memory_space<hbm>> -> memref<1015808x32xf32, #tpu.memory_space<hbm>>
    tpu.wait_indirect_dma semaphore(%arg8 : memref<!tpu.dma_semaphore, #tpu.memory_space<semaphore_mem>>) src(%dma_wait3A_1480 : memref<1015808x32xf32, #tpu.memory_space<hbm>>) dst(%dma_wait3A_1470 : memref<50x32xf32, #tpu.memory_space<vmem>>)
    %dma_wait3A_1481 = arith.constant 1 : i32
    %dma_wait3A_1482 = arith.constant 13 : i32
    %dma_wait3A_1483 = arith.constant 1 : i32
    %dma_wait3A_1484 = arith.constant 13 : i32
    %dma_wait3A_1485 = arith.constant 0 : i32
    %dma_wait3A_1486 = arith.constant 0 : i32
    %dma_wait3A_1487 = arith.constant 0 : i32
    %dma_wait3A_1488 = tpu.memref_slice %arg6[%dma_wait3A_1483, %dma_wait3A_1485, %dma_wait3A_1486, %dma_wait3A_1487] : memref<2x16x50x32xf32, #tpu.memory_space<vmem>> -> memref<1x16x50x32xf32, #tpu.memory_space<vmem>>
    %dma_wait3A_1489 = tpu.memref_squeeze %dma_wait3A_1488 : memref<1x16x50x32xf32, #tpu.memory_space<vmem>> -> memref<16x50x32xf32, #tpu.memory_space<vmem>>
    %dma_wait3A_1490 = arith.constant 0 : i32
    %dma_wait3A_1491 = arith.constant 0 : i32
    %dma_wait3A_1492 = tpu.memref_slice %dma_wait3A_1489[%dma_wait3A_1484, %dma_wait3A_1490, %dma_wait3A_1491] : memref<16x50x32xf32, #tpu.memory_space<vmem>> -> memref<1x50x32xf32, #tpu.memory_space<vmem>>
    %dma_wait3A_1493 = tpu.memref_squeeze %dma_wait3A_1492 : memref<1x50x32xf32, #tpu.memory_space<vmem>> -> memref<50x32xf32, #tpu.memory_space<vmem>>
    %dma_wait3A_1494 = arith.constant 0 : i32
    %dma_wait3A_1495 = arith.constant 0 : i32
    %dma_wait3A_1496 = tpu.memref_slice %arg5[%dma_wait3A_1481, %dma_wait3A_1494, %dma_wait3A_1495] : memref<2x16x50xi32, #tpu.memory_space<vmem>> -> memref<1x16x50xi32, #tpu.memory_space<vmem>>
    %dma_wait3A_1497 = tpu.memref_squeeze %dma_wait3A_1496 : memref<1x16x50xi32, #tpu.memory_space<vmem>> -> memref<16x50xi32, #tpu.memory_space<vmem>>
    %dma_wait3A_1498 = arith.constant 0 : i32
    %dma_wait3A_1499 = tpu.memref_slice %dma_wait3A_1497[%dma_wait3A_1482, %dma_wait3A_1498] : memref<16x50xi32, #tpu.memory_space<vmem>> -> memref<1x50xi32, #tpu.memory_space<vmem>>
    %dma_wait3A_1500 = tpu.memref_squeeze %dma_wait3A_1499 : memref<1x50xi32, #tpu.memory_space<vmem>> -> memref<50xi32, #tpu.memory_space<vmem>>
    %dma_wait3A_1501 = arith.constant 0 : i32
    %dma_wait3A_1502 = arith.constant 0 : i32
    %dma_wait3A_1503 = tpu.memref_slice %arg2[%dma_wait3A_1501, %dma_wait3A_1502] : memref<1015808x32xf32, #tpu.memory_space<hbm>> -> memref<1015808x32xf32, #tpu.memory_space<hbm>>
    tpu.wait_indirect_dma semaphore(%arg8 : memref<!tpu.dma_semaphore, #tpu.memory_space<semaphore_mem>>) src(%dma_wait3A_1503 : memref<1015808x32xf32, #tpu.memory_space<hbm>>) dst(%dma_wait3A_1493 : memref<50x32xf32, #tpu.memory_space<vmem>>)
    %dma_wait3A_1504 = arith.constant 1 : i32
    %dma_wait3A_1505 = arith.constant 14 : i32
    %dma_wait3A_1506 = arith.constant 1 : i32
    %dma_wait3A_1507 = arith.constant 14 : i32
    %dma_wait3A_1508 = arith.constant 0 : i32
    %dma_wait3A_1509 = arith.constant 0 : i32
    %dma_wait3A_1510 = arith.constant 0 : i32
    %dma_wait3A_1511 = tpu.memref_slice %arg6[%dma_wait3A_1506, %dma_wait3A_1508, %dma_wait3A_1509, %dma_wait3A_1510] : memref<2x16x50x32xf32, #tpu.memory_space<vmem>> -> memref<1x16x50x32xf32, #tpu.memory_space<vmem>>
    %dma_wait3A_1512 = tpu.memref_squeeze %dma_wait3A_1511 : memref<1x16x50x32xf32, #tpu.memory_space<vmem>> -> memref<16x50x32xf32, #tpu.memory_space<vmem>>
    %dma_wait3A_1513 = arith.constant 0 : i32
    %dma_wait3A_1514 = arith.constant 0 : i32
    %dma_wait3A_1515 = tpu.memref_slice %dma_wait3A_1512[%dma_wait3A_1507, %dma_wait3A_1513, %dma_wait3A_1514] : memref<16x50x32xf32, #tpu.memory_space<vmem>> -> memref<1x50x32xf32, #tpu.memory_space<vmem>>
    %dma_wait3A_1516 = tpu.memref_squeeze %dma_wait3A_1515 : memref<1x50x32xf32, #tpu.memory_space<vmem>> -> memref<50x32xf32, #tpu.memory_space<vmem>>
    %dma_wait3A_1517 = arith.constant 0 : i32
    %dma_wait3A_1518 = arith.constant 0 : i32
    %dma_wait3A_1519 = tpu.memref_slice %arg5[%dma_wait3A_1504, %dma_wait3A_1517, %dma_wait3A_1518] : memref<2x16x50xi32, #tpu.memory_space<vmem>> -> memref<1x16x50xi32, #tpu.memory_space<vmem>>
    %dma_wait3A_1520 = tpu.memref_squeeze %dma_wait3A_1519 : memref<1x16x50xi32, #tpu.memory_space<vmem>> -> memref<16x50xi32, #tpu.memory_space<vmem>>
    %dma_wait3A_1521 = arith.constant 0 : i32
    %dma_wait3A_1522 = tpu.memref_slice %dma_wait3A_1520[%dma_wait3A_1505, %dma_wait3A_1521] : memref<16x50xi32, #tpu.memory_space<vmem>> -> memref<1x50xi32, #tpu.memory_space<vmem>>
    %dma_wait3A_1523 = tpu.memref_squeeze %dma_wait3A_1522 : memref<1x50xi32, #tpu.memory_space<vmem>> -> memref<50xi32, #tpu.memory_space<vmem>>
    %dma_wait3A_1524 = arith.constant 0 : i32
    %dma_wait3A_1525 = arith.constant 0 : i32
    %dma_wait3A_1526 = tpu.memref_slice %arg2[%dma_wait3A_1524, %dma_wait3A_1525] : memref<1015808x32xf32, #tpu.memory_space<hbm>> -> memref<1015808x32xf32, #tpu.memory_space<hbm>>
    tpu.wait_indirect_dma semaphore(%arg8 : memref<!tpu.dma_semaphore, #tpu.memory_space<semaphore_mem>>) src(%dma_wait3A_1526 : memref<1015808x32xf32, #tpu.memory_space<hbm>>) dst(%dma_wait3A_1516 : memref<50x32xf32, #tpu.memory_space<vmem>>)
    %dma_wait3A_1527 = arith.constant 1 : i32
    %dma_wait3A_1528 = arith.constant 15 : i32
    %dma_wait3A_1529 = arith.constant 1 : i32
    %dma_wait3A_1530 = arith.constant 15 : i32
    %dma_wait3A_1531 = arith.constant 0 : i32
    %dma_wait3A_1532 = arith.constant 0 : i32
    %dma_wait3A_1533 = arith.constant 0 : i32
    %dma_wait3A_1534 = tpu.memref_slice %arg6[%dma_wait3A_1529, %dma_wait3A_1531, %dma_wait3A_1532, %dma_wait3A_1533] : memref<2x16x50x32xf32, #tpu.memory_space<vmem>> -> memref<1x16x50x32xf32, #tpu.memory_space<vmem>>
    %dma_wait3A_1535 = tpu.memref_squeeze %dma_wait3A_1534 : memref<1x16x50x32xf32, #tpu.memory_space<vmem>> -> memref<16x50x32xf32, #tpu.memory_space<vmem>>
    %dma_wait3A_1536 = arith.constant 0 : i32
    %dma_wait3A_1537 = arith.constant 0 : i32
    %dma_wait3A_1538 = tpu.memref_slice %dma_wait3A_1535[%dma_wait3A_1530, %dma_wait3A_1536, %dma_wait3A_1537] : memref<16x50x32xf32, #tpu.memory_space<vmem>> -> memref<1x50x32xf32, #tpu.memory_space<vmem>>
    %dma_wait3A_1539 = tpu.memref_squeeze %dma_wait3A_1538 : memref<1x50x32xf32, #tpu.memory_space<vmem>> -> memref<50x32xf32, #tpu.memory_space<vmem>>
    %dma_wait3A_1540 = arith.constant 0 : i32
    %dma_wait3A_1541 = arith.constant 0 : i32
    %dma_wait3A_1542 = tpu.memref_slice %arg5[%dma_wait3A_1527, %dma_wait3A_1540, %dma_wait3A_1541] : memref<2x16x50xi32, #tpu.memory_space<vmem>> -> memref<1x16x50xi32, #tpu.memory_space<vmem>>
    %dma_wait3A_1543 = tpu.memref_squeeze %dma_wait3A_1542 : memref<1x16x50xi32, #tpu.memory_space<vmem>> -> memref<16x50xi32, #tpu.memory_space<vmem>>
    %dma_wait3A_1544 = arith.constant 0 : i32
    %dma_wait3A_1545 = tpu.memref_slice %dma_wait3A_1543[%dma_wait3A_1528, %dma_wait3A_1544] : memref<16x50xi32, #tpu.memory_space<vmem>> -> memref<1x50xi32, #tpu.memory_space<vmem>>
    %dma_wait3A_1546 = tpu.memref_squeeze %dma_wait3A_1545 : memref<1x50xi32, #tpu.memory_space<vmem>> -> memref<50xi32, #tpu.memory_space<vmem>>
    %dma_wait3A_1547 = arith.constant 0 : i32
    %dma_wait3A_1548 = arith.constant 0 : i32
    %dma_wait3A_1549 = tpu.memref_slice %arg2[%dma_wait3A_1547, %dma_wait3A_1548] : memref<1015808x32xf32, #tpu.memory_space<hbm>> -> memref<1015808x32xf32, #tpu.memory_space<hbm>>
    tpu.wait_indirect_dma semaphore(%arg8 : memref<!tpu.dma_semaphore, #tpu.memory_space<semaphore_mem>>) src(%dma_wait3A_1549 : memref<1015808x32xf32, #tpu.memory_space<hbm>>) dst(%dma_wait3A_1539 : memref<50x32xf32, #tpu.memory_space<vmem>>)
    %add3A_1550 = arith.constant 496 : i32
    %add3A_1551 = arith.addi %mul3A_2, %add3A_1550 : i32
    %run_scoped3A_1552 = arith.constant 1 : i32
    "tpu.region"() ({
      %run_scoped3A_1553 = tpu.sem_alloc : memref<!tpu.dma_semaphore, #tpu.memory_space<semaphore_mem>>
      %dma_start3A_1554 = arith.constant 0 : i32
      %dma_start3A_1555 = arith.constant 0 : i32
      %dma_start3A_1556 = arith.constant 0 : i32
      %dma_start3A_1557 = tpu.memref_slice %arg6[%run_scoped3A_1552, %dma_start3A_1554, %dma_start3A_1555, %dma_start3A_1556] : memref<2x16x50x32xf32, #tpu.memory_space<vmem>> -> memref<1x16x50x32xf32, #tpu.memory_space<vmem>>
      %dma_start3A_1558 = tpu.memref_squeeze %dma_start3A_1557 : memref<1x16x50x32xf32, #tpu.memory_space<vmem>> -> memref<16x50x32xf32, #tpu.memory_space<vmem>>
      %dma_start3A_1559 = arith.constant 0 : i32
      %dma_start3A_1560 = arith.constant 0 : i32
      %dma_start3A_1561 = tpu.memref_slice %arg4[%add3A_1551, %dma_start3A_1559, %dma_start3A_1560] : memref<16384x50x32xf32, #tpu.memory_space<hbm>> -> memref<16x50x32xf32, #tpu.memory_space<hbm>>
      %dma_start3A_1562 = arith.constant 0 : i32
      %dma_start3A_1563 = arith.constant 0 : i32
      %dma_start3A_1564 = tpu.memref_slice %arg4[%add3A_1551, %dma_start3A_1562, %dma_start3A_1563] : memref<16384x50x32xf32, #tpu.memory_space<hbm>> -> memref<16x50x32xf32, #tpu.memory_space<hbm>>
      %dma_start3A_1565 = arith.constant 0 : i32
      %dma_start3A_1566 = arith.constant 0 : i32
      %dma_start3A_1567 = arith.constant 0 : i32
      %dma_start3A_1568 = tpu.memref_slice %arg6[%run_scoped3A_1552, %dma_start3A_1565, %dma_start3A_1566, %dma_start3A_1567] : memref<2x16x50x32xf32, #tpu.memory_space<vmem>> -> memref<1x16x50x32xf32, #tpu.memory_space<vmem>>
      %dma_start3A_1569 = tpu.memref_squeeze %dma_start3A_1568 : memref<1x16x50x32xf32, #tpu.memory_space<vmem>> -> memref<16x50x32xf32, #tpu.memory_space<vmem>>
      tpu.enqueue_dma source(%dma_start3A_1569 : memref<16x50x32xf32, #tpu.memory_space<vmem>>) target(%dma_start3A_1564 : memref<16x50x32xf32, #tpu.memory_space<hbm>>) target_semaphore(%run_scoped3A_1553 : memref<!tpu.dma_semaphore, #tpu.memory_space<semaphore_mem>>)
      %dma_wait3A_1570 = arith.constant 0 : i32
      %dma_wait3A_1571 = arith.constant 0 : i32
      %dma_wait3A_1572 = arith.constant 0 : i32
      %dma_wait3A_1573 = tpu.memref_slice %arg6[%run_scoped3A_1552, %dma_wait3A_1570, %dma_wait3A_1571, %dma_wait3A_1572] : memref<2x16x50x32xf32, #tpu.memory_space<vmem>> -> memref<1x16x50x32xf32, #tpu.memory_space<vmem>>
      %dma_wait3A_1574 = tpu.memref_squeeze %dma_wait3A_1573 : memref<1x16x50x32xf32, #tpu.memory_space<vmem>> -> memref<16x50x32xf32, #tpu.memory_space<vmem>>
      %dma_wait3A_1575 = arith.constant 0 : i32
      %dma_wait3A_1576 = arith.constant 0 : i32
      %dma_wait3A_1577 = tpu.memref_slice %arg4[%add3A_1551, %dma_wait3A_1575, %dma_wait3A_1576] : memref<16384x50x32xf32, #tpu.memory_space<hbm>> -> memref<16x50x32xf32, #tpu.memory_space<hbm>>
      %dma_wait3A_1578 = arith.constant 0 : i32
      %dma_wait3A_1579 = arith.constant 0 : i32
      %dma_wait3A_1580 = tpu.memref_slice %arg4[%add3A_1551, %dma_wait3A_1578, %dma_wait3A_1579] : memref<16384x50x32xf32, #tpu.memory_space<hbm>> -> memref<16x50x32xf32, #tpu.memory_space<hbm>>
      %dma_wait3A_1581 = arith.constant 0 : i32
      %dma_wait3A_1582 = arith.constant 0 : i32
      %dma_wait3A_1583 = arith.constant 0 : i32
      %dma_wait3A_1584 = tpu.memref_slice %arg6[%run_scoped3A_1552, %dma_wait3A_1581, %dma_wait3A_1582, %dma_wait3A_1583] : memref<2x16x50x32xf32, #tpu.memory_space<vmem>> -> memref<1x16x50x32xf32, #tpu.memory_space<vmem>>
      %dma_wait3A_1585 = tpu.memref_squeeze %dma_wait3A_1584 : memref<1x16x50x32xf32, #tpu.memory_space<vmem>> -> memref<16x50x32xf32, #tpu.memory_space<vmem>>
      tpu.wait_dma2 semaphore(%run_scoped3A_1553 : memref<!tpu.dma_semaphore, #tpu.memory_space<semaphore_mem>>) src(%dma_wait3A_1585 : memref<16x50x32xf32, #tpu.memory_space<vmem>>) dst(%dma_wait3A_1580 : memref<16x50x32xf32, #tpu.memory_space<hbm>>)
      tpu.yield
    }) : () -> ()
    return
  }
}

module attributes {stable_mosaic.version = 14 : i64} {
  func.func @body(%arg0: i32, %arg1: memref<64x4096xf32, #tpu.memory_space<vmem>>, %arg2: memref<64x4096xf32, #tpu.memory_space<vmem>>, %arg3: memref<64x4096xf32, #tpu.memory_space<vmem>>, %arg4: memref<64x4096xf32, #tpu.memory_space<vmem>>, %arg5: memref<256x128xf32, #tpu.memory_space<vmem>>, %arg6: memref<1x128xf32, #tpu.memory_space<vmem>>, %arg7: memref<4096x128xf32, #tpu.memory_space<vmem>>) attributes {dimension_semantics = [#tpu.dimension_semantics<arbitrary>], iteration_bounds = array<i64: 62>, scalar_prefetch = 0 : i64, scratch_operands = 0 : i64, tpu.core_type = #tpu.core_type<tc>, window_params = [{transform_indices = @transform_0, window_bounds = array<i64: 64, 4096>}, {transform_indices = @transform_1, window_bounds = array<i64: 64, 4096>}, {transform_indices = @transform_2, window_bounds = array<i64: 64, 4096>}, {transform_indices = @transform_3, window_bounds = array<i64: 64, 4096>}, {pipeline_mode = #tpu.pipeline_mode<synchronous>, transform_indices = @transform_4, window_bounds = array<i64: 256, 128>}, {pipeline_mode = #tpu.pipeline_mode<synchronous>, transform_indices = @transform_5, window_bounds = array<i64: 1, 128>}, {transform_indices = @transform_6, window_bounds = array<i64: 4096, 128>}]} {
    %get3A = arith.constant 0 : index
    %get3A_0 = arith.constant 0 : index
    %get3A_1 = vector.load %arg1[%get3A, %get3A_0] : memref<64x4096xf32, #tpu.memory_space<vmem>>, vector<64x4096xf32>
    %get3A_2 = arith.constant 0 : index
    %get3A_3 = arith.constant 0 : index
    %get3A_4 = vector.load %arg2[%get3A_2, %get3A_3] : memref<64x4096xf32, #tpu.memory_space<vmem>>, vector<64x4096xf32>
    %get3A_5 = arith.constant 0 : index
    %get3A_6 = arith.constant 0 : index
    %get3A_7 = vector.load %arg3[%get3A_5, %get3A_6] : memref<64x4096xf32, #tpu.memory_space<vmem>>, vector<64x4096xf32>
    %get3A_8 = arith.constant 0 : index
    %get3A_9 = arith.constant 0 : index
    %get3A_10 = vector.load %arg4[%get3A_8, %get3A_9] : memref<64x4096xf32, #tpu.memory_space<vmem>>, vector<64x4096xf32>
    %concatenate3A = tpu.concatenate %get3A_1, %get3A_4, %get3A_7, %get3A_10 in 0 : vector<64x4096xf32>, vector<64x4096xf32>, vector<64x4096xf32>, vector<64x4096xf32> -> vector<256x4096xf32>
    %get3A_11 = arith.constant 0 : index
    %get3A_12 = arith.constant 0 : index
    %get3A_13 = vector.load %arg5[%get3A_11, %get3A_12] : memref<256x128xf32, #tpu.memory_space<vmem>>, vector<256x128xf32>
    %dot_general3A = arith.constant dense<0.000000e+00> : vector<4096x128xf32>
    %dot_general3A_14 = tpu.matmul %concatenate3A, %get3A_13, %dot_general3A {dimension_numbers = #tpu.dot_dimension_numbers<[0], [0], [1], [1], [0, 1, 1, 1], [], []>, transpose_lhs_hint = false} : vector<256x4096xf32>, vector<256x128xf32>, vector<4096x128xf32> -> vector<4096x128xf32>
    %get3A_15 = arith.constant 0 : index
    %get3A_16 = arith.constant 0 : index
    %get3A_17 = vector.load %arg6[%get3A_15, %get3A_16] : memref<1x128xf32, #tpu.memory_space<vmem>>, vector<1x128xf32>
    %add3A = vector.broadcast %get3A_17 : vector<1x128xf32> to vector<4096x128xf32>
    %add3A_18 = arith.addf %dot_general3A_14, %add3A : vector<4096x128xf32>
    %max3A = arith.constant 0.000000e+00 : f32
    %max3A_19 = vector.broadcast %max3A : f32 to vector<4096x128xf32>
    %max3A_20 = arith.maximumf %add3A_18, %max3A_19 : vector<4096x128xf32>
    %swap3A = arith.constant 0 : index
    %swap3A_21 = arith.constant 0 : index
    %swap3A_22 = vector.load %arg7[%swap3A, %swap3A_21] : memref<4096x128xf32, #tpu.memory_space<vmem>>, vector<4096x128xf32>
    tpu.vector_store %arg7[%swap3A, %swap3A_21], %max3A_20 {strides = array<i32>} : memref<4096x128xf32, #tpu.memory_space<vmem>>, vector<4096x128xf32>,
    return
  }
  func.func @transform_0(%arg0: i32) -> (i32, i32) {
    %mul3A = arith.constant 4 : i32
    %mul3A_0 = arith.muli %mul3A, %arg0 : i32
    %add3A = arith.constant 0 : i32
    %add3A_1 = arith.addi %mul3A_0, %add3A : i32
    %min3A = arith.constant 244 : i32
    %min3A_2 = arith.minsi %add3A_1, %min3A : i32
    %c0_i32 = arith.constant 0 : i32
    %c0_i32_3 = arith.constant 0 : i32
    return %c0_i32, %min3A_2 : i32, i32
  }
  func.func @transform_1(%arg0: i32) -> (i32, i32) {
    %mul3A = arith.constant 4 : i32
    %mul3A_0 = arith.muli %mul3A, %arg0 : i32
    %add3A = arith.constant 1 : i32
    %add3A_1 = arith.addi %mul3A_0, %add3A : i32
    %min3A = arith.constant 244 : i32
    %min3A_2 = arith.minsi %add3A_1, %min3A : i32
    %c0_i32 = arith.constant 0 : i32
    %c0_i32_3 = arith.constant 0 : i32
    return %c0_i32, %min3A_2 : i32, i32
  }
  func.func @transform_2(%arg0: i32) -> (i32, i32) {
    %mul3A = arith.constant 4 : i32
    %mul3A_0 = arith.muli %mul3A, %arg0 : i32
    %add3A = arith.constant 2 : i32
    %add3A_1 = arith.addi %mul3A_0, %add3A : i32
    %min3A = arith.constant 244 : i32
    %min3A_2 = arith.minsi %add3A_1, %min3A : i32
    %c0_i32 = arith.constant 0 : i32
    %c0_i32_3 = arith.constant 0 : i32
    return %c0_i32, %min3A_2 : i32, i32
  }
  func.func @transform_3(%arg0: i32) -> (i32, i32) {
    %mul3A = arith.constant 4 : i32
    %mul3A_0 = arith.muli %mul3A, %arg0 : i32
    %add3A = arith.constant 3 : i32
    %add3A_1 = arith.addi %mul3A_0, %add3A : i32
    %min3A = arith.constant 244 : i32
    %min3A_2 = arith.minsi %add3A_1, %min3A : i32
    %c0_i32 = arith.constant 0 : i32
    %c0_i32_3 = arith.constant 0 : i32
    return %c0_i32, %min3A_2 : i32, i32
  }
  func.func @transform_4(%arg0: i32) -> (i32, i32) {
    %c0_i32 = arith.constant 0 : i32
    %c0_i32_0 = arith.constant 0 : i32
    %c0_i32_1 = arith.constant 0 : i32
    return %c0_i32, %c0_i32_0 : i32, i32
  }
  func.func @transform_5(%arg0: i32) -> (i32, i32) {
    %c0_i32 = arith.constant 0 : i32
    %c0_i32_0 = arith.constant 0 : i32
    %c0_i32_1 = arith.constant 0 : i32
    return %c0_i32, %c0_i32_0 : i32, i32
  }
  func.func @transform_6(%arg0: i32) -> (i32, i32) {
    %c0_i32 = arith.constant 0 : i32
    %c0_i32_0 = arith.constant 0 : i32
    return %arg0, %c0_i32 : i32, i32
  }
}

</mosaic_0001>

<sc_bundles>
// kernel: kernel.4.cloned.1.call-start
scs
__scs_entry_jumppad:
0x0: {  	(pc) =	sbr.rel $0x88, $3  }
0x1: {  	(tag) =	ssettag $0x0;
	lr =	simm.s32 $0x1  }
0x2: {  	[smem:$0x3F9D] =	sst lr;
	_ =	strace $0xD0000000  }
0x3: {  	_ = 	snop  }
0x4: {  	_ = 	snop  }
0x5: {  	_ = 	snop  }
0x6: {  	_ = 	snop  }
0x7: {  	_ = 	snop  }
__scs_overlays_trampoline_lowered:
0x8: {  	[smem:$0x3FAC] =	sst s0  }
0x9: {  	[smem:$0x3FAD] =	sst s1  }
0xa: {  	[smem:$0x3FAE] =	sst s2  }
0xb: {  	[smem:$0x3FAF] =	sst s3  }
0xc: {  	[smem:$0x3FB0] =	sst s4  }
0xd: {  	[smem:$0x3FB1] =	sst s5  }
0xe: {  	[smem:$0x3FB2] =	sst s6  }
0xf: {  	[smem:$0x3FB3] =	sst s7  }
0x10: {  	[smem:$0x3FB4] =	sst s8  }
0x11: {  	[smem:$0x3FB5] =	sst s9;
	s0 =	simm.s32 @!p0 $0x0  }
0x12: {  	s1 =	sld [smem:$0x3F9B];
	s0 =	simm.s32 @p0 $0x1  }
0x13: {  	[smem:$0x3FB6] =	sst s0;
	s0 =	simm.s32 @!p1 $0x0  }
0x14: {  	s2 =	sld [smem:$0x3F9A];
	s0 =	simm.s32 @p1 $0x1  }
0x15: {  	[smem:$0x3FB7] =	sst s0;
	s0 =	simm.s32 @!p2 $0x0  }
0x16: {  	s3 =	sld [smem:$0x3FDB];
	s0 =	simm.s32 @p2 $0x1  }
0x17: {  	s4 =	simm.s32 $0x1BF5;
	[smem:$0x3FB9] =	sst s0  }
0x18: {  	s0 =	sld [smem:$0x3F9C];
	_ =	swait.ge [sflag:s4], $0x0  }
0x19: {  	s7 =	sld [smem:$0x3F9D]  }
0x1a: {  	s8 =	sadd.s32 $0xFFFFE003, lr  }
0x1b: {  	s9 =	sadd.s32 $0xFFFFFEF7, lr;
	s5 =	simm.s32 $0xFFFFFFFF;
	p2 =	slt.u32 s8, $0xFFFFF086  }
0x1c: {  	p1 =	slt.u32 s9, $0xF7A;
	s5 =	simm.s32 @!p2 $0x0  }
0x1d: {  	s5 =	simm.s32 @p1 $0x1;
	p0 =	seq.s32 s7, s2  }
0x1e: {  	s7 =	smul.u32 @!p0 $0xF7A, s2;
	p2 =	seq.s32 @!p0 s5, $0x0  }
0x1f: {  	s9 =	smul.u32 $0xF7A, s1;
	s8 =	simm.s32 @!p0 $0x1BF5;
	p2 =	por !p2, p0  }
0x20: {  	[sflag:s8] =	ssyncset.s32 @!p0 $0xFFFFF086;
	s6 =	sadd.s32 @!p0 s3, s7;
	s7 =	simm.s32 @!p0 $0x108  }
0x21: {  	s3 =	sadd.s32 s3, s9;
	s6 =	sadd.s32 @!p0 $0x88, s6;
	s7 =	simm.s32 @p2 $0x1082  }
0x22: {  	[simem:s7], [sflag:s8] =	dma.local @!p0 [hbm:s6], $0xF7A  }
0x23: {  	s9 =	sor.u32 $0xD0000000, s2;
	s6 =	simm.s32 $0x108;
	_ =	swait.ge @!p0 [sflag:s8], $0x0  }
0x24: {  	s3 =	sadd.s32 $0x88, s3;
	s6 =	simm.s32 @!p1 $0x1082;
	[sflag:s4] =	ssyncset.s32 $0xFFFFF086  }
0x25: {  	[simem:s6], [sflag:s4] =	dma.local [hbm:s3], $0xF7A  }
0x26: {  	[smem:$0x3F9D] =	sst s1;
	(tag) =	ssettag s2;
	_ =	strace s9  }
0x27: {  	s1 =	sld [smem:$0x3FAD]  }
0x28: {  	s2 =	sld [smem:$0x3FAE]  }
0x29: {  	s4 =	sld [smem:$0x3FB0]  }
0x2a: {  	p0 =	seq.s32 s5, $0x0;
	s5 =	sld [smem:$0x3FB1]  }
0x2b: {  	s6 =	sld [smem:$0x3FB2]  }
0x2c: {  	s7 =	sld [smem:$0x3FB3]  }
0x2d: {  	s3 =	simm.s32 $0x108;
	s8 =	sld [smem:$0x3FB4]  }
0x2e: {  	s3 =	simm.s32 @!p0 $0x1082;
	s9 =	sld [smem:$0x3FB5]  }
0x2f: {  	lr =	sadd.s32 s0, s3;
	s0 =	sld [smem:$0x3FAC]  }
0x30: {  	s3 =	sld [smem:$0x3FAF]  }
0x31: {  	[smem:$0x3FB8] =	sst s10  }
0x32: {  	s10 =	sld [smem:$0x3FB6];
	_ =	sdelay $0x3  }
0x33: {  	p0 =	seq.s32 s10, $0x1;
	s10 =	sld [smem:$0x3FB8];
	_ =	sdelay $0x3  }
0x34: {  	[smem:$0x3FB8] =	sst s10  }
0x35: {  	s10 =	sld [smem:$0x3FB7];
	_ =	sdelay $0x3  }
0x36: {  	p1 =	seq.s32 s10, $0x1;
	s10 =	sld [smem:$0x3FB8];
	_ =	sdelay $0x3  }
0x37: {  	[smem:$0x3FB8] =	sst s10  }
0x38: {  	s10 =	sld [smem:$0x3FB9]  }
0x39: {  	_ = 	snop;
	(pc) =	sbr.ind lr, $3  }
0x3a: {  	_ = 	snop  }
0x3b: {  	_ = 	snop  }
0x3c: {  	p2 =	seq.s32 s10, $0x1;
	s10 =	sld [smem:$0x3FB8]  }
0x3d: {  	_ =	shalt  }
0x3e: {  	_ =	shalt  }
0x3f: {  	_ =	shalt  }
0x40: {  	_ =	shalt  }
0x41: {  	_ =	shalt  }
0x42: {  	_ =	shalt  }
0x43: {  	_ =	shalt  }
0x44: {  	_ =	shalt  }
0x45: {  	_ =	shalt  }
0x46: {  	_ =	shalt  }
0x47: {  	_ =	shalt  }
0x48: {  	_ =	shalt  }
0x49: {  	_ =	shalt  }
0x4a: {  	_ =	shalt  }
0x4b: {  	_ =	shalt  }
0x4c: {  	_ =	shalt  }
0x4d: {  	_ =	shalt  }
0x4e: {  	_ =	shalt  }
0x4f: {  	_ =	shalt  }
0x50: {  	_ =	shalt  }
0x51: {  	_ =	shalt  }
0x52: {  	_ =	shalt  }
0x53: {  	_ =	shalt  }
0x54: {  	_ =	shalt  }
0x55: {  	_ =	shalt  }
0x56: {  	_ =	shalt  }
0x57: {  	_ =	shalt  }
0x58: {  	_ =	shalt  }
0x59: {  	_ =	shalt  }
0x5a: {  	_ =	shalt  }
0x5b: {  	_ =	shalt  }
0x5c: {  	_ =	shalt  }
0x5d: {  	_ =	shalt  }
0x5e: {  	_ =	shalt  }
0x5f: {  	_ =	shalt  }
0x60: {  	_ =	shalt  }
0x61: {  	_ =	shalt  }
0x62: {  	_ =	shalt  }
0x63: {  	_ =	shalt  }
0x64: {  	_ =	shalt  }
0x65: {  	_ =	shalt  }
0x66: {  	_ =	shalt  }
0x67: {  	_ =	shalt  }
0x68: {  	_ =	shalt  }
0x69: {  	_ =	shalt  }
0x6a: {  	_ =	shalt  }
0x6b: {  	_ =	shalt  }
0x6c: {  	_ =	shalt  }
0x6d: {  	_ =	shalt  }
0x6e: {  	_ =	shalt  }
0x6f: {  	_ =	shalt  }
0x70: {  	_ =	shalt  }
0x71: {  	_ =	shalt  }
0x72: {  	_ =	shalt  }
0x73: {  	_ =	shalt  }
0x74: {  	_ =	shalt  }
0x75: {  	_ =	shalt  }
0x76: {  	_ =	shalt  }
0x77: {  	_ =	shalt  }
0x78: {  	_ =	shalt  }
0x79: {  	_ =	shalt  }
0x7a: {  	_ =	shalt  }
0x7b: {  	_ =	shalt  }
0x7c: {  	_ =	shalt  }
0x7d: {  	_ =	shalt  }
0x7e: {  	_ =	shalt  }
0x7f: {  	_ =	shalt  }
0x80: {  	_ =	shalt  }
0x81: {  	_ =	shalt  }
0x82: {  	_ =	shalt  }
0x83: {  	_ =	shalt  }
0x84: {  	_ =	shalt  }
0x85: {  	_ =	shalt  }
0x86: {  	_ =	shalt  }
0x87: {  	_ =	shalt  }
.Lfunc_end0:
.L_simem_size_0:
called_computation.1_lowered:
.L_overlay_start_0:
0x88: {  	s2 =	sld [smem:$0x3FD9]  }
0x89: {  	s3 =	sld [smem:$0x3FFE];
	_ =	sdelay $0x1  }
0x8a: {  	s1 =	srdreg.scid  }
0x8b: {  	s0 =	sand.u32 $0x1, s1  }
0x8c: {  	s17 =	sshll.u32 s0, $0xA;
	s2 =	sadd.s32 s3, s2  }
0x8d: {  	s2 =	sadd.s32 s2, s17  }
0x8e: {  	[smem:$0x3FC4] =	sst s2  }
0x8f: {  	_ = 	snop  }
0x90: {  	s2 =	sld [smem:$0x3FD0];
	(tm) =	ssettm $0x1  }
0x91: {  	s18 =	sld [smem:$0x3FFB];
	_ =	sdelay $0x3  }
0x92: {  	_ =	strace s18  }
0x93: {  	s3 =	sld [smem:$0x3FFC];
	_ =	sdelay $0x3  }
0x94: {  	_ =	strace s3  }
0x95: {  	s3 =	sld [smem:$0x3FFD];
	_ =	sdelay $0x3  }
0x96: {  	_ =	strace s3  }
0x97: {  	_ =	strace $0x8FFFFFFF  }
0x98: {  	s19 =	sld [smem:$0x3FDB];
	_ =	sdelay $0x1  }
0x99: {  	s4 =	simm.s32 $_scs_section_size  }
0x9a: {  	s5 =	simm.s32 $_size__tile_overlayer_lowered;
	s6 =	simm.s32 $_tile_overlayer_lowered  }
0x9b: {  	s22 =	simm.s32 $0x1BFF;
	s21 =	sshll.u32 s6, $0x1;
	s3 =	sadd.s32 s4, s19  }
0x9c: {  	s7 =	simm.s32 $0x0;
	s20 =	sshll.u32 s5, $0x1;
	s5 =	sadd.s32 s21, s3  }
0x9d: {  	[timem:s7], [sflag:s22] =	dma.local [hbm:s5], s20  }
0x9e: {  	_ =	swait.ge [sflag:s22], s20  }
0x9f: {  	s4 =	ssub.s32 $0x0, s20;
	[sflag:s22] =	ssyncset.done $0x0  }
0xa0: {  	[sflag:s22] =	ssyncadd.s32 s4;
	_ =	sdelay $0x1  }
0xa1: {  	s23 =	simm.s32 $0x1B8B  }
0xa2: {  	_ =	swait.ge [sflag:s23], $0x1  }
0xa3: {  	[sflag:s23] =	ssyncset.done $0x0  }
0xa4: {  	s25 =	simm.s32 $0x1B8E;
	s24 =	sld [smem:$0x3FFE];
	[sflag:s23] =	ssyncadd.s32 $0xFFFFFFFF  }
0xa5: {  	s26 =	simm.s32 $execute0_lowered;
	[smem:$0x3FD2] =	sst s25  }
0xa6: {  	s5 =	sshll.u32 s26, $0x1;
	_ =	strace $0x80000046;
	[dreg:$0x1] =	wrdreg $0xFFFFFFFF  }
0xa7: {  	s28 =	simm.s32 $_size_execute0_lowered;
	s3 =	sadd.s32 s3, s5;
	[dreg:$0x0] =	wrdreg $0x0  }
0xa8: {  	s5 =	sshll.u32 s28, $0x1;
	[dreg:$0x2] =	wrdreg s3  }
0xa9: {  	[dreg:$0x3] =	wrdreg s5  }
0xaa: {  	[dreg:$0x4] =	wrdreg $0xC0  }
0xab: {  	_ =	task [dreg:s7], $0x5FFFF  }
0xac: {  	[dreg:$0x1] =	wrdreg $0xFFFFFFFF  }
0xad: {  	[dreg:$0x0] =	wrdreg $0x60  }
0xae: {  	[dreg:$0x2] =	wrdreg s24  }
0xaf: {  	[dreg:$0x3] =	wrdreg s2  }
0xb0: {  	[dreg:$0x4] =	wrdreg $0x9  }
0xb1: {  	_ =	task.clear_ibuf [dreg:s7], $0x5FFFF;
	_ =	strace $0x90000046  }
0xb2: {  	s29 =	simm.s32 $0x9;
	_ =	strace $0x80000048  }
0xb3: {  	_ =	swait.ge [sflag:s29], $0x1  }
0xb4: {  	[sflag:s29] =	ssyncadd.s32 $0xFFFFFFFF  }
0xb5: {  	_ =	strace $0x90000048  }
0xb6: {  	_ =	sfence  }
0xb7: {  	s30 =	sld [smem:$0x0];
	_ =	sdelay $0x2  }
0xb8: {  	s31 =	sshll.u32 s1, $0xD;
	s1 =	sshrl.u32 s1, $0x2  }
0xb9: {  	s3 =	sand.u32 $0x4000, s31;
	s1 =	sadd.s32 s1, s30  }
0xba: {  	s0 =	sor.u32 s3, s0;
	s1 =	sshll.u32 s1, $0x11  }
0xbb: {  	s0 =	sor.u32 s1, s0  }
0xbc: {  	s0 =	sadd.s32 $0x8F2B, s0  }
0xbd: {  	[sflag:s0] =	ssyncadd.remote.s32 $0x1  }
0xbe: {  	_ =	sfence.sel $0xFFFF  }
0xbf: {  	[dreg:$0x0] =	wrdreg $0xFFFFFFFF;
	(pc) =	sbr.abs _section_cstart, $3  }
0xc0: {  	[dreg:$0x1] =	wrdreg $0xFFFFFFFF  }
0xc1: {  	_ =	task.clear_ibuf [dreg:s7], $0x2FFFF;
	_ =	strace $0x9FFFFFFF  }
0xc2: {  	(tm) =	ssettm $0x7FFFFFFF  }
0xc3: {  	_ =	shalt  }
tec
execute0_lowered:
.L_overlay_start_1:
0x0: {  	(tag) =	ssettag $0x1  }
0x1: {  	s0 =	srdreg.scid;
	s1 =	rddreg [dreg:$0x0]  }
0x2: {  	s11 =	stileid.u32;
	s4 =	rddreg [dreg:$0x1];
	s12 =	simm.s32 $0x700  }
0x3: {  	s31 =	simm.s32 $0x38;
	s13 =	simm.s32 $0x2640;
	s14 =	simm.s32 $0x150  }
0x4: {  	s15 =	simm.s32 $0x2C80;
	s16 =	simm.s32 $0x188;
	s19 =	simm.s32 $0x32C0  }
0x5: {  	s20 =	simm.s32 $0x1C0;
	s29 =	simm.s32 $0x4580;
	s30 =	simm.s32 $0x268  }
0x6: {  	s17 =	simm.s32 $0x380;
	s18 =	simm.s32 $0x6B00;
	s21 =	smul.u32 $0x32000, s11  }
0x7: {  	s0 =	sand.u32 $0x1, s0;
	s2 =	sshll.u32 s11, $0xA;
	s24 =	smul.u32 $0x1C00, s11  }
0x8: {  	s11 =	simm.s32 $0x32;
	s3 =	sshll.u32 s0, $0x9;
	s23 =	smul.u32 $0x19000, s0  }
0x9: {  	s8 =	ssub.s32 $0x2, s0;
	s0 =	smul.u32 $0xE00, s0;
	s3 =	sor.u32 s3, s2  }
0xa: {  	s2 =	simm.s32 $0x0;
	s10 =	sshrl.u32 s8, $0x1;
	s25 =	sadd.s32 s21, s4  }
0xb: {  	s21 =	simm.s32 $0x3900;
	s5 =	smul.u32 $0x7, s3;
	s6 =	sor.u32 $0x1F0, s3  }
0xc: {  	[smem:$0x7FF] =	sst s2;
	s9 =	smul.u32 $0x640, s3;
	s3 =	sadd.s32 $0x1C800, s1  }
0xd: {  	s1 =	sadd.s32 $0x800, s1;
	s8 =	ssub.s32 s8, s10;
	s26 =	sadd.s32 s23, s25  }
0xe: {  	s10 =	simm.s32 $0x3;
	s23 =	simm.s32 $0x3F40;
	s7 =	smul.u32 $0x7, s6  }
0xf: {  	s25 =	simm.s32 $0x1;
	_ =	strace $0x80000047;
	s6 =	smul.u32 $0xC8, s6  }
0x10: {  	s28 =	smax.u32 s8, $0x1;
	[dreg:$0x3] =	wrdreg s26;
	s8 =	simm.s32 $0x2000  }
0x11: {  	s26 =	simm.s32 $0x2;
	s5 =	sadd.s32 s1, s5;
	s22 =	sshrl.u32 s9, $0x3  }
0x12: {  	[dreg:$0x8] =	wrdreg s28;
	s9 =	simm.s32 $0x118;
	s28 =	simm.s32 $0x0  }
0x13: {  	[dreg:$0x4] =	wrdreg s5;
	s7 =	sadd.s32 s1, s7;
	s5 =	sadd.s32 s4, s22  }
0x14: {  	s4 =	sadd.s32 s4, s6;
	s1 =	sadd.s32 s24, s1;
	[dreg:$0xa] =	wrdreg s28  }
0x15: {  	s6 =	simm.s32 $0x19C0;
	s22 =	simm.s32 $0x1F8;
	[dreg:$0x5] =	wrdreg s7  }
0x16: {  	s24 =	simm.s32 $0x230;
	s5 =	sadd.s32 $0x17700, s5;
	[dreg:$0x7] =	wrdreg s4  }
0x17: {  	s0 =	sadd.s32 s0, s1;
	s1 =	simm.s32 $0xD40;
	s4 =	simm.s32 $0x1380  }
0x18: {  	s7 =	simm.s32 $0xE0;
	[dreg:$0x6] =	wrdreg s5;
	s0 =	sadd.s32 $0x70, s0  }
0x19: {  	s5 =	simm.s32 $0xA8;
	[dreg:$0x9] =	wrdreg s0;
	s0 =	simm.s32 $0x70  }
.LBB2_1:
0x1a: {  	s28 =	rddreg [dreg:$0x4]  }
0x1b: {  	[tilespmem:s2], [sflag:$0x3] =	stream.linear.gather [hbm4b:s28+s2], $0x380, $0x38;
	[tilespmem:$0xCF00] =	vst v63  }
0x1c: {  	_ =	swait.ge [sflag:s10], $0x380  }
0x1d: {  	[sflag:s10] =	ssyncset.done $0x0  }
0x1e: {  	[sflag:s10] =	ssyncadd.s32 $0xFFFFFC80  }
0x1f: {  	[tilespmem:s12], [sflag:$0x1] =	stream.indirect.gather [hbm4b:s3+s11], $0x20, s2, s11, $0xb8;
	[tilespmem:$0xCF00] =	vst v63  }
0x20: {  	_ = 	snop  }
0x21: {  	[tilespmem:s1], [sflag:$0x1] =	stream.indirect.gather [hbm4b:s3+s11], $0x20, s31, s11, $0xb8;
	[tilespmem:$0xCF00] =	vst v63  }
0x22: {  	_ = 	snop  }
0x23: {  	[tilespmem:s4], [sflag:$0x1] =	stream.indirect.gather [hbm4b:s3+s11], $0x20, s0, s11, $0xb8;
	[tilespmem:$0xCF00] =	vst v63  }
0x24: {  	_ = 	snop  }
0x25: {  	[tilespmem:s6], [sflag:$0x1] =	stream.indirect.gather [hbm4b:s3+s11], $0x20, s5, s11, $0xb8;
	[tilespmem:$0xCF00] =	vst v63  }
0x26: {  	_ = 	snop  }
0x27: {  	[tilespmem:s8], [sflag:$0x1] =	stream.indirect.gather [hbm4b:s3+s11], $0x20, s7, s11, $0xb8;
	[tilespmem:$0xCF00] =	vst v63  }
0x28: {  	_ = 	snop  }
0x29: {  	[tilespmem:s13], [sflag:$0x1] =	stream.indirect.gather [hbm4b:s3+s11], $0x20, s9, s11, $0xb8;
	[tilespmem:$0xCF00] =	vst v63  }
0x2a: {  	_ = 	snop  }
0x2b: {  	[tilespmem:s15], [sflag:$0x1] =	stream.indirect.gather [hbm4b:s3+s11], $0x20, s14, s11, $0xb8;
	[tilespmem:$0xCF00] =	vst v63  }
0x2c: {  	_ = 	snop  }
0x2d: {  	[tilespmem:s19], [sflag:$0x1] =	stream.indirect.gather [hbm4b:s3+s11], $0x20, s16, s11, $0xb8;
	[tilespmem:$0xCF00] =	vst v63  }
0x2e: {  	_ = 	snop  }
0x2f: {  	[tilespmem:s21], [sflag:$0x1] =	stream.indirect.gather [hbm4b:s3+s11], $0x20, s20, s11, $0xb8;
	[tilespmem:$0xCF00] =	vst v63  }
0x30: {  	_ = 	snop  }
0x31: {  	[tilespmem:s23], [sflag:$0x1] =	stream.indirect.gather [hbm4b:s3+s11], $0x20, s22, s11, $0xb8;
	[tilespmem:$0xCF00] =	vst v63  }
0x32: {  	_ = 	snop  }
0x33: {  	[tilespmem:s29], [sflag:$0x1] =	stream.indirect.gather [hbm4b:s3+s11], $0x20, s24, s11, $0xb8;
	[tilespmem:$0xCF00] =	vst v63  }
0x34: {  	s21 =	simm.s32 $0x4BC0  }
0x35: {  	[tilespmem:s21], [sflag:$0x1] =	stream.indirect.gather [hbm4b:s3+s11], $0x20, s30, s11, $0xb8;
	[tilespmem:$0xCF00] =	vst v63  }
0x36: {  	s22 =	simm.s32 $0x2A0;
	s23 =	simm.s32 $0x5200  }
0x37: {  	[tilespmem:s23], [sflag:$0x1] =	stream.indirect.gather [hbm4b:s3+s11], $0x20, s22, s11, $0xb8;
	[tilespmem:$0xCF00] =	vst v63  }
0x38: {  	s24 =	simm.s32 $0x2D8;
	s30 =	simm.s32 $0x5840  }
0x39: {  	[tilespmem:s30], [sflag:$0x1] =	stream.indirect.gather [hbm4b:s3+s11], $0x20, s24, s11, $0xb8;
	[tilespmem:$0xCF00] =	vst v63  }
0x3a: {  	s1 =	simm.s32 $0x310;
	s4 =	simm.s32 $0x5E80  }
0x3b: {  	[tilespmem:s4], [sflag:$0x1] =	stream.indirect.gather [hbm4b:s3+s11], $0x20, s1, s11, $0xb8;
	[tilespmem:$0xCF00] =	vst v63  }
0x3c: {  	s5 =	simm.s32 $0x348;
	s6 =	simm.s32 $0x64C0  }
0x3d: {  	[tilespmem:s6], [sflag:$0x1] =	stream.indirect.gather [hbm4b:s3+s11], $0x20, s5, s11, $0xb8;
	[tilespmem:$0xCF00] =	vst v63  }
0x3e: {  	s7 =	rddreg [dreg:$0x9]  }
0x3f: {  	[tilespmem:s17], [sflag:$0x3] =	stream.linear.gather [hbm4b:s7+s2], $0x380, $0x38;
	[tilespmem:$0xCF00] =	vst v63  }
0x40: {  	_ =	swait.ge [sflag:s10], $0x380  }
0x41: {  	[sflag:s10] =	ssyncset.done $0x0  }
0x42: {  	[sflag:s10] =	ssyncadd.s32 $0xFFFFFC80  }
0x43: {  	[tilespmem:s18], [sflag:$0x2] =	stream.indirect.gather [hbm4b:s3+s11], $0x20, s17, s11, $0xb8;
	[tilespmem:$0xCF00] =	vst v63  }
0x44: {  	s8 =	simm.s32 $0x3B8;
	s9 =	simm.s32 $0x7140  }
0x45: {  	[tilespmem:s9], [sflag:$0x2] =	stream.indirect.gather [hbm4b:s3+s11], $0x20, s8, s11, $0xb8;
	[tilespmem:$0xCF00] =	vst v63  }
0x46: {  	s13 =	simm.s32 $0x3F0;
	s14 =	simm.s32 $0x7780  }
0x47: {  	[tilespmem:s14], [sflag:$0x2] =	stream.indirect.gather [hbm4b:s3+s11], $0x20, s13, s11, $0xb8;
	[tilespmem:$0xCF00] =	vst v63  }
0x48: {  	s15 =	simm.s32 $0x428;
	s16 =	simm.s32 $0x7DC0  }
0x49: {  	[tilespmem:s16], [sflag:$0x2] =	stream.indirect.gather [hbm4b:s3+s11], $0x20, s15, s11, $0xb8;
	[tilespmem:$0xCF00] =	vst v63  }
0x4a: {  	s20 =	simm.s32 $0x460;
	s21 =	simm.s32 $0x8400  }
0x4b: {  	[tilespmem:s21], [sflag:$0x2] =	stream.indirect.gather [hbm4b:s3+s11], $0x20, s20, s11, $0xb8;
	[tilespmem:$0xCF00] =	vst v63  }
0x4c: {  	s22 =	simm.s32 $0x498;
	s23 =	simm.s32 $0x8A40  }
0x4d: {  	[tilespmem:s23], [sflag:$0x2] =	stream.indirect.gather [hbm4b:s3+s11], $0x20, s22, s11, $0xb8;
	[tilespmem:$0xCF00] =	vst v63  }
0x4e: {  	s24 =	simm.s32 $0x4D0;
	s30 =	simm.s32 $0x9080  }
0x4f: {  	[tilespmem:s30], [sflag:$0x2] =	stream.indirect.gather [hbm4b:s3+s11], $0x20, s24, s11, $0xb8;
	[tilespmem:$0xCF00] =	vst v63  }
0x50: {  	s4 =	simm.s32 $0x508;
	s5 =	simm.s32 $0x96C0  }
0x51: {  	[tilespmem:s5], [sflag:$0x2] =	stream.indirect.gather [hbm4b:s3+s11], $0x20, s4, s11, $0xb8;
	[tilespmem:$0xCF00] =	vst v63  }
0x52: {  	s19 =	smov.u32 s7;
	s6 =	simm.s32 $0x540;
	s7 =	simm.s32 $0x9D00  }
0x53: {  	[tilespmem:s7], [sflag:$0x2] =	stream.indirect.gather [hbm4b:s3+s11], $0x20, s6, s11, $0xb8;
	[tilespmem:$0xCF00] =	vst v63  }
0x54: {  	s8 =	simm.s32 $0x578;
	s9 =	simm.s32 $0xA340  }
0x55: {  	[tilespmem:s9], [sflag:$0x2] =	stream.indirect.gather [hbm4b:s3+s11], $0x20, s8, s11, $0xb8;
	[tilespmem:$0xCF00] =	vst v63  }
0x56: {  	s13 =	simm.s32 $0x5B0;
	s14 =	simm.s32 $0xA980  }
0x57: {  	[tilespmem:s14], [sflag:$0x2] =	stream.indirect.gather [hbm4b:s3+s11], $0x20, s13, s11, $0xb8;
	[tilespmem:$0xCF00] =	vst v63  }
0x58: {  	s15 =	simm.s32 $0x5E8;
	s16 =	simm.s32 $0xAFC0  }
0x59: {  	[tilespmem:s16], [sflag:$0x2] =	stream.indirect.gather [hbm4b:s3+s11], $0x20, s15, s11, $0xb8;
	[tilespmem:$0xCF00] =	vst v63  }
0x5a: {  	s20 =	simm.s32 $0x620;
	s21 =	simm.s32 $0xB600  }
0x5b: {  	[tilespmem:s21], [sflag:$0x2] =	stream.indirect.gather [hbm4b:s3+s11], $0x20, s20, s11, $0xb8;
	[tilespmem:$0xCF00] =	vst v63  }
0x5c: {  	s22 =	simm.s32 $0x658;
	s23 =	simm.s32 $0xBC40  }
0x5d: {  	[tilespmem:s23], [sflag:$0x2] =	stream.indirect.gather [hbm4b:s3+s11], $0x20, s22, s11, $0xb8;
	[tilespmem:$0xCF00] =	vst v63  }
0x5e: {  	s24 =	simm.s32 $0x690;
	s30 =	simm.s32 $0xC280  }
0x5f: {  	[tilespmem:s30], [sflag:$0x2] =	stream.indirect.gather [hbm4b:s3+s11], $0x20, s24, s11, $0xb8;
	[tilespmem:$0xCF00] =	vst v63  }
0x60: {  	s4 =	simm.s32 $0x6C8;
	s5 =	simm.s32 $0xC8C0  }
0x61: {  	[tilespmem:s5], [sflag:$0x2] =	stream.indirect.gather [hbm4b:s3+s11], $0x20, s4, s11, $0xb8;
	[tilespmem:$0xCF00] =	vst v63  }
0x62: {  	_ =	swait.ge [sflag:s25], $0x640  }
0x63: {  	[sflag:s25] =	ssyncset.done $0x0  }
0x64: {  	[sflag:s25] =	ssyncadd.s32 $0xFFFFF9C0  }
0x65: {  	_ =	swait.ge [sflag:s25], $0x640  }
0x66: {  	[sflag:s25] =	ssyncset.done $0x0  }
0x67: {  	[sflag:s25] =	ssyncadd.s32 $0xFFFFF9C0  }
0x68: {  	_ =	swait.ge [sflag:s25], $0x640  }
0x69: {  	[sflag:s25] =	ssyncset.done $0x0  }
0x6a: {  	[sflag:s25] =	ssyncadd.s32 $0xFFFFF9C0  }
0x6b: {  	_ =	swait.ge [sflag:s25], $0x640  }
0x6c: {  	[sflag:s25] =	ssyncset.done $0x0  }
0x6d: {  	[sflag:s25] =	ssyncadd.s32 $0xFFFFF9C0  }
0x6e: {  	_ =	swait.ge [sflag:s25], $0x640  }
0x6f: {  	[sflag:s25] =	ssyncset.done $0x0  }
0x70: {  	[sflag:s25] =	ssyncadd.s32 $0xFFFFF9C0  }
0x71: {  	_ =	swait.ge [sflag:s25], $0x640  }
0x72: {  	[sflag:s25] =	ssyncset.done $0x0  }
0x73: {  	[sflag:s25] =	ssyncadd.s32 $0xFFFFF9C0  }
0x74: {  	_ =	swait.ge [sflag:s25], $0x640  }
0x75: {  	[sflag:s25] =	ssyncset.done $0x0  }
0x76: {  	[sflag:s25] =	ssyncadd.s32 $0xFFFFF9C0  }
0x77: {  	_ =	swait.ge [sflag:s25], $0x640  }
0x78: {  	[sflag:s25] =	ssyncset.done $0x0  }
0x79: {  	[sflag:s25] =	ssyncadd.s32 $0xFFFFF9C0  }
0x7a: {  	_ =	swait.ge [sflag:s25], $0x640  }
0x7b: {  	[sflag:s25] =	ssyncset.done $0x0  }
0x7c: {  	[sflag:s25] =	ssyncadd.s32 $0xFFFFF9C0  }
0x7d: {  	_ =	swait.ge [sflag:s25], $0x640  }
0x7e: {  	[sflag:s25] =	ssyncset.done $0x0  }
0x7f: {  	[sflag:s25] =	ssyncadd.s32 $0xFFFFF9C0  }
0x80: {  	_ =	swait.ge [sflag:s25], $0x640  }
0x81: {  	[sflag:s25] =	ssyncset.done $0x0  }
0x82: {  	[sflag:s25] =	ssyncadd.s32 $0xFFFFF9C0  }
0x83: {  	_ =	swait.ge [sflag:s25], $0x640  }
0x84: {  	[sflag:s25] =	ssyncset.done $0x0  }
0x85: {  	[sflag:s25] =	ssyncadd.s32 $0xFFFFF9C0  }
0x86: {  	_ =	swait.ge [sflag:s25], $0x640  }
0x87: {  	[sflag:s25] =	ssyncset.done $0x0  }
0x88: {  	[sflag:s25] =	ssyncadd.s32 $0xFFFFF9C0  }
0x89: {  	_ =	swait.ge [sflag:s25], $0x640  }
0x8a: {  	[sflag:s25] =	ssyncset.done $0x0  }
0x8b: {  	[sflag:s25] =	ssyncadd.s32 $0xFFFFF9C0  }
0x8c: {  	_ =	swait.ge [sflag:s25], $0x640  }
0x8d: {  	[sflag:s25] =	ssyncset.done $0x0  }
0x8e: {  	[sflag:s25] =	ssyncadd.s32 $0xFFFFF9C0  }
0x8f: {  	_ =	swait.ge [sflag:s25], $0x640  }
0x90: {  	s28 =	rddreg [dreg:$0x3];
	[sflag:s25] =	ssyncset.done $0x0  }
0x91: {  	[sflag:s25] =	ssyncadd.s32 $0xFFFFF9C0;
	s28 =	sadd.s32 $0x0, s28  }
0x92: {  	[hbm4b:s28+s2] =	stream.linear.scatter [tilespmem:s12], [sflag:$0x3], $0x6400, $0x38;
	[tilespmem:$0xCF00] =	vst v63  }
0x93: {  	_ =	swait.ge [sflag:s10], $0x6400  }
0x94: {  	[sflag:s10] =	ssyncset.done $0x0  }
0x95: {  	s29 =	sadd.s32 $0x70, s19;
	[sflag:s10] =	ssyncadd.s32 $0xFFFF9C00  }
0x96: {  	[tilespmem:s2], [sflag:$0x3] =	stream.linear.gather [hbm4b:s29+s2], $0x380, $0x38;
	[tilespmem:$0xCF00] =	vst v63  }
0x97: {  	_ =	swait.ge [sflag:s10], $0x380  }
0x98: {  	[sflag:s10] =	ssyncset.done $0x0  }
0x99: {  	[sflag:s10] =	ssyncadd.s32 $0xFFFFFC80  }
0x9a: {  	[tilespmem:s12], [sflag:$0x1] =	stream.indirect.gather [hbm4b:s3+s11], $0x20, s2, s11, $0xb8;
	[tilespmem:$0xCF00] =	vst v63  }
0x9b: {  	s6 =	simm.s32 $0xD40  }
0x9c: {  	[tilespmem:s6], [sflag:$0x1] =	stream.indirect.gather [hbm4b:s3+s11], $0x20, s31, s11, $0xb8;
	[tilespmem:$0xCF00] =	vst v63  }
0x9d: {  	s7 =	simm.s32 $0x70;
	s8 =	simm.s32 $0x1380  }
0x9e: {  	[tilespmem:s8], [sflag:$0x1] =	stream.indirect.gather [hbm4b:s3+s11], $0x20, s7, s11, $0xb8;
	[tilespmem:$0xCF00] =	vst v63  }
0x9f: {  	s9 =	simm.s32 $0xA8;
	s13 =	simm.s32 $0x19C0  }
0xa0: {  	[tilespmem:s13], [sflag:$0x1] =	stream.indirect.gather [hbm4b:s3+s11], $0x20, s9, s11, $0xb8;
	[tilespmem:$0xCF00] =	vst v63  }
0xa1: {  	s14 =	simm.s32 $0xE0;
	s15 =	simm.s32 $0x2000  }
0xa2: {  	[tilespmem:s15], [sflag:$0x1] =	stream.indirect.gather [hbm4b:s3+s11], $0x20, s14, s11, $0xb8;
	[tilespmem:$0xCF00] =	vst v63  }
0xa3: {  	s16 =	simm.s32 $0x118;
	s22 =	simm.s32 $0x2640  }
0xa4: {  	[tilespmem:s22], [sflag:$0x1] =	stream.indirect.gather [hbm4b:s3+s11], $0x20, s16, s11, $0xb8;
	[tilespmem:$0xCF00] =	vst v63  }
0xa5: {  	s1 =	simm.s32 $0x2C80;
	s24 =	simm.s32 $0x150  }
0xa6: {  	[tilespmem:s1], [sflag:$0x1] =	stream.indirect.gather [hbm4b:s3+s11], $0x20, s24, s11, $0xb8;
	[tilespmem:$0xCF00] =	vst v63  }
0xa7: {  	s20 =	simm.s32 $0x32C0;
	s5 =	simm.s32 $0x188  }
0xa8: {  	[tilespmem:s20], [sflag:$0x1] =	stream.indirect.gather [hbm4b:s3+s11], $0x20, s5, s11, $0xb8;
	[tilespmem:$0xCF00] =	vst v63  }
0xa9: {  	s21 =	simm.s32 $0x3900;
	s16 =	simm.s32 $0x1C0  }
0xaa: {  	[tilespmem:s21], [sflag:$0x1] =	stream.indirect.gather [hbm4b:s3+s11], $0x20, s16, s11, $0xb8;
	[tilespmem:$0xCF00] =	vst v63  }
0xab: {  	s23 =	simm.s32 $0x3F40;
	s22 =	simm.s32 $0x1F8  }
0xac: {  	[tilespmem:s23], [sflag:$0x1] =	stream.indirect.gather [hbm4b:s3+s11], $0x20, s22, s11, $0xb8;
	[tilespmem:$0xCF00] =	vst v63  }
0xad: {  	s30 =	simm.s32 $0x4580;
	s31 =	simm.s32 $0x230  }
0xae: {  	[tilespmem:s30], [sflag:$0x1] =	stream.indirect.gather [hbm4b:s3+s11], $0x20, s31, s11, $0xb8;
	[tilespmem:$0xCF00] =	vst v63  }
0xaf: {  	s6 =	simm.s32 $0x4BC0;
	s7 =	simm.s32 $0x268  }
0xb0: {  	[tilespmem:s6], [sflag:$0x1] =	stream.indirect.gather [hbm4b:s3+s11], $0x20, s7, s11, $0xb8;
	[tilespmem:$0xCF00] =	vst v63  }
0xb1: {  	s8 =	simm.s32 $0x2A0;
	s9 =	simm.s32 $0x5200  }
0xb2: {  	[tilespmem:s9], [sflag:$0x1] =	stream.indirect.gather [hbm4b:s3+s11], $0x20, s8, s11, $0xb8;
	[tilespmem:$0xCF00] =	vst v63  }
0xb3: {  	s13 =	simm.s32 $0x2D8;
	s14 =	simm.s32 $0x5840  }
0xb4: {  	[tilespmem:s14], [sflag:$0x1] =	stream.indirect.gather [hbm4b:s3+s11], $0x20, s13, s11, $0xb8;
	[tilespmem:$0xCF00] =	vst v63  }
0xb5: {  	s15 =	simm.s32 $0x310;
	s22 =	simm.s32 $0x5E80  }
0xb6: {  	[tilespmem:s22], [sflag:$0x1] =	stream.indirect.gather [hbm4b:s3+s11], $0x20, s15, s11, $0xb8;
	[tilespmem:$0xCF00] =	vst v63  }
0xb7: {  	s30 =	simm.s32 $0x348;
	s31 =	simm.s32 $0x64C0  }
0xb8: {  	[tilespmem:s31], [sflag:$0x1] =	stream.indirect.gather [hbm4b:s3+s11], $0x20, s30, s11, $0xb8;
	[tilespmem:$0xCF00] =	vst v63  }
0xb9: {  	_ =	swait.ge [sflag:s26], $0x640  }
0xba: {  	[sflag:s26] =	ssyncset.done $0x0  }
0xbb: {  	[sflag:s26] =	ssyncadd.s32 $0xFFFFF9C0  }
0xbc: {  	_ =	swait.ge [sflag:s26], $0x640  }
0xbd: {  	[sflag:s26] =	ssyncset.done $0x0  }
0xbe: {  	[sflag:s26] =	ssyncadd.s32 $0xFFFFF9C0  }
0xbf: {  	_ =	swait.ge [sflag:s26], $0x640  }
0xc0: {  	[sflag:s26] =	ssyncset.done $0x0  }
0xc1: {  	[sflag:s26] =	ssyncadd.s32 $0xFFFFF9C0  }
0xc2: {  	_ =	swait.ge [sflag:s26], $0x640  }
0xc3: {  	[sflag:s26] =	ssyncset.done $0x0  }
0xc4: {  	[sflag:s26] =	ssyncadd.s32 $0xFFFFF9C0  }
0xc5: {  	_ =	swait.ge [sflag:s26], $0x640  }
0xc6: {  	[sflag:s26] =	ssyncset.done $0x0  }
0xc7: {  	[sflag:s26] =	ssyncadd.s32 $0xFFFFF9C0  }
0xc8: {  	_ =	swait.ge [sflag:s26], $0x640  }
0xc9: {  	[sflag:s26] =	ssyncset.done $0x0  }
0xca: {  	[sflag:s26] =	ssyncadd.s32 $0xFFFFF9C0  }
0xcb: {  	_ =	swait.ge [sflag:s26], $0x640  }
0xcc: {  	[sflag:s26] =	ssyncset.done $0x0  }
0xcd: {  	[sflag:s26] =	ssyncadd.s32 $0xFFFFF9C0  }
0xce: {  	_ =	swait.ge [sflag:s26], $0x640  }
0xcf: {  	[sflag:s26] =	ssyncset.done $0x0  }
0xd0: {  	[sflag:s26] =	ssyncadd.s32 $0xFFFFF9C0  }
0xd1: {  	_ =	swait.ge [sflag:s26], $0x640  }
0xd2: {  	[sflag:s26] =	ssyncset.done $0x0  }
0xd3: {  	[sflag:s26] =	ssyncadd.s32 $0xFFFFF9C0  }
0xd4: {  	_ =	swait.ge [sflag:s26], $0x640  }
0xd5: {  	[sflag:s26] =	ssyncset.done $0x0  }
0xd6: {  	[sflag:s26] =	ssyncadd.s32 $0xFFFFF9C0  }
0xd7: {  	_ =	swait.ge [sflag:s26], $0x640  }
0xd8: {  	[sflag:s26] =	ssyncset.done $0x0  }
0xd9: {  	[sflag:s26] =	ssyncadd.s32 $0xFFFFF9C0  }
0xda: {  	_ =	swait.ge [sflag:s26], $0x640  }
0xdb: {  	[sflag:s26] =	ssyncset.done $0x0  }
0xdc: {  	[sflag:s26] =	ssyncadd.s32 $0xFFFFF9C0  }
0xdd: {  	_ =	swait.ge [sflag:s26], $0x640  }
0xde: {  	[sflag:s26] =	ssyncset.done $0x0  }
0xdf: {  	[sflag:s26] =	ssyncadd.s32 $0xFFFFF9C0  }
0xe0: {  	_ =	swait.ge [sflag:s26], $0x640  }
0xe1: {  	s19 =	simm.s32 $0x1C0;
	[sflag:s26] =	ssyncset.done $0x0  }
0xe2: {  	s4 =	simm.s32 $0x3F40;
	s28 =	sadd.s32 $0xC80, s28;
	[sflag:s26] =	ssyncadd.s32 $0xFFFFF9C0  }
0xe3: {  	s24 =	simm.s32 $0x188;
	s1 =	simm.s32 $0x32C0;
	_ =	swait.ge [sflag:s26], $0x640  }
0xe4: {  	s20 =	simm.s32 $0x3900;
	s5 =	simm.s32 $0x2A0;
	[sflag:s26] =	ssyncset.done $0x0  }
0xe5: {  	s21 =	simm.s32 $0x1F8;
	s16 =	simm.s32 $0x4580;
	[sflag:s26] =	ssyncadd.s32 $0xFFFFF9C0  }
0xe6: {  	s23 =	simm.s32 $0x230;
	s6 =	simm.s32 $0x5200;
	_ =	swait.ge [sflag:s26], $0x640  }
0xe7: {  	s7 =	simm.s32 $0x2D8;
	s8 =	simm.s32 $0x5840;
	[sflag:s26] =	ssyncset.done $0x0  }
0xe8: {  	s9 =	simm.s32 $0x310;
	s13 =	simm.s32 $0x5E80;
	[sflag:s26] =	ssyncadd.s32 $0xFFFFF9C0  }
0xe9: {  	[hbm4b:s28+s2] =	stream.linear.scatter [tilespmem:s18], [sflag:$0x3], $0x6400, $0x38;
	[tilespmem:$0xCF00] =	vst v63  }
0xea: {  	s14 =	simm.s32 $0x348;
	s15 =	simm.s32 $0x64C0;
	_ =	swait.ge [sflag:s10], $0x6400  }
0xeb: {  	s28 =	simm.s32 $0x1900;
	[sflag:s10] =	ssyncset.done $0x0;
	s29 =	rddreg [dreg:$0x9]  }
.LBB2_2:
0xec: {  	[sflag:s10] =	ssyncadd.s32 $0xFFFF9C00;
	s29 =	sadd.s32 $0xE0, s29  }
0xed: {  	[tilespmem:s17], [sflag:$0x3] =	stream.linear.gather [hbm4b:s29+s2], $0x380, $0x38;
	[tilespmem:$0xCF00] =	vst v63  }
0xee: {  	_ =	swait.ge [sflag:s10], $0x380  }
0xef: {  	[sflag:s10] =	ssyncset.done $0x0  }
0xf0: {  	[sflag:s10] =	ssyncadd.s32 $0xFFFFFC80  }
0xf1: {  	[tilespmem:s18], [sflag:$0x2] =	stream.indirect.gather [hbm4b:s3+s11], $0x20, s17, s11, $0xb8;
	[tilespmem:$0xCF00] =	vst v63  }
0xf2: {  	s31 =	simm.s32 $0x3B8;
	s0 =	simm.s32 $0x7140  }
0xf3: {  	[tilespmem:s0], [sflag:$0x2] =	stream.indirect.gather [hbm4b:s3+s11], $0x20, s31, s11, $0xb8;
	[tilespmem:$0xCF00] =	vst v63  }
0xf4: {  	s22 =	simm.s32 $0x3F0;
	s31 =	simm.s32 $0x7780  }
0xf5: {  	[tilespmem:s31], [sflag:$0x2] =	stream.indirect.gather [hbm4b:s3+s11], $0x20, s22, s11, $0xb8;
	[tilespmem:$0xCF00] =	vst v63  }
0xf6: {  	s22 =	simm.s32 $0x428;
	s31 =	simm.s32 $0x7DC0  }
0xf7: {  	[tilespmem:s31], [sflag:$0x2] =	stream.indirect.gather [hbm4b:s3+s11], $0x20, s22, s11, $0xb8;
	[tilespmem:$0xCF00] =	vst v63  }
0xf8: {  	s22 =	simm.s32 $0x460;
	s31 =	simm.s32 $0x8400  }
0xf9: {  	[tilespmem:s31], [sflag:$0x2] =	stream.indirect.gather [hbm4b:s3+s11], $0x20, s22, s11, $0xb8;
	[tilespmem:$0xCF00] =	vst v63  }
0xfa: {  	s22 =	simm.s32 $0x498;
	s31 =	simm.s32 $0x8A40  }
0xfb: {  	[tilespmem:s31], [sflag:$0x2] =	stream.indirect.gather [hbm4b:s3+s11], $0x20, s22, s11, $0xb8;
	[tilespmem:$0xCF00] =	vst v63  }
0xfc: {  	s22 =	simm.s32 $0x4D0;
	s31 =	simm.s32 $0x9080  }
0xfd: {  	[tilespmem:s31], [sflag:$0x2] =	stream.indirect.gather [hbm4b:s3+s11], $0x20, s22, s11, $0xb8;
	[tilespmem:$0xCF00] =	vst v63  }
0xfe: {  	s22 =	simm.s32 $0x508;
	s31 =	simm.s32 $0x96C0  }
0xff: {  	[tilespmem:s31], [sflag:$0x2] =	stream.indirect.gather [hbm4b:s3+s11], $0x20, s22, s11, $0xb8;
	[tilespmem:$0xCF00] =	vst v63  }
0x100: {  	s22 =	simm.s32 $0x540;
	s31 =	simm.s32 $0x9D00  }
0x101: {  	[tilespmem:s31], [sflag:$0x2] =	stream.indirect.gather [hbm4b:s3+s11], $0x20, s22, s11, $0xb8;
	[tilespmem:$0xCF00] =	vst v63  }
0x102: {  	s22 =	simm.s32 $0x578;
	s31 =	simm.s32 $0xA340  }
0x103: {  	[tilespmem:s31], [sflag:$0x2] =	stream.indirect.gather [hbm4b:s3+s11], $0x20, s22, s11, $0xb8;
	[tilespmem:$0xCF00] =	vst v63  }
0x104: {  	s22 =	simm.s32 $0x5B0;
	s31 =	simm.s32 $0xA980  }
0x105: {  	[tilespmem:s31], [sflag:$0x2] =	stream.indirect.gather [hbm4b:s3+s11], $0x20, s22, s11, $0xb8;
	[tilespmem:$0xCF00] =	vst v63  }
0x106: {  	s22 =	simm.s32 $0x5E8;
	s31 =	simm.s32 $0xAFC0  }
0x107: {  	[tilespmem:s31], [sflag:$0x2] =	stream.indirect.gather [hbm4b:s3+s11], $0x20, s22, s11, $0xb8;
	[tilespmem:$0xCF00] =	vst v63  }
0x108: {  	s22 =	simm.s32 $0x620;
	s31 =	simm.s32 $0xB600  }
0x109: {  	[tilespmem:s31], [sflag:$0x2] =	stream.indirect.gather [hbm4b:s3+s11], $0x20, s22, s11, $0xb8;
	[tilespmem:$0xCF00] =	vst v63  }
0x10a: {  	s22 =	simm.s32 $0x658;
	s31 =	simm.s32 $0xBC40  }
0x10b: {  	[tilespmem:s31], [sflag:$0x2] =	stream.indirect.gather [hbm4b:s3+s11], $0x20, s22, s11, $0xb8;
	[tilespmem:$0xCF00] =	vst v63  }
0x10c: {  	s22 =	simm.s32 $0x690;
	s31 =	simm.s32 $0xC280  }
0x10d: {  	[tilespmem:s31], [sflag:$0x2] =	stream.indirect.gather [hbm4b:s3+s11], $0x20, s22, s11, $0xb8;
	[tilespmem:$0xCF00] =	vst v63  }
0x10e: {  	s22 =	simm.s32 $0x6C8;
	s31 =	simm.s32 $0xC8C0  }
0x10f: {  	[tilespmem:s31], [sflag:$0x2] =	stream.indirect.gather [hbm4b:s3+s11], $0x20, s22, s11, $0xb8;
	[tilespmem:$0xCF00] =	vst v63  }
0x110: {  	_ =	swait.ge [sflag:s25], $0x640  }
0x111: {  	[sflag:s25] =	ssyncset.done $0x0  }
0x112: {  	[sflag:s25] =	ssyncadd.s32 $0xFFFFF9C0  }
0x113: {  	_ =	swait.ge [sflag:s25], $0x640  }
0x114: {  	[sflag:s25] =	ssyncset.done $0x0  }
0x115: {  	[sflag:s25] =	ssyncadd.s32 $0xFFFFF9C0  }
0x116: {  	_ =	swait.ge [sflag:s25], $0x640  }
0x117: {  	[sflag:s25] =	ssyncset.done $0x0  }
0x118: {  	[sflag:s25] =	ssyncadd.s32 $0xFFFFF9C0  }
0x119: {  	_ =	swait.ge [sflag:s25], $0x640  }
0x11a: {  	[sflag:s25] =	ssyncset.done $0x0  }
0x11b: {  	[sflag:s25] =	ssyncadd.s32 $0xFFFFF9C0  }
0x11c: {  	_ =	swait.ge [sflag:s25], $0x640  }
0x11d: {  	[sflag:s25] =	ssyncset.done $0x0  }
0x11e: {  	[sflag:s25] =	ssyncadd.s32 $0xFFFFF9C0  }
0x11f: {  	_ =	swait.ge [sflag:s25], $0x640  }
0x120: {  	[sflag:s25] =	ssyncset.done $0x0  }
0x121: {  	[sflag:s25] =	ssyncadd.s32 $0xFFFFF9C0  }
0x122: {  	_ =	swait.ge [sflag:s25], $0x640  }
0x123: {  	[sflag:s25] =	ssyncset.done $0x0  }
0x124: {  	[sflag:s25] =	ssyncadd.s32 $0xFFFFF9C0  }
0x125: {  	_ =	swait.ge [sflag:s25], $0x640  }
0x126: {  	[sflag:s25] =	ssyncset.done $0x0  }
0x127: {  	[sflag:s25] =	ssyncadd.s32 $0xFFFFF9C0  }
0x128: {  	_ =	swait.ge [sflag:s25], $0x640  }
0x129: {  	[sflag:s25] =	ssyncset.done $0x0  }
0x12a: {  	[sflag:s25] =	ssyncadd.s32 $0xFFFFF9C0  }
0x12b: {  	_ =	swait.ge [sflag:s25], $0x640  }
0x12c: {  	[sflag:s25] =	ssyncset.done $0x0  }
0x12d: {  	[sflag:s25] =	ssyncadd.s32 $0xFFFFF9C0  }
0x12e: {  	_ =	swait.ge [sflag:s25], $0x640  }
0x12f: {  	[sflag:s25] =	ssyncset.done $0x0  }
0x130: {  	[sflag:s25] =	ssyncadd.s32 $0xFFFFF9C0  }
0x131: {  	_ =	swait.ge [sflag:s25], $0x640  }
0x132: {  	[sflag:s25] =	ssyncset.done $0x0  }
0x133: {  	[sflag:s25] =	ssyncadd.s32 $0xFFFFF9C0  }
0x134: {  	_ =	swait.ge [sflag:s25], $0x640  }
0x135: {  	[sflag:s25] =	ssyncset.done $0x0  }
0x136: {  	[sflag:s25] =	ssyncadd.s32 $0xFFFFF9C0  }
0x137: {  	_ =	swait.ge [sflag:s25], $0x640  }
0x138: {  	[sflag:s25] =	ssyncset.done $0x0  }
0x139: {  	[sflag:s25] =	ssyncadd.s32 $0xFFFFF9C0  }
0x13a: {  	_ =	swait.ge [sflag:s25], $0x640  }
0x13b: {  	[sflag:s25] =	ssyncset.done $0x0  }
0x13c: {  	[sflag:s25] =	ssyncadd.s32 $0xFFFFF9C0  }
0x13d: {  	_ =	swait.ge [sflag:s25], $0x640  }
0x13e: {  	s30 =	smov.u32 s28;
	s31 =	rddreg [dreg:$0x3];
	[sflag:s25] =	ssyncset.done $0x0  }
0x13f: {  	[sflag:s25] =	ssyncadd.s32 $0xFFFFF9C0;
	s30 =	sadd.s32 s30, s31  }
0x140: {  	[hbm4b:s30+s2] =	stream.linear.scatter [tilespmem:s12], [sflag:$0x3], $0x6400, $0x38;
	[tilespmem:$0xCF00] =	vst v63  }
0x141: {  	_ =	swait.ge [sflag:s10], $0x6400  }
0x142: {  	[sflag:s10] =	ssyncset.done $0x0  }
0x143: {  	s31 =	sadd.s32 $0x70, s29;
	[sflag:s10] =	ssyncadd.s32 $0xFFFF9C00  }
0x144: {  	[tilespmem:s2], [sflag:$0x3] =	stream.linear.gather [hbm4b:s31+s2], $0x380, $0x38;
	[tilespmem:$0xCF00] =	vst v63  }
0x145: {  	_ =	swait.ge [sflag:s10], $0x380  }
0x146: {  	[sflag:s10] =	ssyncset.done $0x0  }
0x147: {  	[sflag:s10] =	ssyncadd.s32 $0xFFFFFC80  }
0x148: {  	[tilespmem:s12], [sflag:$0x1] =	stream.indirect.gather [hbm4b:s3+s11], $0x20, s2, s11, $0xb8;
	[tilespmem:$0xCF00] =	vst v63  }
0x149: {  	s22 =	simm.s32 $0xD40;
	s31 =	simm.s32 $0x38  }
0x14a: {  	[tilespmem:s22], [sflag:$0x1] =	stream.indirect.gather [hbm4b:s3+s11], $0x20, s31, s11, $0xb8;
	[tilespmem:$0xCF00] =	vst v63  }
0x14b: {  	s0 =	simm.s32 $0x70;
	s22 =	simm.s32 $0x1380  }
0x14c: {  	[tilespmem:s22], [sflag:$0x1] =	stream.indirect.gather [hbm4b:s3+s11], $0x20, s0, s11, $0xb8;
	[tilespmem:$0xCF00] =	vst v63  }
0x14d: {  	s0 =	simm.s32 $0xA8;
	s22 =	simm.s32 $0x19C0  }
0x14e: {  	[tilespmem:s22], [sflag:$0x1] =	stream.indirect.gather [hbm4b:s3+s11], $0x20, s0, s11, $0xb8;
	[tilespmem:$0xCF00] =	vst v63  }
0x14f: {  	s0 =	simm.s32 $0xE0;
	s22 =	simm.s32 $0x2000  }
0x150: {  	[tilespmem:s22], [sflag:$0x1] =	stream.indirect.gather [hbm4b:s3+s11], $0x20, s0, s11, $0xb8;
	[tilespmem:$0xCF00] =	vst v63  }
0x151: {  	s0 =	simm.s32 $0x118;
	s22 =	simm.s32 $0x2640  }
0x152: {  	[tilespmem:s22], [sflag:$0x1] =	stream.indirect.gather [hbm4b:s3+s11], $0x20, s0, s11, $0xb8;
	[tilespmem:$0xCF00] =	vst v63  }
0x153: {  	s0 =	simm.s32 $0x150;
	s22 =	simm.s32 $0x2C80  }
0x154: {  	[tilespmem:s22], [sflag:$0x1] =	stream.indirect.gather [hbm4b:s3+s11], $0x20, s0, s11, $0xb8;
	[tilespmem:$0xCF00] =	vst v63  }
0x155: {  	_ = 	snop  }
0x156: {  	[tilespmem:s1], [sflag:$0x1] =	stream.indirect.gather [hbm4b:s3+s11], $0x20, s24, s11, $0xb8;
	[tilespmem:$0xCF00] =	vst v63  }
0x157: {  	_ = 	snop  }
0x158: {  	[tilespmem:s20], [sflag:$0x1] =	stream.indirect.gather [hbm4b:s3+s11], $0x20, s19, s11, $0xb8;
	[tilespmem:$0xCF00] =	vst v63  }
0x159: {  	_ = 	snop  }
0x15a: {  	[tilespmem:s4], [sflag:$0x1] =	stream.indirect.gather [hbm4b:s3+s11], $0x20, s21, s11, $0xb8;
	[tilespmem:$0xCF00] =	vst v63  }
0x15b: {  	_ = 	snop  }
0x15c: {  	[tilespmem:s16], [sflag:$0x1] =	stream.indirect.gather [hbm4b:s3+s11], $0x20, s23, s11, $0xb8;
	[tilespmem:$0xCF00] =	vst v63  }
0x15d: {  	s0 =	simm.s32 $0x4BC0;
	s22 =	simm.s32 $0x268  }
0x15e: {  	[tilespmem:s0], [sflag:$0x1] =	stream.indirect.gather [hbm4b:s3+s11], $0x20, s22, s11, $0xb8;
	[tilespmem:$0xCF00] =	vst v63  }
0x15f: {  	_ = 	snop  }
0x160: {  	[tilespmem:s6], [sflag:$0x1] =	stream.indirect.gather [hbm4b:s3+s11], $0x20, s5, s11, $0xb8;
	[tilespmem:$0xCF00] =	vst v63  }
0x161: {  	_ = 	snop  }
0x162: {  	[tilespmem:s8], [sflag:$0x1] =	stream.indirect.gather [hbm4b:s3+s11], $0x20, s7, s11, $0xb8;
	[tilespmem:$0xCF00] =	vst v63  }
0x163: {  	_ = 	snop  }
0x164: {  	[tilespmem:s13], [sflag:$0x1] =	stream.indirect.gather [hbm4b:s3+s11], $0x20, s9, s11, $0xb8;
	[tilespmem:$0xCF00] =	vst v63  }
0x165: {  	_ = 	snop  }
0x166: {  	[tilespmem:s15], [sflag:$0x1] =	stream.indirect.gather [hbm4b:s3+s11], $0x20, s14, s11, $0xb8;
	[tilespmem:$0xCF00] =	vst v63  }
0x167: {  	_ =	swait.ge [sflag:s26], $0x640  }
0x168: {  	[sflag:s26] =	ssyncset.done $0x0  }
0x169: {  	[sflag:s26] =	ssyncadd.s32 $0xFFFFF9C0  }
0x16a: {  	_ =	swait.ge [sflag:s26], $0x640  }
0x16b: {  	[sflag:s26] =	ssyncset.done $0x0  }
0x16c: {  	[sflag:s26] =	ssyncadd.s32 $0xFFFFF9C0  }
0x16d: {  	_ =	swait.ge [sflag:s26], $0x640  }
0x16e: {  	[sflag:s26] =	ssyncset.done $0x0  }
0x16f: {  	[sflag:s26] =	ssyncadd.s32 $0xFFFFF9C0  }
0x170: {  	_ =	swait.ge [sflag:s26], $0x640  }
0x171: {  	[sflag:s26] =	ssyncset.done $0x0  }
0x172: {  	[sflag:s26] =	ssyncadd.s32 $0xFFFFF9C0  }
0x173: {  	_ =	swait.ge [sflag:s26], $0x640  }
0x174: {  	[sflag:s26] =	ssyncset.done $0x0  }
0x175: {  	[sflag:s26] =	ssyncadd.s32 $0xFFFFF9C0  }
0x176: {  	_ =	swait.ge [sflag:s26], $0x640  }
0x177: {  	[sflag:s26] =	ssyncset.done $0x0  }
0x178: {  	[sflag:s26] =	ssyncadd.s32 $0xFFFFF9C0  }
0x179: {  	_ =	swait.ge [sflag:s26], $0x640  }
0x17a: {  	[sflag:s26] =	ssyncset.done $0x0  }
0x17b: {  	[sflag:s26] =	ssyncadd.s32 $0xFFFFF9C0  }
0x17c: {  	_ =	swait.ge [sflag:s26], $0x640  }
0x17d: {  	[sflag:s26] =	ssyncset.done $0x0  }
0x17e: {  	[sflag:s26] =	ssyncadd.s32 $0xFFFFF9C0  }
0x17f: {  	_ =	swait.ge [sflag:s26], $0x640  }
0x180: {  	[sflag:s26] =	ssyncset.done $0x0  }
0x181: {  	[sflag:s26] =	ssyncadd.s32 $0xFFFFF9C0  }
0x182: {  	_ =	swait.ge [sflag:s26], $0x640  }
0x183: {  	[sflag:s26] =	ssyncset.done $0x0  }
0x184: {  	[sflag:s26] =	ssyncadd.s32 $0xFFFFF9C0  }
0x185: {  	_ =	swait.ge [sflag:s26], $0x640  }
0x186: {  	[sflag:s26] =	ssyncset.done $0x0  }
0x187: {  	[sflag:s26] =	ssyncadd.s32 $0xFFFFF9C0  }
0x188: {  	_ =	swait.ge [sflag:s26], $0x640  }
0x189: {  	[sflag:s26] =	ssyncset.done $0x0  }
0x18a: {  	[sflag:s26] =	ssyncadd.s32 $0xFFFFF9C0  }
0x18b: {  	_ =	swait.ge [sflag:s26], $0x640  }
0x18c: {  	[sflag:s26] =	ssyncset.done $0x0  }
0x18d: {  	[sflag:s26] =	ssyncadd.s32 $0xFFFFF9C0  }
0x18e: {  	_ =	swait.ge [sflag:s26], $0x640  }
0x18f: {  	[sflag:s26] =	ssyncset.done $0x0  }
0x190: {  	[sflag:s26] =	ssyncadd.s32 $0xFFFFF9C0  }
0x191: {  	_ =	swait.ge [sflag:s26], $0x640  }
0x192: {  	[sflag:s26] =	ssyncset.done $0x0  }
0x193: {  	[sflag:s26] =	ssyncadd.s32 $0xFFFFF9C0  }
0x194: {  	p0 =	sne.s32 s28, $0x15E00;
	_ =	swait.ge [sflag:s26], $0x640  }
.Ltmp0:
0x195: {  	[sflag:s26] =	ssyncset.done $0x0;
	(pc) =	sbr.rel @p0 .LBB2_2-.Ltmp0, $4  }
0x196: {  	s30 =	sadd.s32 $0xC80, s30;
	[sflag:s26] =	ssyncadd.s32 $0xFFFFF9C0  }
0x197: {  	[hbm4b:s30+s2] =	stream.linear.scatter [tilespmem:s18], [sflag:$0x3], $0x6400, $0x38;
	[tilespmem:$0xCF00] =	vst v63  }
0x198: {  	_ =	swait.ge [sflag:s10], $0x6400  }
0x199: {  	s28 =	sadd.s32 $0x1900, s28;
	[sflag:s10] =	ssyncset.done $0x0  }
0x19a: {  	[sflag:s10] =	ssyncadd.s32 $0xFFFF9C00;
	s28 =	rddreg [dreg:$0x5]  }
0x19b: {  	[tilespmem:s17], [sflag:$0x3] =	stream.linear.gather [hbm4b:s28+s2], $0x380, $0x38;
	[tilespmem:$0xCF00] =	vst v63  }
0x19c: {  	_ =	swait.ge [sflag:s10], $0x380  }
0x19d: {  	[sflag:s10] =	ssyncset.done $0x0  }
0x19e: {  	[sflag:s10] =	ssyncadd.s32 $0xFFFFFC80  }
0x19f: {  	[tilespmem:s18], [sflag:$0x2] =	stream.indirect.gather [hbm4b:s3+s11], $0x20, s17, s11, $0xb8;
	[tilespmem:$0xCF00] =	vst v63  }
0x1a0: {  	s0 =	simm.s32 $0x3B8;
	s1 =	simm.s32 $0x7140  }
0x1a1: {  	[tilespmem:s1], [sflag:$0x2] =	stream.indirect.gather [hbm4b:s3+s11], $0x20, s0, s11, $0xb8;
	[tilespmem:$0xCF00] =	vst v63  }
0x1a2: {  	s5 =	simm.s32 $0x3F0;
	s6 =	simm.s32 $0x7780  }
0x1a3: {  	[tilespmem:s6], [sflag:$0x2] =	stream.indirect.gather [hbm4b:s3+s11], $0x20, s5, s11, $0xb8;
	[tilespmem:$0xCF00] =	vst v63  }
0x1a4: {  	s7 =	simm.s32 $0x428;
	s8 =	simm.s32 $0x7DC0  }
0x1a5: {  	[tilespmem:s8], [sflag:$0x2] =	stream.indirect.gather [hbm4b:s3+s11], $0x20, s7, s11, $0xb8;
	[tilespmem:$0xCF00] =	vst v63  }
0x1a6: {  	s9 =	simm.s32 $0x460;
	s13 =	simm.s32 $0x8400  }
0x1a7: {  	[tilespmem:s13], [sflag:$0x2] =	stream.indirect.gather [hbm4b:s3+s11], $0x20, s9, s11, $0xb8;
	[tilespmem:$0xCF00] =	vst v63  }
0x1a8: {  	s14 =	simm.s32 $0x498;
	s15 =	simm.s32 $0x8A40  }
0x1a9: {  	[tilespmem:s15], [sflag:$0x2] =	stream.indirect.gather [hbm4b:s3+s11], $0x20, s14, s11, $0xb8;
	[tilespmem:$0xCF00] =	vst v63  }
0x1aa: {  	s16 =	simm.s32 $0x4D0;
	s19 =	simm.s32 $0x9080  }
0x1ab: {  	[tilespmem:s19], [sflag:$0x2] =	stream.indirect.gather [hbm4b:s3+s11], $0x20, s16, s11, $0xb8;
	[tilespmem:$0xCF00] =	vst v63  }
0x1ac: {  	s20 =	simm.s32 $0x508;
	s21 =	simm.s32 $0x96C0  }
0x1ad: {  	[tilespmem:s21], [sflag:$0x2] =	stream.indirect.gather [hbm4b:s3+s11], $0x20, s20, s11, $0xb8;
	[tilespmem:$0xCF00] =	vst v63  }
0x1ae: {  	s22 =	simm.s32 $0x540;
	s23 =	simm.s32 $0x9D00  }
0x1af: {  	[tilespmem:s23], [sflag:$0x2] =	stream.indirect.gather [hbm4b:s3+s11], $0x20, s22, s11, $0xb8;
	[tilespmem:$0xCF00] =	vst v63  }
0x1b0: {  	s24 =	simm.s32 $0x578;
	s28 =	simm.s32 $0xA340  }
0x1b1: {  	[tilespmem:s28], [sflag:$0x2] =	stream.indirect.gather [hbm4b:s3+s11], $0x20, s24, s11, $0xb8;
	[tilespmem:$0xCF00] =	vst v63  }
0x1b2: {  	s4 =	simm.s32 $0x5B0;
	s5 =	simm.s32 $0xA980  }
0x1b3: {  	[tilespmem:s5], [sflag:$0x2] =	stream.indirect.gather [hbm4b:s3+s11], $0x20, s4, s11, $0xb8;
	[tilespmem:$0xCF00] =	vst v63  }
0x1b4: {  	s6 =	simm.s32 $0x5E8;
	s7 =	simm.s32 $0xAFC0  }
0x1b5: {  	[tilespmem:s7], [sflag:$0x2] =	stream.indirect.gather [hbm4b:s3+s11], $0x20, s6, s11, $0xb8;
	[tilespmem:$0xCF00] =	vst v63  }
0x1b6: {  	s8 =	simm.s32 $0x620;
	s9 =	simm.s32 $0xB600  }
0x1b7: {  	[tilespmem:s9], [sflag:$0x2] =	stream.indirect.gather [hbm4b:s3+s11], $0x20, s8, s11, $0xb8;
	[tilespmem:$0xCF00] =	vst v63  }
0x1b8: {  	s13 =	simm.s32 $0x658;
	s14 =	simm.s32 $0xBC40  }
0x1b9: {  	[tilespmem:s14], [sflag:$0x2] =	stream.indirect.gather [hbm4b:s3+s11], $0x20, s13, s11, $0xb8;
	[tilespmem:$0xCF00] =	vst v63  }
0x1ba: {  	s15 =	simm.s32 $0x690;
	s16 =	simm.s32 $0xC280  }
0x1bb: {  	[tilespmem:s16], [sflag:$0x2] =	stream.indirect.gather [hbm4b:s3+s11], $0x20, s15, s11, $0xb8;
	[tilespmem:$0xCF00] =	vst v63  }
0x1bc: {  	s19 =	simm.s32 $0x6C8;
	s20 =	simm.s32 $0xC8C0  }
0x1bd: {  	[tilespmem:s20], [sflag:$0x2] =	stream.indirect.gather [hbm4b:s3+s11], $0x20, s19, s11, $0xb8;
	[tilespmem:$0xCF00] =	vst v63  }
0x1be: {  	_ =	swait.ge [sflag:s25], $0x640  }
0x1bf: {  	[sflag:s25] =	ssyncset.done $0x0  }
0x1c0: {  	[sflag:s25] =	ssyncadd.s32 $0xFFFFF9C0  }
0x1c1: {  	_ =	swait.ge [sflag:s25], $0x640  }
0x1c2: {  	[sflag:s25] =	ssyncset.done $0x0  }
0x1c3: {  	[sflag:s25] =	ssyncadd.s32 $0xFFFFF9C0  }
0x1c4: {  	_ =	swait.ge [sflag:s25], $0x640  }
0x1c5: {  	[sflag:s25] =	ssyncset.done $0x0  }
0x1c6: {  	[sflag:s25] =	ssyncadd.s32 $0xFFFFF9C0  }
0x1c7: {  	_ =	swait.ge [sflag:s25], $0x640  }
0x1c8: {  	[sflag:s25] =	ssyncset.done $0x0  }
0x1c9: {  	[sflag:s25] =	ssyncadd.s32 $0xFFFFF9C0  }
0x1ca: {  	_ =	swait.ge [sflag:s25], $0x640  }
0x1cb: {  	[sflag:s25] =	ssyncset.done $0x0  }
0x1cc: {  	[sflag:s25] =	ssyncadd.s32 $0xFFFFF9C0  }
0x1cd: {  	_ =	swait.ge [sflag:s25], $0x640  }
0x1ce: {  	[sflag:s25] =	ssyncset.done $0x0  }
0x1cf: {  	[sflag:s25] =	ssyncadd.s32 $0xFFFFF9C0  }
0x1d0: {  	_ =	swait.ge [sflag:s25], $0x640  }
0x1d1: {  	[sflag:s25] =	ssyncset.done $0x0  }
0x1d2: {  	[sflag:s25] =	ssyncadd.s32 $0xFFFFF9C0  }
0x1d3: {  	_ =	swait.ge [sflag:s25], $0x640  }
0x1d4: {  	[sflag:s25] =	ssyncset.done $0x0  }
0x1d5: {  	[sflag:s25] =	ssyncadd.s32 $0xFFFFF9C0  }
0x1d6: {  	_ =	swait.ge [sflag:s25], $0x640  }
0x1d7: {  	[sflag:s25] =	ssyncset.done $0x0  }
0x1d8: {  	[sflag:s25] =	ssyncadd.s32 $0xFFFFF9C0  }
0x1d9: {  	_ =	swait.ge [sflag:s25], $0x640  }
0x1da: {  	[sflag:s25] =	ssyncset.done $0x0  }
0x1db: {  	[sflag:s25] =	ssyncadd.s32 $0xFFFFF9C0  }
0x1dc: {  	_ =	swait.ge [sflag:s25], $0x640  }
0x1dd: {  	[sflag:s25] =	ssyncset.done $0x0  }
0x1de: {  	[sflag:s25] =	ssyncadd.s32 $0xFFFFF9C0  }
0x1df: {  	_ =	swait.ge [sflag:s25], $0x640  }
0x1e0: {  	[sflag:s25] =	ssyncset.done $0x0  }
0x1e1: {  	[sflag:s25] =	ssyncadd.s32 $0xFFFFF9C0  }
0x1e2: {  	_ =	swait.ge [sflag:s25], $0x640  }
0x1e3: {  	[sflag:s25] =	ssyncset.done $0x0  }
0x1e4: {  	[sflag:s25] =	ssyncadd.s32 $0xFFFFF9C0  }
0x1e5: {  	_ =	swait.ge [sflag:s25], $0x640  }
0x1e6: {  	[sflag:s25] =	ssyncset.done $0x0  }
0x1e7: {  	[sflag:s25] =	ssyncadd.s32 $0xFFFFF9C0  }
0x1e8: {  	_ =	swait.ge [sflag:s25], $0x640  }
0x1e9: {  	[sflag:s25] =	ssyncset.done $0x0  }
0x1ea: {  	[sflag:s25] =	ssyncadd.s32 $0xFFFFF9C0  }
0x1eb: {  	_ =	swait.ge [sflag:s25], $0x640  }
0x1ec: {  	[sflag:s25] =	ssyncset.done $0x0  }
0x1ed: {  	s21 =	rddreg [dreg:$0x6];
	[sflag:s25] =	ssyncadd.s32 $0xFFFFF9C0  }
0x1ee: {  	[hbm4b:s21+s2] =	stream.linear.scatter [tilespmem:s12], [sflag:$0x3], $0x6400, $0x38;
	[tilespmem:$0xCF00] =	vst v63  }
0x1ef: {  	_ =	swait.ge [sflag:s10], $0x6400  }
0x1f0: {  	[sflag:s10] =	ssyncset.done $0x0  }
0x1f1: {  	[sflag:s10] =	ssyncadd.s32 $0xFFFF9C00  }
0x1f2: {  	_ =	swait.ge [sflag:s26], $0x640  }
0x1f3: {  	[sflag:s26] =	ssyncset.done $0x0  }
0x1f4: {  	[sflag:s26] =	ssyncadd.s32 $0xFFFFF9C0  }
0x1f5: {  	_ =	swait.ge [sflag:s26], $0x640  }
0x1f6: {  	[sflag:s26] =	ssyncset.done $0x0  }
0x1f7: {  	[sflag:s26] =	ssyncadd.s32 $0xFFFFF9C0  }
0x1f8: {  	_ =	swait.ge [sflag:s26], $0x640  }
0x1f9: {  	[sflag:s26] =	ssyncset.done $0x0  }
0x1fa: {  	[sflag:s26] =	ssyncadd.s32 $0xFFFFF9C0  }
0x1fb: {  	_ =	swait.ge [sflag:s26], $0x640  }
0x1fc: {  	[sflag:s26] =	ssyncset.done $0x0  }
0x1fd: {  	[sflag:s26] =	ssyncadd.s32 $0xFFFFF9C0  }
0x1fe: {  	_ =	swait.ge [sflag:s26], $0x640  }
0x1ff: {  	[sflag:s26] =	ssyncset.done $0x0  }
0x200: {  	[sflag:s26] =	ssyncadd.s32 $0xFFFFF9C0  }
0x201: {  	_ =	swait.ge [sflag:s26], $0x640  }
0x202: {  	[sflag:s26] =	ssyncset.done $0x0  }
0x203: {  	[sflag:s26] =	ssyncadd.s32 $0xFFFFF9C0  }
0x204: {  	_ =	swait.ge [sflag:s26], $0x640  }
0x205: {  	[sflag:s26] =	ssyncset.done $0x0  }
0x206: {  	[sflag:s26] =	ssyncadd.s32 $0xFFFFF9C0  }
0x207: {  	_ =	swait.ge [sflag:s26], $0x640  }
0x208: {  	[sflag:s26] =	ssyncset.done $0x0  }
0x209: {  	[sflag:s26] =	ssyncadd.s32 $0xFFFFF9C0  }
0x20a: {  	_ =	swait.ge [sflag:s26], $0x640  }
0x20b: {  	[sflag:s26] =	ssyncset.done $0x0  }
0x20c: {  	[sflag:s26] =	ssyncadd.s32 $0xFFFFF9C0  }
0x20d: {  	_ =	swait.ge [sflag:s26], $0x640  }
0x20e: {  	[sflag:s26] =	ssyncset.done $0x0  }
0x20f: {  	[sflag:s26] =	ssyncadd.s32 $0xFFFFF9C0  }
0x210: {  	_ =	swait.ge [sflag:s26], $0x640  }
0x211: {  	[sflag:s26] =	ssyncset.done $0x0  }
0x212: {  	[sflag:s26] =	ssyncadd.s32 $0xFFFFF9C0  }
0x213: {  	_ =	swait.ge [sflag:s26], $0x640  }
0x214: {  	[sflag:s26] =	ssyncset.done $0x0  }
0x215: {  	[sflag:s26] =	ssyncadd.s32 $0xFFFFF9C0  }
0x216: {  	_ =	swait.ge [sflag:s26], $0x640  }
0x217: {  	[sflag:s26] =	ssyncset.done $0x0  }
0x218: {  	[sflag:s26] =	ssyncadd.s32 $0xFFFFF9C0  }
0x219: {  	_ =	swait.ge [sflag:s26], $0x640  }
0x21a: {  	[sflag:s26] =	ssyncset.done $0x0  }
0x21b: {  	[sflag:s26] =	ssyncadd.s32 $0xFFFFF9C0  }
0x21c: {  	_ =	swait.ge [sflag:s26], $0x640  }
0x21d: {  	[sflag:s26] =	ssyncset.done $0x0  }
0x21e: {  	[sflag:s26] =	ssyncadd.s32 $0xFFFFF9C0  }
0x21f: {  	_ =	swait.ge [sflag:s26], $0x640  }
0x220: {  	s29 =	simm.s32 $0x4580;
	[sflag:s26] =	ssyncset.done $0x0  }
0x221: {  	s30 =	simm.s32 $0x268;
	s22 =	rddreg [dreg:$0x7];
	[sflag:s26] =	ssyncadd.s32 $0xFFFFF9C0  }
0x222: {  	[hbm4b:s22+s2] =	stream.linear.scatter [tilespmem:s18], [sflag:$0x3], $0x6400, $0x38;
	[tilespmem:$0xCF00] =	vst v63  }
0x223: {  	s1 =	simm.s32 $0xD40;
	s4 =	simm.s32 $0x1380;
	_ =	swait.ge [sflag:s10], $0x6400  }
0x224: {  	s5 =	simm.s32 $0xA8;
	s6 =	simm.s32 $0x19C0;
	s23 =	rddreg [dreg:$0xa]  }
0x225: {  	s7 =	simm.s32 $0xE0;
	s24 =	rddreg [dreg:$0x8];
	s0 =	sadd.s32 $0x1, s23  }
0x226: {  	s8 =	simm.s32 $0x2000;
	s9 =	simm.s32 $0x118;
	p0 =	sne.s32 s0, s24  }
.Ltmp1:
0x227: {  	s13 =	simm.s32 $0x2640;
	s14 =	simm.s32 $0x150;
	(pc) =	sbr.rel @p0 .LBB2_1-.Ltmp1, $4  }
0x228: {  	s15 =	simm.s32 $0x2C80;
	s16 =	simm.s32 $0x188;
	s19 =	simm.s32 $0x32C0  }
0x229: {  	s20 =	simm.s32 $0x1C0;
	s21 =	simm.s32 $0x3900;
	[sflag:s10] =	ssyncset.done $0x0  }
0x22a: {  	s22 =	simm.s32 $0x1F8;
	[sflag:s10] =	ssyncadd.s32 $0xFFFF9C00;
	s23 =	simm.s32 $0x3F40  }
0x22b: {  	[dreg:$0xa] =	wrdreg s0;
	s0 =	simm.s32 $0x70;
	s24 =	simm.s32 $0x230  }
0x22c: {  	_ =	sfence.sel $0x180000  }
0x22d: {  	[bflag:$0x0] =	sbarrier.arrive $0xFFFF  }
0x22e: {  	_ =	strace $0x90000047  }
0x22f: {  	s0 =	stileid.u32;
	[bflag:$0x2] =	sbarrier.arrive $0xFFFF  }
0x230: {  	p0 =	sne.s32 s0, $0x0;
	s0 =	rddreg [dreg:$0x2]  }
0x231: {  	s0 =	sadd.s32 @!p0 $0x100000, s0  }
0x232: {  	[sflag:s0] =	ssyncadd.tile.s32 @!p0 $0x1;
	_ =	shalt  }
.Lfunc_end2:
_tile_overlayer_lowered:
.L_overlay_start_2:
0x233: {  	(tag) =	ssettag $0x2  }
0x234: {  	s0 =	rddreg [dreg:$0x0];
	s2 =	stileid.u32  }
0x235: {  	s1 =	rddreg [dreg:$0x1];
	p0 =	sne.s32 s2, $0x0  }
0x236: {  	s3 =	rddreg [dreg:$0x2];
	[bflag:$0x3] =	sbarrier.arrive $0xFFFF;
	s2 =	simm.s32 @!p0 $0x1C03  }
0x237: {  	[timem:s3], [sflag:s2] =	dma.local @!p0 [hbm:s0], s1  }
0x238: {  	s0 =	simm.s32 @!p0 $0x3  }
0x239: {  	_ =	swait.ge @!p0 [sflag:s0], s1  }
0x23a: {  	s1 =	ssub.s32 @!p0 $0x0, s1;
	[sflag:s0] =	ssyncset.done @!p0 $0x0  }
0x23b: {  	[sflag:s0] =	ssyncadd.s32 @!p0 s1  }
0x23c: {  	[bflag:$0x3] =	sbarrier.arrive $0xFFFF  }
0x23d: {  	_ =	shalt  }

// kernel: sparse-core-data-format-call.cloned.1.call-start
scs
called_computation_lowered:
.L_overlay_start_0:
0x0: {  	s2 =	sld [smem:$0x3FD9]  }
0x1: {  	s3 =	sld [smem:$0x3FFE];
	_ =	sdelay $0x1  }
0x2: {  	s1 =	srdreg.scid  }
0x3: {  	s0 =	sand.u32 $0x1, s1  }
0x4: {  	s18 =	sshll.u32 s0, $0xA;
	s2 =	sadd.s32 s3, s2  }
0x5: {  	s2 =	sadd.s32 s2, s18  }
0x6: {  	[smem:$0x3FC4] =	sst s2  }
0x7: {  	_ = 	snop  }
0x8: {  	s2 =	sld [smem:$0x3FD0];
	(tm) =	ssettm $0x1  }
0x9: {  	s19 =	sld [smem:$0x3FFB];
	_ =	sdelay $0x3  }
0xa: {  	_ =	strace s19  }
0xb: {  	s3 =	sld [smem:$0x3FFC];
	_ =	sdelay $0x3  }
0xc: {  	_ =	strace s3  }
0xd: {  	s3 =	sld [smem:$0x3FFD];
	_ =	sdelay $0x3  }
0xe: {  	_ =	strace s3  }
0xf: {  	_ =	strace $0x8FFFFFFF  }
0x10: {  	s20 =	sld [smem:$0x3FDB];
	_ =	sdelay $0x1  }
0x11: {  	s4 =	simm.s32 $_scs_section_size  }
0x12: {  	s5 =	simm.s32 $_size__tile_overlayer_lowered;
	s6 =	simm.s32 $_tile_overlayer_lowered  }
0x13: {  	s23 =	simm.s32 $0x1BFF;
	s22 =	sshll.u32 s6, $0x1;
	s3 =	sadd.s32 s4, s20  }
0x14: {  	s7 =	simm.s32 $0x0;
	s21 =	sshll.u32 s5, $0x1;
	s5 =	sadd.s32 s22, s3  }
0x15: {  	[timem:s7], [sflag:s23] =	dma.local [hbm:s5], s21  }
0x16: {  	_ =	swait.ge [sflag:s23], s21  }
0x17: {  	s4 =	ssub.s32 $0x0, s21;
	[sflag:s23] =	ssyncset.done $0x0  }
0x18: {  	[sflag:s23] =	ssyncadd.s32 s4;
	_ =	sdelay $0x1  }
0x19: {  	s24 =	simm.s32 $0x1B8B  }
0x1a: {  	_ =	swait.ge [sflag:s24], $0x1  }
0x1b: {  	[sflag:s24] =	ssyncset.done $0x0  }
0x1c: {  	s26 =	simm.s32 $0x1B8E;
	s25 =	sld [smem:$0x3FFE];
	[sflag:s24] =	ssyncadd.s32 $0xFFFFFFFF  }
0x1d: {  	s27 =	simm.s32 $execute0_lowered;
	[smem:$0x3FD2] =	sst s26  }
0x1e: {  	s5 =	sshll.u32 s27, $0x1;
	_ =	strace $0x80000049;
	[dreg:$0x1] =	wrdreg $0xFFFFFFFF  }
0x1f: {  	s28 =	simm.s32 $_size_execute0_lowered;
	s3 =	sadd.s32 s3, s5;
	[dreg:$0x0] =	wrdreg $0x0  }
0x20: {  	s5 =	sshll.u32 s28, $0x1;
	[dreg:$0x2] =	wrdreg s3  }
0x21: {  	[dreg:$0x3] =	wrdreg s5  }
0x22: {  	[dreg:$0x4] =	wrdreg $0xC0  }
0x23: {  	_ =	task [dreg:s7], $0x5FFFF  }
0x24: {  	[dreg:$0x1] =	wrdreg $0xFFFFFFFF  }
0x25: {  	[dreg:$0x0] =	wrdreg $0x60  }
0x26: {  	[dreg:$0x2] =	wrdreg s25  }
0x27: {  	[dreg:$0x3] =	wrdreg s2  }
0x28: {  	[dreg:$0x4] =	wrdreg $0x9  }
0x29: {  	_ =	task.clear_ibuf [dreg:s7], $0x5FFFF;
	_ =	strace $0x90000049  }
0x2a: {  	s29 =	simm.s32 $0x9;
	_ =	strace $0x8000004B  }
0x2b: {  	_ =	swait.ge [sflag:s29], $0x1  }
0x2c: {  	[sflag:s29] =	ssyncadd.s32 $0xFFFFFFFF  }
0x2d: {  	_ =	strace $0x9000004B  }
0x2e: {  	_ =	sfence  }
0x2f: {  	s30 =	sld [smem:$0x0];
	_ =	sdelay $0x2  }
0x30: {  	s31 =	sshll.u32 s1, $0xD;
	s1 =	sshrl.u32 s1, $0x2  }
0x31: {  	s3 =	sand.u32 $0x4000, s31;
	s1 =	sadd.s32 s1, s30  }
0x32: {  	s0 =	sor.u32 s3, s0;
	s1 =	sshll.u32 s1, $0x11  }
0x33: {  	s0 =	sor.u32 s1, s0  }
0x34: {  	s0 =	sadd.s32 $0x8F2B, s0  }
0x35: {  	[sflag:s0] =	ssyncadd.remote.s32 $0x1  }
0x36: {  	_ =	sfence.sel $0xFFFF  }
0x37: {  	[dreg:$0x0] =	wrdreg $0xFFFFFFFF;
	(pc) =	sbr.abs _section_cstart, $3  }
0x38: {  	[dreg:$0x1] =	wrdreg $0xFFFFFFFF  }
0x39: {  	_ =	task.clear_ibuf [dreg:s7], $0x2FFFF;
	_ =	strace $0x9FFFFFFF  }
0x3a: {  	(tm) =	ssettm $0x7FFFFFFF  }
0x3b: {  	_ =	shalt  }
tec
execute0_lowered:
.L_overlay_start_1:
0x0: {  	(tag) =	ssettag $0x1  }
0x1: {  	s0 =	srdreg.scid  }
0x2: {  	s1 =	sshll.u32 s0, $0x4  }
0x3: {  	s0 =	stileid.u32;
	s1 =	sand.u32 $0x10, s1  }
0x4: {  	s1 =	sor.u32 s0, s1  }
0x5: {  	s6 =	rddreg [dreg:$0x0];
	s4 =	simm.s32 $0x1;
	s2 =	sshll.u32 s1, $0x7  }
0x6: {  	s7 =	simm.s32 $0x2;
	s12 =	simm.s32 $0x0;
	s1 =	ssub.s32 $0x4000, s2  }
0x7: {  	s8 =	simm.s32 $0x20000;
	s13 =	simm.s32 $0x0;
	s3 =	sand.u32 $0xF80, s1  }
0x8: {  	s9 =	simm.s32 $0x0;
	s5 =	sshrl.u32 s1, $0xC;
	p0 =	sne.s32 s3, $0x0  }
.Ltmp0:
0x9: {  	s1 =	rddreg [dreg:$0x2];
	s4 =	simm.s32 @!p0 $0x0;
	(pc) =	sbr.rel .LBB1_1-.Ltmp0, $4  }
0xa: {  	s11 =	simm.s32 $0x0;
	s3 =	rddreg [dreg:$0x1];
	s5 =	sadd.s32 s4, s5  }
0xb: {  	_ =	strace $0x8000004A;
	s4 =	simm.s32 $0x1;
	s5 =	smul.u32 $0x32, s5  }
0xc: {  	s6 =	sadd.s32 $0x800, s6;
	s10 =	smov.u32 s2;
	[sflag:s4] =	ssyncpa.u1 $0x0  }
0xd: {  	p0 =	por $0x0, $0x0;
	[sflag:s7] =	ssyncpa.u1 $0x0;
	s7 =	sor.u32 $0x1, s5  }
.LBB1_4:
0xe: {  	s16 =	sshll.u32 s13, $0x3;
	s17 =	sand.u32 $0x78, s13  }
0xf: {  	s30 =	sand.u32 $0xF800, s13;
	s12 =	sshll.u32 s12, $0x10;
	s16 =	sand.u32 $0x3C00, s16  }
0x10: {  	s31 =	sand.u32 $0x7, s13;
	s16 =	sor.u32 s17, s16;
	s17 =	sadd.s32 s3, s30  }
0x11: {  	s13 =	sshll.u32 s31, $0x12;
	s16 =	sshrl.u32 s16, $0x3;
	s12 =	sadd.s32 s12, s17  }
0x12: {  	[tilespmem:s15+$0x0 ss:$0x81] =	vst.msk $0xffff, v0;
	s13 =	sor.u32 $0x400, s13;
	s12 =	sadd.s32 s16, s12  }
0x13: {  	[hbm4b:s12+s13] =	stream.strided.scatter [tilespmem:s14], [sflag:$0x2], $0x1000, s8, s13, $0x20;
	[tilespmem:$0x4040] =	vst v63  }
.LBB1_5:
0x14: {  	s14 =	sadd.s32 $0x1, s9  }
0x15: {  	s12 =	sadd.s32 $0x1000, s10;
	s16 =	smov.u32 s10;
	p2 =	sgt.s32 s14, $0x31  }
0x16: {  	s16 =	smov.u32 @p2 s12  }
0x17: {  	s14 =	simm.s32 @p2 $0x0;
	p2 =	sgt.s32 s16, $0x3FFF  }
0x18: {  	s16 =	smov.u32 @p2 s2;
	p2 =	sne.s32 s11, s7  }
.Ltmp1:
0x19: {  	p1 =	slt.u32 s11, $0x2;
	(pc) =	sbr.rel @!p2 .LBB1_6-.Ltmp1, $4  }
0x1a: {  	s15 =	simm.s32 @!p1 $0x2  }
0x1b: {  	s13 =	smov.u32 s10;
	p0 =	por !p0, !p0;
	_ =	swait.ge @!p1 [sflag:s15], $0x1000  }
0x1c: {  	s12 =	smov.u32 s9;
	[sflag:s15] =	ssyncset.done @!p1 $0x0;
	s9 =	smov.u32 s14  }
0x1d: {  	s11 =	sadd.s32 $0x1, s11;
	[sflag:s15] =	ssyncadd.s32 @!p1 $0xFFFFF000;
	s10 =	smov.u32 s16  }
.LBB1_1:
0x1e: {  	p1 =	sge.u32 s11, s5  }
0x1f: {  	s14 =	sand.u32 @!p1 $0x1FFFFFF, s9  }
0x20: {  	s15 =	smulhi.u32 @!p1 $0x4924925, s14;
	_ =	sdelay $0x1  }
0x21: {  	s15 =	smul.u32 @!p1 $0x38, s15  }
0x22: {  	s16 =	sxor.u32 @!p1 $0xFFFFFFFF, s11;
	s17 =	smul.u32 @!p1 $0x380, s10  }
0x23: {  	s31 =	sadd.s32 $0xFFFFFFFF, s11;
	s16 =	sshll.u32 @!p1 s16, $0xC;
	s14 =	ssub.s32 @!p1 s14, s15  }
0x24: {  	s15 =	sand.u32 @!p1 $0x1000, s16;
	s16 =	sadd.s32 @!p1 s6, s17;
	s14 =	sshll.u32 @!p1 s14, $0x4  }
0x25: {  	s17 =	simm.s32 @!p1 $0x1C00;
	s14 =	sadd.s32 @!p1 s14, s16;
	s16 =	simm.s32 @!p1 $0x20  }
0x26: {  	[tilespmem:s15], [sflag:$0x1] =	stream.strided.gather @!p1 [hbm4b:s14+s16], $0x1000, s17, s16, $0x38;
	[tilespmem:$0x4040] =	vst v63  }
0x27: {  	p1 =	sge.u32 s31, s5  }
.Ltmp2:
0x28: {  	_ = 	snop;
	(pc) =	sbr.rel @p1 .LBB1_5-.Ltmp2, $1  }
0x29: {  	_ =	sdelay $0x3  }
0x2a: {  	s14 =	simm.s32 $0x1  }
0x2b: {  	_ =	swait.ge [sflag:s4], $0x1000;
	s14 =	simm.s32 @!p0 $0x0  }
0x2c: {  	[sflag:s4] =	ssyncset.done $0x0;
	s15 =	sshll.u32 s14, $0xC  }
0x2d: {  	[sflag:s4] =	ssyncadd.s32 $0xFFFFF000;
	s18 =	sor.u32 $0x10, s15  }
0x2e: {  	s14 =	smul.u32 $0x4080, s14;
	v1 =	vld [tilespmem:s18+$0x0]  }
0x2f: {  	s30 =	sand.u32 $0x1, s11;
	v0 =	vld [tilespmem:s18+$0xFFFFFFF0]  }
0x30: {  	s15 =	smul.u32 $0x4080, s30;
	s14 =	sshrl.u32 s14, $0x2  }
0x31: {  	s16 =	sor.u32 $0x2000, s14  }
0x32: {  	s31 =	sshrl.u32 s15, $0x2;
	s15 =	sadd.s32 $0x0, s16  }
0x33: {  	s17 =	simm.s32 $0x4;
	s18 =	sadd.s32 $0x20, s18;
	s14 =	sor.u32 $0x2000, s31;
	[tilespmem:s15+$0x810 ss:$0x81] =	vst.msk $0xffff, v1  }
.LBB1_3:
0x34: {  	v1 =	vld [tilespmem:s18+$0x0];
	p1 =	sne.s32 s17, $0x1FC;
	[tilespmem:s15+$0x0 ss:$0x81] =	vst.msk $0xffff, v0;
	s15 =	smov.u32 s17;
	s17 =	sadd.s32 $0x4, s17  }
.Ltmp3:
0x35: {  	v0 =	vld [tilespmem:s18+$0xFFFFFFF0];
	(pc) =	sbr.rel @p1 .LBB1_3-.Ltmp3, $4  }
0x36: {  	_ = 	snop  }
0x37: {  	s15 =	sshra.s32 s15, $0x2  }
0x38: {  	s15 =	sadd.s32 s15, s16  }
0x39: {  	s18 =	sadd.s32 $0x20, s18;
	[tilespmem:s15+$0x810 ss:$0x81] =	vst.msk $0xffff, v1  }
.Ltmp4:
0x3a: {  	_ = 	snop;
	(pc) =	sbr.rel .LBB1_4-.Ltmp4, $1  }
0x3b: {  	_ =	sdelay $0x3  }
.LBB1_6:
0x3c: {  	_ =	sfence.sel $0x180000  }
0x3d: {  	s2 =	simm.s32 $0x1;
	[bflag:$0x0] =	sbarrier.arrive $0xFFFF  }
0x3e: {  	s31 =	simm.s32 $0x2;
	[sflag:s2] =	ssyncpa.u1 $0x1  }
0x3f: {  	[sflag:s31] =	ssyncpa.u1 $0x1  }
0x40: {  	p0 =	sne.s32 s0, $0x0;
	_ =	strace $0x9000004A  }
0x41: {  	s0 =	sadd.s32 @!p0 $0x100000, s1;
	[bflag:$0x2] =	sbarrier.arrive $0xFFFF  }
0x42: {  	[sflag:s0] =	ssyncadd.tile.s32 @!p0 $0x1;
	_ =	shalt  }
.Lfunc_end1:
_tile_overlayer_lowered:
.L_overlay_start_2:
0x43: {  	(tag) =	ssettag $0x2  }
0x44: {  	s0 =	rddreg [dreg:$0x0];
	s2 =	stileid.u32  }
0x45: {  	s1 =	rddreg [dreg:$0x1];
	p0 =	sne.s32 s2, $0x0  }
0x46: {  	s3 =	rddreg [dreg:$0x2];
	[bflag:$0x3] =	sbarrier.arrive $0xFFFF;
	s2 =	simm.s32 @!p0 $0x1C01  }
0x47: {  	[timem:s3], [sflag:s2] =	dma.local @!p0 [hbm:s0], s1  }
0x48: {  	s0 =	simm.s32 @!p0 $0x1  }
0x49: {  	_ =	swait.ge @!p0 [sflag:s0], s1  }
0x4a: {  	s1 =	ssub.s32 @!p0 $0x0, s1;
	[sflag:s0] =	ssyncset.done @!p0 $0x0  }
0x4b: {  	[sflag:s0] =	ssyncadd.s32 @!p0 s1  }
0x4c: {  	[bflag:$0x3] =	sbarrier.arrive $0xFFFF  }
0x4d: {  	_ =	shalt  }

</sc_bundles>
